<compile_context>
chip_gen: v7x
topology: tpu7x:2x2x1
jax: 0.10.2.dev20260603
libtpu: 0.0.44.dev20260713+nightly
codegen_flags: <defaults>
</compile_context>

<pallas_src>
import jax
import jax.numpy as jnp
from jax import lax
from jax.experimental import pallas as pl
from jax.experimental.pallas import tpu as pltpu
from jax.experimental.pallas import tpu_sc as plsc

N = 10000
E = 320000
DF = 128
DH = 16
NCLS = 7

NPAD = 10240
RPT = NPAD // 16
NW = 32
EPT = 10240
EB = EPT // 128
KB = 10
NPAIR = EB // (2 * KB)

_mesh = plsc.VectorSubcoreMesh(core_axis_name="c", subcore_axis_name="s")


def _make_agg(width):

    def body(y_hbm, src_hbm, dst_hbm, zero_hbm, out_hbm,
             src_v, dst_v, rows0_v, rows1_v, agg_sh,
             sem_g0, sem_g1, sem_s):
        c = lax.axis_index("c")
        s = lax.axis_index("s")
        wid = c * 16 + s
        pltpu.sync_copy(zero_hbm, agg_sh.at[pl.ds(s * RPT, RPT)])
        pltpu.sync_copy(src_hbm.at[wid], src_v)
        pltpu.sync_copy(dst_hbm.at[wid], dst_v)
        plsc.subcore_barrier()

        def pair(k, carry):
            e0 = (2 * k) * KB
            e1 = (2 * k + 1) * KB
            g0 = [pltpu.async_copy(y_hbm.at[src_v.at[e0 + b]],
                                   rows0_v.at[b], sem_g0)
                  for b in range(KB)]
            g1 = [pltpu.async_copy(y_hbm.at[src_v.at[e1 + b]],
                                   rows1_v.at[b], sem_g1)
                  for b in range(KB)]
            for d in g0:
                d.wait()
            s0 = [pltpu.async_copy(rows0_v.at[b],
                                   agg_sh.at[dst_v.at[e0 + b]],
                                   sem_s, add=True)
                  for b in range(KB)]
            for d in g1:
                d.wait()
            s1 = [pltpu.async_copy(rows1_v.at[b],
                                   agg_sh.at[dst_v.at[e1 + b]],
                                   sem_s, add=True)
                  for b in range(KB)]
            for d in s0 + s1:
                d.wait()
            return carry

        lax.fori_loop(0, NPAIR, pair, 0)
        plsc.subcore_barrier()
        pltpu.sync_copy(agg_sh.at[pl.ds(s * RPT, RPT)],
                        out_hbm.at[c].at[pl.ds(s * RPT, RPT)])

    return pl.kernel(
        body,
        out_type=jax.ShapeDtypeStruct((2, NPAD, width), jnp.float32),
        mesh=_mesh,
        compiler_params=pltpu.CompilerParams(use_tc_tiling_on_sc=False),
        scratch_types=[
            pltpu.VMEM((EB, 128), jnp.int32),
            pltpu.VMEM((EB, 128), jnp.int32),
            pltpu.VMEM((KB, 128, width), jnp.float32),
            pltpu.VMEM((KB, 128, width), jnp.float32),
            pltpu.VMEM_SHARED((NPAD, width), jnp.float32),
            pltpu.SemaphoreType.DMA,
            pltpu.SemaphoreType.DMA,
            pltpu.SemaphoreType.DMA,
        ],
    )


def _deg_body(dst_hbm, zero_hbm, out0_hbm, out1_hbm,
              dst_v, ones_v, deg_v, rep_v, deg_sh, sem):
    c = lax.axis_index("c")
    s = lax.axis_index("s")
    wid = c * 16 + s
    pltpu.sync_copy(zero_hbm, deg_sh.at[pl.ds(s * RPT, RPT)])
    pltpu.sync_copy(dst_hbm.at[wid], dst_v)
    for i in range(8):
        ones_v[pl.ds(16 * i, 16)] = jnp.ones((16,), jnp.float32)
    plsc.subcore_barrier()

    def chunk(k, carry):
        descs = [pltpu.async_copy(ones_v, deg_sh.at[dst_v.at[8 * k + b]],
                                  sem, add=True)
                 for b in range(8)]
        for d in descs:
            d.wait()
        return carry

    lax.fori_loop(0, EB // 8, chunk, 0)
    plsc.subcore_barrier()
    pltpu.sync_copy(deg_sh.at[pl.ds(s * RPT, RPT)], deg_v)

    def rep(t, carry):
        for u in range(4):
            j = t * 4 + u
            v = plsc.load_gather(deg_v, [jnp.full((16,), j, jnp.int32)])
            rep_v[pl.ds(pl.multiple_of(16 * j, 16), 16)] = v
        return carry

    lax.fori_loop(0, RPT // 4, rep, 0)

    @pl.when(c == 0)
    def _():
        pltpu.sync_copy(rep_v, out0_hbm.at[pl.ds(s * RPT * 16, RPT * 16)])

    @pl.when(c == 1)
    def _():
        pltpu.sync_copy(rep_v, out1_hbm.at[pl.ds(s * RPT * 16, RPT * 16)])


_deg_call = pl.kernel(
    _deg_body,
    out_type=[jax.ShapeDtypeStruct((NPAD * 16,), jnp.float32),
              jax.ShapeDtypeStruct((NPAD * 16,), jnp.float32)],
    mesh=_mesh,
    compiler_params=pltpu.CompilerParams(use_tc_tiling_on_sc=False,
                                         needs_layout_passes=False),
    scratch_types=[
        pltpu.VMEM((EB, 128), jnp.int32),
        pltpu.VMEM((128,), jnp.float32),
        pltpu.VMEM((RPT,), jnp.float32),
        pltpu.VMEM((RPT * 16,), jnp.float32),
        pltpu.VMEM_SHARED((NPAD,), jnp.float32),
        pltpu.SemaphoreType.DMA,
    ],
)

_GRID = 2
R16 = NPAD // 8
R8 = NPAD // 16


def _prep_body(ei_ref, src_ref, dst_ref):
    src_ref[...] = ei_ref[0, :]
    dst_ref[...] = ei_ref[1, :]


_prep_call = pl.pallas_call(
    _prep_body,
    out_shape=[jax.ShapeDtypeStruct((E,), jnp.int32),
               jax.ShapeDtypeStruct((E,), jnp.int32)],
)


def _tc1_body(d0_ref, d1_ref, xp_ref, w1e_ref, y1_ref, dinv_ref):
    dinv = lax.rsqrt(d0_ref[...] + d1_ref[...] + 1.0)
    xw = jnp.dot(xp_ref[...], w1e_ref[...],
                 preferred_element_type=jnp.float32,
                 precision=lax.Precision.DEFAULT)
    y1_ref[...] = xw * dinv
    dinv_ref[...] = dinv


def _tc2_body(agg_ref, y1_ref, dinv_ref, b1_ref, w2e_ref, y2_ref):
    dinv = dinv_ref[...]
    h = (agg_ref[0] + agg_ref[1] + y1_ref[...]) * dinv + b1_ref[...]
    h = jnp.maximum(h, 0.0) * dinv
    y2_ref[...] = jnp.dot(h, w2e_ref[...],
                          preferred_element_type=jnp.float32,
                 precision=lax.Precision.DEFAULT)


def _tc3_body(agg_ref, y2_ref, dinv16_ref, k_ref, b2_ref, g_ref, h_ref,
              out_ref):
    dinv8 = jnp.dot(dinv16_ref[...], k_ref[...],
                    preferred_element_type=jnp.float32,
                 precision=lax.Precision.HIGHEST)
    z = (agg_ref[0] + agg_ref[1] + y2_ref[...]) * dinv8 + b2_ref[...]
    z = jnp.maximum(z, 0.0)
    m = jnp.max(z)
    lane = lax.broadcasted_iota(jnp.int32, z.shape, 1)
    e = jnp.where(lane % 8 < NCLS, jnp.exp(z - m), 0.0)
    ssum = jnp.dot(e, g_ref[...], preferred_element_type=jnp.float32,
                 precision=lax.Precision.HIGHEST)
    lse = jnp.dot(jnp.log(ssum), h_ref[...],
                  preferred_element_type=jnp.float32,
                 precision=lax.Precision.HIGHEST)
    out_ref[...] = z - m - lse


def _full(shape):
    return pl.BlockSpec(shape, lambda i: tuple(0 for _ in shape))


def _rows(rows, width):
    return pl.BlockSpec((rows // _GRID, width), lambda i: (i, 0))


def _arows(rows, width):
    return pl.BlockSpec((2, rows // _GRID, width), lambda i: (0, i, 0))


_tc1_call = pl.pallas_call(
    _tc1_body,
    grid=(_GRID,),
    in_specs=[_rows(R16, 128),
              _rows(R16, 128),
              _rows(R16, 1024),
              _full((1024, 128))],
    out_specs=[_rows(R16, 128), _rows(R16, 128)],
    out_shape=[jax.ShapeDtypeStruct((R16, 128), jnp.float32),
               jax.ShapeDtypeStruct((R16, 128), jnp.float32)],
)

_tc2_call = pl.pallas_call(
    _tc2_body,
    grid=(_GRID,),
    in_specs=[_arows(R8, 256),
              _rows(R8, 256),
              _rows(R8, 256),
              _full((1, 256)),
              _full((256, 128))],
    out_specs=_rows(R8, 128),
    out_shape=jax.ShapeDtypeStruct((R8, 128), jnp.float32),
)

_tc3_call = pl.pallas_call(
    _tc3_body,
    grid=(_GRID,),
    in_specs=[_arows(R8, 128),
              _rows(R8, 128),
              _rows(R8, 256),
              _full((256, 128)),
              _full((1, 128)),
              _full((128, 16)),
              _full((16, 128))],
    out_specs=_rows(R8, 128),
    out_shape=jax.ShapeDtypeStruct((R8, 128), jnp.float32),
)

_agg_call16 = _make_agg(DH)
_agg_call8 = _make_agg(8)


@jax.jit
def kernel(x, edge_index, W1, b1, W2, b2):
    epad = N + jnp.arange(NW * EPT - E, dtype=jnp.int32) % (NPAD - N)
    src_f, dst_f = _prep_call(edge_index)
    srcp = jnp.concatenate([src_f, epad]).reshape(NW, EB, 128)
    dstp = jnp.concatenate([dst_f, epad]).reshape(NW, EB, 128)
    x_pad = jnp.concatenate(
        [x, jnp.zeros((NPAD - N, DF), jnp.float32)], axis=0)
    xp = x_pad.reshape(R16, 8 * DF)
    w2p = jnp.concatenate([W2, jnp.zeros((DH, 1), jnp.float32)], axis=1)
    eye8 = jnp.eye(8, dtype=jnp.float32)
    eye16 = jnp.eye(16, dtype=jnp.float32)
    w1e = jnp.kron(eye8, W1)
    w2e = jnp.kron(eye16, w2p)
    kpick = jnp.kron(eye16, jnp.zeros((DH, 8), jnp.float32).at[0].set(1.0))
    gsum = jnp.kron(eye16, jnp.ones((8, 1), jnp.float32))
    hbro = jnp.kron(eye16, jnp.ones((1, 8), jnp.float32))
    b1rep = jnp.tile(b1, 16).reshape(1, 256)
    b2rep = jnp.tile(jnp.concatenate(
        [b2, jnp.zeros((1,), jnp.float32)]), 16).reshape(1, 128)

    d0, d1 = _deg_call(dstp, jnp.zeros((RPT,), jnp.float32))
    y1p, dinv16 = _tc1_call(d0.reshape(R16, 128), d1.reshape(R16, 128),
                            xp, w1e)
    agg1 = _agg_call16(y1p.reshape(NPAD, DH), srcp, dstp,
                       jnp.zeros((RPT, DH), jnp.float32))
    dinv16v = dinv16.reshape(R8, 256)
    y2p = _tc2_call(agg1.reshape(2, R8, 256), y1p.reshape(R8, 256),
                    dinv16v, b1rep, w2e)
    agg2 = _agg_call8(y2p.reshape(NPAD, 8), srcp, dstp,
                      jnp.zeros((RPT, 8), jnp.float32))
    lsp = _tc3_call(agg2.reshape(2, R8, 128), y2p, dinv16v,
                    kpick, b2rep, gsum, hbro)
    return lsp.reshape(NPAD, 8)[:N, :NCLS]

# --- scband reference (transcript-rebuilt; emitter-appended) ---
"""Pipeline reference for scband-gcnmodel-3332894622180 (READ-ONLY COPY).

The authoritative reference and input builder live on the scoring server;
editing this copy changes nothing except your own understanding.
"""

import jax, jax.numpy as jnp
import numpy as np

N_NODES = 10000
N_EDGES = 320000
D_FEAT = 128
D_HID = 16
N_CLASSES = 7


def gcn_conv(x, edge_index, W, b):
    n = x.shape[0]
    src = edge_index[0]
    dst = edge_index[1]
    loops = jnp.arange(n, dtype=edge_index.dtype)
    src = jnp.concatenate([src, loops])
    dst = jnp.concatenate([dst, loops])
    xw = x @ W
    deg = jax.ops.segment_sum(jnp.ones(src.shape[0], dtype=xw.dtype), dst, num_segments=n)
    dinv = jnp.where(deg > 0, jax.lax.rsqrt(deg), 0.0)
    norm = dinv[src] * dinv[dst]
    msgs = jnp.take(xw, src, axis=0) * norm[:, None]
    out = jax.ops.segment_sum(msgs, dst, num_segments=n)
    return out + b


def setup_inputs(seed: int = 0):
    key = jax.random.key(seed)
    k1, k2, k3, k4, k5, k6 = jax.random.split(key, 6)
    x = jax.random.normal(k1, (N_NODES, D_FEAT), dtype=jnp.float32)
    edge_index = jax.random.randint(k2, (2, N_EDGES), 0, N_NODES, dtype=jnp.int32)
    W1 = jax.random.normal(k3, (D_FEAT, D_HID), dtype=jnp.float32) * (1.0 / np.sqrt(D_FEAT))
    b1 = jnp.zeros((D_HID,), dtype=jnp.float32)
    W2 = jax.random.normal(k4, (D_HID, N_CLASSES), dtype=jnp.float32) * (1.0 / np.sqrt(D_HID))
    b2 = jnp.zeros((N_CLASSES,), dtype=jnp.float32)
    return {"x": x, "edge_index": edge_index, "W1": W1, "b1": b1, "W2": W2, "b2": b2}


def reference(x, edge_index, W1, b1, W2, b2):
    h = gcn_conv(x, edge_index, W1, b1)
    h = jax.nn.relu(h)
    h = gcn_conv(h, edge_index, W2, b2)
    h = jax.nn.relu(h)
    return jax.nn.log_softmax(h, axis=1)

if __name__ == "__main__":
    import jax
    _d = setup_inputs()
    print(jax.jit(kernel)(*tuple(_d.values())))

</pallas_src>

<mosaic_0001>
#map = affine_map<(d0, d1) -> (0, 0)>
#map1 = affine_map<(d0, d1) -> (0, 0, 0)>
module attributes {stable_mosaic.version = 14 : i64} {
  func.func @body(%arg0: i32, %arg1: i32, %arg2: memref<10240x8xf32, #tpu.memory_space<hbm>>, %arg3: memref<32x80x128xi32, #tpu.memory_space<hbm>>, %arg4: memref<32x80x128xi32, #tpu.memory_space<hbm>>, %arg5: memref<640x8xf32, #tpu.memory_space<hbm>>, %arg6: memref<2x10240x8xf32, #tpu.memory_space<hbm>>, %arg7: memref<80x128xi32, #tpu.memory_space<vmem>>, %arg8: memref<80x128xi32, #tpu.memory_space<vmem>>, %arg9: memref<10x128x8xf32, #tpu.memory_space<vmem>>, %arg10: memref<10x128x8xf32, #tpu.memory_space<vmem>>, %arg11: memref<10240x8xf32, #tpu.memory_space<vmem_shared>>, %arg12: memref<!tpu.dma_semaphore, #tpu.memory_space<semaphore_mem>>, %arg13: memref<!tpu.dma_semaphore, #tpu.memory_space<semaphore_mem>>, %arg14: memref<!tpu.dma_semaphore, #tpu.memory_space<semaphore_mem>>) attributes {dimension_semantics = [#tpu.dimension_semantics<core_parallel>, #tpu.dimension_semantics<subcore_parallel>], iteration_bounds = array<i64: 2, 16>, scalar_prefetch = 0 : i64, scratch_operands = 8 : i64, tpu.core_type = #tpu.core_type<sc_vector_subcore>, window_params = [{transform_indices = #map}, {transform_indices = #map1}, {transform_indices = #map1}, {transform_indices = #map}, {transform_indices = #map1}]} {
    %mul3A = arith.constant 16 : i32
    %mul3A_0 = arith.muli %arg0, %mul3A : i32
    %add3A = arith.addi %mul3A_0, %arg1 : i32
    %mul3A_1 = arith.constant 640 : i32
    %mul3A_2 = arith.muli %arg1, %mul3A_1 : i32
    "tpu.region"() ({
      %run_scoped3A = tpu.sem_alloc : memref<!tpu.dma_semaphore, #tpu.memory_space<semaphore_mem>>
      %dma_start3A = arith.constant 0 : i32
      %dma_start3A_13 = tpu.memref_slice %arg11[%mul3A_2, %dma_start3A] : memref<10240x8xf32, #tpu.memory_space<vmem_shared>> -> memref<640x8xf32, #tpu.memory_space<vmem_shared>>
      tpu.enqueue_dma source(%arg5 : memref<640x8xf32, #tpu.memory_space<hbm>>) target(%dma_start3A_13 : memref<640x8xf32, #tpu.memory_space<vmem_shared>>) target_semaphore(%run_scoped3A : memref<!tpu.dma_semaphore, #tpu.memory_space<semaphore_mem>>)
      %dma_wait3A = arith.constant 0 : i32
      %dma_wait3A_14 = tpu.memref_slice %arg11[%mul3A_2, %dma_wait3A] : memref<10240x8xf32, #tpu.memory_space<vmem_shared>> -> memref<640x8xf32, #tpu.memory_space<vmem_shared>>
      tpu.wait_dma2 semaphore(%run_scoped3A : memref<!tpu.dma_semaphore, #tpu.memory_space<semaphore_mem>>) src(%arg5 : memref<640x8xf32, #tpu.memory_space<hbm>>) dst(%dma_wait3A_14 : memref<640x8xf32, #tpu.memory_space<vmem_shared>>)
      tpu.yield
    }) : () -> ()
    "tpu.region"() ({
      %run_scoped3A = tpu.sem_alloc : memref<!tpu.dma_semaphore, #tpu.memory_space<semaphore_mem>>
      %dma_start3A = arith.constant 0 : i32
      %dma_start3A_13 = arith.constant 0 : i32
      %dma_start3A_14 = tpu.memref_slice %arg3[%add3A, %dma_start3A, %dma_start3A_13] : memref<32x80x128xi32, #tpu.memory_space<hbm>> -> memref<1x80x128xi32, #tpu.memory_space<hbm>>
      %dma_start3A_15 = tpu.memref_squeeze %dma_start3A_14 : memref<1x80x128xi32, #tpu.memory_space<hbm>> -> memref<80x128xi32, #tpu.memory_space<hbm>>
      %dma_start3A_16 = arith.constant 0 : i32
      %dma_start3A_17 = arith.constant 0 : i32
      %dma_start3A_18 = tpu.memref_slice %arg3[%add3A, %dma_start3A_16, %dma_start3A_17] : memref<32x80x128xi32, #tpu.memory_space<hbm>> -> memref<1x80x128xi32, #tpu.memory_space<hbm>>
      %dma_start3A_19 = tpu.memref_squeeze %dma_start3A_18 : memref<1x80x128xi32, #tpu.memory_space<hbm>> -> memref<80x128xi32, #tpu.memory_space<hbm>>
      tpu.enqueue_dma source(%dma_start3A_19 : memref<80x128xi32, #tpu.memory_space<hbm>>) target(%arg7 : memref<80x128xi32, #tpu.memory_space<vmem>>) target_semaphore(%run_scoped3A : memref<!tpu.dma_semaphore, #tpu.memory_space<semaphore_mem>>)
      %dma_wait3A = arith.constant 0 : i32
      %dma_wait3A_20 = arith.constant 0 : i32
      %dma_wait3A_21 = tpu.memref_slice %arg3[%add3A, %dma_wait3A, %dma_wait3A_20] : memref<32x80x128xi32, #tpu.memory_space<hbm>> -> memref<1x80x128xi32, #tpu.memory_space<hbm>>
      %dma_wait3A_22 = tpu.memref_squeeze %dma_wait3A_21 : memref<1x80x128xi32, #tpu.memory_space<hbm>> -> memref<80x128xi32, #tpu.memory_space<hbm>>
      %dma_wait3A_23 = arith.constant 0 : i32
      %dma_wait3A_24 = arith.constant 0 : i32
      %dma_wait3A_25 = tpu.memref_slice %arg3[%add3A, %dma_wait3A_23, %dma_wait3A_24] : memref<32x80x128xi32, #tpu.memory_space<hbm>> -> memref<1x80x128xi32, #tpu.memory_space<hbm>>
      %dma_wait3A_26 = tpu.memref_squeeze %dma_wait3A_25 : memref<1x80x128xi32, #tpu.memory_space<hbm>> -> memref<80x128xi32, #tpu.memory_space<hbm>>
      tpu.wait_dma2 semaphore(%run_scoped3A : memref<!tpu.dma_semaphore, #tpu.memory_space<semaphore_mem>>) src(%dma_wait3A_26 : memref<80x128xi32, #tpu.memory_space<hbm>>) dst(%arg7 : memref<80x128xi32, #tpu.memory_space<vmem>>)
      tpu.yield
    }) : () -> ()
    "tpu.region"() ({
      %run_scoped3A = tpu.sem_alloc : memref<!tpu.dma_semaphore, #tpu.memory_space<semaphore_mem>>
      %dma_start3A = arith.constant 0 : i32
      %dma_start3A_13 = arith.constant 0 : i32
      %dma_start3A_14 = tpu.memref_slice %arg4[%add3A, %dma_start3A, %dma_start3A_13] : memref<32x80x128xi32, #tpu.memory_space<hbm>> -> memref<1x80x128xi32, #tpu.memory_space<hbm>>
      %dma_start3A_15 = tpu.memref_squeeze %dma_start3A_14 : memref<1x80x128xi32, #tpu.memory_space<hbm>> -> memref<80x128xi32, #tpu.memory_space<hbm>>
      %dma_start3A_16 = arith.constant 0 : i32
      %dma_start3A_17 = arith.constant 0 : i32
      %dma_start3A_18 = tpu.memref_slice %arg4[%add3A, %dma_start3A_16, %dma_start3A_17] : memref<32x80x128xi32, #tpu.memory_space<hbm>> -> memref<1x80x128xi32, #tpu.memory_space<hbm>>
      %dma_start3A_19 = tpu.memref_squeeze %dma_start3A_18 : memref<1x80x128xi32, #tpu.memory_space<hbm>> -> memref<80x128xi32, #tpu.memory_space<hbm>>
      tpu.enqueue_dma source(%dma_start3A_19 : memref<80x128xi32, #tpu.memory_space<hbm>>) target(%arg8 : memref<80x128xi32, #tpu.memory_space<vmem>>) target_semaphore(%run_scoped3A : memref<!tpu.dma_semaphore, #tpu.memory_space<semaphore_mem>>)
      %dma_wait3A = arith.constant 0 : i32
      %dma_wait3A_20 = arith.constant 0 : i32
      %dma_wait3A_21 = tpu.memref_slice %arg4[%add3A, %dma_wait3A, %dma_wait3A_20] : memref<32x80x128xi32, #tpu.memory_space<hbm>> -> memref<1x80x128xi32, #tpu.memory_space<hbm>>
      %dma_wait3A_22 = tpu.memref_squeeze %dma_wait3A_21 : memref<1x80x128xi32, #tpu.memory_space<hbm>> -> memref<80x128xi32, #tpu.memory_space<hbm>>
      %dma_wait3A_23 = arith.constant 0 : i32
      %dma_wait3A_24 = arith.constant 0 : i32
      %dma_wait3A_25 = tpu.memref_slice %arg4[%add3A, %dma_wait3A_23, %dma_wait3A_24] : memref<32x80x128xi32, #tpu.memory_space<hbm>> -> memref<1x80x128xi32, #tpu.memory_space<hbm>>
      %dma_wait3A_26 = tpu.memref_squeeze %dma_wait3A_25 : memref<1x80x128xi32, #tpu.memory_space<hbm>> -> memref<80x128xi32, #tpu.memory_space<hbm>>
      tpu.wait_dma2 semaphore(%run_scoped3A : memref<!tpu.dma_semaphore, #tpu.memory_space<semaphore_mem>>) src(%dma_wait3A_26 : memref<80x128xi32, #tpu.memory_space<hbm>>) dst(%arg8 : memref<80x128xi32, #tpu.memory_space<vmem>>)
      tpu.yield
    }) : () -> ()
    %barrier3A = arith.constant 0 : index
    tpu.barrier barrier_id(%barrier3A)
    %scan3A = arith.constant 0 : i32
    %scan3A_3 = arith.constant 0 : i32
    %scan3A_4 = arith.constant 4 : i32
    %scan3A_5 = arith.addi %scan3A_3, %scan3A_4 : i32
    %scan3A_6 = arith.constant 1 : i32
    scf.for %scan3A_13 = %scan3A_3 to %scan3A_5 step %scan3A_6  : i32 {
      %mul3A_14 = arith.constant 2 : i32
      %mul3A_15 = arith.muli %mul3A_14, %scan3A_13 : i32
      %mul3A_16 = arith.constant 10 : i32
      %mul3A_17 = arith.muli %mul3A_15, %mul3A_16 : i32
      %mul3A_18 = arith.constant 2 : i32
      %mul3A_19 = arith.muli %mul3A_18, %scan3A_13 : i32
      %add3A_20 = arith.constant 1 : i32
      %add3A_21 = arith.addi %mul3A_19, %add3A_20 : i32
      %mul3A_22 = arith.constant 10 : i32
      %mul3A_23 = arith.muli %add3A_21, %mul3A_22 : i32
      %add3A_24 = arith.constant 0 : i32
      %add3A_25 = arith.addi %mul3A_17, %add3A_24 : i32
      %dma_start3A = arith.constant 0 : i32
      %dma_start3A_26 = arith.constant 0 : i32
      %dma_start3A_27 = arith.constant 0 : i32
      %dma_start3A_28 = tpu.memref_slice %arg9[%dma_start3A, %dma_start3A_26, %dma_start3A_27] : memref<10x128x8xf32, #tpu.memory_space<vmem>> -> memref<1x128x8xf32, #tpu.memory_space<vmem>>
      %dma_start3A_29 = tpu.memref_squeeze %dma_start3A_28 : memref<1x128x8xf32, #tpu.memory_space<vmem>> -> memref<128x8xf32, #tpu.memory_space<vmem>>
      %dma_start3A_30 = arith.constant 0 : i32
      %dma_start3A_31 = tpu.memref_slice %arg7[%add3A_25, %dma_start3A_30] : memref<80x128xi32, #tpu.memory_space<vmem>> -> memref<1x128xi32, #tpu.memory_space<vmem>>
      %dma_start3A_32 = tpu.memref_squeeze %dma_start3A_31 : memref<1x128xi32, #tpu.memory_space<vmem>> -> memref<128xi32, #tpu.memory_space<vmem>>
      %dma_start3A_33 = arith.constant 0 : i32
      %dma_start3A_34 = arith.constant 0 : i32
      %dma_start3A_35 = tpu.memref_slice %arg2[%dma_start3A_33, %dma_start3A_34] : memref<10240x8xf32, #tpu.memory_space<hbm>> -> memref<10240x8xf32, #tpu.memory_space<hbm>>
      tpu.enqueue_indirect_dma source(%dma_start3A_35 : memref<10240x8xf32, #tpu.memory_space<hbm>>) target(%dma_start3A_29 : memref<128x8xf32, #tpu.memory_space<vmem>>) offsets(%dma_start3A_32 : memref<128xi32, #tpu.memory_space<vmem>>) semaphore(%arg12 : memref<!tpu.dma_semaphore, #tpu.memory_space<semaphore_mem>>)
      %add3A_36 = arith.constant 1 : i32
      %add3A_37 = arith.addi %mul3A_17, %add3A_36 : i32
      %dma_start3A_38 = arith.constant 1 : i32
      %dma_start3A_39 = arith.constant 0 : i32
      %dma_start3A_40 = arith.constant 0 : i32
      %dma_start3A_41 = tpu.memref_slice %arg9[%dma_start3A_38, %dma_start3A_39, %dma_start3A_40] : memref<10x128x8xf32, #tpu.memory_space<vmem>> -> memref<1x128x8xf32, #tpu.memory_space<vmem>>
      %dma_start3A_42 = tpu.memref_squeeze %dma_start3A_41 : memref<1x128x8xf32, #tpu.memory_space<vmem>> -> memref<128x8xf32, #tpu.memory_space<vmem>>
      %dma_start3A_43 = arith.constant 0 : i32
      %dma_start3A_44 = tpu.memref_slice %arg7[%add3A_37, %dma_start3A_43] : memref<80x128xi32, #tpu.memory_space<vmem>> -> memref<1x128xi32, #tpu.memory_space<vmem>>
      %dma_start3A_45 = tpu.memref_squeeze %dma_start3A_44 : memref<1x128xi32, #tpu.memory_space<vmem>> -> memref<128xi32, #tpu.memory_space<vmem>>
      %dma_start3A_46 = arith.constant 0 : i32
      %dma_start3A_47 = arith.constant 0 : i32
      %dma_start3A_48 = tpu.memref_slice %arg2[%dma_start3A_46, %dma_start3A_47] : memref<10240x8xf32, #tpu.memory_space<hbm>> -> memref<10240x8xf32, #tpu.memory_space<hbm>>
      tpu.enqueue_indirect_dma source(%dma_start3A_48 : memref<10240x8xf32, #tpu.memory_space<hbm>>) target(%dma_start3A_42 : memref<128x8xf32, #tpu.memory_space<vmem>>) offsets(%dma_start3A_45 : memref<128xi32, #tpu.memory_space<vmem>>) semaphore(%arg12 : memref<!tpu.dma_semaphore, #tpu.memory_space<semaphore_mem>>)
      %add3A_49 = arith.constant 2 : i32
      %add3A_50 = arith.addi %mul3A_17, %add3A_49 : i32
      %dma_start3A_51 = arith.constant 2 : i32
      %dma_start3A_52 = arith.constant 0 : i32
      %dma_start3A_53 = arith.constant 0 : i32
      %dma_start3A_54 = tpu.memref_slice %arg9[%dma_start3A_51, %dma_start3A_52, %dma_start3A_53] : memref<10x128x8xf32, #tpu.memory_space<vmem>> -> memref<1x128x8xf32, #tpu.memory_space<vmem>>
      %dma_start3A_55 = tpu.memref_squeeze %dma_start3A_54 : memref<1x128x8xf32, #tpu.memory_space<vmem>> -> memref<128x8xf32, #tpu.memory_space<vmem>>
      %dma_start3A_56 = arith.constant 0 : i32
      %dma_start3A_57 = tpu.memref_slice %arg7[%add3A_50, %dma_start3A_56] : memref<80x128xi32, #tpu.memory_space<vmem>> -> memref<1x128xi32, #tpu.memory_space<vmem>>
      %dma_start3A_58 = tpu.memref_squeeze %dma_start3A_57 : memref<1x128xi32, #tpu.memory_space<vmem>> -> memref<128xi32, #tpu.memory_space<vmem>>
      %dma_start3A_59 = arith.constant 0 : i32
      %dma_start3A_60 = arith.constant 0 : i32
      %dma_start3A_61 = tpu.memref_slice %arg2[%dma_start3A_59, %dma_start3A_60] : memref<10240x8xf32, #tpu.memory_space<hbm>> -> memref<10240x8xf32, #tpu.memory_space<hbm>>
      tpu.enqueue_indirect_dma source(%dma_start3A_61 : memref<10240x8xf32, #tpu.memory_space<hbm>>) target(%dma_start3A_55 : memref<128x8xf32, #tpu.memory_space<vmem>>) offsets(%dma_start3A_58 : memref<128xi32, #tpu.memory_space<vmem>>) semaphore(%arg12 : memref<!tpu.dma_semaphore, #tpu.memory_space<semaphore_mem>>)
      %add3A_62 = arith.constant 3 : i32
      %add3A_63 = arith.addi %mul3A_17, %add3A_62 : i32
      %dma_start3A_64 = arith.constant 3 : i32
      %dma_start3A_65 = arith.constant 0 : i32
      %dma_start3A_66 = arith.constant 0 : i32
      %dma_start3A_67 = tpu.memref_slice %arg9[%dma_start3A_64, %dma_start3A_65, %dma_start3A_66] : memref<10x128x8xf32, #tpu.memory_space<vmem>> -> memref<1x128x8xf32, #tpu.memory_space<vmem>>
      %dma_start3A_68 = tpu.memref_squeeze %dma_start3A_67 : memref<1x128x8xf32, #tpu.memory_space<vmem>> -> memref<128x8xf32, #tpu.memory_space<vmem>>
      %dma_start3A_69 = arith.constant 0 : i32
      %dma_start3A_70 = tpu.memref_slice %arg7[%add3A_63, %dma_start3A_69] : memref<80x128xi32, #tpu.memory_space<vmem>> -> memref<1x128xi32, #tpu.memory_space<vmem>>
      %dma_start3A_71 = tpu.memref_squeeze %dma_start3A_70 : memref<1x128xi32, #tpu.memory_space<vmem>> -> memref<128xi32, #tpu.memory_space<vmem>>
      %dma_start3A_72 = arith.constant 0 : i32
      %dma_start3A_73 = arith.constant 0 : i32
      %dma_start3A_74 = tpu.memref_slice %arg2[%dma_start3A_72, %dma_start3A_73] : memref<10240x8xf32, #tpu.memory_space<hbm>> -> memref<10240x8xf32, #tpu.memory_space<hbm>>
      tpu.enqueue_indirect_dma source(%dma_start3A_74 : memref<10240x8xf32, #tpu.memory_space<hbm>>) target(%dma_start3A_68 : memref<128x8xf32, #tpu.memory_space<vmem>>) offsets(%dma_start3A_71 : memref<128xi32, #tpu.memory_space<vmem>>) semaphore(%arg12 : memref<!tpu.dma_semaphore, #tpu.memory_space<semaphore_mem>>)
      %add3A_75 = arith.constant 4 : i32
      %add3A_76 = arith.addi %mul3A_17, %add3A_75 : i32
      %dma_start3A_77 = arith.constant 4 : i32
      %dma_start3A_78 = arith.constant 0 : i32
      %dma_start3A_79 = arith.constant 0 : i32
      %dma_start3A_80 = tpu.memref_slice %arg9[%dma_start3A_77, %dma_start3A_78, %dma_start3A_79] : memref<10x128x8xf32, #tpu.memory_space<vmem>> -> memref<1x128x8xf32, #tpu.memory_space<vmem>>
      %dma_start3A_81 = tpu.memref_squeeze %dma_start3A_80 : memref<1x128x8xf32, #tpu.memory_space<vmem>> -> memref<128x8xf32, #tpu.memory_space<vmem>>
      %dma_start3A_82 = arith.constant 0 : i32
      %dma_start3A_83 = tpu.memref_slice %arg7[%add3A_76, %dma_start3A_82] : memref<80x128xi32, #tpu.memory_space<vmem>> -> memref<1x128xi32, #tpu.memory_space<vmem>>
      %dma_start3A_84 = tpu.memref_squeeze %dma_start3A_83 : memref<1x128xi32, #tpu.memory_space<vmem>> -> memref<128xi32, #tpu.memory_space<vmem>>
      %dma_start3A_85 = arith.constant 0 : i32
      %dma_start3A_86 = arith.constant 0 : i32
      %dma_start3A_87 = tpu.memref_slice %arg2[%dma_start3A_85, %dma_start3A_86] : memref<10240x8xf32, #tpu.memory_space<hbm>> -> memref<10240x8xf32, #tpu.memory_space<hbm>>
      tpu.enqueue_indirect_dma source(%dma_start3A_87 : memref<10240x8xf32, #tpu.memory_space<hbm>>) target(%dma_start3A_81 : memref<128x8xf32, #tpu.memory_space<vmem>>) offsets(%dma_start3A_84 : memref<128xi32, #tpu.memory_space<vmem>>) semaphore(%arg12 : memref<!tpu.dma_semaphore, #tpu.memory_space<semaphore_mem>>)
      %add3A_88 = arith.constant 5 : i32
      %add3A_89 = arith.addi %mul3A_17, %add3A_88 : i32
      %dma_start3A_90 = arith.constant 5 : i32
      %dma_start3A_91 = arith.constant 0 : i32
      %dma_start3A_92 = arith.constant 0 : i32
      %dma_start3A_93 = tpu.memref_slice %arg9[%dma_start3A_90, %dma_start3A_91, %dma_start3A_92] : memref<10x128x8xf32, #tpu.memory_space<vmem>> -> memref<1x128x8xf32, #tpu.memory_space<vmem>>
      %dma_start3A_94 = tpu.memref_squeeze %dma_start3A_93 : memref<1x128x8xf32, #tpu.memory_space<vmem>> -> memref<128x8xf32, #tpu.memory_space<vmem>>
      %dma_start3A_95 = arith.constant 0 : i32
      %dma_start3A_96 = tpu.memref_slice %arg7[%add3A_89, %dma_start3A_95] : memref<80x128xi32, #tpu.memory_space<vmem>> -> memref<1x128xi32, #tpu.memory_space<vmem>>
      %dma_start3A_97 = tpu.memref_squeeze %dma_start3A_96 : memref<1x128xi32, #tpu.memory_space<vmem>> -> memref<128xi32, #tpu.memory_space<vmem>>
      %dma_start3A_98 = arith.constant 0 : i32
      %dma_start3A_99 = arith.constant 0 : i32
      %dma_start3A_100 = tpu.memref_slice %arg2[%dma_start3A_98, %dma_start3A_99] : memref<10240x8xf32, #tpu.memory_space<hbm>> -> memref<10240x8xf32, #tpu.memory_space<hbm>>
      tpu.enqueue_indirect_dma source(%dma_start3A_100 : memref<10240x8xf32, #tpu.memory_space<hbm>>) target(%dma_start3A_94 : memref<128x8xf32, #tpu.memory_space<vmem>>) offsets(%dma_start3A_97 : memref<128xi32, #tpu.memory_space<vmem>>) semaphore(%arg12 : memref<!tpu.dma_semaphore, #tpu.memory_space<semaphore_mem>>)
      %add3A_101 = arith.constant 6 : i32
      %add3A_102 = arith.addi %mul3A_17, %add3A_101 : i32
      %dma_start3A_103 = arith.constant 6 : i32
      %dma_start3A_104 = arith.constant 0 : i32
      %dma_start3A_105 = arith.constant 0 : i32
      %dma_start3A_106 = tpu.memref_slice %arg9[%dma_start3A_103, %dma_start3A_104, %dma_start3A_105] : memref<10x128x8xf32, #tpu.memory_space<vmem>> -> memref<1x128x8xf32, #tpu.memory_space<vmem>>
      %dma_start3A_107 = tpu.memref_squeeze %dma_start3A_106 : memref<1x128x8xf32, #tpu.memory_space<vmem>> -> memref<128x8xf32, #tpu.memory_space<vmem>>
      %dma_start3A_108 = arith.constant 0 : i32
      %dma_start3A_109 = tpu.memref_slice %arg7[%add3A_102, %dma_start3A_108] : memref<80x128xi32, #tpu.memory_space<vmem>> -> memref<1x128xi32, #tpu.memory_space<vmem>>
      %dma_start3A_110 = tpu.memref_squeeze %dma_start3A_109 : memref<1x128xi32, #tpu.memory_space<vmem>> -> memref<128xi32, #tpu.memory_space<vmem>>
      %dma_start3A_111 = arith.constant 0 : i32
      %dma_start3A_112 = arith.constant 0 : i32
      %dma_start3A_113 = tpu.memref_slice %arg2[%dma_start3A_111, %dma_start3A_112] : memref<10240x8xf32, #tpu.memory_space<hbm>> -> memref<10240x8xf32, #tpu.memory_space<hbm>>
      tpu.enqueue_indirect_dma source(%dma_start3A_113 : memref<10240x8xf32, #tpu.memory_space<hbm>>) target(%dma_start3A_107 : memref<128x8xf32, #tpu.memory_space<vmem>>) offsets(%dma_start3A_110 : memref<128xi32, #tpu.memory_space<vmem>>) semaphore(%arg12 : memref<!tpu.dma_semaphore, #tpu.memory_space<semaphore_mem>>)
      %add3A_114 = arith.constant 7 : i32
      %add3A_115 = arith.addi %mul3A_17, %add3A_114 : i32
      %dma_start3A_116 = arith.constant 7 : i32
      %dma_start3A_117 = arith.constant 0 : i32
      %dma_start3A_118 = arith.constant 0 : i32
      %dma_start3A_119 = tpu.memref_slice %arg9[%dma_start3A_116, %dma_start3A_117, %dma_start3A_118] : memref<10x128x8xf32, #tpu.memory_space<vmem>> -> memref<1x128x8xf32, #tpu.memory_space<vmem>>
      %dma_start3A_120 = tpu.memref_squeeze %dma_start3A_119 : memref<1x128x8xf32, #tpu.memory_space<vmem>> -> memref<128x8xf32, #tpu.memory_space<vmem>>
      %dma_start3A_121 = arith.constant 0 : i32
      %dma_start3A_122 = tpu.memref_slice %arg7[%add3A_115, %dma_start3A_121] : memref<80x128xi32, #tpu.memory_space<vmem>> -> memref<1x128xi32, #tpu.memory_space<vmem>>
      %dma_start3A_123 = tpu.memref_squeeze %dma_start3A_122 : memref<1x128xi32, #tpu.memory_space<vmem>> -> memref<128xi32, #tpu.memory_space<vmem>>
      %dma_start3A_124 = arith.constant 0 : i32
      %dma_start3A_125 = arith.constant 0 : i32
      %dma_start3A_126 = tpu.memref_slice %arg2[%dma_start3A_124, %dma_start3A_125] : memref<10240x8xf32, #tpu.memory_space<hbm>> -> memref<10240x8xf32, #tpu.memory_space<hbm>>
      tpu.enqueue_indirect_dma source(%dma_start3A_126 : memref<10240x8xf32, #tpu.memory_space<hbm>>) target(%dma_start3A_120 : memref<128x8xf32, #tpu.memory_space<vmem>>) offsets(%dma_start3A_123 : memref<128xi32, #tpu.memory_space<vmem>>) semaphore(%arg12 : memref<!tpu.dma_semaphore, #tpu.memory_space<semaphore_mem>>)
      %add3A_127 = arith.constant 8 : i32
      %add3A_128 = arith.addi %mul3A_17, %add3A_127 : i32
      %dma_start3A_129 = arith.constant 8 : i32
      %dma_start3A_130 = arith.constant 0 : i32
      %dma_start3A_131 = arith.constant 0 : i32
      %dma_start3A_132 = tpu.memref_slice %arg9[%dma_start3A_129, %dma_start3A_130, %dma_start3A_131] : memref<10x128x8xf32, #tpu.memory_space<vmem>> -> memref<1x128x8xf32, #tpu.memory_space<vmem>>
      %dma_start3A_133 = tpu.memref_squeeze %dma_start3A_132 : memref<1x128x8xf32, #tpu.memory_space<vmem>> -> memref<128x8xf32, #tpu.memory_space<vmem>>
      %dma_start3A_134 = arith.constant 0 : i32
      %dma_start3A_135 = tpu.memref_slice %arg7[%add3A_128, %dma_start3A_134] : memref<80x128xi32, #tpu.memory_space<vmem>> -> memref<1x128xi32, #tpu.memory_space<vmem>>
      %dma_start3A_136 = tpu.memref_squeeze %dma_start3A_135 : memref<1x128xi32, #tpu.memory_space<vmem>> -> memref<128xi32, #tpu.memory_space<vmem>>
      %dma_start3A_137 = arith.constant 0 : i32
      %dma_start3A_138 = arith.constant 0 : i32
      %dma_start3A_139 = tpu.memref_slice %arg2[%dma_start3A_137, %dma_start3A_138] : memref<10240x8xf32, #tpu.memory_space<hbm>> -> memref<10240x8xf32, #tpu.memory_space<hbm>>
      tpu.enqueue_indirect_dma source(%dma_start3A_139 : memref<10240x8xf32, #tpu.memory_space<hbm>>) target(%dma_start3A_133 : memref<128x8xf32, #tpu.memory_space<vmem>>) offsets(%dma_start3A_136 : memref<128xi32, #tpu.memory_space<vmem>>) semaphore(%arg12 : memref<!tpu.dma_semaphore, #tpu.memory_space<semaphore_mem>>)
      %add3A_140 = arith.constant 9 : i32
      %add3A_141 = arith.addi %mul3A_17, %add3A_140 : i32
      %dma_start3A_142 = arith.constant 9 : i32
      %dma_start3A_143 = arith.constant 0 : i32
      %dma_start3A_144 = arith.constant 0 : i32
      %dma_start3A_145 = tpu.memref_slice %arg9[%dma_start3A_142, %dma_start3A_143, %dma_start3A_144] : memref<10x128x8xf32, #tpu.memory_space<vmem>> -> memref<1x128x8xf32, #tpu.memory_space<vmem>>
      %dma_start3A_146 = tpu.memref_squeeze %dma_start3A_145 : memref<1x128x8xf32, #tpu.memory_space<vmem>> -> memref<128x8xf32, #tpu.memory_space<vmem>>
      %dma_start3A_147 = arith.constant 0 : i32
      %dma_start3A_148 = tpu.memref_slice %arg7[%add3A_141, %dma_start3A_147] : memref<80x128xi32, #tpu.memory_space<vmem>> -> memref<1x128xi32, #tpu.memory_space<vmem>>
      %dma_start3A_149 = tpu.memref_squeeze %dma_start3A_148 : memref<1x128xi32, #tpu.memory_space<vmem>> -> memref<128xi32, #tpu.memory_space<vmem>>
      %dma_start3A_150 = arith.constant 0 : i32
      %dma_start3A_151 = arith.constant 0 : i32
      %dma_start3A_152 = tpu.memref_slice %arg2[%dma_start3A_150, %dma_start3A_151] : memref<10240x8xf32, #tpu.memory_space<hbm>> -> memref<10240x8xf32, #tpu.memory_space<hbm>>
      tpu.enqueue_indirect_dma source(%dma_start3A_152 : memref<10240x8xf32, #tpu.memory_space<hbm>>) target(%dma_start3A_146 : memref<128x8xf32, #tpu.memory_space<vmem>>) offsets(%dma_start3A_149 : memref<128xi32, #tpu.memory_space<vmem>>) semaphore(%arg12 : memref<!tpu.dma_semaphore, #tpu.memory_space<semaphore_mem>>)
      %add3A_153 = arith.constant 0 : i32
      %add3A_154 = arith.addi %mul3A_23, %add3A_153 : i32
      %dma_start3A_155 = arith.constant 0 : i32
      %dma_start3A_156 = arith.constant 0 : i32
      %dma_start3A_157 = arith.constant 0 : i32
      %dma_start3A_158 = tpu.memref_slice %arg10[%dma_start3A_155, %dma_start3A_156, %dma_start3A_157] : memref<10x128x8xf32, #tpu.memory_space<vmem>> -> memref<1x128x8xf32, #tpu.memory_space<vmem>>
      %dma_start3A_159 = tpu.memref_squeeze %dma_start3A_158 : memref<1x128x8xf32, #tpu.memory_space<vmem>> -> memref<128x8xf32, #tpu.memory_space<vmem>>
      %dma_start3A_160 = arith.constant 0 : i32
      %dma_start3A_161 = tpu.memref_slice %arg7[%add3A_154, %dma_start3A_160] : memref<80x128xi32, #tpu.memory_space<vmem>> -> memref<1x128xi32, #tpu.memory_space<vmem>>
      %dma_start3A_162 = tpu.memref_squeeze %dma_start3A_161 : memref<1x128xi32, #tpu.memory_space<vmem>> -> memref<128xi32, #tpu.memory_space<vmem>>
      %dma_start3A_163 = arith.constant 0 : i32
      %dma_start3A_164 = arith.constant 0 : i32
      %dma_start3A_165 = tpu.memref_slice %arg2[%dma_start3A_163, %dma_start3A_164] : memref<10240x8xf32, #tpu.memory_space<hbm>> -> memref<10240x8xf32, #tpu.memory_space<hbm>>
      tpu.enqueue_indirect_dma source(%dma_start3A_165 : memref<10240x8xf32, #tpu.memory_space<hbm>>) target(%dma_start3A_159 : memref<128x8xf32, #tpu.memory_space<vmem>>) offsets(%dma_start3A_162 : memref<128xi32, #tpu.memory_space<vmem>>) semaphore(%arg13 : memref<!tpu.dma_semaphore, #tpu.memory_space<semaphore_mem>>)
      %add3A_166 = arith.constant 1 : i32
      %add3A_167 = arith.addi %mul3A_23, %add3A_166 : i32
      %dma_start3A_168 = arith.constant 1 : i32
      %dma_start3A_169 = arith.constant 0 : i32
      %dma_start3A_170 = arith.constant 0 : i32
      %dma_start3A_171 = tpu.memref_slice %arg10[%dma_start3A_168, %dma_start3A_169, %dma_start3A_170] : memref<10x128x8xf32, #tpu.memory_space<vmem>> -> memref<1x128x8xf32, #tpu.memory_space<vmem>>
      %dma_start3A_172 = tpu.memref_squeeze %dma_start3A_171 : memref<1x128x8xf32, #tpu.memory_space<vmem>> -> memref<128x8xf32, #tpu.memory_space<vmem>>
      %dma_start3A_173 = arith.constant 0 : i32
      %dma_start3A_174 = tpu.memref_slice %arg7[%add3A_167, %dma_start3A_173] : memref<80x128xi32, #tpu.memory_space<vmem>> -> memref<1x128xi32, #tpu.memory_space<vmem>>
      %dma_start3A_175 = tpu.memref_squeeze %dma_start3A_174 : memref<1x128xi32, #tpu.memory_space<vmem>> -> memref<128xi32, #tpu.memory_space<vmem>>
      %dma_start3A_176 = arith.constant 0 : i32
      %dma_start3A_177 = arith.constant 0 : i32
      %dma_start3A_178 = tpu.memref_slice %arg2[%dma_start3A_176, %dma_start3A_177] : memref<10240x8xf32, #tpu.memory_space<hbm>> -> memref<10240x8xf32, #tpu.memory_space<hbm>>
      tpu.enqueue_indirect_dma source(%dma_start3A_178 : memref<10240x8xf32, #tpu.memory_space<hbm>>) target(%dma_start3A_172 : memref<128x8xf32, #tpu.memory_space<vmem>>) offsets(%dma_start3A_175 : memref<128xi32, #tpu.memory_space<vmem>>) semaphore(%arg13 : memref<!tpu.dma_semaphore, #tpu.memory_space<semaphore_mem>>)
      %add3A_179 = arith.constant 2 : i32
      %add3A_180 = arith.addi %mul3A_23, %add3A_179 : i32
      %dma_start3A_181 = arith.constant 2 : i32
      %dma_start3A_182 = arith.constant 0 : i32
      %dma_start3A_183 = arith.constant 0 : i32
      %dma_start3A_184 = tpu.memref_slice %arg10[%dma_start3A_181, %dma_start3A_182, %dma_start3A_183] : memref<10x128x8xf32, #tpu.memory_space<vmem>> -> memref<1x128x8xf32, #tpu.memory_space<vmem>>
      %dma_start3A_185 = tpu.memref_squeeze %dma_start3A_184 : memref<1x128x8xf32, #tpu.memory_space<vmem>> -> memref<128x8xf32, #tpu.memory_space<vmem>>
      %dma_start3A_186 = arith.constant 0 : i32
      %dma_start3A_187 = tpu.memref_slice %arg7[%add3A_180, %dma_start3A_186] : memref<80x128xi32, #tpu.memory_space<vmem>> -> memref<1x128xi32, #tpu.memory_space<vmem>>
      %dma_start3A_188 = tpu.memref_squeeze %dma_start3A_187 : memref<1x128xi32, #tpu.memory_space<vmem>> -> memref<128xi32, #tpu.memory_space<vmem>>
      %dma_start3A_189 = arith.constant 0 : i32
      %dma_start3A_190 = arith.constant 0 : i32
      %dma_start3A_191 = tpu.memref_slice %arg2[%dma_start3A_189, %dma_start3A_190] : memref<10240x8xf32, #tpu.memory_space<hbm>> -> memref<10240x8xf32, #tpu.memory_space<hbm>>
      tpu.enqueue_indirect_dma source(%dma_start3A_191 : memref<10240x8xf32, #tpu.memory_space<hbm>>) target(%dma_start3A_185 : memref<128x8xf32, #tpu.memory_space<vmem>>) offsets(%dma_start3A_188 : memref<128xi32, #tpu.memory_space<vmem>>) semaphore(%arg13 : memref<!tpu.dma_semaphore, #tpu.memory_space<semaphore_mem>>)
      %add3A_192 = arith.constant 3 : i32
      %add3A_193 = arith.addi %mul3A_23, %add3A_192 : i32
      %dma_start3A_194 = arith.constant 3 : i32
      %dma_start3A_195 = arith.constant 0 : i32
      %dma_start3A_196 = arith.constant 0 : i32
      %dma_start3A_197 = tpu.memref_slice %arg10[%dma_start3A_194, %dma_start3A_195, %dma_start3A_196] : memref<10x128x8xf32, #tpu.memory_space<vmem>> -> memref<1x128x8xf32, #tpu.memory_space<vmem>>
      %dma_start3A_198 = tpu.memref_squeeze %dma_start3A_197 : memref<1x128x8xf32, #tpu.memory_space<vmem>> -> memref<128x8xf32, #tpu.memory_space<vmem>>
      %dma_start3A_199 = arith.constant 0 : i32
      %dma_start3A_200 = tpu.memref_slice %arg7[%add3A_193, %dma_start3A_199] : memref<80x128xi32, #tpu.memory_space<vmem>> -> memref<1x128xi32, #tpu.memory_space<vmem>>
      %dma_start3A_201 = tpu.memref_squeeze %dma_start3A_200 : memref<1x128xi32, #tpu.memory_space<vmem>> -> memref<128xi32, #tpu.memory_space<vmem>>
      %dma_start3A_202 = arith.constant 0 : i32
      %dma_start3A_203 = arith.constant 0 : i32
      %dma_start3A_204 = tpu.memref_slice %arg2[%dma_start3A_202, %dma_start3A_203] : memref<10240x8xf32, #tpu.memory_space<hbm>> -> memref<10240x8xf32, #tpu.memory_space<hbm>>
      tpu.enqueue_indirect_dma source(%dma_start3A_204 : memref<10240x8xf32, #tpu.memory_space<hbm>>) target(%dma_start3A_198 : memref<128x8xf32, #tpu.memory_space<vmem>>) offsets(%dma_start3A_201 : memref<128xi32, #tpu.memory_space<vmem>>) semaphore(%arg13 : memref<!tpu.dma_semaphore, #tpu.memory_space<semaphore_mem>>)
      %add3A_205 = arith.constant 4 : i32
      %add3A_206 = arith.addi %mul3A_23, %add3A_205 : i32
      %dma_start3A_207 = arith.constant 4 : i32
      %dma_start3A_208 = arith.constant 0 : i32
      %dma_start3A_209 = arith.constant 0 : i32
      %dma_start3A_210 = tpu.memref_slice %arg10[%dma_start3A_207, %dma_start3A_208, %dma_start3A_209] : memref<10x128x8xf32, #tpu.memory_space<vmem>> -> memref<1x128x8xf32, #tpu.memory_space<vmem>>
      %dma_start3A_211 = tpu.memref_squeeze %dma_start3A_210 : memref<1x128x8xf32, #tpu.memory_space<vmem>> -> memref<128x8xf32, #tpu.memory_space<vmem>>
      %dma_start3A_212 = arith.constant 0 : i32
      %dma_start3A_213 = tpu.memref_slice %arg7[%add3A_206, %dma_start3A_212] : memref<80x128xi32, #tpu.memory_space<vmem>> -> memref<1x128xi32, #tpu.memory_space<vmem>>
      %dma_start3A_214 = tpu.memref_squeeze %dma_start3A_213 : memref<1x128xi32, #tpu.memory_space<vmem>> -> memref<128xi32, #tpu.memory_space<vmem>>
      %dma_start3A_215 = arith.constant 0 : i32
      %dma_start3A_216 = arith.constant 0 : i32
      %dma_start3A_217 = tpu.memref_slice %arg2[%dma_start3A_215, %dma_start3A_216] : memref<10240x8xf32, #tpu.memory_space<hbm>> -> memref<10240x8xf32, #tpu.memory_space<hbm>>
      tpu.enqueue_indirect_dma source(%dma_start3A_217 : memref<10240x8xf32, #tpu.memory_space<hbm>>) target(%dma_start3A_211 : memref<128x8xf32, #tpu.memory_space<vmem>>) offsets(%dma_start3A_214 : memref<128xi32, #tpu.memory_space<vmem>>) semaphore(%arg13 : memref<!tpu.dma_semaphore, #tpu.memory_space<semaphore_mem>>)
      %add3A_218 = arith.constant 5 : i32
      %add3A_219 = arith.addi %mul3A_23, %add3A_218 : i32
      %dma_start3A_220 = arith.constant 5 : i32
      %dma_start3A_221 = arith.constant 0 : i32
      %dma_start3A_222 = arith.constant 0 : i32
      %dma_start3A_223 = tpu.memref_slice %arg10[%dma_start3A_220, %dma_start3A_221, %dma_start3A_222] : memref<10x128x8xf32, #tpu.memory_space<vmem>> -> memref<1x128x8xf32, #tpu.memory_space<vmem>>
      %dma_start3A_224 = tpu.memref_squeeze %dma_start3A_223 : memref<1x128x8xf32, #tpu.memory_space<vmem>> -> memref<128x8xf32, #tpu.memory_space<vmem>>
      %dma_start3A_225 = arith.constant 0 : i32
      %dma_start3A_226 = tpu.memref_slice %arg7[%add3A_219, %dma_start3A_225] : memref<80x128xi32, #tpu.memory_space<vmem>> -> memref<1x128xi32, #tpu.memory_space<vmem>>
      %dma_start3A_227 = tpu.memref_squeeze %dma_start3A_226 : memref<1x128xi32, #tpu.memory_space<vmem>> -> memref<128xi32, #tpu.memory_space<vmem>>
      %dma_start3A_228 = arith.constant 0 : i32
      %dma_start3A_229 = arith.constant 0 : i32
      %dma_start3A_230 = tpu.memref_slice %arg2[%dma_start3A_228, %dma_start3A_229] : memref<10240x8xf32, #tpu.memory_space<hbm>> -> memref<10240x8xf32, #tpu.memory_space<hbm>>
      tpu.enqueue_indirect_dma source(%dma_start3A_230 : memref<10240x8xf32, #tpu.memory_space<hbm>>) target(%dma_start3A_224 : memref<128x8xf32, #tpu.memory_space<vmem>>) offsets(%dma_start3A_227 : memref<128xi32, #tpu.memory_space<vmem>>) semaphore(%arg13 : memref<!tpu.dma_semaphore, #tpu.memory_space<semaphore_mem>>)
      %add3A_231 = arith.constant 6 : i32
      %add3A_232 = arith.addi %mul3A_23, %add3A_231 : i32
      %dma_start3A_233 = arith.constant 6 : i32
      %dma_start3A_234 = arith.constant 0 : i32
      %dma_start3A_235 = arith.constant 0 : i32
      %dma_start3A_236 = tpu.memref_slice %arg10[%dma_start3A_233, %dma_start3A_234, %dma_start3A_235] : memref<10x128x8xf32, #tpu.memory_space<vmem>> -> memref<1x128x8xf32, #tpu.memory_space<vmem>>
      %dma_start3A_237 = tpu.memref_squeeze %dma_start3A_236 : memref<1x128x8xf32, #tpu.memory_space<vmem>> -> memref<128x8xf32, #tpu.memory_space<vmem>>
      %dma_start3A_238 = arith.constant 0 : i32
      %dma_start3A_239 = tpu.memref_slice %arg7[%add3A_232, %dma_start3A_238] : memref<80x128xi32, #tpu.memory_space<vmem>> -> memref<1x128xi32, #tpu.memory_space<vmem>>
      %dma_start3A_240 = tpu.memref_squeeze %dma_start3A_239 : memref<1x128xi32, #tpu.memory_space<vmem>> -> memref<128xi32, #tpu.memory_space<vmem>>
      %dma_start3A_241 = arith.constant 0 : i32
      %dma_start3A_242 = arith.constant 0 : i32
      %dma_start3A_243 = tpu.memref_slice %arg2[%dma_start3A_241, %dma_start3A_242] : memref<10240x8xf32, #tpu.memory_space<hbm>> -> memref<10240x8xf32, #tpu.memory_space<hbm>>
      tpu.enqueue_indirect_dma source(%dma_start3A_243 : memref<10240x8xf32, #tpu.memory_space<hbm>>) target(%dma_start3A_237 : memref<128x8xf32, #tpu.memory_space<vmem>>) offsets(%dma_start3A_240 : memref<128xi32, #tpu.memory_space<vmem>>) semaphore(%arg13 : memref<!tpu.dma_semaphore, #tpu.memory_space<semaphore_mem>>)
      %add3A_244 = arith.constant 7 : i32
      %add3A_245 = arith.addi %mul3A_23, %add3A_244 : i32
      %dma_start3A_246 = arith.constant 7 : i32
      %dma_start3A_247 = arith.constant 0 : i32
      %dma_start3A_248 = arith.constant 0 : i32
      %dma_start3A_249 = tpu.memref_slice %arg10[%dma_start3A_246, %dma_start3A_247, %dma_start3A_248] : memref<10x128x8xf32, #tpu.memory_space<vmem>> -> memref<1x128x8xf32, #tpu.memory_space<vmem>>
      %dma_start3A_250 = tpu.memref_squeeze %dma_start3A_249 : memref<1x128x8xf32, #tpu.memory_space<vmem>> -> memref<128x8xf32, #tpu.memory_space<vmem>>
      %dma_start3A_251 = arith.constant 0 : i32
      %dma_start3A_252 = tpu.memref_slice %arg7[%add3A_245, %dma_start3A_251] : memref<80x128xi32, #tpu.memory_space<vmem>> -> memref<1x128xi32, #tpu.memory_space<vmem>>
      %dma_start3A_253 = tpu.memref_squeeze %dma_start3A_252 : memref<1x128xi32, #tpu.memory_space<vmem>> -> memref<128xi32, #tpu.memory_space<vmem>>
      %dma_start3A_254 = arith.constant 0 : i32
      %dma_start3A_255 = arith.constant 0 : i32
      %dma_start3A_256 = tpu.memref_slice %arg2[%dma_start3A_254, %dma_start3A_255] : memref<10240x8xf32, #tpu.memory_space<hbm>> -> memref<10240x8xf32, #tpu.memory_space<hbm>>
      tpu.enqueue_indirect_dma source(%dma_start3A_256 : memref<10240x8xf32, #tpu.memory_space<hbm>>) target(%dma_start3A_250 : memref<128x8xf32, #tpu.memory_space<vmem>>) offsets(%dma_start3A_253 : memref<128xi32, #tpu.memory_space<vmem>>) semaphore(%arg13 : memref<!tpu.dma_semaphore, #tpu.memory_space<semaphore_mem>>)
      %add3A_257 = arith.constant 8 : i32
      %add3A_258 = arith.addi %mul3A_23, %add3A_257 : i32
      %dma_start3A_259 = arith.constant 8 : i32
      %dma_start3A_260 = arith.constant 0 : i32
      %dma_start3A_261 = arith.constant 0 : i32
      %dma_start3A_262 = tpu.memref_slice %arg10[%dma_start3A_259, %dma_start3A_260, %dma_start3A_261] : memref<10x128x8xf32, #tpu.memory_space<vmem>> -> memref<1x128x8xf32, #tpu.memory_space<vmem>>
      %dma_start3A_263 = tpu.memref_squeeze %dma_start3A_262 : memref<1x128x8xf32, #tpu.memory_space<vmem>> -> memref<128x8xf32, #tpu.memory_space<vmem>>
      %dma_start3A_264 = arith.constant 0 : i32
      %dma_start3A_265 = tpu.memref_slice %arg7[%add3A_258, %dma_start3A_264] : memref<80x128xi32, #tpu.memory_space<vmem>> -> memref<1x128xi32, #tpu.memory_space<vmem>>
      %dma_start3A_266 = tpu.memref_squeeze %dma_start3A_265 : memref<1x128xi32, #tpu.memory_space<vmem>> -> memref<128xi32, #tpu.memory_space<vmem>>
      %dma_start3A_267 = arith.constant 0 : i32
      %dma_start3A_268 = arith.constant 0 : i32
      %dma_start3A_269 = tpu.memref_slice %arg2[%dma_start3A_267, %dma_start3A_268] : memref<10240x8xf32, #tpu.memory_space<hbm>> -> memref<10240x8xf32, #tpu.memory_space<hbm>>
      tpu.enqueue_indirect_dma source(%dma_start3A_269 : memref<10240x8xf32, #tpu.memory_space<hbm>>) target(%dma_start3A_263 : memref<128x8xf32, #tpu.memory_space<vmem>>) offsets(%dma_start3A_266 : memref<128xi32, #tpu.memory_space<vmem>>) semaphore(%arg13 : memref<!tpu.dma_semaphore, #tpu.memory_space<semaphore_mem>>)
      %add3A_270 = arith.constant 9 : i32
      %add3A_271 = arith.addi %mul3A_23, %add3A_270 : i32
      %dma_start3A_272 = arith.constant 9 : i32
      %dma_start3A_273 = arith.constant 0 : i32
      %dma_start3A_274 = arith.constant 0 : i32
      %dma_start3A_275 = tpu.memref_slice %arg10[%dma_start3A_272, %dma_start3A_273, %dma_start3A_274] : memref<10x128x8xf32, #tpu.memory_space<vmem>> -> memref<1x128x8xf32, #tpu.memory_space<vmem>>
      %dma_start3A_276 = tpu.memref_squeeze %dma_start3A_275 : memref<1x128x8xf32, #tpu.memory_space<vmem>> -> memref<128x8xf32, #tpu.memory_space<vmem>>
      %dma_start3A_277 = arith.constant 0 : i32
      %dma_start3A_278 = tpu.memref_slice %arg7[%add3A_271, %dma_start3A_277] : memref<80x128xi32, #tpu.memory_space<vmem>> -> memref<1x128xi32, #tpu.memory_space<vmem>>
      %dma_start3A_279 = tpu.memref_squeeze %dma_start3A_278 : memref<1x128xi32, #tpu.memory_space<vmem>> -> memref<128xi32, #tpu.memory_space<vmem>>
      %dma_start3A_280 = arith.constant 0 : i32
      %dma_start3A_281 = arith.constant 0 : i32
      %dma_start3A_282 = tpu.memref_slice %arg2[%dma_start3A_280, %dma_start3A_281] : memref<10240x8xf32, #tpu.memory_space<hbm>> -> memref<10240x8xf32, #tpu.memory_space<hbm>>
      tpu.enqueue_indirect_dma source(%dma_start3A_282 : memref<10240x8xf32, #tpu.memory_space<hbm>>) target(%dma_start3A_276 : memref<128x8xf32, #tpu.memory_space<vmem>>) offsets(%dma_start3A_279 : memref<128xi32, #tpu.memory_space<vmem>>) semaphore(%arg13 : memref<!tpu.dma_semaphore, #tpu.memory_space<semaphore_mem>>)
      %dma_wait3A = arith.constant 0 : i32
      %dma_wait3A_283 = arith.constant 0 : i32
      %dma_wait3A_284 = arith.constant 0 : i32
      %dma_wait3A_285 = tpu.memref_slice %arg9[%dma_wait3A, %dma_wait3A_283, %dma_wait3A_284] : memref<10x128x8xf32, #tpu.memory_space<vmem>> -> memref<1x128x8xf32, #tpu.memory_space<vmem>>
      %dma_wait3A_286 = tpu.memref_squeeze %dma_wait3A_285 : memref<1x128x8xf32, #tpu.memory_space<vmem>> -> memref<128x8xf32, #tpu.memory_space<vmem>>
      %dma_wait3A_287 = arith.constant 0 : i32
      %dma_wait3A_288 = tpu.memref_slice %arg7[%add3A_25, %dma_wait3A_287] : memref<80x128xi32, #tpu.memory_space<vmem>> -> memref<1x128xi32, #tpu.memory_space<vmem>>
      %dma_wait3A_289 = tpu.memref_squeeze %dma_wait3A_288 : memref<1x128xi32, #tpu.memory_space<vmem>> -> memref<128xi32, #tpu.memory_space<vmem>>
      %dma_wait3A_290 = arith.constant 0 : i32
      %dma_wait3A_291 = arith.constant 0 : i32
      %dma_wait3A_292 = tpu.memref_slice %arg2[%dma_wait3A_290, %dma_wait3A_291] : memref<10240x8xf32, #tpu.memory_space<hbm>> -> memref<10240x8xf32, #tpu.memory_space<hbm>>
      tpu.wait_indirect_dma semaphore(%arg12 : memref<!tpu.dma_semaphore, #tpu.memory_space<semaphore_mem>>) src(%dma_wait3A_292 : memref<10240x8xf32, #tpu.memory_space<hbm>>) dst(%dma_wait3A_286 : memref<128x8xf32, #tpu.memory_space<vmem>>)
      %dma_wait3A_293 = arith.constant 1 : i32
      %dma_wait3A_294 = arith.constant 0 : i32
      %dma_wait3A_295 = arith.constant 0 : i32
      %dma_wait3A_296 = tpu.memref_slice %arg9[%dma_wait3A_293, %dma_wait3A_294, %dma_wait3A_295] : memref<10x128x8xf32, #tpu.memory_space<vmem>> -> memref<1x128x8xf32, #tpu.memory_space<vmem>>
      %dma_wait3A_297 = tpu.memref_squeeze %dma_wait3A_296 : memref<1x128x8xf32, #tpu.memory_space<vmem>> -> memref<128x8xf32, #tpu.memory_space<vmem>>
      %dma_wait3A_298 = arith.constant 0 : i32
      %dma_wait3A_299 = tpu.memref_slice %arg7[%add3A_37, %dma_wait3A_298] : memref<80x128xi32, #tpu.memory_space<vmem>> -> memref<1x128xi32, #tpu.memory_space<vmem>>
      %dma_wait3A_300 = tpu.memref_squeeze %dma_wait3A_299 : memref<1x128xi32, #tpu.memory_space<vmem>> -> memref<128xi32, #tpu.memory_space<vmem>>
      %dma_wait3A_301 = arith.constant 0 : i32
      %dma_wait3A_302 = arith.constant 0 : i32
      %dma_wait3A_303 = tpu.memref_slice %arg2[%dma_wait3A_301, %dma_wait3A_302] : memref<10240x8xf32, #tpu.memory_space<hbm>> -> memref<10240x8xf32, #tpu.memory_space<hbm>>
      tpu.wait_indirect_dma semaphore(%arg12 : memref<!tpu.dma_semaphore, #tpu.memory_space<semaphore_mem>>) src(%dma_wait3A_303 : memref<10240x8xf32, #tpu.memory_space<hbm>>) dst(%dma_wait3A_297 : memref<128x8xf32, #tpu.memory_space<vmem>>)
      %dma_wait3A_304 = arith.constant 2 : i32
      %dma_wait3A_305 = arith.constant 0 : i32
      %dma_wait3A_306 = arith.constant 0 : i32
      %dma_wait3A_307 = tpu.memref_slice %arg9[%dma_wait3A_304, %dma_wait3A_305, %dma_wait3A_306] : memref<10x128x8xf32, #tpu.memory_space<vmem>> -> memref<1x128x8xf32, #tpu.memory_space<vmem>>
      %dma_wait3A_308 = tpu.memref_squeeze %dma_wait3A_307 : memref<1x128x8xf32, #tpu.memory_space<vmem>> -> memref<128x8xf32, #tpu.memory_space<vmem>>
      %dma_wait3A_309 = arith.constant 0 : i32
      %dma_wait3A_310 = tpu.memref_slice %arg7[%add3A_50, %dma_wait3A_309] : memref<80x128xi32, #tpu.memory_space<vmem>> -> memref<1x128xi32, #tpu.memory_space<vmem>>
      %dma_wait3A_311 = tpu.memref_squeeze %dma_wait3A_310 : memref<1x128xi32, #tpu.memory_space<vmem>> -> memref<128xi32, #tpu.memory_space<vmem>>
      %dma_wait3A_312 = arith.constant 0 : i32
      %dma_wait3A_313 = arith.constant 0 : i32
      %dma_wait3A_314 = tpu.memref_slice %arg2[%dma_wait3A_312, %dma_wait3A_313] : memref<10240x8xf32, #tpu.memory_space<hbm>> -> memref<10240x8xf32, #tpu.memory_space<hbm>>
      tpu.wait_indirect_dma semaphore(%arg12 : memref<!tpu.dma_semaphore, #tpu.memory_space<semaphore_mem>>) src(%dma_wait3A_314 : memref<10240x8xf32, #tpu.memory_space<hbm>>) dst(%dma_wait3A_308 : memref<128x8xf32, #tpu.memory_space<vmem>>)
      %dma_wait3A_315 = arith.constant 3 : i32
      %dma_wait3A_316 = arith.constant 0 : i32
      %dma_wait3A_317 = arith.constant 0 : i32
      %dma_wait3A_318 = tpu.memref_slice %arg9[%dma_wait3A_315, %dma_wait3A_316, %dma_wait3A_317] : memref<10x128x8xf32, #tpu.memory_space<vmem>> -> memref<1x128x8xf32, #tpu.memory_space<vmem>>
      %dma_wait3A_319 = tpu.memref_squeeze %dma_wait3A_318 : memref<1x128x8xf32, #tpu.memory_space<vmem>> -> memref<128x8xf32, #tpu.memory_space<vmem>>
      %dma_wait3A_320 = arith.constant 0 : i32
      %dma_wait3A_321 = tpu.memref_slice %arg7[%add3A_63, %dma_wait3A_320] : memref<80x128xi32, #tpu.memory_space<vmem>> -> memref<1x128xi32, #tpu.memory_space<vmem>>
      %dma_wait3A_322 = tpu.memref_squeeze %dma_wait3A_321 : memref<1x128xi32, #tpu.memory_space<vmem>> -> memref<128xi32, #tpu.memory_space<vmem>>
      %dma_wait3A_323 = arith.constant 0 : i32
      %dma_wait3A_324 = arith.constant 0 : i32
      %dma_wait3A_325 = tpu.memref_slice %arg2[%dma_wait3A_323, %dma_wait3A_324] : memref<10240x8xf32, #tpu.memory_space<hbm>> -> memref<10240x8xf32, #tpu.memory_space<hbm>>
      tpu.wait_indirect_dma semaphore(%arg12 : memref<!tpu.dma_semaphore, #tpu.memory_space<semaphore_mem>>) src(%dma_wait3A_325 : memref<10240x8xf32, #tpu.memory_space<hbm>>) dst(%dma_wait3A_319 : memref<128x8xf32, #tpu.memory_space<vmem>>)
      %dma_wait3A_326 = arith.constant 4 : i32
      %dma_wait3A_327 = arith.constant 0 : i32
      %dma_wait3A_328 = arith.constant 0 : i32
      %dma_wait3A_329 = tpu.memref_slice %arg9[%dma_wait3A_326, %dma_wait3A_327, %dma_wait3A_328] : memref<10x128x8xf32, #tpu.memory_space<vmem>> -> memref<1x128x8xf32, #tpu.memory_space<vmem>>
      %dma_wait3A_330 = tpu.memref_squeeze %dma_wait3A_329 : memref<1x128x8xf32, #tpu.memory_space<vmem>> -> memref<128x8xf32, #tpu.memory_space<vmem>>
      %dma_wait3A_331 = arith.constant 0 : i32
      %dma_wait3A_332 = tpu.memref_slice %arg7[%add3A_76, %dma_wait3A_331] : memref<80x128xi32, #tpu.memory_space<vmem>> -> memref<1x128xi32, #tpu.memory_space<vmem>>
      %dma_wait3A_333 = tpu.memref_squeeze %dma_wait3A_332 : memref<1x128xi32, #tpu.memory_space<vmem>> -> memref<128xi32, #tpu.memory_space<vmem>>
      %dma_wait3A_334 = arith.constant 0 : i32
      %dma_wait3A_335 = arith.constant 0 : i32
      %dma_wait3A_336 = tpu.memref_slice %arg2[%dma_wait3A_334, %dma_wait3A_335] : memref<10240x8xf32, #tpu.memory_space<hbm>> -> memref<10240x8xf32, #tpu.memory_space<hbm>>
      tpu.wait_indirect_dma semaphore(%arg12 : memref<!tpu.dma_semaphore, #tpu.memory_space<semaphore_mem>>) src(%dma_wait3A_336 : memref<10240x8xf32, #tpu.memory_space<hbm>>) dst(%dma_wait3A_330 : memref<128x8xf32, #tpu.memory_space<vmem>>)
      %dma_wait3A_337 = arith.constant 5 : i32
      %dma_wait3A_338 = arith.constant 0 : i32
      %dma_wait3A_339 = arith.constant 0 : i32
      %dma_wait3A_340 = tpu.memref_slice %arg9[%dma_wait3A_337, %dma_wait3A_338, %dma_wait3A_339] : memref<10x128x8xf32, #tpu.memory_space<vmem>> -> memref<1x128x8xf32, #tpu.memory_space<vmem>>
      %dma_wait3A_341 = tpu.memref_squeeze %dma_wait3A_340 : memref<1x128x8xf32, #tpu.memory_space<vmem>> -> memref<128x8xf32, #tpu.memory_space<vmem>>
      %dma_wait3A_342 = arith.constant 0 : i32
      %dma_wait3A_343 = tpu.memref_slice %arg7[%add3A_89, %dma_wait3A_342] : memref<80x128xi32, #tpu.memory_space<vmem>> -> memref<1x128xi32, #tpu.memory_space<vmem>>
      %dma_wait3A_344 = tpu.memref_squeeze %dma_wait3A_343 : memref<1x128xi32, #tpu.memory_space<vmem>> -> memref<128xi32, #tpu.memory_space<vmem>>
      %dma_wait3A_345 = arith.constant 0 : i32
      %dma_wait3A_346 = arith.constant 0 : i32
      %dma_wait3A_347 = tpu.memref_slice %arg2[%dma_wait3A_345, %dma_wait3A_346] : memref<10240x8xf32, #tpu.memory_space<hbm>> -> memref<10240x8xf32, #tpu.memory_space<hbm>>
      tpu.wait_indirect_dma semaphore(%arg12 : memref<!tpu.dma_semaphore, #tpu.memory_space<semaphore_mem>>) src(%dma_wait3A_347 : memref<10240x8xf32, #tpu.memory_space<hbm>>) dst(%dma_wait3A_341 : memref<128x8xf32, #tpu.memory_space<vmem>>)
      %dma_wait3A_348 = arith.constant 6 : i32
      %dma_wait3A_349 = arith.constant 0 : i32
      %dma_wait3A_350 = arith.constant 0 : i32
      %dma_wait3A_351 = tpu.memref_slice %arg9[%dma_wait3A_348, %dma_wait3A_349, %dma_wait3A_350] : memref<10x128x8xf32, #tpu.memory_space<vmem>> -> memref<1x128x8xf32, #tpu.memory_space<vmem>>
      %dma_wait3A_352 = tpu.memref_squeeze %dma_wait3A_351 : memref<1x128x8xf32, #tpu.memory_space<vmem>> -> memref<128x8xf32, #tpu.memory_space<vmem>>
      %dma_wait3A_353 = arith.constant 0 : i32
      %dma_wait3A_354 = tpu.memref_slice %arg7[%add3A_102, %dma_wait3A_353] : memref<80x128xi32, #tpu.memory_space<vmem>> -> memref<1x128xi32, #tpu.memory_space<vmem>>
      %dma_wait3A_355 = tpu.memref_squeeze %dma_wait3A_354 : memref<1x128xi32, #tpu.memory_space<vmem>> -> memref<128xi32, #tpu.memory_space<vmem>>
      %dma_wait3A_356 = arith.constant 0 : i32
      %dma_wait3A_357 = arith.constant 0 : i32
      %dma_wait3A_358 = tpu.memref_slice %arg2[%dma_wait3A_356, %dma_wait3A_357] : memref<10240x8xf32, #tpu.memory_space<hbm>> -> memref<10240x8xf32, #tpu.memory_space<hbm>>
      tpu.wait_indirect_dma semaphore(%arg12 : memref<!tpu.dma_semaphore, #tpu.memory_space<semaphore_mem>>) src(%dma_wait3A_358 : memref<10240x8xf32, #tpu.memory_space<hbm>>) dst(%dma_wait3A_352 : memref<128x8xf32, #tpu.memory_space<vmem>>)
      %dma_wait3A_359 = arith.constant 7 : i32
      %dma_wait3A_360 = arith.constant 0 : i32
      %dma_wait3A_361 = arith.constant 0 : i32
      %dma_wait3A_362 = tpu.memref_slice %arg9[%dma_wait3A_359, %dma_wait3A_360, %dma_wait3A_361] : memref<10x128x8xf32, #tpu.memory_space<vmem>> -> memref<1x128x8xf32, #tpu.memory_space<vmem>>
      %dma_wait3A_363 = tpu.memref_squeeze %dma_wait3A_362 : memref<1x128x8xf32, #tpu.memory_space<vmem>> -> memref<128x8xf32, #tpu.memory_space<vmem>>
      %dma_wait3A_364 = arith.constant 0 : i32
      %dma_wait3A_365 = tpu.memref_slice %arg7[%add3A_115, %dma_wait3A_364] : memref<80x128xi32, #tpu.memory_space<vmem>> -> memref<1x128xi32, #tpu.memory_space<vmem>>
      %dma_wait3A_366 = tpu.memref_squeeze %dma_wait3A_365 : memref<1x128xi32, #tpu.memory_space<vmem>> -> memref<128xi32, #tpu.memory_space<vmem>>
      %dma_wait3A_367 = arith.constant 0 : i32
      %dma_wait3A_368 = arith.constant 0 : i32
      %dma_wait3A_369 = tpu.memref_slice %arg2[%dma_wait3A_367, %dma_wait3A_368] : memref<10240x8xf32, #tpu.memory_space<hbm>> -> memref<10240x8xf32, #tpu.memory_space<hbm>>
      tpu.wait_indirect_dma semaphore(%arg12 : memref<!tpu.dma_semaphore, #tpu.memory_space<semaphore_mem>>) src(%dma_wait3A_369 : memref<10240x8xf32, #tpu.memory_space<hbm>>) dst(%dma_wait3A_363 : memref<128x8xf32, #tpu.memory_space<vmem>>)
      %dma_wait3A_370 = arith.constant 8 : i32
      %dma_wait3A_371 = arith.constant 0 : i32
      %dma_wait3A_372 = arith.constant 0 : i32
      %dma_wait3A_373 = tpu.memref_slice %arg9[%dma_wait3A_370, %dma_wait3A_371, %dma_wait3A_372] : memref<10x128x8xf32, #tpu.memory_space<vmem>> -> memref<1x128x8xf32, #tpu.memory_space<vmem>>
      %dma_wait3A_374 = tpu.memref_squeeze %dma_wait3A_373 : memref<1x128x8xf32, #tpu.memory_space<vmem>> -> memref<128x8xf32, #tpu.memory_space<vmem>>
      %dma_wait3A_375 = arith.constant 0 : i32
      %dma_wait3A_376 = tpu.memref_slice %arg7[%add3A_128, %dma_wait3A_375] : memref<80x128xi32, #tpu.memory_space<vmem>> -> memref<1x128xi32, #tpu.memory_space<vmem>>
      %dma_wait3A_377 = tpu.memref_squeeze %dma_wait3A_376 : memref<1x128xi32, #tpu.memory_space<vmem>> -> memref<128xi32, #tpu.memory_space<vmem>>
      %dma_wait3A_378 = arith.constant 0 : i32
      %dma_wait3A_379 = arith.constant 0 : i32
      %dma_wait3A_380 = tpu.memref_slice %arg2[%dma_wait3A_378, %dma_wait3A_379] : memref<10240x8xf32, #tpu.memory_space<hbm>> -> memref<10240x8xf32, #tpu.memory_space<hbm>>
      tpu.wait_indirect_dma semaphore(%arg12 : memref<!tpu.dma_semaphore, #tpu.memory_space<semaphore_mem>>) src(%dma_wait3A_380 : memref<10240x8xf32, #tpu.memory_space<hbm>>) dst(%dma_wait3A_374 : memref<128x8xf32, #tpu.memory_space<vmem>>)
      %dma_wait3A_381 = arith.constant 9 : i32
      %dma_wait3A_382 = arith.constant 0 : i32
      %dma_wait3A_383 = arith.constant 0 : i32
      %dma_wait3A_384 = tpu.memref_slice %arg9[%dma_wait3A_381, %dma_wait3A_382, %dma_wait3A_383] : memref<10x128x8xf32, #tpu.memory_space<vmem>> -> memref<1x128x8xf32, #tpu.memory_space<vmem>>
      %dma_wait3A_385 = tpu.memref_squeeze %dma_wait3A_384 : memref<1x128x8xf32, #tpu.memory_space<vmem>> -> memref<128x8xf32, #tpu.memory_space<vmem>>
      %dma_wait3A_386 = arith.constant 0 : i32
      %dma_wait3A_387 = tpu.memref_slice %arg7[%add3A_141, %dma_wait3A_386] : memref<80x128xi32, #tpu.memory_space<vmem>> -> memref<1x128xi32, #tpu.memory_space<vmem>>
      %dma_wait3A_388 = tpu.memref_squeeze %dma_wait3A_387 : memref<1x128xi32, #tpu.memory_space<vmem>> -> memref<128xi32, #tpu.memory_space<vmem>>
      %dma_wait3A_389 = arith.constant 0 : i32
      %dma_wait3A_390 = arith.constant 0 : i32
      %dma_wait3A_391 = tpu.memref_slice %arg2[%dma_wait3A_389, %dma_wait3A_390] : memref<10240x8xf32, #tpu.memory_space<hbm>> -> memref<10240x8xf32, #tpu.memory_space<hbm>>
      tpu.wait_indirect_dma semaphore(%arg12 : memref<!tpu.dma_semaphore, #tpu.memory_space<semaphore_mem>>) src(%dma_wait3A_391 : memref<10240x8xf32, #tpu.memory_space<hbm>>) dst(%dma_wait3A_385 : memref<128x8xf32, #tpu.memory_space<vmem>>)
      %add3A_392 = arith.constant 0 : i32
      %add3A_393 = arith.addi %mul3A_17, %add3A_392 : i32
      %dma_start3A_394 = arith.constant 0 : i32
      %dma_start3A_395 = arith.constant 0 : i32
      %dma_start3A_396 = arith.constant 0 : i32
      %dma_start3A_397 = tpu.memref_slice %arg9[%dma_start3A_394, %dma_start3A_395, %dma_start3A_396] : memref<10x128x8xf32, #tpu.memory_space<vmem>> -> memref<1x128x8xf32, #tpu.memory_space<vmem>>
      %dma_start3A_398 = tpu.memref_squeeze %dma_start3A_397 : memref<1x128x8xf32, #tpu.memory_space<vmem>> -> memref<128x8xf32, #tpu.memory_space<vmem>>
      %dma_start3A_399 = arith.constant 0 : i32
      %dma_start3A_400 = tpu.memref_slice %arg8[%add3A_393, %dma_start3A_399] : memref<80x128xi32, #tpu.memory_space<vmem>> -> memref<1x128xi32, #tpu.memory_space<vmem>>
      %dma_start3A_401 = tpu.memref_squeeze %dma_start3A_400 : memref<1x128xi32, #tpu.memory_space<vmem>> -> memref<128xi32, #tpu.memory_space<vmem>>
      %dma_start3A_402 = arith.constant 0 : i32
      %dma_start3A_403 = arith.constant 0 : i32
      %dma_start3A_404 = tpu.memref_slice %arg11[%dma_start3A_402, %dma_start3A_403] : memref<10240x8xf32, #tpu.memory_space<vmem_shared>> -> memref<10240x8xf32, #tpu.memory_space<vmem_shared>>
      tpu.enqueue_indirect_dma source(%dma_start3A_398 : memref<128x8xf32, #tpu.memory_space<vmem>>) target(%dma_start3A_404 : memref<10240x8xf32, #tpu.memory_space<vmem_shared>>) offsets(%dma_start3A_401 : memref<128xi32, #tpu.memory_space<vmem>>) semaphore(%arg14 : memref<!tpu.dma_semaphore, #tpu.memory_space<semaphore_mem>>) {add = true}
      %add3A_405 = arith.constant 1 : i32
      %add3A_406 = arith.addi %mul3A_17, %add3A_405 : i32
      %dma_start3A_407 = arith.constant 1 : i32
      %dma_start3A_408 = arith.constant 0 : i32
      %dma_start3A_409 = arith.constant 0 : i32
      %dma_start3A_410 = tpu.memref_slice %arg9[%dma_start3A_407, %dma_start3A_408, %dma_start3A_409] : memref<10x128x8xf32, #tpu.memory_space<vmem>> -> memref<1x128x8xf32, #tpu.memory_space<vmem>>
      %dma_start3A_411 = tpu.memref_squeeze %dma_start3A_410 : memref<1x128x8xf32, #tpu.memory_space<vmem>> -> memref<128x8xf32, #tpu.memory_space<vmem>>
      %dma_start3A_412 = arith.constant 0 : i32
      %dma_start3A_413 = tpu.memref_slice %arg8[%add3A_406, %dma_start3A_412] : memref<80x128xi32, #tpu.memory_space<vmem>> -> memref<1x128xi32, #tpu.memory_space<vmem>>
      %dma_start3A_414 = tpu.memref_squeeze %dma_start3A_413 : memref<1x128xi32, #tpu.memory_space<vmem>> -> memref<128xi32, #tpu.memory_space<vmem>>
      %dma_start3A_415 = arith.constant 0 : i32
      %dma_start3A_416 = arith.constant 0 : i32
      %dma_start3A_417 = tpu.memref_slice %arg11[%dma_start3A_415, %dma_start3A_416] : memref<10240x8xf32, #tpu.memory_space<vmem_shared>> -> memref<10240x8xf32, #tpu.memory_space<vmem_shared>>
      tpu.enqueue_indirect_dma source(%dma_start3A_411 : memref<128x8xf32, #tpu.memory_space<vmem>>) target(%dma_start3A_417 : memref<10240x8xf32, #tpu.memory_space<vmem_shared>>) offsets(%dma_start3A_414 : memref<128xi32, #tpu.memory_space<vmem>>) semaphore(%arg14 : memref<!tpu.dma_semaphore, #tpu.memory_space<semaphore_mem>>) {add = true}
      %add3A_418 = arith.constant 2 : i32
      %add3A_419 = arith.addi %mul3A_17, %add3A_418 : i32
      %dma_start3A_420 = arith.constant 2 : i32
      %dma_start3A_421 = arith.constant 0 : i32
      %dma_start3A_422 = arith.constant 0 : i32
      %dma_start3A_423 = tpu.memref_slice %arg9[%dma_start3A_420, %dma_start3A_421, %dma_start3A_422] : memref<10x128x8xf32, #tpu.memory_space<vmem>> -> memref<1x128x8xf32, #tpu.memory_space<vmem>>
      %dma_start3A_424 = tpu.memref_squeeze %dma_start3A_423 : memref<1x128x8xf32, #tpu.memory_space<vmem>> -> memref<128x8xf32, #tpu.memory_space<vmem>>
      %dma_start3A_425 = arith.constant 0 : i32
      %dma_start3A_426 = tpu.memref_slice %arg8[%add3A_419, %dma_start3A_425] : memref<80x128xi32, #tpu.memory_space<vmem>> -> memref<1x128xi32, #tpu.memory_space<vmem>>
      %dma_start3A_427 = tpu.memref_squeeze %dma_start3A_426 : memref<1x128xi32, #tpu.memory_space<vmem>> -> memref<128xi32, #tpu.memory_space<vmem>>
      %dma_start3A_428 = arith.constant 0 : i32
      %dma_start3A_429 = arith.constant 0 : i32
      %dma_start3A_430 = tpu.memref_slice %arg11[%dma_start3A_428, %dma_start3A_429] : memref<10240x8xf32, #tpu.memory_space<vmem_shared>> -> memref<10240x8xf32, #tpu.memory_space<vmem_shared>>
      tpu.enqueue_indirect_dma source(%dma_start3A_424 : memref<128x8xf32, #tpu.memory_space<vmem>>) target(%dma_start3A_430 : memref<10240x8xf32, #tpu.memory_space<vmem_shared>>) offsets(%dma_start3A_427 : memref<128xi32, #tpu.memory_space<vmem>>) semaphore(%arg14 : memref<!tpu.dma_semaphore, #tpu.memory_space<semaphore_mem>>) {add = true}
      %add3A_431 = arith.constant 3 : i32
      %add3A_432 = arith.addi %mul3A_17, %add3A_431 : i32
      %dma_start3A_433 = arith.constant 3 : i32
      %dma_start3A_434 = arith.constant 0 : i32
      %dma_start3A_435 = arith.constant 0 : i32
      %dma_start3A_436 = tpu.memref_slice %arg9[%dma_start3A_433, %dma_start3A_434, %dma_start3A_435] : memref<10x128x8xf32, #tpu.memory_space<vmem>> -> memref<1x128x8xf32, #tpu.memory_space<vmem>>
      %dma_start3A_437 = tpu.memref_squeeze %dma_start3A_436 : memref<1x128x8xf32, #tpu.memory_space<vmem>> -> memref<128x8xf32, #tpu.memory_space<vmem>>
      %dma_start3A_438 = arith.constant 0 : i32
      %dma_start3A_439 = tpu.memref_slice %arg8[%add3A_432, %dma_start3A_438] : memref<80x128xi32, #tpu.memory_space<vmem>> -> memref<1x128xi32, #tpu.memory_space<vmem>>
      %dma_start3A_440 = tpu.memref_squeeze %dma_start3A_439 : memref<1x128xi32, #tpu.memory_space<vmem>> -> memref<128xi32, #tpu.memory_space<vmem>>
      %dma_start3A_441 = arith.constant 0 : i32
      %dma_start3A_442 = arith.constant 0 : i32
      %dma_start3A_443 = tpu.memref_slice %arg11[%dma_start3A_441, %dma_start3A_442] : memref<10240x8xf32, #tpu.memory_space<vmem_shared>> -> memref<10240x8xf32, #tpu.memory_space<vmem_shared>>
      tpu.enqueue_indirect_dma source(%dma_start3A_437 : memref<128x8xf32, #tpu.memory_space<vmem>>) target(%dma_start3A_443 : memref<10240x8xf32, #tpu.memory_space<vmem_shared>>) offsets(%dma_start3A_440 : memref<128xi32, #tpu.memory_space<vmem>>) semaphore(%arg14 : memref<!tpu.dma_semaphore, #tpu.memory_space<semaphore_mem>>) {add = true}
      %add3A_444 = arith.constant 4 : i32
      %add3A_445 = arith.addi %mul3A_17, %add3A_444 : i32
      %dma_start3A_446 = arith.constant 4 : i32
      %dma_start3A_447 = arith.constant 0 : i32
      %dma_start3A_448 = arith.constant 0 : i32
      %dma_start3A_449 = tpu.memref_slice %arg9[%dma_start3A_446, %dma_start3A_447, %dma_start3A_448] : memref<10x128x8xf32, #tpu.memory_space<vmem>> -> memref<1x128x8xf32, #tpu.memory_space<vmem>>
      %dma_start3A_450 = tpu.memref_squeeze %dma_start3A_449 : memref<1x128x8xf32, #tpu.memory_space<vmem>> -> memref<128x8xf32, #tpu.memory_space<vmem>>
      %dma_start3A_451 = arith.constant 0 : i32
      %dma_start3A_452 = tpu.memref_slice %arg8[%add3A_445, %dma_start3A_451] : memref<80x128xi32, #tpu.memory_space<vmem>> -> memref<1x128xi32, #tpu.memory_space<vmem>>
      %dma_start3A_453 = tpu.memref_squeeze %dma_start3A_452 : memref<1x128xi32, #tpu.memory_space<vmem>> -> memref<128xi32, #tpu.memory_space<vmem>>
      %dma_start3A_454 = arith.constant 0 : i32
      %dma_start3A_455 = arith.constant 0 : i32
      %dma_start3A_456 = tpu.memref_slice %arg11[%dma_start3A_454, %dma_start3A_455] : memref<10240x8xf32, #tpu.memory_space<vmem_shared>> -> memref<10240x8xf32, #tpu.memory_space<vmem_shared>>
      tpu.enqueue_indirect_dma source(%dma_start3A_450 : memref<128x8xf32, #tpu.memory_space<vmem>>) target(%dma_start3A_456 : memref<10240x8xf32, #tpu.memory_space<vmem_shared>>) offsets(%dma_start3A_453 : memref<128xi32, #tpu.memory_space<vmem>>) semaphore(%arg14 : memref<!tpu.dma_semaphore, #tpu.memory_space<semaphore_mem>>) {add = true}
      %add3A_457 = arith.constant 5 : i32
      %add3A_458 = arith.addi %mul3A_17, %add3A_457 : i32
      %dma_start3A_459 = arith.constant 5 : i32
      %dma_start3A_460 = arith.constant 0 : i32
      %dma_start3A_461 = arith.constant 0 : i32
      %dma_start3A_462 = tpu.memref_slice %arg9[%dma_start3A_459, %dma_start3A_460, %dma_start3A_461] : memref<10x128x8xf32, #tpu.memory_space<vmem>> -> memref<1x128x8xf32, #tpu.memory_space<vmem>>
      %dma_start3A_463 = tpu.memref_squeeze %dma_start3A_462 : memref<1x128x8xf32, #tpu.memory_space<vmem>> -> memref<128x8xf32, #tpu.memory_space<vmem>>
      %dma_start3A_464 = arith.constant 0 : i32
      %dma_start3A_465 = tpu.memref_slice %arg8[%add3A_458, %dma_start3A_464] : memref<80x128xi32, #tpu.memory_space<vmem>> -> memref<1x128xi32, #tpu.memory_space<vmem>>
      %dma_start3A_466 = tpu.memref_squeeze %dma_start3A_465 : memref<1x128xi32, #tpu.memory_space<vmem>> -> memref<128xi32, #tpu.memory_space<vmem>>
      %dma_start3A_467 = arith.constant 0 : i32
      %dma_start3A_468 = arith.constant 0 : i32
      %dma_start3A_469 = tpu.memref_slice %arg11[%dma_start3A_467, %dma_start3A_468] : memref<10240x8xf32, #tpu.memory_space<vmem_shared>> -> memref<10240x8xf32, #tpu.memory_space<vmem_shared>>
      tpu.enqueue_indirect_dma source(%dma_start3A_463 : memref<128x8xf32, #tpu.memory_space<vmem>>) target(%dma_start3A_469 : memref<10240x8xf32, #tpu.memory_space<vmem_shared>>) offsets(%dma_start3A_466 : memref<128xi32, #tpu.memory_space<vmem>>) semaphore(%arg14 : memref<!tpu.dma_semaphore, #tpu.memory_space<semaphore_mem>>) {add = true}
      %add3A_470 = arith.constant 6 : i32
      %add3A_471 = arith.addi %mul3A_17, %add3A_470 : i32
      %dma_start3A_472 = arith.constant 6 : i32
      %dma_start3A_473 = arith.constant 0 : i32
      %dma_start3A_474 = arith.constant 0 : i32
      %dma_start3A_475 = tpu.memref_slice %arg9[%dma_start3A_472, %dma_start3A_473, %dma_start3A_474] : memref<10x128x8xf32, #tpu.memory_space<vmem>> -> memref<1x128x8xf32, #tpu.memory_space<vmem>>
      %dma_start3A_476 = tpu.memref_squeeze %dma_start3A_475 : memref<1x128x8xf32, #tpu.memory_space<vmem>> -> memref<128x8xf32, #tpu.memory_space<vmem>>
      %dma_start3A_477 = arith.constant 0 : i32
      %dma_start3A_478 = tpu.memref_slice %arg8[%add3A_471, %dma_start3A_477] : memref<80x128xi32, #tpu.memory_space<vmem>> -> memref<1x128xi32, #tpu.memory_space<vmem>>
      %dma_start3A_479 = tpu.memref_squeeze %dma_start3A_478 : memref<1x128xi32, #tpu.memory_space<vmem>> -> memref<128xi32, #tpu.memory_space<vmem>>
      %dma_start3A_480 = arith.constant 0 : i32
      %dma_start3A_481 = arith.constant 0 : i32
      %dma_start3A_482 = tpu.memref_slice %arg11[%dma_start3A_480, %dma_start3A_481] : memref<10240x8xf32, #tpu.memory_space<vmem_shared>> -> memref<10240x8xf32, #tpu.memory_space<vmem_shared>>
      tpu.enqueue_indirect_dma source(%dma_start3A_476 : memref<128x8xf32, #tpu.memory_space<vmem>>) target(%dma_start3A_482 : memref<10240x8xf32, #tpu.memory_space<vmem_shared>>) offsets(%dma_start3A_479 : memref<128xi32, #tpu.memory_space<vmem>>) semaphore(%arg14 : memref<!tpu.dma_semaphore, #tpu.memory_space<semaphore_mem>>) {add = true}
      %add3A_483 = arith.constant 7 : i32
      %add3A_484 = arith.addi %mul3A_17, %add3A_483 : i32
      %dma_start3A_485 = arith.constant 7 : i32
      %dma_start3A_486 = arith.constant 0 : i32
      %dma_start3A_487 = arith.constant 0 : i32
      %dma_start3A_488 = tpu.memref_slice %arg9[%dma_start3A_485, %dma_start3A_486, %dma_start3A_487] : memref<10x128x8xf32, #tpu.memory_space<vmem>> -> memref<1x128x8xf32, #tpu.memory_space<vmem>>
      %dma_start3A_489 = tpu.memref_squeeze %dma_start3A_488 : memref<1x128x8xf32, #tpu.memory_space<vmem>> -> memref<128x8xf32, #tpu.memory_space<vmem>>
      %dma_start3A_490 = arith.constant 0 : i32
      %dma_start3A_491 = tpu.memref_slice %arg8[%add3A_484, %dma_start3A_490] : memref<80x128xi32, #tpu.memory_space<vmem>> -> memref<1x128xi32, #tpu.memory_space<vmem>>
      %dma_start3A_492 = tpu.memref_squeeze %dma_start3A_491 : memref<1x128xi32, #tpu.memory_space<vmem>> -> memref<128xi32, #tpu.memory_space<vmem>>
      %dma_start3A_493 = arith.constant 0 : i32
      %dma_start3A_494 = arith.constant 0 : i32
      %dma_start3A_495 = tpu.memref_slice %arg11[%dma_start3A_493, %dma_start3A_494] : memref<10240x8xf32, #tpu.memory_space<vmem_shared>> -> memref<10240x8xf32, #tpu.memory_space<vmem_shared>>
      tpu.enqueue_indirect_dma source(%dma_start3A_489 : memref<128x8xf32, #tpu.memory_space<vmem>>) target(%dma_start3A_495 : memref<10240x8xf32, #tpu.memory_space<vmem_shared>>) offsets(%dma_start3A_492 : memref<128xi32, #tpu.memory_space<vmem>>) semaphore(%arg14 : memref<!tpu.dma_semaphore, #tpu.memory_space<semaphore_mem>>) {add = true}
      %add3A_496 = arith.constant 8 : i32
      %add3A_497 = arith.addi %mul3A_17, %add3A_496 : i32
      %dma_start3A_498 = arith.constant 8 : i32
      %dma_start3A_499 = arith.constant 0 : i32
      %dma_start3A_500 = arith.constant 0 : i32
      %dma_start3A_501 = tpu.memref_slice %arg9[%dma_start3A_498, %dma_start3A_499, %dma_start3A_500] : memref<10x128x8xf32, #tpu.memory_space<vmem>> -> memref<1x128x8xf32, #tpu.memory_space<vmem>>
      %dma_start3A_502 = tpu.memref_squeeze %dma_start3A_501 : memref<1x128x8xf32, #tpu.memory_space<vmem>> -> memref<128x8xf32, #tpu.memory_space<vmem>>
      %dma_start3A_503 = arith.constant 0 : i32
      %dma_start3A_504 = tpu.memref_slice %arg8[%add3A_497, %dma_start3A_503] : memref<80x128xi32, #tpu.memory_space<vmem>> -> memref<1x128xi32, #tpu.memory_space<vmem>>
      %dma_start3A_505 = tpu.memref_squeeze %dma_start3A_504 : memref<1x128xi32, #tpu.memory_space<vmem>> -> memref<128xi32, #tpu.memory_space<vmem>>
      %dma_start3A_506 = arith.constant 0 : i32
      %dma_start3A_507 = arith.constant 0 : i32
      %dma_start3A_508 = tpu.memref_slice %arg11[%dma_start3A_506, %dma_start3A_507] : memref<10240x8xf32, #tpu.memory_space<vmem_shared>> -> memref<10240x8xf32, #tpu.memory_space<vmem_shared>>
      tpu.enqueue_indirect_dma source(%dma_start3A_502 : memref<128x8xf32, #tpu.memory_space<vmem>>) target(%dma_start3A_508 : memref<10240x8xf32, #tpu.memory_space<vmem_shared>>) offsets(%dma_start3A_505 : memref<128xi32, #tpu.memory_space<vmem>>) semaphore(%arg14 : memref<!tpu.dma_semaphore, #tpu.memory_space<semaphore_mem>>) {add = true}
      %add3A_509 = arith.constant 9 : i32
      %add3A_510 = arith.addi %mul3A_17, %add3A_509 : i32
      %dma_start3A_511 = arith.constant 9 : i32
      %dma_start3A_512 = arith.constant 0 : i32
      %dma_start3A_513 = arith.constant 0 : i32
      %dma_start3A_514 = tpu.memref_slice %arg9[%dma_start3A_511, %dma_start3A_512, %dma_start3A_513] : memref<10x128x8xf32, #tpu.memory_space<vmem>> -> memref<1x128x8xf32, #tpu.memory_space<vmem>>
      %dma_start3A_515 = tpu.memref_squeeze %dma_start3A_514 : memref<1x128x8xf32, #tpu.memory_space<vmem>> -> memref<128x8xf32, #tpu.memory_space<vmem>>
      %dma_start3A_516 = arith.constant 0 : i32
      %dma_start3A_517 = tpu.memref_slice %arg8[%add3A_510, %dma_start3A_516] : memref<80x128xi32, #tpu.memory_space<vmem>> -> memref<1x128xi32, #tpu.memory_space<vmem>>
      %dma_start3A_518 = tpu.memref_squeeze %dma_start3A_517 : memref<1x128xi32, #tpu.memory_space<vmem>> -> memref<128xi32, #tpu.memory_space<vmem>>
      %dma_start3A_519 = arith.constant 0 : i32
      %dma_start3A_520 = arith.constant 0 : i32
      %dma_start3A_521 = tpu.memref_slice %arg11[%dma_start3A_519, %dma_start3A_520] : memref<10240x8xf32, #tpu.memory_space<vmem_shared>> -> memref<10240x8xf32, #tpu.memory_space<vmem_shared>>
      tpu.enqueue_indirect_dma source(%dma_start3A_515 : memref<128x8xf32, #tpu.memory_space<vmem>>) target(%dma_start3A_521 : memref<10240x8xf32, #tpu.memory_space<vmem_shared>>) offsets(%dma_start3A_518 : memref<128xi32, #tpu.memory_space<vmem>>) semaphore(%arg14 : memref<!tpu.dma_semaphore, #tpu.memory_space<semaphore_mem>>) {add = true}
      %dma_wait3A_522 = arith.constant 0 : i32
      %dma_wait3A_523 = arith.constant 0 : i32
      %dma_wait3A_524 = arith.constant 0 : i32
      %dma_wait3A_525 = tpu.memref_slice %arg10[%dma_wait3A_522, %dma_wait3A_523, %dma_wait3A_524] : memref<10x128x8xf32, #tpu.memory_space<vmem>> -> memref<1x128x8xf32, #tpu.memory_space<vmem>>
      %dma_wait3A_526 = tpu.memref_squeeze %dma_wait3A_525 : memref<1x128x8xf32, #tpu.memory_space<vmem>> -> memref<128x8xf32, #tpu.memory_space<vmem>>
      %dma_wait3A_527 = arith.constant 0 : i32
      %dma_wait3A_528 = tpu.memref_slice %arg7[%add3A_154, %dma_wait3A_527] : memref<80x128xi32, #tpu.memory_space<vmem>> -> memref<1x128xi32, #tpu.memory_space<vmem>>
      %dma_wait3A_529 = tpu.memref_squeeze %dma_wait3A_528 : memref<1x128xi32, #tpu.memory_space<vmem>> -> memref<128xi32, #tpu.memory_space<vmem>>
      %dma_wait3A_530 = arith.constant 0 : i32
      %dma_wait3A_531 = arith.constant 0 : i32
      %dma_wait3A_532 = tpu.memref_slice %arg2[%dma_wait3A_530, %dma_wait3A_531] : memref<10240x8xf32, #tpu.memory_space<hbm>> -> memref<10240x8xf32, #tpu.memory_space<hbm>>
      tpu.wait_indirect_dma semaphore(%arg13 : memref<!tpu.dma_semaphore, #tpu.memory_space<semaphore_mem>>) src(%dma_wait3A_532 : memref<10240x8xf32, #tpu.memory_space<hbm>>) dst(%dma_wait3A_526 : memref<128x8xf32, #tpu.memory_space<vmem>>)
      %dma_wait3A_533 = arith.constant 1 : i32
      %dma_wait3A_534 = arith.constant 0 : i32
      %dma_wait3A_535 = arith.constant 0 : i32
      %dma_wait3A_536 = tpu.memref_slice %arg10[%dma_wait3A_533, %dma_wait3A_534, %dma_wait3A_535] : memref<10x128x8xf32, #tpu.memory_space<vmem>> -> memref<1x128x8xf32, #tpu.memory_space<vmem>>
      %dma_wait3A_537 = tpu.memref_squeeze %dma_wait3A_536 : memref<1x128x8xf32, #tpu.memory_space<vmem>> -> memref<128x8xf32, #tpu.memory_space<vmem>>
      %dma_wait3A_538 = arith.constant 0 : i32
      %dma_wait3A_539 = tpu.memref_slice %arg7[%add3A_167, %dma_wait3A_538] : memref<80x128xi32, #tpu.memory_space<vmem>> -> memref<1x128xi32, #tpu.memory_space<vmem>>
      %dma_wait3A_540 = tpu.memref_squeeze %dma_wait3A_539 : memref<1x128xi32, #tpu.memory_space<vmem>> -> memref<128xi32, #tpu.memory_space<vmem>>
      %dma_wait3A_541 = arith.constant 0 : i32
      %dma_wait3A_542 = arith.constant 0 : i32
      %dma_wait3A_543 = tpu.memref_slice %arg2[%dma_wait3A_541, %dma_wait3A_542] : memref<10240x8xf32, #tpu.memory_space<hbm>> -> memref<10240x8xf32, #tpu.memory_space<hbm>>
      tpu.wait_indirect_dma semaphore(%arg13 : memref<!tpu.dma_semaphore, #tpu.memory_space<semaphore_mem>>) src(%dma_wait3A_543 : memref<10240x8xf32, #tpu.memory_space<hbm>>) dst(%dma_wait3A_537 : memref<128x8xf32, #tpu.memory_space<vmem>>)
      %dma_wait3A_544 = arith.constant 2 : i32
      %dma_wait3A_545 = arith.constant 0 : i32
      %dma_wait3A_546 = arith.constant 0 : i32
      %dma_wait3A_547 = tpu.memref_slice %arg10[%dma_wait3A_544, %dma_wait3A_545, %dma_wait3A_546] : memref<10x128x8xf32, #tpu.memory_space<vmem>> -> memref<1x128x8xf32, #tpu.memory_space<vmem>>
      %dma_wait3A_548 = tpu.memref_squeeze %dma_wait3A_547 : memref<1x128x8xf32, #tpu.memory_space<vmem>> -> memref<128x8xf32, #tpu.memory_space<vmem>>
      %dma_wait3A_549 = arith.constant 0 : i32
      %dma_wait3A_550 = tpu.memref_slice %arg7[%add3A_180, %dma_wait3A_549] : memref<80x128xi32, #tpu.memory_space<vmem>> -> memref<1x128xi32, #tpu.memory_space<vmem>>
      %dma_wait3A_551 = tpu.memref_squeeze %dma_wait3A_550 : memref<1x128xi32, #tpu.memory_space<vmem>> -> memref<128xi32, #tpu.memory_space<vmem>>
      %dma_wait3A_552 = arith.constant 0 : i32
      %dma_wait3A_553 = arith.constant 0 : i32
      %dma_wait3A_554 = tpu.memref_slice %arg2[%dma_wait3A_552, %dma_wait3A_553] : memref<10240x8xf32, #tpu.memory_space<hbm>> -> memref<10240x8xf32, #tpu.memory_space<hbm>>
      tpu.wait_indirect_dma semaphore(%arg13 : memref<!tpu.dma_semaphore, #tpu.memory_space<semaphore_mem>>) src(%dma_wait3A_554 : memref<10240x8xf32, #tpu.memory_space<hbm>>) dst(%dma_wait3A_548 : memref<128x8xf32, #tpu.memory_space<vmem>>)
      %dma_wait3A_555 = arith.constant 3 : i32
      %dma_wait3A_556 = arith.constant 0 : i32
      %dma_wait3A_557 = arith.constant 0 : i32
      %dma_wait3A_558 = tpu.memref_slice %arg10[%dma_wait3A_555, %dma_wait3A_556, %dma_wait3A_557] : memref<10x128x8xf32, #tpu.memory_space<vmem>> -> memref<1x128x8xf32, #tpu.memory_space<vmem>>
      %dma_wait3A_559 = tpu.memref_squeeze %dma_wait3A_558 : memref<1x128x8xf32, #tpu.memory_space<vmem>> -> memref<128x8xf32, #tpu.memory_space<vmem>>
      %dma_wait3A_560 = arith.constant 0 : i32
      %dma_wait3A_561 = tpu.memref_slice %arg7[%add3A_193, %dma_wait3A_560] : memref<80x128xi32, #tpu.memory_space<vmem>> -> memref<1x128xi32, #tpu.memory_space<vmem>>
      %dma_wait3A_562 = tpu.memref_squeeze %dma_wait3A_561 : memref<1x128xi32, #tpu.memory_space<vmem>> -> memref<128xi32, #tpu.memory_space<vmem>>
      %dma_wait3A_563 = arith.constant 0 : i32
      %dma_wait3A_564 = arith.constant 0 : i32
      %dma_wait3A_565 = tpu.memref_slice %arg2[%dma_wait3A_563, %dma_wait3A_564] : memref<10240x8xf32, #tpu.memory_space<hbm>> -> memref<10240x8xf32, #tpu.memory_space<hbm>>
      tpu.wait_indirect_dma semaphore(%arg13 : memref<!tpu.dma_semaphore, #tpu.memory_space<semaphore_mem>>) src(%dma_wait3A_565 : memref<10240x8xf32, #tpu.memory_space<hbm>>) dst(%dma_wait3A_559 : memref<128x8xf32, #tpu.memory_space<vmem>>)
      %dma_wait3A_566 = arith.constant 4 : i32
      %dma_wait3A_567 = arith.constant 0 : i32
      %dma_wait3A_568 = arith.constant 0 : i32
      %dma_wait3A_569 = tpu.memref_slice %arg10[%dma_wait3A_566, %dma_wait3A_567, %dma_wait3A_568] : memref<10x128x8xf32, #tpu.memory_space<vmem>> -> memref<1x128x8xf32, #tpu.memory_space<vmem>>
      %dma_wait3A_570 = tpu.memref_squeeze %dma_wait3A_569 : memref<1x128x8xf32, #tpu.memory_space<vmem>> -> memref<128x8xf32, #tpu.memory_space<vmem>>
      %dma_wait3A_571 = arith.constant 0 : i32
      %dma_wait3A_572 = tpu.memref_slice %arg7[%add3A_206, %dma_wait3A_571] : memref<80x128xi32, #tpu.memory_space<vmem>> -> memref<1x128xi32, #tpu.memory_space<vmem>>
      %dma_wait3A_573 = tpu.memref_squeeze %dma_wait3A_572 : memref<1x128xi32, #tpu.memory_space<vmem>> -> memref<128xi32, #tpu.memory_space<vmem>>
      %dma_wait3A_574 = arith.constant 0 : i32
      %dma_wait3A_575 = arith.constant 0 : i32
      %dma_wait3A_576 = tpu.memref_slice %arg2[%dma_wait3A_574, %dma_wait3A_575] : memref<10240x8xf32, #tpu.memory_space<hbm>> -> memref<10240x8xf32, #tpu.memory_space<hbm>>
      tpu.wait_indirect_dma semaphore(%arg13 : memref<!tpu.dma_semaphore, #tpu.memory_space<semaphore_mem>>) src(%dma_wait3A_576 : memref<10240x8xf32, #tpu.memory_space<hbm>>) dst(%dma_wait3A_570 : memref<128x8xf32, #tpu.memory_space<vmem>>)
      %dma_wait3A_577 = arith.constant 5 : i32
      %dma_wait3A_578 = arith.constant 0 : i32
      %dma_wait3A_579 = arith.constant 0 : i32
      %dma_wait3A_580 = tpu.memref_slice %arg10[%dma_wait3A_577, %dma_wait3A_578, %dma_wait3A_579] : memref<10x128x8xf32, #tpu.memory_space<vmem>> -> memref<1x128x8xf32, #tpu.memory_space<vmem>>
      %dma_wait3A_581 = tpu.memref_squeeze %dma_wait3A_580 : memref<1x128x8xf32, #tpu.memory_space<vmem>> -> memref<128x8xf32, #tpu.memory_space<vmem>>
      %dma_wait3A_582 = arith.constant 0 : i32
      %dma_wait3A_583 = tpu.memref_slice %arg7[%add3A_219, %dma_wait3A_582] : memref<80x128xi32, #tpu.memory_space<vmem>> -> memref<1x128xi32, #tpu.memory_space<vmem>>
      %dma_wait3A_584 = tpu.memref_squeeze %dma_wait3A_583 : memref<1x128xi32, #tpu.memory_space<vmem>> -> memref<128xi32, #tpu.memory_space<vmem>>
      %dma_wait3A_585 = arith.constant 0 : i32
      %dma_wait3A_586 = arith.constant 0 : i32
      %dma_wait3A_587 = tpu.memref_slice %arg2[%dma_wait3A_585, %dma_wait3A_586] : memref<10240x8xf32, #tpu.memory_space<hbm>> -> memref<10240x8xf32, #tpu.memory_space<hbm>>
      tpu.wait_indirect_dma semaphore(%arg13 : memref<!tpu.dma_semaphore, #tpu.memory_space<semaphore_mem>>) src(%dma_wait3A_587 : memref<10240x8xf32, #tpu.memory_space<hbm>>) dst(%dma_wait3A_581 : memref<128x8xf32, #tpu.memory_space<vmem>>)
      %dma_wait3A_588 = arith.constant 6 : i32
      %dma_wait3A_589 = arith.constant 0 : i32
      %dma_wait3A_590 = arith.constant 0 : i32
      %dma_wait3A_591 = tpu.memref_slice %arg10[%dma_wait3A_588, %dma_wait3A_589, %dma_wait3A_590] : memref<10x128x8xf32, #tpu.memory_space<vmem>> -> memref<1x128x8xf32, #tpu.memory_space<vmem>>
      %dma_wait3A_592 = tpu.memref_squeeze %dma_wait3A_591 : memref<1x128x8xf32, #tpu.memory_space<vmem>> -> memref<128x8xf32, #tpu.memory_space<vmem>>
      %dma_wait3A_593 = arith.constant 0 : i32
      %dma_wait3A_594 = tpu.memref_slice %arg7[%add3A_232, %dma_wait3A_593] : memref<80x128xi32, #tpu.memory_space<vmem>> -> memref<1x128xi32, #tpu.memory_space<vmem>>
      %dma_wait3A_595 = tpu.memref_squeeze %dma_wait3A_594 : memref<1x128xi32, #tpu.memory_space<vmem>> -> memref<128xi32, #tpu.memory_space<vmem>>
      %dma_wait3A_596 = arith.constant 0 : i32
      %dma_wait3A_597 = arith.constant 0 : i32
      %dma_wait3A_598 = tpu.memref_slice %arg2[%dma_wait3A_596, %dma_wait3A_597] : memref<10240x8xf32, #tpu.memory_space<hbm>> -> memref<10240x8xf32, #tpu.memory_space<hbm>>
      tpu.wait_indirect_dma semaphore(%arg13 : memref<!tpu.dma_semaphore, #tpu.memory_space<semaphore_mem>>) src(%dma_wait3A_598 : memref<10240x8xf32, #tpu.memory_space<hbm>>) dst(%dma_wait3A_592 : memref<128x8xf32, #tpu.memory_space<vmem>>)
      %dma_wait3A_599 = arith.constant 7 : i32
      %dma_wait3A_600 = arith.constant 0 : i32
      %dma_wait3A_601 = arith.constant 0 : i32
      %dma_wait3A_602 = tpu.memref_slice %arg10[%dma_wait3A_599, %dma_wait3A_600, %dma_wait3A_601] : memref<10x128x8xf32, #tpu.memory_space<vmem>> -> memref<1x128x8xf32, #tpu.memory_space<vmem>>
      %dma_wait3A_603 = tpu.memref_squeeze %dma_wait3A_602 : memref<1x128x8xf32, #tpu.memory_space<vmem>> -> memref<128x8xf32, #tpu.memory_space<vmem>>
      %dma_wait3A_604 = arith.constant 0 : i32
      %dma_wait3A_605 = tpu.memref_slice %arg7[%add3A_245, %dma_wait3A_604] : memref<80x128xi32, #tpu.memory_space<vmem>> -> memref<1x128xi32, #tpu.memory_space<vmem>>
      %dma_wait3A_606 = tpu.memref_squeeze %dma_wait3A_605 : memref<1x128xi32, #tpu.memory_space<vmem>> -> memref<128xi32, #tpu.memory_space<vmem>>
      %dma_wait3A_607 = arith.constant 0 : i32
      %dma_wait3A_608 = arith.constant 0 : i32
      %dma_wait3A_609 = tpu.memref_slice %arg2[%dma_wait3A_607, %dma_wait3A_608] : memref<10240x8xf32, #tpu.memory_space<hbm>> -> memref<10240x8xf32, #tpu.memory_space<hbm>>
      tpu.wait_indirect_dma semaphore(%arg13 : memref<!tpu.dma_semaphore, #tpu.memory_space<semaphore_mem>>) src(%dma_wait3A_609 : memref<10240x8xf32, #tpu.memory_space<hbm>>) dst(%dma_wait3A_603 : memref<128x8xf32, #tpu.memory_space<vmem>>)
      %dma_wait3A_610 = arith.constant 8 : i32
      %dma_wait3A_611 = arith.constant 0 : i32
      %dma_wait3A_612 = arith.constant 0 : i32
      %dma_wait3A_613 = tpu.memref_slice %arg10[%dma_wait3A_610, %dma_wait3A_611, %dma_wait3A_612] : memref<10x128x8xf32, #tpu.memory_space<vmem>> -> memref<1x128x8xf32, #tpu.memory_space<vmem>>
      %dma_wait3A_614 = tpu.memref_squeeze %dma_wait3A_613 : memref<1x128x8xf32, #tpu.memory_space<vmem>> -> memref<128x8xf32, #tpu.memory_space<vmem>>
      %dma_wait3A_615 = arith.constant 0 : i32
      %dma_wait3A_616 = tpu.memref_slice %arg7[%add3A_258, %dma_wait3A_615] : memref<80x128xi32, #tpu.memory_space<vmem>> -> memref<1x128xi32, #tpu.memory_space<vmem>>
      %dma_wait3A_617 = tpu.memref_squeeze %dma_wait3A_616 : memref<1x128xi32, #tpu.memory_space<vmem>> -> memref<128xi32, #tpu.memory_space<vmem>>
      %dma_wait3A_618 = arith.constant 0 : i32
      %dma_wait3A_619 = arith.constant 0 : i32
      %dma_wait3A_620 = tpu.memref_slice %arg2[%dma_wait3A_618, %dma_wait3A_619] : memref<10240x8xf32, #tpu.memory_space<hbm>> -> memref<10240x8xf32, #tpu.memory_space<hbm>>
      tpu.wait_indirect_dma semaphore(%arg13 : memref<!tpu.dma_semaphore, #tpu.memory_space<semaphore_mem>>) src(%dma_wait3A_620 : memref<10240x8xf32, #tpu.memory_space<hbm>>) dst(%dma_wait3A_614 : memref<128x8xf32, #tpu.memory_space<vmem>>)
      %dma_wait3A_621 = arith.constant 9 : i32
      %dma_wait3A_622 = arith.constant 0 : i32
      %dma_wait3A_623 = arith.constant 0 : i32
      %dma_wait3A_624 = tpu.memref_slice %arg10[%dma_wait3A_621, %dma_wait3A_622, %dma_wait3A_623] : memref<10x128x8xf32, #tpu.memory_space<vmem>> -> memref<1x128x8xf32, #tpu.memory_space<vmem>>
      %dma_wait3A_625 = tpu.memref_squeeze %dma_wait3A_624 : memref<1x128x8xf32, #tpu.memory_space<vmem>> -> memref<128x8xf32, #tpu.memory_space<vmem>>
      %dma_wait3A_626 = arith.constant 0 : i32
      %dma_wait3A_627 = tpu.memref_slice %arg7[%add3A_271, %dma_wait3A_626] : memref<80x128xi32, #tpu.memory_space<vmem>> -> memref<1x128xi32, #tpu.memory_space<vmem>>
      %dma_wait3A_628 = tpu.memref_squeeze %dma_wait3A_627 : memref<1x128xi32, #tpu.memory_space<vmem>> -> memref<128xi32, #tpu.memory_space<vmem>>
      %dma_wait3A_629 = arith.constant 0 : i32
      %dma_wait3A_630 = arith.constant 0 : i32
      %dma_wait3A_631 = tpu.memref_slice %arg2[%dma_wait3A_629, %dma_wait3A_630] : memref<10240x8xf32, #tpu.memory_space<hbm>> -> memref<10240x8xf32, #tpu.memory_space<hbm>>
      tpu.wait_indirect_dma semaphore(%arg13 : memref<!tpu.dma_semaphore, #tpu.memory_space<semaphore_mem>>) src(%dma_wait3A_631 : memref<10240x8xf32, #tpu.memory_space<hbm>>) dst(%dma_wait3A_625 : memref<128x8xf32, #tpu.memory_space<vmem>>)
      %add3A_632 = arith.constant 0 : i32
      %add3A_633 = arith.addi %mul3A_23, %add3A_632 : i32
      %dma_start3A_634 = arith.constant 0 : i32
      %dma_start3A_635 = arith.constant 0 : i32
      %dma_start3A_636 = arith.constant 0 : i32
      %dma_start3A_637 = tpu.memref_slice %arg10[%dma_start3A_634, %dma_start3A_635, %dma_start3A_636] : memref<10x128x8xf32, #tpu.memory_space<vmem>> -> memref<1x128x8xf32, #tpu.memory_space<vmem>>
      %dma_start3A_638 = tpu.memref_squeeze %dma_start3A_637 : memref<1x128x8xf32, #tpu.memory_space<vmem>> -> memref<128x8xf32, #tpu.memory_space<vmem>>
      %dma_start3A_639 = arith.constant 0 : i32
      %dma_start3A_640 = tpu.memref_slice %arg8[%add3A_633, %dma_start3A_639] : memref<80x128xi32, #tpu.memory_space<vmem>> -> memref<1x128xi32, #tpu.memory_space<vmem>>
      %dma_start3A_641 = tpu.memref_squeeze %dma_start3A_640 : memref<1x128xi32, #tpu.memory_space<vmem>> -> memref<128xi32, #tpu.memory_space<vmem>>
      %dma_start3A_642 = arith.constant 0 : i32
      %dma_start3A_643 = arith.constant 0 : i32
      %dma_start3A_644 = tpu.memref_slice %arg11[%dma_start3A_642, %dma_start3A_643] : memref<10240x8xf32, #tpu.memory_space<vmem_shared>> -> memref<10240x8xf32, #tpu.memory_space<vmem_shared>>
      tpu.enqueue_indirect_dma source(%dma_start3A_638 : memref<128x8xf32, #tpu.memory_space<vmem>>) target(%dma_start3A_644 : memref<10240x8xf32, #tpu.memory_space<vmem_shared>>) offsets(%dma_start3A_641 : memref<128xi32, #tpu.memory_space<vmem>>) semaphore(%arg14 : memref<!tpu.dma_semaphore, #tpu.memory_space<semaphore_mem>>) {add = true}
      %add3A_645 = arith.constant 1 : i32
      %add3A_646 = arith.addi %mul3A_23, %add3A_645 : i32
      %dma_start3A_647 = arith.constant 1 : i32
      %dma_start3A_648 = arith.constant 0 : i32
      %dma_start3A_649 = arith.constant 0 : i32
      %dma_start3A_650 = tpu.memref_slice %arg10[%dma_start3A_647, %dma_start3A_648, %dma_start3A_649] : memref<10x128x8xf32, #tpu.memory_space<vmem>> -> memref<1x128x8xf32, #tpu.memory_space<vmem>>
      %dma_start3A_651 = tpu.memref_squeeze %dma_start3A_650 : memref<1x128x8xf32, #tpu.memory_space<vmem>> -> memref<128x8xf32, #tpu.memory_space<vmem>>
      %dma_start3A_652 = arith.constant 0 : i32
      %dma_start3A_653 = tpu.memref_slice %arg8[%add3A_646, %dma_start3A_652] : memref<80x128xi32, #tpu.memory_space<vmem>> -> memref<1x128xi32, #tpu.memory_space<vmem>>
      %dma_start3A_654 = tpu.memref_squeeze %dma_start3A_653 : memref<1x128xi32, #tpu.memory_space<vmem>> -> memref<128xi32, #tpu.memory_space<vmem>>
      %dma_start3A_655 = arith.constant 0 : i32
      %dma_start3A_656 = arith.constant 0 : i32
      %dma_start3A_657 = tpu.memref_slice %arg11[%dma_start3A_655, %dma_start3A_656] : memref<10240x8xf32, #tpu.memory_space<vmem_shared>> -> memref<10240x8xf32, #tpu.memory_space<vmem_shared>>
      tpu.enqueue_indirect_dma source(%dma_start3A_651 : memref<128x8xf32, #tpu.memory_space<vmem>>) target(%dma_start3A_657 : memref<10240x8xf32, #tpu.memory_space<vmem_shared>>) offsets(%dma_start3A_654 : memref<128xi32, #tpu.memory_space<vmem>>) semaphore(%arg14 : memref<!tpu.dma_semaphore, #tpu.memory_space<semaphore_mem>>) {add = true}
      %add3A_658 = arith.constant 2 : i32
      %add3A_659 = arith.addi %mul3A_23, %add3A_658 : i32
      %dma_start3A_660 = arith.constant 2 : i32
      %dma_start3A_661 = arith.constant 0 : i32
      %dma_start3A_662 = arith.constant 0 : i32
      %dma_start3A_663 = tpu.memref_slice %arg10[%dma_start3A_660, %dma_start3A_661, %dma_start3A_662] : memref<10x128x8xf32, #tpu.memory_space<vmem>> -> memref<1x128x8xf32, #tpu.memory_space<vmem>>
      %dma_start3A_664 = tpu.memref_squeeze %dma_start3A_663 : memref<1x128x8xf32, #tpu.memory_space<vmem>> -> memref<128x8xf32, #tpu.memory_space<vmem>>
      %dma_start3A_665 = arith.constant 0 : i32
      %dma_start3A_666 = tpu.memref_slice %arg8[%add3A_659, %dma_start3A_665] : memref<80x128xi32, #tpu.memory_space<vmem>> -> memref<1x128xi32, #tpu.memory_space<vmem>>
      %dma_start3A_667 = tpu.memref_squeeze %dma_start3A_666 : memref<1x128xi32, #tpu.memory_space<vmem>> -> memref<128xi32, #tpu.memory_space<vmem>>
      %dma_start3A_668 = arith.constant 0 : i32
      %dma_start3A_669 = arith.constant 0 : i32
      %dma_start3A_670 = tpu.memref_slice %arg11[%dma_start3A_668, %dma_start3A_669] : memref<10240x8xf32, #tpu.memory_space<vmem_shared>> -> memref<10240x8xf32, #tpu.memory_space<vmem_shared>>
      tpu.enqueue_indirect_dma source(%dma_start3A_664 : memref<128x8xf32, #tpu.memory_space<vmem>>) target(%dma_start3A_670 : memref<10240x8xf32, #tpu.memory_space<vmem_shared>>) offsets(%dma_start3A_667 : memref<128xi32, #tpu.memory_space<vmem>>) semaphore(%arg14 : memref<!tpu.dma_semaphore, #tpu.memory_space<semaphore_mem>>) {add = true}
      %add3A_671 = arith.constant 3 : i32
      %add3A_672 = arith.addi %mul3A_23, %add3A_671 : i32
      %dma_start3A_673 = arith.constant 3 : i32
      %dma_start3A_674 = arith.constant 0 : i32
      %dma_start3A_675 = arith.constant 0 : i32
      %dma_start3A_676 = tpu.memref_slice %arg10[%dma_start3A_673, %dma_start3A_674, %dma_start3A_675] : memref<10x128x8xf32, #tpu.memory_space<vmem>> -> memref<1x128x8xf32, #tpu.memory_space<vmem>>
      %dma_start3A_677 = tpu.memref_squeeze %dma_start3A_676 : memref<1x128x8xf32, #tpu.memory_space<vmem>> -> memref<128x8xf32, #tpu.memory_space<vmem>>
      %dma_start3A_678 = arith.constant 0 : i32
      %dma_start3A_679 = tpu.memref_slice %arg8[%add3A_672, %dma_start3A_678] : memref<80x128xi32, #tpu.memory_space<vmem>> -> memref<1x128xi32, #tpu.memory_space<vmem>>
      %dma_start3A_680 = tpu.memref_squeeze %dma_start3A_679 : memref<1x128xi32, #tpu.memory_space<vmem>> -> memref<128xi32, #tpu.memory_space<vmem>>
      %dma_start3A_681 = arith.constant 0 : i32
      %dma_start3A_682 = arith.constant 0 : i32
      %dma_start3A_683 = tpu.memref_slice %arg11[%dma_start3A_681, %dma_start3A_682] : memref<10240x8xf32, #tpu.memory_space<vmem_shared>> -> memref<10240x8xf32, #tpu.memory_space<vmem_shared>>
      tpu.enqueue_indirect_dma source(%dma_start3A_677 : memref<128x8xf32, #tpu.memory_space<vmem>>) target(%dma_start3A_683 : memref<10240x8xf32, #tpu.memory_space<vmem_shared>>) offsets(%dma_start3A_680 : memref<128xi32, #tpu.memory_space<vmem>>) semaphore(%arg14 : memref<!tpu.dma_semaphore, #tpu.memory_space<semaphore_mem>>) {add = true}
      %add3A_684 = arith.constant 4 : i32
      %add3A_685 = arith.addi %mul3A_23, %add3A_684 : i32
      %dma_start3A_686 = arith.constant 4 : i32
      %dma_start3A_687 = arith.constant 0 : i32
      %dma_start3A_688 = arith.constant 0 : i32
      %dma_start3A_689 = tpu.memref_slice %arg10[%dma_start3A_686, %dma_start3A_687, %dma_start3A_688] : memref<10x128x8xf32, #tpu.memory_space<vmem>> -> memref<1x128x8xf32, #tpu.memory_space<vmem>>
      %dma_start3A_690 = tpu.memref_squeeze %dma_start3A_689 : memref<1x128x8xf32, #tpu.memory_space<vmem>> -> memref<128x8xf32, #tpu.memory_space<vmem>>
      %dma_start3A_691 = arith.constant 0 : i32
      %dma_start3A_692 = tpu.memref_slice %arg8[%add3A_685, %dma_start3A_691] : memref<80x128xi32, #tpu.memory_space<vmem>> -> memref<1x128xi32, #tpu.memory_space<vmem>>
      %dma_start3A_693 = tpu.memref_squeeze %dma_start3A_692 : memref<1x128xi32, #tpu.memory_space<vmem>> -> memref<128xi32, #tpu.memory_space<vmem>>
      %dma_start3A_694 = arith.constant 0 : i32
      %dma_start3A_695 = arith.constant 0 : i32
      %dma_start3A_696 = tpu.memref_slice %arg11[%dma_start3A_694, %dma_start3A_695] : memref<10240x8xf32, #tpu.memory_space<vmem_shared>> -> memref<10240x8xf32, #tpu.memory_space<vmem_shared>>
      tpu.enqueue_indirect_dma source(%dma_start3A_690 : memref<128x8xf32, #tpu.memory_space<vmem>>) target(%dma_start3A_696 : memref<10240x8xf32, #tpu.memory_space<vmem_shared>>) offsets(%dma_start3A_693 : memref<128xi32, #tpu.memory_space<vmem>>) semaphore(%arg14 : memref<!tpu.dma_semaphore, #tpu.memory_space<semaphore_mem>>) {add = true}
      %add3A_697 = arith.constant 5 : i32
      %add3A_698 = arith.addi %mul3A_23, %add3A_697 : i32
      %dma_start3A_699 = arith.constant 5 : i32
      %dma_start3A_700 = arith.constant 0 : i32
      %dma_start3A_701 = arith.constant 0 : i32
      %dma_start3A_702 = tpu.memref_slice %arg10[%dma_start3A_699, %dma_start3A_700, %dma_start3A_701] : memref<10x128x8xf32, #tpu.memory_space<vmem>> -> memref<1x128x8xf32, #tpu.memory_space<vmem>>
      %dma_start3A_703 = tpu.memref_squeeze %dma_start3A_702 : memref<1x128x8xf32, #tpu.memory_space<vmem>> -> memref<128x8xf32, #tpu.memory_space<vmem>>
      %dma_start3A_704 = arith.constant 0 : i32
      %dma_start3A_705 = tpu.memref_slice %arg8[%add3A_698, %dma_start3A_704] : memref<80x128xi32, #tpu.memory_space<vmem>> -> memref<1x128xi32, #tpu.memory_space<vmem>>
      %dma_start3A_706 = tpu.memref_squeeze %dma_start3A_705 : memref<1x128xi32, #tpu.memory_space<vmem>> -> memref<128xi32, #tpu.memory_space<vmem>>
      %dma_start3A_707 = arith.constant 0 : i32
      %dma_start3A_708 = arith.constant 0 : i32
      %dma_start3A_709 = tpu.memref_slice %arg11[%dma_start3A_707, %dma_start3A_708] : memref<10240x8xf32, #tpu.memory_space<vmem_shared>> -> memref<10240x8xf32, #tpu.memory_space<vmem_shared>>
      tpu.enqueue_indirect_dma source(%dma_start3A_703 : memref<128x8xf32, #tpu.memory_space<vmem>>) target(%dma_start3A_709 : memref<10240x8xf32, #tpu.memory_space<vmem_shared>>) offsets(%dma_start3A_706 : memref<128xi32, #tpu.memory_space<vmem>>) semaphore(%arg14 : memref<!tpu.dma_semaphore, #tpu.memory_space<semaphore_mem>>) {add = true}
      %add3A_710 = arith.constant 6 : i32
      %add3A_711 = arith.addi %mul3A_23, %add3A_710 : i32
      %dma_start3A_712 = arith.constant 6 : i32
      %dma_start3A_713 = arith.constant 0 : i32
      %dma_start3A_714 = arith.constant 0 : i32
      %dma_start3A_715 = tpu.memref_slice %arg10[%dma_start3A_712, %dma_start3A_713, %dma_start3A_714] : memref<10x128x8xf32, #tpu.memory_space<vmem>> -> memref<1x128x8xf32, #tpu.memory_space<vmem>>
      %dma_start3A_716 = tpu.memref_squeeze %dma_start3A_715 : memref<1x128x8xf32, #tpu.memory_space<vmem>> -> memref<128x8xf32, #tpu.memory_space<vmem>>
      %dma_start3A_717 = arith.constant 0 : i32
      %dma_start3A_718 = tpu.memref_slice %arg8[%add3A_711, %dma_start3A_717] : memref<80x128xi32, #tpu.memory_space<vmem>> -> memref<1x128xi32, #tpu.memory_space<vmem>>
      %dma_start3A_719 = tpu.memref_squeeze %dma_start3A_718 : memref<1x128xi32, #tpu.memory_space<vmem>> -> memref<128xi32, #tpu.memory_space<vmem>>
      %dma_start3A_720 = arith.constant 0 : i32
      %dma_start3A_721 = arith.constant 0 : i32
      %dma_start3A_722 = tpu.memref_slice %arg11[%dma_start3A_720, %dma_start3A_721] : memref<10240x8xf32, #tpu.memory_space<vmem_shared>> -> memref<10240x8xf32, #tpu.memory_space<vmem_shared>>
      tpu.enqueue_indirect_dma source(%dma_start3A_716 : memref<128x8xf32, #tpu.memory_space<vmem>>) target(%dma_start3A_722 : memref<10240x8xf32, #tpu.memory_space<vmem_shared>>) offsets(%dma_start3A_719 : memref<128xi32, #tpu.memory_space<vmem>>) semaphore(%arg14 : memref<!tpu.dma_semaphore, #tpu.memory_space<semaphore_mem>>) {add = true}
      %add3A_723 = arith.constant 7 : i32
      %add3A_724 = arith.addi %mul3A_23, %add3A_723 : i32
      %dma_start3A_725 = arith.constant 7 : i32
      %dma_start3A_726 = arith.constant 0 : i32
      %dma_start3A_727 = arith.constant 0 : i32
      %dma_start3A_728 = tpu.memref_slice %arg10[%dma_start3A_725, %dma_start3A_726, %dma_start3A_727] : memref<10x128x8xf32, #tpu.memory_space<vmem>> -> memref<1x128x8xf32, #tpu.memory_space<vmem>>
      %dma_start3A_729 = tpu.memref_squeeze %dma_start3A_728 : memref<1x128x8xf32, #tpu.memory_space<vmem>> -> memref<128x8xf32, #tpu.memory_space<vmem>>
      %dma_start3A_730 = arith.constant 0 : i32
      %dma_start3A_731 = tpu.memref_slice %arg8[%add3A_724, %dma_start3A_730] : memref<80x128xi32, #tpu.memory_space<vmem>> -> memref<1x128xi32, #tpu.memory_space<vmem>>
      %dma_start3A_732 = tpu.memref_squeeze %dma_start3A_731 : memref<1x128xi32, #tpu.memory_space<vmem>> -> memref<128xi32, #tpu.memory_space<vmem>>
      %dma_start3A_733 = arith.constant 0 : i32
      %dma_start3A_734 = arith.constant 0 : i32
      %dma_start3A_735 = tpu.memref_slice %arg11[%dma_start3A_733, %dma_start3A_734] : memref<10240x8xf32, #tpu.memory_space<vmem_shared>> -> memref<10240x8xf32, #tpu.memory_space<vmem_shared>>
      tpu.enqueue_indirect_dma source(%dma_start3A_729 : memref<128x8xf32, #tpu.memory_space<vmem>>) target(%dma_start3A_735 : memref<10240x8xf32, #tpu.memory_space<vmem_shared>>) offsets(%dma_start3A_732 : memref<128xi32, #tpu.memory_space<vmem>>) semaphore(%arg14 : memref<!tpu.dma_semaphore, #tpu.memory_space<semaphore_mem>>) {add = true}
      %add3A_736 = arith.constant 8 : i32
      %add3A_737 = arith.addi %mul3A_23, %add3A_736 : i32
      %dma_start3A_738 = arith.constant 8 : i32
      %dma_start3A_739 = arith.constant 0 : i32
      %dma_start3A_740 = arith.constant 0 : i32
      %dma_start3A_741 = tpu.memref_slice %arg10[%dma_start3A_738, %dma_start3A_739, %dma_start3A_740] : memref<10x128x8xf32, #tpu.memory_space<vmem>> -> memref<1x128x8xf32, #tpu.memory_space<vmem>>
      %dma_start3A_742 = tpu.memref_squeeze %dma_start3A_741 : memref<1x128x8xf32, #tpu.memory_space<vmem>> -> memref<128x8xf32, #tpu.memory_space<vmem>>
      %dma_start3A_743 = arith.constant 0 : i32
      %dma_start3A_744 = tpu.memref_slice %arg8[%add3A_737, %dma_start3A_743] : memref<80x128xi32, #tpu.memory_space<vmem>> -> memref<1x128xi32, #tpu.memory_space<vmem>>
      %dma_start3A_745 = tpu.memref_squeeze %dma_start3A_744 : memref<1x128xi32, #tpu.memory_space<vmem>> -> memref<128xi32, #tpu.memory_space<vmem>>
      %dma_start3A_746 = arith.constant 0 : i32
      %dma_start3A_747 = arith.constant 0 : i32
      %dma_start3A_748 = tpu.memref_slice %arg11[%dma_start3A_746, %dma_start3A_747] : memref<10240x8xf32, #tpu.memory_space<vmem_shared>> -> memref<10240x8xf32, #tpu.memory_space<vmem_shared>>
      tpu.enqueue_indirect_dma source(%dma_start3A_742 : memref<128x8xf32, #tpu.memory_space<vmem>>) target(%dma_start3A_748 : memref<10240x8xf32, #tpu.memory_space<vmem_shared>>) offsets(%dma_start3A_745 : memref<128xi32, #tpu.memory_space<vmem>>) semaphore(%arg14 : memref<!tpu.dma_semaphore, #tpu.memory_space<semaphore_mem>>) {add = true}
      %add3A_749 = arith.constant 9 : i32
      %add3A_750 = arith.addi %mul3A_23, %add3A_749 : i32
      %dma_start3A_751 = arith.constant 9 : i32
      %dma_start3A_752 = arith.constant 0 : i32
      %dma_start3A_753 = arith.constant 0 : i32
      %dma_start3A_754 = tpu.memref_slice %arg10[%dma_start3A_751, %dma_start3A_752, %dma_start3A_753] : memref<10x128x8xf32, #tpu.memory_space<vmem>> -> memref<1x128x8xf32, #tpu.memory_space<vmem>>
      %dma_start3A_755 = tpu.memref_squeeze %dma_start3A_754 : memref<1x128x8xf32, #tpu.memory_space<vmem>> -> memref<128x8xf32, #tpu.memory_space<vmem>>
      %dma_start3A_756 = arith.constant 0 : i32
      %dma_start3A_757 = tpu.memref_slice %arg8[%add3A_750, %dma_start3A_756] : memref<80x128xi32, #tpu.memory_space<vmem>> -> memref<1x128xi32, #tpu.memory_space<vmem>>
      %dma_start3A_758 = tpu.memref_squeeze %dma_start3A_757 : memref<1x128xi32, #tpu.memory_space<vmem>> -> memref<128xi32, #tpu.memory_space<vmem>>
      %dma_start3A_759 = arith.constant 0 : i32
      %dma_start3A_760 = arith.constant 0 : i32
      %dma_start3A_761 = tpu.memref_slice %arg11[%dma_start3A_759, %dma_start3A_760] : memref<10240x8xf32, #tpu.memory_space<vmem_shared>> -> memref<10240x8xf32, #tpu.memory_space<vmem_shared>>
      tpu.enqueue_indirect_dma source(%dma_start3A_755 : memref<128x8xf32, #tpu.memory_space<vmem>>) target(%dma_start3A_761 : memref<10240x8xf32, #tpu.memory_space<vmem_shared>>) offsets(%dma_start3A_758 : memref<128xi32, #tpu.memory_space<vmem>>) semaphore(%arg14 : memref<!tpu.dma_semaphore, #tpu.memory_space<semaphore_mem>>) {add = true}
      %dma_wait3A_762 = arith.constant 0 : i32
      %dma_wait3A_763 = arith.constant 0 : i32
      %dma_wait3A_764 = arith.constant 0 : i32
      %dma_wait3A_765 = tpu.memref_slice %arg9[%dma_wait3A_762, %dma_wait3A_763, %dma_wait3A_764] : memref<10x128x8xf32, #tpu.memory_space<vmem>> -> memref<1x128x8xf32, #tpu.memory_space<vmem>>
      %dma_wait3A_766 = tpu.memref_squeeze %dma_wait3A_765 : memref<1x128x8xf32, #tpu.memory_space<vmem>> -> memref<128x8xf32, #tpu.memory_space<vmem>>
      %dma_wait3A_767 = arith.constant 0 : i32
      %dma_wait3A_768 = tpu.memref_slice %arg8[%add3A_393, %dma_wait3A_767] : memref<80x128xi32, #tpu.memory_space<vmem>> -> memref<1x128xi32, #tpu.memory_space<vmem>>
      %dma_wait3A_769 = tpu.memref_squeeze %dma_wait3A_768 : memref<1x128xi32, #tpu.memory_space<vmem>> -> memref<128xi32, #tpu.memory_space<vmem>>
      %dma_wait3A_770 = arith.constant 0 : i32
      %dma_wait3A_771 = arith.constant 0 : i32
      %dma_wait3A_772 = tpu.memref_slice %arg11[%dma_wait3A_770, %dma_wait3A_771] : memref<10240x8xf32, #tpu.memory_space<vmem_shared>> -> memref<10240x8xf32, #tpu.memory_space<vmem_shared>>
      tpu.wait_indirect_dma semaphore(%arg14 : memref<!tpu.dma_semaphore, #tpu.memory_space<semaphore_mem>>) src(%dma_wait3A_766 : memref<128x8xf32, #tpu.memory_space<vmem>>) dst(%dma_wait3A_772 : memref<10240x8xf32, #tpu.memory_space<vmem_shared>>)
      %dma_wait3A_773 = arith.constant 1 : i32
      %dma_wait3A_774 = arith.constant 0 : i32
      %dma_wait3A_775 = arith.constant 0 : i32
      %dma_wait3A_776 = tpu.memref_slice %arg9[%dma_wait3A_773, %dma_wait3A_774, %dma_wait3A_775] : memref<10x128x8xf32, #tpu.memory_space<vmem>> -> memref<1x128x8xf32, #tpu.memory_space<vmem>>
      %dma_wait3A_777 = tpu.memref_squeeze %dma_wait3A_776 : memref<1x128x8xf32, #tpu.memory_space<vmem>> -> memref<128x8xf32, #tpu.memory_space<vmem>>
      %dma_wait3A_778 = arith.constant 0 : i32
      %dma_wait3A_779 = tpu.memref_slice %arg8[%add3A_406, %dma_wait3A_778] : memref<80x128xi32, #tpu.memory_space<vmem>> -> memref<1x128xi32, #tpu.memory_space<vmem>>
      %dma_wait3A_780 = tpu.memref_squeeze %dma_wait3A_779 : memref<1x128xi32, #tpu.memory_space<vmem>> -> memref<128xi32, #tpu.memory_space<vmem>>
      %dma_wait3A_781 = arith.constant 0 : i32
      %dma_wait3A_782 = arith.constant 0 : i32
      %dma_wait3A_783 = tpu.memref_slice %arg11[%dma_wait3A_781, %dma_wait3A_782] : memref<10240x8xf32, #tpu.memory_space<vmem_shared>> -> memref<10240x8xf32, #tpu.memory_space<vmem_shared>>
      tpu.wait_indirect_dma semaphore(%arg14 : memref<!tpu.dma_semaphore, #tpu.memory_space<semaphore_mem>>) src(%dma_wait3A_777 : memref<128x8xf32, #tpu.memory_space<vmem>>) dst(%dma_wait3A_783 : memref<10240x8xf32, #tpu.memory_space<vmem_shared>>)
      %dma_wait3A_784 = arith.constant 2 : i32
      %dma_wait3A_785 = arith.constant 0 : i32
      %dma_wait3A_786 = arith.constant 0 : i32
      %dma_wait3A_787 = tpu.memref_slice %arg9[%dma_wait3A_784, %dma_wait3A_785, %dma_wait3A_786] : memref<10x128x8xf32, #tpu.memory_space<vmem>> -> memref<1x128x8xf32, #tpu.memory_space<vmem>>
      %dma_wait3A_788 = tpu.memref_squeeze %dma_wait3A_787 : memref<1x128x8xf32, #tpu.memory_space<vmem>> -> memref<128x8xf32, #tpu.memory_space<vmem>>
      %dma_wait3A_789 = arith.constant 0 : i32
      %dma_wait3A_790 = tpu.memref_slice %arg8[%add3A_419, %dma_wait3A_789] : memref<80x128xi32, #tpu.memory_space<vmem>> -> memref<1x128xi32, #tpu.memory_space<vmem>>
      %dma_wait3A_791 = tpu.memref_squeeze %dma_wait3A_790 : memref<1x128xi32, #tpu.memory_space<vmem>> -> memref<128xi32, #tpu.memory_space<vmem>>
      %dma_wait3A_792 = arith.constant 0 : i32
      %dma_wait3A_793 = arith.constant 0 : i32
      %dma_wait3A_794 = tpu.memref_slice %arg11[%dma_wait3A_792, %dma_wait3A_793] : memref<10240x8xf32, #tpu.memory_space<vmem_shared>> -> memref<10240x8xf32, #tpu.memory_space<vmem_shared>>
      tpu.wait_indirect_dma semaphore(%arg14 : memref<!tpu.dma_semaphore, #tpu.memory_space<semaphore_mem>>) src(%dma_wait3A_788 : memref<128x8xf32, #tpu.memory_space<vmem>>) dst(%dma_wait3A_794 : memref<10240x8xf32, #tpu.memory_space<vmem_shared>>)
      %dma_wait3A_795 = arith.constant 3 : i32
      %dma_wait3A_796 = arith.constant 0 : i32
      %dma_wait3A_797 = arith.constant 0 : i32
      %dma_wait3A_798 = tpu.memref_slice %arg9[%dma_wait3A_795, %dma_wait3A_796, %dma_wait3A_797] : memref<10x128x8xf32, #tpu.memory_space<vmem>> -> memref<1x128x8xf32, #tpu.memory_space<vmem>>
      %dma_wait3A_799 = tpu.memref_squeeze %dma_wait3A_798 : memref<1x128x8xf32, #tpu.memory_space<vmem>> -> memref<128x8xf32, #tpu.memory_space<vmem>>
      %dma_wait3A_800 = arith.constant 0 : i32
      %dma_wait3A_801 = tpu.memref_slice %arg8[%add3A_432, %dma_wait3A_800] : memref<80x128xi32, #tpu.memory_space<vmem>> -> memref<1x128xi32, #tpu.memory_space<vmem>>
      %dma_wait3A_802 = tpu.memref_squeeze %dma_wait3A_801 : memref<1x128xi32, #tpu.memory_space<vmem>> -> memref<128xi32, #tpu.memory_space<vmem>>
      %dma_wait3A_803 = arith.constant 0 : i32
      %dma_wait3A_804 = arith.constant 0 : i32
      %dma_wait3A_805 = tpu.memref_slice %arg11[%dma_wait3A_803, %dma_wait3A_804] : memref<10240x8xf32, #tpu.memory_space<vmem_shared>> -> memref<10240x8xf32, #tpu.memory_space<vmem_shared>>
      tpu.wait_indirect_dma semaphore(%arg14 : memref<!tpu.dma_semaphore, #tpu.memory_space<semaphore_mem>>) src(%dma_wait3A_799 : memref<128x8xf32, #tpu.memory_space<vmem>>) dst(%dma_wait3A_805 : memref<10240x8xf32, #tpu.memory_space<vmem_shared>>)
      %dma_wait3A_806 = arith.constant 4 : i32
      %dma_wait3A_807 = arith.constant 0 : i32
      %dma_wait3A_808 = arith.constant 0 : i32
      %dma_wait3A_809 = tpu.memref_slice %arg9[%dma_wait3A_806, %dma_wait3A_807, %dma_wait3A_808] : memref<10x128x8xf32, #tpu.memory_space<vmem>> -> memref<1x128x8xf32, #tpu.memory_space<vmem>>
      %dma_wait3A_810 = tpu.memref_squeeze %dma_wait3A_809 : memref<1x128x8xf32, #tpu.memory_space<vmem>> -> memref<128x8xf32, #tpu.memory_space<vmem>>
      %dma_wait3A_811 = arith.constant 0 : i32
      %dma_wait3A_812 = tpu.memref_slice %arg8[%add3A_445, %dma_wait3A_811] : memref<80x128xi32, #tpu.memory_space<vmem>> -> memref<1x128xi32, #tpu.memory_space<vmem>>
      %dma_wait3A_813 = tpu.memref_squeeze %dma_wait3A_812 : memref<1x128xi32, #tpu.memory_space<vmem>> -> memref<128xi32, #tpu.memory_space<vmem>>
      %dma_wait3A_814 = arith.constant 0 : i32
      %dma_wait3A_815 = arith.constant 0 : i32
      %dma_wait3A_816 = tpu.memref_slice %arg11[%dma_wait3A_814, %dma_wait3A_815] : memref<10240x8xf32, #tpu.memory_space<vmem_shared>> -> memref<10240x8xf32, #tpu.memory_space<vmem_shared>>
      tpu.wait_indirect_dma semaphore(%arg14 : memref<!tpu.dma_semaphore, #tpu.memory_space<semaphore_mem>>) src(%dma_wait3A_810 : memref<128x8xf32, #tpu.memory_space<vmem>>) dst(%dma_wait3A_816 : memref<10240x8xf32, #tpu.memory_space<vmem_shared>>)
      %dma_wait3A_817 = arith.constant 5 : i32
      %dma_wait3A_818 = arith.constant 0 : i32
      %dma_wait3A_819 = arith.constant 0 : i32
      %dma_wait3A_820 = tpu.memref_slice %arg9[%dma_wait3A_817, %dma_wait3A_818, %dma_wait3A_819] : memref<10x128x8xf32, #tpu.memory_space<vmem>> -> memref<1x128x8xf32, #tpu.memory_space<vmem>>
      %dma_wait3A_821 = tpu.memref_squeeze %dma_wait3A_820 : memref<1x128x8xf32, #tpu.memory_space<vmem>> -> memref<128x8xf32, #tpu.memory_space<vmem>>
      %dma_wait3A_822 = arith.constant 0 : i32
      %dma_wait3A_823 = tpu.memref_slice %arg8[%add3A_458, %dma_wait3A_822] : memref<80x128xi32, #tpu.memory_space<vmem>> -> memref<1x128xi32, #tpu.memory_space<vmem>>
      %dma_wait3A_824 = tpu.memref_squeeze %dma_wait3A_823 : memref<1x128xi32, #tpu.memory_space<vmem>> -> memref<128xi32, #tpu.memory_space<vmem>>
      %dma_wait3A_825 = arith.constant 0 : i32
      %dma_wait3A_826 = arith.constant 0 : i32
      %dma_wait3A_827 = tpu.memref_slice %arg11[%dma_wait3A_825, %dma_wait3A_826] : memref<10240x8xf32, #tpu.memory_space<vmem_shared>> -> memref<10240x8xf32, #tpu.memory_space<vmem_shared>>
      tpu.wait_indirect_dma semaphore(%arg14 : memref<!tpu.dma_semaphore, #tpu.memory_space<semaphore_mem>>) src(%dma_wait3A_821 : memref<128x8xf32, #tpu.memory_space<vmem>>) dst(%dma_wait3A_827 : memref<10240x8xf32, #tpu.memory_space<vmem_shared>>)
      %dma_wait3A_828 = arith.constant 6 : i32
      %dma_wait3A_829 = arith.constant 0 : i32
      %dma_wait3A_830 = arith.constant 0 : i32
      %dma_wait3A_831 = tpu.memref_slice %arg9[%dma_wait3A_828, %dma_wait3A_829, %dma_wait3A_830] : memref<10x128x8xf32, #tpu.memory_space<vmem>> -> memref<1x128x8xf32, #tpu.memory_space<vmem>>
      %dma_wait3A_832 = tpu.memref_squeeze %dma_wait3A_831 : memref<1x128x8xf32, #tpu.memory_space<vmem>> -> memref<128x8xf32, #tpu.memory_space<vmem>>
      %dma_wait3A_833 = arith.constant 0 : i32
      %dma_wait3A_834 = tpu.memref_slice %arg8[%add3A_471, %dma_wait3A_833] : memref<80x128xi32, #tpu.memory_space<vmem>> -> memref<1x128xi32, #tpu.memory_space<vmem>>
      %dma_wait3A_835 = tpu.memref_squeeze %dma_wait3A_834 : memref<1x128xi32, #tpu.memory_space<vmem>> -> memref<128xi32, #tpu.memory_space<vmem>>
      %dma_wait3A_836 = arith.constant 0 : i32
      %dma_wait3A_837 = arith.constant 0 : i32
      %dma_wait3A_838 = tpu.memref_slice %arg11[%dma_wait3A_836, %dma_wait3A_837] : memref<10240x8xf32, #tpu.memory_space<vmem_shared>> -> memref<10240x8xf32, #tpu.memory_space<vmem_shared>>
      tpu.wait_indirect_dma semaphore(%arg14 : memref<!tpu.dma_semaphore, #tpu.memory_space<semaphore_mem>>) src(%dma_wait3A_832 : memref<128x8xf32, #tpu.memory_space<vmem>>) dst(%dma_wait3A_838 : memref<10240x8xf32, #tpu.memory_space<vmem_shared>>)
      %dma_wait3A_839 = arith.constant 7 : i32
      %dma_wait3A_840 = arith.constant 0 : i32
      %dma_wait3A_841 = arith.constant 0 : i32
      %dma_wait3A_842 = tpu.memref_slice %arg9[%dma_wait3A_839, %dma_wait3A_840, %dma_wait3A_841] : memref<10x128x8xf32, #tpu.memory_space<vmem>> -> memref<1x128x8xf32, #tpu.memory_space<vmem>>
      %dma_wait3A_843 = tpu.memref_squeeze %dma_wait3A_842 : memref<1x128x8xf32, #tpu.memory_space<vmem>> -> memref<128x8xf32, #tpu.memory_space<vmem>>
      %dma_wait3A_844 = arith.constant 0 : i32
      %dma_wait3A_845 = tpu.memref_slice %arg8[%add3A_484, %dma_wait3A_844] : memref<80x128xi32, #tpu.memory_space<vmem>> -> memref<1x128xi32, #tpu.memory_space<vmem>>
      %dma_wait3A_846 = tpu.memref_squeeze %dma_wait3A_845 : memref<1x128xi32, #tpu.memory_space<vmem>> -> memref<128xi32, #tpu.memory_space<vmem>>
      %dma_wait3A_847 = arith.constant 0 : i32
      %dma_wait3A_848 = arith.constant 0 : i32
      %dma_wait3A_849 = tpu.memref_slice %arg11[%dma_wait3A_847, %dma_wait3A_848] : memref<10240x8xf32, #tpu.memory_space<vmem_shared>> -> memref<10240x8xf32, #tpu.memory_space<vmem_shared>>
      tpu.wait_indirect_dma semaphore(%arg14 : memref<!tpu.dma_semaphore, #tpu.memory_space<semaphore_mem>>) src(%dma_wait3A_843 : memref<128x8xf32, #tpu.memory_space<vmem>>) dst(%dma_wait3A_849 : memref<10240x8xf32, #tpu.memory_space<vmem_shared>>)
      %dma_wait3A_850 = arith.constant 8 : i32
      %dma_wait3A_851 = arith.constant 0 : i32
      %dma_wait3A_852 = arith.constant 0 : i32
      %dma_wait3A_853 = tpu.memref_slice %arg9[%dma_wait3A_850, %dma_wait3A_851, %dma_wait3A_852] : memref<10x128x8xf32, #tpu.memory_space<vmem>> -> memref<1x128x8xf32, #tpu.memory_space<vmem>>
      %dma_wait3A_854 = tpu.memref_squeeze %dma_wait3A_853 : memref<1x128x8xf32, #tpu.memory_space<vmem>> -> memref<128x8xf32, #tpu.memory_space<vmem>>
      %dma_wait3A_855 = arith.constant 0 : i32
      %dma_wait3A_856 = tpu.memref_slice %arg8[%add3A_497, %dma_wait3A_855] : memref<80x128xi32, #tpu.memory_space<vmem>> -> memref<1x128xi32, #tpu.memory_space<vmem>>
      %dma_wait3A_857 = tpu.memref_squeeze %dma_wait3A_856 : memref<1x128xi32, #tpu.memory_space<vmem>> -> memref<128xi32, #tpu.memory_space<vmem>>
      %dma_wait3A_858 = arith.constant 0 : i32
      %dma_wait3A_859 = arith.constant 0 : i32
      %dma_wait3A_860 = tpu.memref_slice %arg11[%dma_wait3A_858, %dma_wait3A_859] : memref<10240x8xf32, #tpu.memory_space<vmem_shared>> -> memref<10240x8xf32, #tpu.memory_space<vmem_shared>>
      tpu.wait_indirect_dma semaphore(%arg14 : memref<!tpu.dma_semaphore, #tpu.memory_space<semaphore_mem>>) src(%dma_wait3A_854 : memref<128x8xf32, #tpu.memory_space<vmem>>) dst(%dma_wait3A_860 : memref<10240x8xf32, #tpu.memory_space<vmem_shared>>)
      %dma_wait3A_861 = arith.constant 9 : i32
      %dma_wait3A_862 = arith.constant 0 : i32
      %dma_wait3A_863 = arith.constant 0 : i32
      %dma_wait3A_864 = tpu.memref_slice %arg9[%dma_wait3A_861, %dma_wait3A_862, %dma_wait3A_863] : memref<10x128x8xf32, #tpu.memory_space<vmem>> -> memref<1x128x8xf32, #tpu.memory_space<vmem>>
      %dma_wait3A_865 = tpu.memref_squeeze %dma_wait3A_864 : memref<1x128x8xf32, #tpu.memory_space<vmem>> -> memref<128x8xf32, #tpu.memory_space<vmem>>
      %dma_wait3A_866 = arith.constant 0 : i32
      %dma_wait3A_867 = tpu.memref_slice %arg8[%add3A_510, %dma_wait3A_866] : memref<80x128xi32, #tpu.memory_space<vmem>> -> memref<1x128xi32, #tpu.memory_space<vmem>>
      %dma_wait3A_868 = tpu.memref_squeeze %dma_wait3A_867 : memref<1x128xi32, #tpu.memory_space<vmem>> -> memref<128xi32, #tpu.memory_space<vmem>>
      %dma_wait3A_869 = arith.constant 0 : i32
      %dma_wait3A_870 = arith.constant 0 : i32
      %dma_wait3A_871 = tpu.memref_slice %arg11[%dma_wait3A_869, %dma_wait3A_870] : memref<10240x8xf32, #tpu.memory_space<vmem_shared>> -> memref<10240x8xf32, #tpu.memory_space<vmem_shared>>
      tpu.wait_indirect_dma semaphore(%arg14 : memref<!tpu.dma_semaphore, #tpu.memory_space<semaphore_mem>>) src(%dma_wait3A_865 : memref<128x8xf32, #tpu.memory_space<vmem>>) dst(%dma_wait3A_871 : memref<10240x8xf32, #tpu.memory_space<vmem_shared>>)
      %dma_wait3A_872 = arith.constant 0 : i32
      %dma_wait3A_873 = arith.constant 0 : i32
      %dma_wait3A_874 = arith.constant 0 : i32
      %dma_wait3A_875 = tpu.memref_slice %arg10[%dma_wait3A_872, %dma_wait3A_873, %dma_wait3A_874] : memref<10x128x8xf32, #tpu.memory_space<vmem>> -> memref<1x128x8xf32, #tpu.memory_space<vmem>>
      %dma_wait3A_876 = tpu.memref_squeeze %dma_wait3A_875 : memref<1x128x8xf32, #tpu.memory_space<vmem>> -> memref<128x8xf32, #tpu.memory_space<vmem>>
      %dma_wait3A_877 = arith.constant 0 : i32
      %dma_wait3A_878 = tpu.memref_slice %arg8[%add3A_633, %dma_wait3A_877] : memref<80x128xi32, #tpu.memory_space<vmem>> -> memref<1x128xi32, #tpu.memory_space<vmem>>
      %dma_wait3A_879 = tpu.memref_squeeze %dma_wait3A_878 : memref<1x128xi32, #tpu.memory_space<vmem>> -> memref<128xi32, #tpu.memory_space<vmem>>
      %dma_wait3A_880 = arith.constant 0 : i32
      %dma_wait3A_881 = arith.constant 0 : i32
      %dma_wait3A_882 = tpu.memref_slice %arg11[%dma_wait3A_880, %dma_wait3A_881] : memref<10240x8xf32, #tpu.memory_space<vmem_shared>> -> memref<10240x8xf32, #tpu.memory_space<vmem_shared>>
      tpu.wait_indirect_dma semaphore(%arg14 : memref<!tpu.dma_semaphore, #tpu.memory_space<semaphore_mem>>) src(%dma_wait3A_876 : memref<128x8xf32, #tpu.memory_space<vmem>>) dst(%dma_wait3A_882 : memref<10240x8xf32, #tpu.memory_space<vmem_shared>>)
      %dma_wait3A_883 = arith.constant 1 : i32
      %dma_wait3A_884 = arith.constant 0 : i32
      %dma_wait3A_885 = arith.constant 0 : i32
      %dma_wait3A_886 = tpu.memref_slice %arg10[%dma_wait3A_883, %dma_wait3A_884, %dma_wait3A_885] : memref<10x128x8xf32, #tpu.memory_space<vmem>> -> memref<1x128x8xf32, #tpu.memory_space<vmem>>
      %dma_wait3A_887 = tpu.memref_squeeze %dma_wait3A_886 : memref<1x128x8xf32, #tpu.memory_space<vmem>> -> memref<128x8xf32, #tpu.memory_space<vmem>>
      %dma_wait3A_888 = arith.constant 0 : i32
      %dma_wait3A_889 = tpu.memref_slice %arg8[%add3A_646, %dma_wait3A_888] : memref<80x128xi32, #tpu.memory_space<vmem>> -> memref<1x128xi32, #tpu.memory_space<vmem>>
      %dma_wait3A_890 = tpu.memref_squeeze %dma_wait3A_889 : memref<1x128xi32, #tpu.memory_space<vmem>> -> memref<128xi32, #tpu.memory_space<vmem>>
      %dma_wait3A_891 = arith.constant 0 : i32
      %dma_wait3A_892 = arith.constant 0 : i32
      %dma_wait3A_893 = tpu.memref_slice %arg11[%dma_wait3A_891, %dma_wait3A_892] : memref<10240x8xf32, #tpu.memory_space<vmem_shared>> -> memref<10240x8xf32, #tpu.memory_space<vmem_shared>>
      tpu.wait_indirect_dma semaphore(%arg14 : memref<!tpu.dma_semaphore, #tpu.memory_space<semaphore_mem>>) src(%dma_wait3A_887 : memref<128x8xf32, #tpu.memory_space<vmem>>) dst(%dma_wait3A_893 : memref<10240x8xf32, #tpu.memory_space<vmem_shared>>)
      %dma_wait3A_894 = arith.constant 2 : i32
      %dma_wait3A_895 = arith.constant 0 : i32
      %dma_wait3A_896 = arith.constant 0 : i32
      %dma_wait3A_897 = tpu.memref_slice %arg10[%dma_wait3A_894, %dma_wait3A_895, %dma_wait3A_896] : memref<10x128x8xf32, #tpu.memory_space<vmem>> -> memref<1x128x8xf32, #tpu.memory_space<vmem>>
      %dma_wait3A_898 = tpu.memref_squeeze %dma_wait3A_897 : memref<1x128x8xf32, #tpu.memory_space<vmem>> -> memref<128x8xf32, #tpu.memory_space<vmem>>
      %dma_wait3A_899 = arith.constant 0 : i32
      %dma_wait3A_900 = tpu.memref_slice %arg8[%add3A_659, %dma_wait3A_899] : memref<80x128xi32, #tpu.memory_space<vmem>> -> memref<1x128xi32, #tpu.memory_space<vmem>>
      %dma_wait3A_901 = tpu.memref_squeeze %dma_wait3A_900 : memref<1x128xi32, #tpu.memory_space<vmem>> -> memref<128xi32, #tpu.memory_space<vmem>>
      %dma_wait3A_902 = arith.constant 0 : i32
      %dma_wait3A_903 = arith.constant 0 : i32
      %dma_wait3A_904 = tpu.memref_slice %arg11[%dma_wait3A_902, %dma_wait3A_903] : memref<10240x8xf32, #tpu.memory_space<vmem_shared>> -> memref<10240x8xf32, #tpu.memory_space<vmem_shared>>
      tpu.wait_indirect_dma semaphore(%arg14 : memref<!tpu.dma_semaphore, #tpu.memory_space<semaphore_mem>>) src(%dma_wait3A_898 : memref<128x8xf32, #tpu.memory_space<vmem>>) dst(%dma_wait3A_904 : memref<10240x8xf32, #tpu.memory_space<vmem_shared>>)
      %dma_wait3A_905 = arith.constant 3 : i32
      %dma_wait3A_906 = arith.constant 0 : i32
      %dma_wait3A_907 = arith.constant 0 : i32
      %dma_wait3A_908 = tpu.memref_slice %arg10[%dma_wait3A_905, %dma_wait3A_906, %dma_wait3A_907] : memref<10x128x8xf32, #tpu.memory_space<vmem>> -> memref<1x128x8xf32, #tpu.memory_space<vmem>>
      %dma_wait3A_909 = tpu.memref_squeeze %dma_wait3A_908 : memref<1x128x8xf32, #tpu.memory_space<vmem>> -> memref<128x8xf32, #tpu.memory_space<vmem>>
      %dma_wait3A_910 = arith.constant 0 : i32
      %dma_wait3A_911 = tpu.memref_slice %arg8[%add3A_672, %dma_wait3A_910] : memref<80x128xi32, #tpu.memory_space<vmem>> -> memref<1x128xi32, #tpu.memory_space<vmem>>
      %dma_wait3A_912 = tpu.memref_squeeze %dma_wait3A_911 : memref<1x128xi32, #tpu.memory_space<vmem>> -> memref<128xi32, #tpu.memory_space<vmem>>
      %dma_wait3A_913 = arith.constant 0 : i32
      %dma_wait3A_914 = arith.constant 0 : i32
      %dma_wait3A_915 = tpu.memref_slice %arg11[%dma_wait3A_913, %dma_wait3A_914] : memref<10240x8xf32, #tpu.memory_space<vmem_shared>> -> memref<10240x8xf32, #tpu.memory_space<vmem_shared>>
      tpu.wait_indirect_dma semaphore(%arg14 : memref<!tpu.dma_semaphore, #tpu.memory_space<semaphore_mem>>) src(%dma_wait3A_909 : memref<128x8xf32, #tpu.memory_space<vmem>>) dst(%dma_wait3A_915 : memref<10240x8xf32, #tpu.memory_space<vmem_shared>>)
      %dma_wait3A_916 = arith.constant 4 : i32
      %dma_wait3A_917 = arith.constant 0 : i32
      %dma_wait3A_918 = arith.constant 0 : i32
      %dma_wait3A_919 = tpu.memref_slice %arg10[%dma_wait3A_916, %dma_wait3A_917, %dma_wait3A_918] : memref<10x128x8xf32, #tpu.memory_space<vmem>> -> memref<1x128x8xf32, #tpu.memory_space<vmem>>
      %dma_wait3A_920 = tpu.memref_squeeze %dma_wait3A_919 : memref<1x128x8xf32, #tpu.memory_space<vmem>> -> memref<128x8xf32, #tpu.memory_space<vmem>>
      %dma_wait3A_921 = arith.constant 0 : i32
      %dma_wait3A_922 = tpu.memref_slice %arg8[%add3A_685, %dma_wait3A_921] : memref<80x128xi32, #tpu.memory_space<vmem>> -> memref<1x128xi32, #tpu.memory_space<vmem>>
      %dma_wait3A_923 = tpu.memref_squeeze %dma_wait3A_922 : memref<1x128xi32, #tpu.memory_space<vmem>> -> memref<128xi32, #tpu.memory_space<vmem>>
      %dma_wait3A_924 = arith.constant 0 : i32
      %dma_wait3A_925 = arith.constant 0 : i32
      %dma_wait3A_926 = tpu.memref_slice %arg11[%dma_wait3A_924, %dma_wait3A_925] : memref<10240x8xf32, #tpu.memory_space<vmem_shared>> -> memref<10240x8xf32, #tpu.memory_space<vmem_shared>>
      tpu.wait_indirect_dma semaphore(%arg14 : memref<!tpu.dma_semaphore, #tpu.memory_space<semaphore_mem>>) src(%dma_wait3A_920 : memref<128x8xf32, #tpu.memory_space<vmem>>) dst(%dma_wait3A_926 : memref<10240x8xf32, #tpu.memory_space<vmem_shared>>)
      %dma_wait3A_927 = arith.constant 5 : i32
      %dma_wait3A_928 = arith.constant 0 : i32
      %dma_wait3A_929 = arith.constant 0 : i32
      %dma_wait3A_930 = tpu.memref_slice %arg10[%dma_wait3A_927, %dma_wait3A_928, %dma_wait3A_929] : memref<10x128x8xf32, #tpu.memory_space<vmem>> -> memref<1x128x8xf32, #tpu.memory_space<vmem>>
      %dma_wait3A_931 = tpu.memref_squeeze %dma_wait3A_930 : memref<1x128x8xf32, #tpu.memory_space<vmem>> -> memref<128x8xf32, #tpu.memory_space<vmem>>
      %dma_wait3A_932 = arith.constant 0 : i32
      %dma_wait3A_933 = tpu.memref_slice %arg8[%add3A_698, %dma_wait3A_932] : memref<80x128xi32, #tpu.memory_space<vmem>> -> memref<1x128xi32, #tpu.memory_space<vmem>>
      %dma_wait3A_934 = tpu.memref_squeeze %dma_wait3A_933 : memref<1x128xi32, #tpu.memory_space<vmem>> -> memref<128xi32, #tpu.memory_space<vmem>>
      %dma_wait3A_935 = arith.constant 0 : i32
      %dma_wait3A_936 = arith.constant 0 : i32
      %dma_wait3A_937 = tpu.memref_slice %arg11[%dma_wait3A_935, %dma_wait3A_936] : memref<10240x8xf32, #tpu.memory_space<vmem_shared>> -> memref<10240x8xf32, #tpu.memory_space<vmem_shared>>
      tpu.wait_indirect_dma semaphore(%arg14 : memref<!tpu.dma_semaphore, #tpu.memory_space<semaphore_mem>>) src(%dma_wait3A_931 : memref<128x8xf32, #tpu.memory_space<vmem>>) dst(%dma_wait3A_937 : memref<10240x8xf32, #tpu.memory_space<vmem_shared>>)
      %dma_wait3A_938 = arith.constant 6 : i32
      %dma_wait3A_939 = arith.constant 0 : i32
      %dma_wait3A_940 = arith.constant 0 : i32
      %dma_wait3A_941 = tpu.memref_slice %arg10[%dma_wait3A_938, %dma_wait3A_939, %dma_wait3A_940] : memref<10x128x8xf32, #tpu.memory_space<vmem>> -> memref<1x128x8xf32, #tpu.memory_space<vmem>>
      %dma_wait3A_942 = tpu.memref_squeeze %dma_wait3A_941 : memref<1x128x8xf32, #tpu.memory_space<vmem>> -> memref<128x8xf32, #tpu.memory_space<vmem>>
      %dma_wait3A_943 = arith.constant 0 : i32
      %dma_wait3A_944 = tpu.memref_slice %arg8[%add3A_711, %dma_wait3A_943] : memref<80x128xi32, #tpu.memory_space<vmem>> -> memref<1x128xi32, #tpu.memory_space<vmem>>
      %dma_wait3A_945 = tpu.memref_squeeze %dma_wait3A_944 : memref<1x128xi32, #tpu.memory_space<vmem>> -> memref<128xi32, #tpu.memory_space<vmem>>
      %dma_wait3A_946 = arith.constant 0 : i32
      %dma_wait3A_947 = arith.constant 0 : i32
      %dma_wait3A_948 = tpu.memref_slice %arg11[%dma_wait3A_946, %dma_wait3A_947] : memref<10240x8xf32, #tpu.memory_space<vmem_shared>> -> memref<10240x8xf32, #tpu.memory_space<vmem_shared>>
      tpu.wait_indirect_dma semaphore(%arg14 : memref<!tpu.dma_semaphore, #tpu.memory_space<semaphore_mem>>) src(%dma_wait3A_942 : memref<128x8xf32, #tpu.memory_space<vmem>>) dst(%dma_wait3A_948 : memref<10240x8xf32, #tpu.memory_space<vmem_shared>>)
      %dma_wait3A_949 = arith.constant 7 : i32
      %dma_wait3A_950 = arith.constant 0 : i32
      %dma_wait3A_951 = arith.constant 0 : i32
      %dma_wait3A_952 = tpu.memref_slice %arg10[%dma_wait3A_949, %dma_wait3A_950, %dma_wait3A_951] : memref<10x128x8xf32, #tpu.memory_space<vmem>> -> memref<1x128x8xf32, #tpu.memory_space<vmem>>
      %dma_wait3A_953 = tpu.memref_squeeze %dma_wait3A_952 : memref<1x128x8xf32, #tpu.memory_space<vmem>> -> memref<128x8xf32, #tpu.memory_space<vmem>>
      %dma_wait3A_954 = arith.constant 0 : i32
      %dma_wait3A_955 = tpu.memref_slice %arg8[%add3A_724, %dma_wait3A_954] : memref<80x128xi32, #tpu.memory_space<vmem>> -> memref<1x128xi32, #tpu.memory_space<vmem>>
      %dma_wait3A_956 = tpu.memref_squeeze %dma_wait3A_955 : memref<1x128xi32, #tpu.memory_space<vmem>> -> memref<128xi32, #tpu.memory_space<vmem>>
      %dma_wait3A_957 = arith.constant 0 : i32
      %dma_wait3A_958 = arith.constant 0 : i32
      %dma_wait3A_959 = tpu.memref_slice %arg11[%dma_wait3A_957, %dma_wait3A_958] : memref<10240x8xf32, #tpu.memory_space<vmem_shared>> -> memref<10240x8xf32, #tpu.memory_space<vmem_shared>>
      tpu.wait_indirect_dma semaphore(%arg14 : memref<!tpu.dma_semaphore, #tpu.memory_space<semaphore_mem>>) src(%dma_wait3A_953 : memref<128x8xf32, #tpu.memory_space<vmem>>) dst(%dma_wait3A_959 : memref<10240x8xf32, #tpu.memory_space<vmem_shared>>)
      %dma_wait3A_960 = arith.constant 8 : i32
      %dma_wait3A_961 = arith.constant 0 : i32
      %dma_wait3A_962 = arith.constant 0 : i32
      %dma_wait3A_963 = tpu.memref_slice %arg10[%dma_wait3A_960, %dma_wait3A_961, %dma_wait3A_962] : memref<10x128x8xf32, #tpu.memory_space<vmem>> -> memref<1x128x8xf32, #tpu.memory_space<vmem>>
      %dma_wait3A_964 = tpu.memref_squeeze %dma_wait3A_963 : memref<1x128x8xf32, #tpu.memory_space<vmem>> -> memref<128x8xf32, #tpu.memory_space<vmem>>
      %dma_wait3A_965 = arith.constant 0 : i32
      %dma_wait3A_966 = tpu.memref_slice %arg8[%add3A_737, %dma_wait3A_965] : memref<80x128xi32, #tpu.memory_space<vmem>> -> memref<1x128xi32, #tpu.memory_space<vmem>>
      %dma_wait3A_967 = tpu.memref_squeeze %dma_wait3A_966 : memref<1x128xi32, #tpu.memory_space<vmem>> -> memref<128xi32, #tpu.memory_space<vmem>>
      %dma_wait3A_968 = arith.constant 0 : i32
      %dma_wait3A_969 = arith.constant 0 : i32
      %dma_wait3A_970 = tpu.memref_slice %arg11[%dma_wait3A_968, %dma_wait3A_969] : memref<10240x8xf32, #tpu.memory_space<vmem_shared>> -> memref<10240x8xf32, #tpu.memory_space<vmem_shared>>
      tpu.wait_indirect_dma semaphore(%arg14 : memref<!tpu.dma_semaphore, #tpu.memory_space<semaphore_mem>>) src(%dma_wait3A_964 : memref<128x8xf32, #tpu.memory_space<vmem>>) dst(%dma_wait3A_970 : memref<10240x8xf32, #tpu.memory_space<vmem_shared>>)
      %dma_wait3A_971 = arith.constant 9 : i32
      %dma_wait3A_972 = arith.constant 0 : i32
      %dma_wait3A_973 = arith.constant 0 : i32
      %dma_wait3A_974 = tpu.memref_slice %arg10[%dma_wait3A_971, %dma_wait3A_972, %dma_wait3A_973] : memref<10x128x8xf32, #tpu.memory_space<vmem>> -> memref<1x128x8xf32, #tpu.memory_space<vmem>>
      %dma_wait3A_975 = tpu.memref_squeeze %dma_wait3A_974 : memref<1x128x8xf32, #tpu.memory_space<vmem>> -> memref<128x8xf32, #tpu.memory_space<vmem>>
      %dma_wait3A_976 = arith.constant 0 : i32
      %dma_wait3A_977 = tpu.memref_slice %arg8[%add3A_750, %dma_wait3A_976] : memref<80x128xi32, #tpu.memory_space<vmem>> -> memref<1x128xi32, #tpu.memory_space<vmem>>
      %dma_wait3A_978 = tpu.memref_squeeze %dma_wait3A_977 : memref<1x128xi32, #tpu.memory_space<vmem>> -> memref<128xi32, #tpu.memory_space<vmem>>
      %dma_wait3A_979 = arith.constant 0 : i32
      %dma_wait3A_980 = arith.constant 0 : i32
      %dma_wait3A_981 = tpu.memref_slice %arg11[%dma_wait3A_979, %dma_wait3A_980] : memref<10240x8xf32, #tpu.memory_space<vmem_shared>> -> memref<10240x8xf32, #tpu.memory_space<vmem_shared>>
      tpu.wait_indirect_dma semaphore(%arg14 : memref<!tpu.dma_semaphore, #tpu.memory_space<semaphore_mem>>) src(%dma_wait3A_975 : memref<128x8xf32, #tpu.memory_space<vmem>>) dst(%dma_wait3A_981 : memref<10240x8xf32, #tpu.memory_space<vmem_shared>>)
    }
    %scan3A_7 = arith.constant 4 : i32
    %barrier3A_8 = arith.constant 0 : index
    tpu.barrier barrier_id(%barrier3A_8)
    %mul3A_9 = arith.constant 640 : i32
    %mul3A_10 = arith.muli %arg1, %mul3A_9 : i32
    %mul3A_11 = arith.constant 640 : i32
    %mul3A_12 = arith.muli %arg1, %mul3A_11 : i32
    "tpu.region"() ({
      %run_scoped3A = tpu.sem_alloc : memref<!tpu.dma_semaphore, #tpu.memory_space<semaphore_mem>>
      %dma_start3A = arith.constant 0 : i32
      %dma_start3A_13 = arith.constant 0 : i32
      %dma_start3A_14 = tpu.memref_slice %arg6[%arg0, %dma_start3A, %dma_start3A_13] : memref<2x10240x8xf32, #tpu.memory_space<hbm>> -> memref<1x10240x8xf32, #tpu.memory_space<hbm>>
      %dma_start3A_15 = tpu.memref_squeeze %dma_start3A_14 : memref<1x10240x8xf32, #tpu.memory_space<hbm>> -> memref<10240x8xf32, #tpu.memory_space<hbm>>
      %dma_start3A_16 = arith.constant 0 : i32
      %dma_start3A_17 = tpu.memref_slice %dma_start3A_15[%mul3A_12, %dma_start3A_16] : memref<10240x8xf32, #tpu.memory_space<hbm>> -> memref<640x8xf32, #tpu.memory_space<hbm>>
      %dma_start3A_18 = arith.constant 0 : i32
      %dma_start3A_19 = tpu.memref_slice %arg11[%mul3A_10, %dma_start3A_18] : memref<10240x8xf32, #tpu.memory_space<vmem_shared>> -> memref<640x8xf32, #tpu.memory_space<vmem_shared>>
      tpu.enqueue_dma source(%dma_start3A_19 : memref<640x8xf32, #tpu.memory_space<vmem_shared>>) target(%dma_start3A_17 : memref<640x8xf32, #tpu.memory_space<hbm>>) target_semaphore(%run_scoped3A : memref<!tpu.dma_semaphore, #tpu.memory_space<semaphore_mem>>)
      %dma_wait3A = arith.constant 0 : i32
      %dma_wait3A_20 = arith.constant 0 : i32
      %dma_wait3A_21 = tpu.memref_slice %arg6[%arg0, %dma_wait3A, %dma_wait3A_20] : memref<2x10240x8xf32, #tpu.memory_space<hbm>> -> memref<1x10240x8xf32, #tpu.memory_space<hbm>>
      %dma_wait3A_22 = tpu.memref_squeeze %dma_wait3A_21 : memref<1x10240x8xf32, #tpu.memory_space<hbm>> -> memref<10240x8xf32, #tpu.memory_space<hbm>>
      %dma_wait3A_23 = arith.constant 0 : i32
      %dma_wait3A_24 = tpu.memref_slice %dma_wait3A_22[%mul3A_12, %dma_wait3A_23] : memref<10240x8xf32, #tpu.memory_space<hbm>> -> memref<640x8xf32, #tpu.memory_space<hbm>>
      %dma_wait3A_25 = arith.constant 0 : i32
      %dma_wait3A_26 = tpu.memref_slice %arg11[%mul3A_10, %dma_wait3A_25] : memref<10240x8xf32, #tpu.memory_space<vmem_shared>> -> memref<640x8xf32, #tpu.memory_space<vmem_shared>>
      tpu.wait_dma2 semaphore(%run_scoped3A : memref<!tpu.dma_semaphore, #tpu.memory_space<semaphore_mem>>) src(%dma_wait3A_26 : memref<640x8xf32, #tpu.memory_space<vmem_shared>>) dst(%dma_wait3A_24 : memref<640x8xf32, #tpu.memory_space<hbm>>)
      tpu.yield
    }) : () -> ()
    return
  }
}

#map = affine_map<(d0, d1) -> (0, 0, 0)>
#map1 = affine_map<(d0, d1) -> (0)>
module attributes {stable_mosaic.version = 14 : i64} {
  func.func @_deg_body(%arg0: i32, %arg1: i32, %arg2: memref<32x80x128xi32, #tpu.memory_space<hbm>>, %arg3: memref<640xf32, #tpu.memory_space<hbm>>, %arg4: memref<163840xf32, #tpu.memory_space<hbm>>, %arg5: memref<163840xf32, #tpu.memory_space<hbm>>, %arg6: memref<80x128xi32, #tpu.memory_space<vmem>>, %arg7: memref<128xf32, #tpu.memory_space<vmem>>, %arg8: memref<640xf32, #tpu.memory_space<vmem>>, %arg9: memref<10240xf32, #tpu.memory_space<vmem>>, %arg10: memref<10240xf32, #tpu.memory_space<vmem_shared>>, %arg11: memref<!tpu.dma_semaphore, #tpu.memory_space<semaphore_mem>>) attributes {dimension_semantics = [#tpu.dimension_semantics<core_parallel>, #tpu.dimension_semantics<subcore_parallel>], iteration_bounds = array<i64: 2, 16>, scalar_prefetch = 0 : i64, scratch_operands = 6 : i64, tpu.core_type = #tpu.core_type<sc_vector_subcore>, window_params = [{transform_indices = #map}, {transform_indices = #map1}, {transform_indices = #map1}, {transform_indices = #map1}]} {
    %mul3A = arith.constant 16 : i32
    %mul3A_0 = arith.muli %arg0, %mul3A : i32
    %add3A = arith.addi %mul3A_0, %arg1 : i32
    %mul3A_1 = arith.constant 640 : i32
    %mul3A_2 = arith.muli %arg1, %mul3A_1 : i32
    "tpu.region"() ({
      %run_scoped3A = tpu.sem_alloc : memref<!tpu.dma_semaphore, #tpu.memory_space<semaphore_mem>>
      %dma_start3A = tpu.memref_slice %arg10[%mul3A_2] : memref<10240xf32, #tpu.memory_space<vmem_shared>> -> memref<640xf32, #tpu.memory_space<vmem_shared>>
      tpu.enqueue_dma source(%arg3 : memref<640xf32, #tpu.memory_space<hbm>>) target(%dma_start3A : memref<640xf32, #tpu.memory_space<vmem_shared>>) target_semaphore(%run_scoped3A : memref<!tpu.dma_semaphore, #tpu.memory_space<semaphore_mem>>)
      %dma_wait3A = tpu.memref_slice %arg10[%mul3A_2] : memref<10240xf32, #tpu.memory_space<vmem_shared>> -> memref<640xf32, #tpu.memory_space<vmem_shared>>
      tpu.wait_dma2 semaphore(%run_scoped3A : memref<!tpu.dma_semaphore, #tpu.memory_space<semaphore_mem>>) src(%arg3 : memref<640xf32, #tpu.memory_space<hbm>>) dst(%dma_wait3A : memref<640xf32, #tpu.memory_space<vmem_shared>>)
      tpu.yield
    }) : () -> ()
    "tpu.region"() ({
      %run_scoped3A = tpu.sem_alloc : memref<!tpu.dma_semaphore, #tpu.memory_space<semaphore_mem>>
      %dma_start3A = arith.constant 0 : i32
      %dma_start3A_54 = arith.constant 0 : i32
      %dma_start3A_55 = tpu.memref_slice %arg2[%add3A, %dma_start3A, %dma_start3A_54] : memref<32x80x128xi32, #tpu.memory_space<hbm>> -> memref<1x80x128xi32, #tpu.memory_space<hbm>>
      %dma_start3A_56 = tpu.memref_squeeze %dma_start3A_55 : memref<1x80x128xi32, #tpu.memory_space<hbm>> -> memref<80x128xi32, #tpu.memory_space<hbm>>
      %dma_start3A_57 = arith.constant 0 : i32
      %dma_start3A_58 = arith.constant 0 : i32
      %dma_start3A_59 = tpu.memref_slice %arg2[%add3A, %dma_start3A_57, %dma_start3A_58] : memref<32x80x128xi32, #tpu.memory_space<hbm>> -> memref<1x80x128xi32, #tpu.memory_space<hbm>>
      %dma_start3A_60 = tpu.memref_squeeze %dma_start3A_59 : memref<1x80x128xi32, #tpu.memory_space<hbm>> -> memref<80x128xi32, #tpu.memory_space<hbm>>
      tpu.enqueue_dma source(%dma_start3A_60 : memref<80x128xi32, #tpu.memory_space<hbm>>) target(%arg6 : memref<80x128xi32, #tpu.memory_space<vmem>>) target_semaphore(%run_scoped3A : memref<!tpu.dma_semaphore, #tpu.memory_space<semaphore_mem>>)
      %dma_wait3A = arith.constant 0 : i32
      %dma_wait3A_61 = arith.constant 0 : i32
      %dma_wait3A_62 = tpu.memref_slice %arg2[%add3A, %dma_wait3A, %dma_wait3A_61] : memref<32x80x128xi32, #tpu.memory_space<hbm>> -> memref<1x80x128xi32, #tpu.memory_space<hbm>>
      %dma_wait3A_63 = tpu.memref_squeeze %dma_wait3A_62 : memref<1x80x128xi32, #tpu.memory_space<hbm>> -> memref<80x128xi32, #tpu.memory_space<hbm>>
      %dma_wait3A_64 = arith.constant 0 : i32
      %dma_wait3A_65 = arith.constant 0 : i32
      %dma_wait3A_66 = tpu.memref_slice %arg2[%add3A, %dma_wait3A_64, %dma_wait3A_65] : memref<32x80x128xi32, #tpu.memory_space<hbm>> -> memref<1x80x128xi32, #tpu.memory_space<hbm>>
      %dma_wait3A_67 = tpu.memref_squeeze %dma_wait3A_66 : memref<1x80x128xi32, #tpu.memory_space<hbm>> -> memref<80x128xi32, #tpu.memory_space<hbm>>
      tpu.wait_dma2 semaphore(%run_scoped3A : memref<!tpu.dma_semaphore, #tpu.memory_space<semaphore_mem>>) src(%dma_wait3A_67 : memref<80x128xi32, #tpu.memory_space<hbm>>) dst(%arg6 : memref<80x128xi32, #tpu.memory_space<vmem>>)
      tpu.yield
    }) : () -> ()
    %broadcast_in_dim3A = arith.constant 1.000000e+00 : f32
    %broadcast_in_dim3A_3 = vector.broadcast %broadcast_in_dim3A : f32 to vector<16xf32>
    %swap3A = arith.constant 0 : index
    %swap3A_4 = tpu.vector_load %arg7[%swap3A] {strides = array<i32>} : memref<128xf32, #tpu.memory_space<vmem>>, vector<16xf32>,
    tpu.vector_store %arg7[%swap3A], %broadcast_in_dim3A_3 {strides = array<i32>} : memref<128xf32, #tpu.memory_space<vmem>>, vector<16xf32>,
    %broadcast_in_dim3A_5 = arith.constant 1.000000e+00 : f32
    %broadcast_in_dim3A_6 = vector.broadcast %broadcast_in_dim3A_5 : f32 to vector<16xf32>
    %swap3A_7 = arith.constant 16 : index
    %swap3A_8 = tpu.vector_load %arg7[%swap3A_7] {strides = array<i32>} : memref<128xf32, #tpu.memory_space<vmem>>, vector<16xf32>,
    tpu.vector_store %arg7[%swap3A_7], %broadcast_in_dim3A_6 {strides = array<i32>} : memref<128xf32, #tpu.memory_space<vmem>>, vector<16xf32>,
    %broadcast_in_dim3A_9 = arith.constant 1.000000e+00 : f32
    %broadcast_in_dim3A_10 = vector.broadcast %broadcast_in_dim3A_9 : f32 to vector<16xf32>
    %swap3A_11 = arith.constant 32 : index
    %swap3A_12 = tpu.vector_load %arg7[%swap3A_11] {strides = array<i32>} : memref<128xf32, #tpu.memory_space<vmem>>, vector<16xf32>,
    tpu.vector_store %arg7[%swap3A_11], %broadcast_in_dim3A_10 {strides = array<i32>} : memref<128xf32, #tpu.memory_space<vmem>>, vector<16xf32>,
    %broadcast_in_dim3A_13 = arith.constant 1.000000e+00 : f32
    %broadcast_in_dim3A_14 = vector.broadcast %broadcast_in_dim3A_13 : f32 to vector<16xf32>
    %swap3A_15 = arith.constant 48 : index
    %swap3A_16 = tpu.vector_load %arg7[%swap3A_15] {strides = array<i32>} : memref<128xf32, #tpu.memory_space<vmem>>, vector<16xf32>,
    tpu.vector_store %arg7[%swap3A_15], %broadcast_in_dim3A_14 {strides = array<i32>} : memref<128xf32, #tpu.memory_space<vmem>>, vector<16xf32>,
    %broadcast_in_dim3A_17 = arith.constant 1.000000e+00 : f32
    %broadcast_in_dim3A_18 = vector.broadcast %broadcast_in_dim3A_17 : f32 to vector<16xf32>
    %swap3A_19 = arith.constant 64 : index
    %swap3A_20 = tpu.vector_load %arg7[%swap3A_19] {strides = array<i32>} : memref<128xf32, #tpu.memory_space<vmem>>, vector<16xf32>,
    tpu.vector_store %arg7[%swap3A_19], %broadcast_in_dim3A_18 {strides = array<i32>} : memref<128xf32, #tpu.memory_space<vmem>>, vector<16xf32>,
    %broadcast_in_dim3A_21 = arith.constant 1.000000e+00 : f32
    %broadcast_in_dim3A_22 = vector.broadcast %broadcast_in_dim3A_21 : f32 to vector<16xf32>
    %swap3A_23 = arith.constant 80 : index
    %swap3A_24 = tpu.vector_load %arg7[%swap3A_23] {strides = array<i32>} : memref<128xf32, #tpu.memory_space<vmem>>, vector<16xf32>,
    tpu.vector_store %arg7[%swap3A_23], %broadcast_in_dim3A_22 {strides = array<i32>} : memref<128xf32, #tpu.memory_space<vmem>>, vector<16xf32>,
    %broadcast_in_dim3A_25 = arith.constant 1.000000e+00 : f32
    %broadcast_in_dim3A_26 = vector.broadcast %broadcast_in_dim3A_25 : f32 to vector<16xf32>
    %swap3A_27 = arith.constant 96 : index
    %swap3A_28 = tpu.vector_load %arg7[%swap3A_27] {strides = array<i32>} : memref<128xf32, #tpu.memory_space<vmem>>, vector<16xf32>,
    tpu.vector_store %arg7[%swap3A_27], %broadcast_in_dim3A_26 {strides = array<i32>} : memref<128xf32, #tpu.memory_space<vmem>>, vector<16xf32>,
    %broadcast_in_dim3A_29 = arith.constant 1.000000e+00 : f32
    %broadcast_in_dim3A_30 = vector.broadcast %broadcast_in_dim3A_29 : f32 to vector<16xf32>
    %swap3A_31 = arith.constant 112 : index
    %swap3A_32 = tpu.vector_load %arg7[%swap3A_31] {strides = array<i32>} : memref<128xf32, #tpu.memory_space<vmem>>, vector<16xf32>,
    tpu.vector_store %arg7[%swap3A_31], %broadcast_in_dim3A_30 {strides = array<i32>} : memref<128xf32, #tpu.memory_space<vmem>>, vector<16xf32>,
    %barrier3A = arith.constant 0 : index
    tpu.barrier barrier_id(%barrier3A)
    %scan3A = arith.constant 0 : i32
    %scan3A_33 = arith.constant 0 : i32
    %scan3A_34 = arith.constant 10 : i32
    %scan3A_35 = arith.addi %scan3A_33, %scan3A_34 : i32
    %scan3A_36 = arith.constant 1 : i32
    scf.for %scan3A_54 = %scan3A_33 to %scan3A_35 step %scan3A_36  : i32 {
      %mul3A_55 = arith.constant 8 : i32
      %mul3A_56 = arith.muli %mul3A_55, %scan3A_54 : i32
      %add3A_57 = arith.constant 0 : i32
      %add3A_58 = arith.addi %mul3A_56, %add3A_57 : i32
      %dma_start3A = arith.constant 0 : i32
      %dma_start3A_59 = tpu.memref_slice %arg6[%add3A_58, %dma_start3A] : memref<80x128xi32, #tpu.memory_space<vmem>> -> memref<1x128xi32, #tpu.memory_space<vmem>>
      %dma_start3A_60 = tpu.memref_squeeze %dma_start3A_59 : memref<1x128xi32, #tpu.memory_space<vmem>> -> memref<128xi32, #tpu.memory_space<vmem>>
      %dma_start3A_61 = arith.constant 0 : i32
      %dma_start3A_62 = tpu.memref_slice %arg10[%dma_start3A_61] : memref<10240xf32, #tpu.memory_space<vmem_shared>> -> memref<10240xf32, #tpu.memory_space<vmem_shared>>
      tpu.enqueue_indirect_dma source(%arg7 : memref<128xf32, #tpu.memory_space<vmem>>) target(%dma_start3A_62 : memref<10240xf32, #tpu.memory_space<vmem_shared>>) offsets(%dma_start3A_60 : memref<128xi32, #tpu.memory_space<vmem>>) semaphore(%arg11 : memref<!tpu.dma_semaphore, #tpu.memory_space<semaphore_mem>>) {add = true}
      %mul3A_63 = arith.constant 8 : i32
      %mul3A_64 = arith.muli %mul3A_63, %scan3A_54 : i32
      %add3A_65 = arith.constant 1 : i32
      %add3A_66 = arith.addi %mul3A_64, %add3A_65 : i32
      %dma_start3A_67 = arith.constant 0 : i32
      %dma_start3A_68 = tpu.memref_slice %arg6[%add3A_66, %dma_start3A_67] : memref<80x128xi32, #tpu.memory_space<vmem>> -> memref<1x128xi32, #tpu.memory_space<vmem>>
      %dma_start3A_69 = tpu.memref_squeeze %dma_start3A_68 : memref<1x128xi32, #tpu.memory_space<vmem>> -> memref<128xi32, #tpu.memory_space<vmem>>
      %dma_start3A_70 = arith.constant 0 : i32
      %dma_start3A_71 = tpu.memref_slice %arg10[%dma_start3A_70] : memref<10240xf32, #tpu.memory_space<vmem_shared>> -> memref<10240xf32, #tpu.memory_space<vmem_shared>>
      tpu.enqueue_indirect_dma source(%arg7 : memref<128xf32, #tpu.memory_space<vmem>>) target(%dma_start3A_71 : memref<10240xf32, #tpu.memory_space<vmem_shared>>) offsets(%dma_start3A_69 : memref<128xi32, #tpu.memory_space<vmem>>) semaphore(%arg11 : memref<!tpu.dma_semaphore, #tpu.memory_space<semaphore_mem>>) {add = true}
      %mul3A_72 = arith.constant 8 : i32
      %mul3A_73 = arith.muli %mul3A_72, %scan3A_54 : i32
      %add3A_74 = arith.constant 2 : i32
      %add3A_75 = arith.addi %mul3A_73, %add3A_74 : i32
      %dma_start3A_76 = arith.constant 0 : i32
      %dma_start3A_77 = tpu.memref_slice %arg6[%add3A_75, %dma_start3A_76] : memref<80x128xi32, #tpu.memory_space<vmem>> -> memref<1x128xi32, #tpu.memory_space<vmem>>
      %dma_start3A_78 = tpu.memref_squeeze %dma_start3A_77 : memref<1x128xi32, #tpu.memory_space<vmem>> -> memref<128xi32, #tpu.memory_space<vmem>>
      %dma_start3A_79 = arith.constant 0 : i32
      %dma_start3A_80 = tpu.memref_slice %arg10[%dma_start3A_79] : memref<10240xf32, #tpu.memory_space<vmem_shared>> -> memref<10240xf32, #tpu.memory_space<vmem_shared>>
      tpu.enqueue_indirect_dma source(%arg7 : memref<128xf32, #tpu.memory_space<vmem>>) target(%dma_start3A_80 : memref<10240xf32, #tpu.memory_space<vmem_shared>>) offsets(%dma_start3A_78 : memref<128xi32, #tpu.memory_space<vmem>>) semaphore(%arg11 : memref<!tpu.dma_semaphore, #tpu.memory_space<semaphore_mem>>) {add = true}
      %mul3A_81 = arith.constant 8 : i32
      %mul3A_82 = arith.muli %mul3A_81, %scan3A_54 : i32
      %add3A_83 = arith.constant 3 : i32
      %add3A_84 = arith.addi %mul3A_82, %add3A_83 : i32
      %dma_start3A_85 = arith.constant 0 : i32
      %dma_start3A_86 = tpu.memref_slice %arg6[%add3A_84, %dma_start3A_85] : memref<80x128xi32, #tpu.memory_space<vmem>> -> memref<1x128xi32, #tpu.memory_space<vmem>>
      %dma_start3A_87 = tpu.memref_squeeze %dma_start3A_86 : memref<1x128xi32, #tpu.memory_space<vmem>> -> memref<128xi32, #tpu.memory_space<vmem>>
      %dma_start3A_88 = arith.constant 0 : i32
      %dma_start3A_89 = tpu.memref_slice %arg10[%dma_start3A_88] : memref<10240xf32, #tpu.memory_space<vmem_shared>> -> memref<10240xf32, #tpu.memory_space<vmem_shared>>
      tpu.enqueue_indirect_dma source(%arg7 : memref<128xf32, #tpu.memory_space<vmem>>) target(%dma_start3A_89 : memref<10240xf32, #tpu.memory_space<vmem_shared>>) offsets(%dma_start3A_87 : memref<128xi32, #tpu.memory_space<vmem>>) semaphore(%arg11 : memref<!tpu.dma_semaphore, #tpu.memory_space<semaphore_mem>>) {add = true}
      %mul3A_90 = arith.constant 8 : i32
      %mul3A_91 = arith.muli %mul3A_90, %scan3A_54 : i32
      %add3A_92 = arith.constant 4 : i32
      %add3A_93 = arith.addi %mul3A_91, %add3A_92 : i32
      %dma_start3A_94 = arith.constant 0 : i32
      %dma_start3A_95 = tpu.memref_slice %arg6[%add3A_93, %dma_start3A_94] : memref<80x128xi32, #tpu.memory_space<vmem>> -> memref<1x128xi32, #tpu.memory_space<vmem>>
      %dma_start3A_96 = tpu.memref_squeeze %dma_start3A_95 : memref<1x128xi32, #tpu.memory_space<vmem>> -> memref<128xi32, #tpu.memory_space<vmem>>
      %dma_start3A_97 = arith.constant 0 : i32
      %dma_start3A_98 = tpu.memref_slice %arg10[%dma_start3A_97] : memref<10240xf32, #tpu.memory_space<vmem_shared>> -> memref<10240xf32, #tpu.memory_space<vmem_shared>>
      tpu.enqueue_indirect_dma source(%arg7 : memref<128xf32, #tpu.memory_space<vmem>>) target(%dma_start3A_98 : memref<10240xf32, #tpu.memory_space<vmem_shared>>) offsets(%dma_start3A_96 : memref<128xi32, #tpu.memory_space<vmem>>) semaphore(%arg11 : memref<!tpu.dma_semaphore, #tpu.memory_space<semaphore_mem>>) {add = true}
      %mul3A_99 = arith.constant 8 : i32
      %mul3A_100 = arith.muli %mul3A_99, %scan3A_54 : i32
      %add3A_101 = arith.constant 5 : i32
      %add3A_102 = arith.addi %mul3A_100, %add3A_101 : i32
      %dma_start3A_103 = arith.constant 0 : i32
      %dma_start3A_104 = tpu.memref_slice %arg6[%add3A_102, %dma_start3A_103] : memref<80x128xi32, #tpu.memory_space<vmem>> -> memref<1x128xi32, #tpu.memory_space<vmem>>
      %dma_start3A_105 = tpu.memref_squeeze %dma_start3A_104 : memref<1x128xi32, #tpu.memory_space<vmem>> -> memref<128xi32, #tpu.memory_space<vmem>>
      %dma_start3A_106 = arith.constant 0 : i32
      %dma_start3A_107 = tpu.memref_slice %arg10[%dma_start3A_106] : memref<10240xf32, #tpu.memory_space<vmem_shared>> -> memref<10240xf32, #tpu.memory_space<vmem_shared>>
      tpu.enqueue_indirect_dma source(%arg7 : memref<128xf32, #tpu.memory_space<vmem>>) target(%dma_start3A_107 : memref<10240xf32, #tpu.memory_space<vmem_shared>>) offsets(%dma_start3A_105 : memref<128xi32, #tpu.memory_space<vmem>>) semaphore(%arg11 : memref<!tpu.dma_semaphore, #tpu.memory_space<semaphore_mem>>) {add = true}
      %mul3A_108 = arith.constant 8 : i32
      %mul3A_109 = arith.muli %mul3A_108, %scan3A_54 : i32
      %add3A_110 = arith.constant 6 : i32
      %add3A_111 = arith.addi %mul3A_109, %add3A_110 : i32
      %dma_start3A_112 = arith.constant 0 : i32
      %dma_start3A_113 = tpu.memref_slice %arg6[%add3A_111, %dma_start3A_112] : memref<80x128xi32, #tpu.memory_space<vmem>> -> memref<1x128xi32, #tpu.memory_space<vmem>>
      %dma_start3A_114 = tpu.memref_squeeze %dma_start3A_113 : memref<1x128xi32, #tpu.memory_space<vmem>> -> memref<128xi32, #tpu.memory_space<vmem>>
      %dma_start3A_115 = arith.constant 0 : i32
      %dma_start3A_116 = tpu.memref_slice %arg10[%dma_start3A_115] : memref<10240xf32, #tpu.memory_space<vmem_shared>> -> memref<10240xf32, #tpu.memory_space<vmem_shared>>
      tpu.enqueue_indirect_dma source(%arg7 : memref<128xf32, #tpu.memory_space<vmem>>) target(%dma_start3A_116 : memref<10240xf32, #tpu.memory_space<vmem_shared>>) offsets(%dma_start3A_114 : memref<128xi32, #tpu.memory_space<vmem>>) semaphore(%arg11 : memref<!tpu.dma_semaphore, #tpu.memory_space<semaphore_mem>>) {add = true}
      %mul3A_117 = arith.constant 8 : i32
      %mul3A_118 = arith.muli %mul3A_117, %scan3A_54 : i32
      %add3A_119 = arith.constant 7 : i32
      %add3A_120 = arith.addi %mul3A_118, %add3A_119 : i32
      %dma_start3A_121 = arith.constant 0 : i32
      %dma_start3A_122 = tpu.memref_slice %arg6[%add3A_120, %dma_start3A_121] : memref<80x128xi32, #tpu.memory_space<vmem>> -> memref<1x128xi32, #tpu.memory_space<vmem>>
      %dma_start3A_123 = tpu.memref_squeeze %dma_start3A_122 : memref<1x128xi32, #tpu.memory_space<vmem>> -> memref<128xi32, #tpu.memory_space<vmem>>
      %dma_start3A_124 = arith.constant 0 : i32
      %dma_start3A_125 = tpu.memref_slice %arg10[%dma_start3A_124] : memref<10240xf32, #tpu.memory_space<vmem_shared>> -> memref<10240xf32, #tpu.memory_space<vmem_shared>>
      tpu.enqueue_indirect_dma source(%arg7 : memref<128xf32, #tpu.memory_space<vmem>>) target(%dma_start3A_125 : memref<10240xf32, #tpu.memory_space<vmem_shared>>) offsets(%dma_start3A_123 : memref<128xi32, #tpu.memory_space<vmem>>) semaphore(%arg11 : memref<!tpu.dma_semaphore, #tpu.memory_space<semaphore_mem>>) {add = true}
      %dma_wait3A = arith.constant 0 : i32
      %dma_wait3A_126 = tpu.memref_slice %arg6[%add3A_58, %dma_wait3A] : memref<80x128xi32, #tpu.memory_space<vmem>> -> memref<1x128xi32, #tpu.memory_space<vmem>>
      %dma_wait3A_127 = tpu.memref_squeeze %dma_wait3A_126 : memref<1x128xi32, #tpu.memory_space<vmem>> -> memref<128xi32, #tpu.memory_space<vmem>>
      %dma_wait3A_128 = arith.constant 0 : i32
      %dma_wait3A_129 = tpu.memref_slice %arg10[%dma_wait3A_128] : memref<10240xf32, #tpu.memory_space<vmem_shared>> -> memref<10240xf32, #tpu.memory_space<vmem_shared>>
      tpu.wait_indirect_dma semaphore(%arg11 : memref<!tpu.dma_semaphore, #tpu.memory_space<semaphore_mem>>) src(%arg7 : memref<128xf32, #tpu.memory_space<vmem>>) dst(%dma_wait3A_129 : memref<10240xf32, #tpu.memory_space<vmem_shared>>)
      %dma_wait3A_130 = arith.constant 0 : i32
      %dma_wait3A_131 = tpu.memref_slice %arg6[%add3A_66, %dma_wait3A_130] : memref<80x128xi32, #tpu.memory_space<vmem>> -> memref<1x128xi32, #tpu.memory_space<vmem>>
      %dma_wait3A_132 = tpu.memref_squeeze %dma_wait3A_131 : memref<1x128xi32, #tpu.memory_space<vmem>> -> memref<128xi32, #tpu.memory_space<vmem>>
      %dma_wait3A_133 = arith.constant 0 : i32
      %dma_wait3A_134 = tpu.memref_slice %arg10[%dma_wait3A_133] : memref<10240xf32, #tpu.memory_space<vmem_shared>> -> memref<10240xf32, #tpu.memory_space<vmem_shared>>
      tpu.wait_indirect_dma semaphore(%arg11 : memref<!tpu.dma_semaphore, #tpu.memory_space<semaphore_mem>>) src(%arg7 : memref<128xf32, #tpu.memory_space<vmem>>) dst(%dma_wait3A_134 : memref<10240xf32, #tpu.memory_space<vmem_shared>>)
      %dma_wait3A_135 = arith.constant 0 : i32
      %dma_wait3A_136 = tpu.memref_slice %arg6[%add3A_75, %dma_wait3A_135] : memref<80x128xi32, #tpu.memory_space<vmem>> -> memref<1x128xi32, #tpu.memory_space<vmem>>
      %dma_wait3A_137 = tpu.memref_squeeze %dma_wait3A_136 : memref<1x128xi32, #tpu.memory_space<vmem>> -> memref<128xi32, #tpu.memory_space<vmem>>
      %dma_wait3A_138 = arith.constant 0 : i32
      %dma_wait3A_139 = tpu.memref_slice %arg10[%dma_wait3A_138] : memref<10240xf32, #tpu.memory_space<vmem_shared>> -> memref<10240xf32, #tpu.memory_space<vmem_shared>>
      tpu.wait_indirect_dma semaphore(%arg11 : memref<!tpu.dma_semaphore, #tpu.memory_space<semaphore_mem>>) src(%arg7 : memref<128xf32, #tpu.memory_space<vmem>>) dst(%dma_wait3A_139 : memref<10240xf32, #tpu.memory_space<vmem_shared>>)
      %dma_wait3A_140 = arith.constant 0 : i32
      %dma_wait3A_141 = tpu.memref_slice %arg6[%add3A_84, %dma_wait3A_140] : memref<80x128xi32, #tpu.memory_space<vmem>> -> memref<1x128xi32, #tpu.memory_space<vmem>>
      %dma_wait3A_142 = tpu.memref_squeeze %dma_wait3A_141 : memref<1x128xi32, #tpu.memory_space<vmem>> -> memref<128xi32, #tpu.memory_space<vmem>>
      %dma_wait3A_143 = arith.constant 0 : i32
      %dma_wait3A_144 = tpu.memref_slice %arg10[%dma_wait3A_143] : memref<10240xf32, #tpu.memory_space<vmem_shared>> -> memref<10240xf32, #tpu.memory_space<vmem_shared>>
      tpu.wait_indirect_dma semaphore(%arg11 : memref<!tpu.dma_semaphore, #tpu.memory_space<semaphore_mem>>) src(%arg7 : memref<128xf32, #tpu.memory_space<vmem>>) dst(%dma_wait3A_144 : memref<10240xf32, #tpu.memory_space<vmem_shared>>)
      %dma_wait3A_145 = arith.constant 0 : i32
      %dma_wait3A_146 = tpu.memref_slice %arg6[%add3A_93, %dma_wait3A_145] : memref<80x128xi32, #tpu.memory_space<vmem>> -> memref<1x128xi32, #tpu.memory_space<vmem>>
      %dma_wait3A_147 = tpu.memref_squeeze %dma_wait3A_146 : memref<1x128xi32, #tpu.memory_space<vmem>> -> memref<128xi32, #tpu.memory_space<vmem>>
      %dma_wait3A_148 = arith.constant 0 : i32
      %dma_wait3A_149 = tpu.memref_slice %arg10[%dma_wait3A_148] : memref<10240xf32, #tpu.memory_space<vmem_shared>> -> memref<10240xf32, #tpu.memory_space<vmem_shared>>
      tpu.wait_indirect_dma semaphore(%arg11 : memref<!tpu.dma_semaphore, #tpu.memory_space<semaphore_mem>>) src(%arg7 : memref<128xf32, #tpu.memory_space<vmem>>) dst(%dma_wait3A_149 : memref<10240xf32, #tpu.memory_space<vmem_shared>>)
      %dma_wait3A_150 = arith.constant 0 : i32
      %dma_wait3A_151 = tpu.memref_slice %arg6[%add3A_102, %dma_wait3A_150] : memref<80x128xi32, #tpu.memory_space<vmem>> -> memref<1x128xi32, #tpu.memory_space<vmem>>
      %dma_wait3A_152 = tpu.memref_squeeze %dma_wait3A_151 : memref<1x128xi32, #tpu.memory_space<vmem>> -> memref<128xi32, #tpu.memory_space<vmem>>
      %dma_wait3A_153 = arith.constant 0 : i32
      %dma_wait3A_154 = tpu.memref_slice %arg10[%dma_wait3A_153] : memref<10240xf32, #tpu.memory_space<vmem_shared>> -> memref<10240xf32, #tpu.memory_space<vmem_shared>>
      tpu.wait_indirect_dma semaphore(%arg11 : memref<!tpu.dma_semaphore, #tpu.memory_space<semaphore_mem>>) src(%arg7 : memref<128xf32, #tpu.memory_space<vmem>>) dst(%dma_wait3A_154 : memref<10240xf32, #tpu.memory_space<vmem_shared>>)
      %dma_wait3A_155 = arith.constant 0 : i32
      %dma_wait3A_156 = tpu.memref_slice %arg6[%add3A_111, %dma_wait3A_155] : memref<80x128xi32, #tpu.memory_space<vmem>> -> memref<1x128xi32, #tpu.memory_space<vmem>>
      %dma_wait3A_157 = tpu.memref_squeeze %dma_wait3A_156 : memref<1x128xi32, #tpu.memory_space<vmem>> -> memref<128xi32, #tpu.memory_space<vmem>>
      %dma_wait3A_158 = arith.constant 0 : i32
      %dma_wait3A_159 = tpu.memref_slice %arg10[%dma_wait3A_158] : memref<10240xf32, #tpu.memory_space<vmem_shared>> -> memref<10240xf32, #tpu.memory_space<vmem_shared>>
      tpu.wait_indirect_dma semaphore(%arg11 : memref<!tpu.dma_semaphore, #tpu.memory_space<semaphore_mem>>) src(%arg7 : memref<128xf32, #tpu.memory_space<vmem>>) dst(%dma_wait3A_159 : memref<10240xf32, #tpu.memory_space<vmem_shared>>)
      %dma_wait3A_160 = arith.constant 0 : i32
      %dma_wait3A_161 = tpu.memref_slice %arg6[%add3A_120, %dma_wait3A_160] : memref<80x128xi32, #tpu.memory_space<vmem>> -> memref<1x128xi32, #tpu.memory_space<vmem>>
      %dma_wait3A_162 = tpu.memref_squeeze %dma_wait3A_161 : memref<1x128xi32, #tpu.memory_space<vmem>> -> memref<128xi32, #tpu.memory_space<vmem>>
      %dma_wait3A_163 = arith.constant 0 : i32
      %dma_wait3A_164 = tpu.memref_slice %arg10[%dma_wait3A_163] : memref<10240xf32, #tpu.memory_space<vmem_shared>> -> memref<10240xf32, #tpu.memory_space<vmem_shared>>
      tpu.wait_indirect_dma semaphore(%arg11 : memref<!tpu.dma_semaphore, #tpu.memory_space<semaphore_mem>>) src(%arg7 : memref<128xf32, #tpu.memory_space<vmem>>) dst(%dma_wait3A_164 : memref<10240xf32, #tpu.memory_space<vmem_shared>>)
    }
    %scan3A_37 = arith.constant 10 : i32
    %barrier3A_38 = arith.constant 0 : index
    tpu.barrier barrier_id(%barrier3A_38)
    %mul3A_39 = arith.constant 640 : i32
    %mul3A_40 = arith.muli %arg1, %mul3A_39 : i32
    "tpu.region"() ({
      %run_scoped3A = tpu.sem_alloc : memref<!tpu.dma_semaphore, #tpu.memory_space<semaphore_mem>>
      %dma_start3A = tpu.memref_slice %arg10[%mul3A_40] : memref<10240xf32, #tpu.memory_space<vmem_shared>> -> memref<640xf32, #tpu.memory_space<vmem_shared>>
      %dma_start3A_54 = tpu.memref_slice %arg10[%mul3A_40] : memref<10240xf32, #tpu.memory_space<vmem_shared>> -> memref<640xf32, #tpu.memory_space<vmem_shared>>
      tpu.enqueue_dma source(%dma_start3A_54 : memref<640xf32, #tpu.memory_space<vmem_shared>>) target(%arg8 : memref<640xf32, #tpu.memory_space<vmem>>) target_semaphore(%run_scoped3A : memref<!tpu.dma_semaphore, #tpu.memory_space<semaphore_mem>>)
      %dma_wait3A = tpu.memref_slice %arg10[%mul3A_40] : memref<10240xf32, #tpu.memory_space<vmem_shared>> -> memref<640xf32, #tpu.memory_space<vmem_shared>>
      %dma_wait3A_55 = tpu.memref_slice %arg10[%mul3A_40] : memref<10240xf32, #tpu.memory_space<vmem_shared>> -> memref<640xf32, #tpu.memory_space<vmem_shared>>
      tpu.wait_dma2 semaphore(%run_scoped3A : memref<!tpu.dma_semaphore, #tpu.memory_space<semaphore_mem>>) src(%dma_wait3A_55 : memref<640xf32, #tpu.memory_space<vmem_shared>>) dst(%arg8 : memref<640xf32, #tpu.memory_space<vmem>>)
      tpu.yield
    }) : () -> ()
    %scan3A_41 = arith.constant 0 : i32
    %scan3A_42 = arith.constant 0 : i32
    %scan3A_43 = arith.constant 160 : i32
    %scan3A_44 = arith.addi %scan3A_42, %scan3A_43 : i32
    %scan3A_45 = arith.constant 1 : i32
    scf.for %scan3A_54 = %scan3A_42 to %scan3A_44 step %scan3A_45  : i32 {
      %mul3A_55 = arith.constant 4 : i32
      %mul3A_56 = arith.muli %scan3A_54, %mul3A_55 : i32
      %add3A_57 = arith.constant 0 : i32
      %add3A_58 = arith.addi %mul3A_56, %add3A_57 : i32
      %broadcast_in_dim3A_59 = vector.broadcast %add3A_58 : i32 to vector<16xi32>
      %gather3A = tpu.vector_load_idx %arg8[%broadcast_in_dim3A_59] : memref<640xf32, #tpu.memory_space<vmem>>[vector<16xi32>], vector<16xf32>,
      %mul3A_60 = arith.constant 16 : i32
      %mul3A_61 = arith.muli %mul3A_60, %add3A_58 : i32
      %multiple_of3A = tpu.assume_multiple %mul3A_61, 16 : i32
      %swap3A_62 = arith.index_cast %multiple_of3A : i32 to index
      %swap3A_63 = tpu.vector_load %arg9[%swap3A_62] {strides = array<i32>} : memref<10240xf32, #tpu.memory_space<vmem>>, vector<16xf32>,
      tpu.vector_store %arg9[%swap3A_62], %gather3A {strides = array<i32>} : memref<10240xf32, #tpu.memory_space<vmem>>, vector<16xf32>,
      %mul3A_64 = arith.constant 4 : i32
      %mul3A_65 = arith.muli %scan3A_54, %mul3A_64 : i32
      %add3A_66 = arith.constant 1 : i32
      %add3A_67 = arith.addi %mul3A_65, %add3A_66 : i32
      %broadcast_in_dim3A_68 = vector.broadcast %add3A_67 : i32 to vector<16xi32>
      %gather3A_69 = tpu.vector_load_idx %arg8[%broadcast_in_dim3A_68] : memref<640xf32, #tpu.memory_space<vmem>>[vector<16xi32>], vector<16xf32>,
      %mul3A_70 = arith.constant 16 : i32
      %mul3A_71 = arith.muli %mul3A_70, %add3A_67 : i32
      %multiple_of3A_72 = tpu.assume_multiple %mul3A_71, 16 : i32
      %swap3A_73 = arith.index_cast %multiple_of3A_72 : i32 to index
      %swap3A_74 = tpu.vector_load %arg9[%swap3A_73] {strides = array<i32>} : memref<10240xf32, #tpu.memory_space<vmem>>, vector<16xf32>,
      tpu.vector_store %arg9[%swap3A_73], %gather3A_69 {strides = array<i32>} : memref<10240xf32, #tpu.memory_space<vmem>>, vector<16xf32>,
      %mul3A_75 = arith.constant 4 : i32
      %mul3A_76 = arith.muli %scan3A_54, %mul3A_75 : i32
      %add3A_77 = arith.constant 2 : i32
      %add3A_78 = arith.addi %mul3A_76, %add3A_77 : i32
      %broadcast_in_dim3A_79 = vector.broadcast %add3A_78 : i32 to vector<16xi32>
      %gather3A_80 = tpu.vector_load_idx %arg8[%broadcast_in_dim3A_79] : memref<640xf32, #tpu.memory_space<vmem>>[vector<16xi32>], vector<16xf32>,
      %mul3A_81 = arith.constant 16 : i32
      %mul3A_82 = arith.muli %mul3A_81, %add3A_78 : i32
      %multiple_of3A_83 = tpu.assume_multiple %mul3A_82, 16 : i32
      %swap3A_84 = arith.index_cast %multiple_of3A_83 : i32 to index
      %swap3A_85 = tpu.vector_load %arg9[%swap3A_84] {strides = array<i32>} : memref<10240xf32, #tpu.memory_space<vmem>>, vector<16xf32>,
      tpu.vector_store %arg9[%swap3A_84], %gather3A_80 {strides = array<i32>} : memref<10240xf32, #tpu.memory_space<vmem>>, vector<16xf32>,
      %mul3A_86 = arith.constant 4 : i32
      %mul3A_87 = arith.muli %scan3A_54, %mul3A_86 : i32
      %add3A_88 = arith.constant 3 : i32
      %add3A_89 = arith.addi %mul3A_87, %add3A_88 : i32
      %broadcast_in_dim3A_90 = vector.broadcast %add3A_89 : i32 to vector<16xi32>
      %gather3A_91 = tpu.vector_load_idx %arg8[%broadcast_in_dim3A_90] : memref<640xf32, #tpu.memory_space<vmem>>[vector<16xi32>], vector<16xf32>,
      %mul3A_92 = arith.constant 16 : i32
      %mul3A_93 = arith.muli %mul3A_92, %add3A_89 : i32
      %multiple_of3A_94 = tpu.assume_multiple %mul3A_93, 16 : i32
      %swap3A_95 = arith.index_cast %multiple_of3A_94 : i32 to index
      %swap3A_96 = tpu.vector_load %arg9[%swap3A_95] {strides = array<i32>} : memref<10240xf32, #tpu.memory_space<vmem>>, vector<16xf32>,
      tpu.vector_store %arg9[%swap3A_95], %gather3A_91 {strides = array<i32>} : memref<10240xf32, #tpu.memory_space<vmem>>, vector<16xf32>,
    }
    %scan3A_46 = arith.constant 160 : i32
    %eq3A = arith.constant 0 : i32
    %eq3A_47 = arith.cmpi eq, %arg0, %eq3A : i32
    %convert_element_type3A = arith.extui %eq3A_47 : i1 to i32
    %cond3A = arith.constant 0 : i32
    %cond3A_48 = arith.cmpi ne, %convert_element_type3A, %cond3A : i32
    scf.if %cond3A_48 {
      %mul3A_54 = arith.constant 640 : i32
      %mul3A_55 = arith.muli %arg1, %mul3A_54 : i32
      %mul3A_56 = arith.constant 16 : i32
      %mul3A_57 = arith.muli %mul3A_55, %mul3A_56 : i32
      "tpu.region"() ({
        %run_scoped3A = tpu.sem_alloc : memref<!tpu.dma_semaphore, #tpu.memory_space<semaphore_mem>>
        %dma_start3A = tpu.memref_slice %arg4[%mul3A_57] : memref<163840xf32, #tpu.memory_space<hbm>> -> memref<10240xf32, #tpu.memory_space<hbm>>
        %dma_start3A_58 = tpu.memref_slice %arg4[%mul3A_57] : memref<163840xf32, #tpu.memory_space<hbm>> -> memref<10240xf32, #tpu.memory_space<hbm>>
        tpu.enqueue_dma source(%arg9 : memref<10240xf32, #tpu.memory_space<vmem>>) target(%dma_start3A_58 : memref<10240xf32, #tpu.memory_space<hbm>>) target_semaphore(%run_scoped3A : memref<!tpu.dma_semaphore, #tpu.memory_space<semaphore_mem>>)
        %dma_wait3A = tpu.memref_slice %arg4[%mul3A_57] : memref<163840xf32, #tpu.memory_space<hbm>> -> memref<10240xf32, #tpu.memory_space<hbm>>
        %dma_wait3A_59 = tpu.memref_slice %arg4[%mul3A_57] : memref<163840xf32, #tpu.memory_space<hbm>> -> memref<10240xf32, #tpu.memory_space<hbm>>
        tpu.wait_dma2 semaphore(%run_scoped3A : memref<!tpu.dma_semaphore, #tpu.memory_space<semaphore_mem>>) src(%arg9 : memref<10240xf32, #tpu.memory_space<vmem>>) dst(%dma_wait3A_59 : memref<10240xf32, #tpu.memory_space<hbm>>)
        tpu.yield
      }) : () -> ()
    } else {
    }
    %eq3A_49 = arith.constant 1 : i32
    %eq3A_50 = arith.cmpi eq, %arg0, %eq3A_49 : i32
    %convert_element_type3A_51 = arith.extui %eq3A_50 : i1 to i32
    %cond3A_52 = arith.constant 0 : i32
    %cond3A_53 = arith.cmpi ne, %convert_element_type3A_51, %cond3A_52 : i32
    scf.if %cond3A_53 {
      %mul3A_54 = arith.constant 640 : i32
      %mul3A_55 = arith.muli %arg1, %mul3A_54 : i32
      %mul3A_56 = arith.constant 16 : i32
      %mul3A_57 = arith.muli %mul3A_55, %mul3A_56 : i32
      "tpu.region"() ({
        %run_scoped3A = tpu.sem_alloc : memref<!tpu.dma_semaphore, #tpu.memory_space<semaphore_mem>>
        %dma_start3A = tpu.memref_slice %arg5[%mul3A_57] : memref<163840xf32, #tpu.memory_space<hbm>> -> memref<10240xf32, #tpu.memory_space<hbm>>
        %dma_start3A_58 = tpu.memref_slice %arg5[%mul3A_57] : memref<163840xf32, #tpu.memory_space<hbm>> -> memref<10240xf32, #tpu.memory_space<hbm>>
        tpu.enqueue_dma source(%arg9 : memref<10240xf32, #tpu.memory_space<vmem>>) target(%dma_start3A_58 : memref<10240xf32, #tpu.memory_space<hbm>>) target_semaphore(%run_scoped3A : memref<!tpu.dma_semaphore, #tpu.memory_space<semaphore_mem>>)
        %dma_wait3A = tpu.memref_slice %arg5[%mul3A_57] : memref<163840xf32, #tpu.memory_space<hbm>> -> memref<10240xf32, #tpu.memory_space<hbm>>
        %dma_wait3A_59 = tpu.memref_slice %arg5[%mul3A_57] : memref<163840xf32, #tpu.memory_space<hbm>> -> memref<10240xf32, #tpu.memory_space<hbm>>
        tpu.wait_dma2 semaphore(%run_scoped3A : memref<!tpu.dma_semaphore, #tpu.memory_space<semaphore_mem>>) src(%arg9 : memref<10240xf32, #tpu.memory_space<vmem>>) dst(%dma_wait3A_59 : memref<10240xf32, #tpu.memory_space<hbm>>)
        tpu.yield
      }) : () -> ()
    } else {
    }
    return
  }
}

#map = affine_map<(d0, d1) -> (0, 0)>
#map1 = affine_map<(d0, d1) -> (0, 0, 0)>
module attributes {stable_mosaic.version = 14 : i64} {
  func.func @body(%arg0: i32, %arg1: i32, %arg2: memref<10240x16xf32, #tpu.memory_space<hbm>>, %arg3: memref<32x80x128xi32, #tpu.memory_space<hbm>>, %arg4: memref<32x80x128xi32, #tpu.memory_space<hbm>>, %arg5: memref<640x16xf32, #tpu.memory_space<hbm>>, %arg6: memref<2x10240x16xf32, #tpu.memory_space<hbm>>, %arg7: memref<80x128xi32, #tpu.memory_space<vmem>>, %arg8: memref<80x128xi32, #tpu.memory_space<vmem>>, %arg9: memref<10x128x16xf32, #tpu.memory_space<vmem>>, %arg10: memref<10x128x16xf32, #tpu.memory_space<vmem>>, %arg11: memref<10240x16xf32, #tpu.memory_space<vmem_shared>>, %arg12: memref<!tpu.dma_semaphore, #tpu.memory_space<semaphore_mem>>, %arg13: memref<!tpu.dma_semaphore, #tpu.memory_space<semaphore_mem>>, %arg14: memref<!tpu.dma_semaphore, #tpu.memory_space<semaphore_mem>>) attributes {dimension_semantics = [#tpu.dimension_semantics<core_parallel>, #tpu.dimension_semantics<subcore_parallel>], iteration_bounds = array<i64: 2, 16>, scalar_prefetch = 0 : i64, scratch_operands = 8 : i64, tpu.core_type = #tpu.core_type<sc_vector_subcore>, window_params = [{transform_indices = #map}, {transform_indices = #map1}, {transform_indices = #map1}, {transform_indices = #map}, {transform_indices = #map1}]} {
    %mul3A = arith.constant 16 : i32
    %mul3A_0 = arith.muli %arg0, %mul3A : i32
    %add3A = arith.addi %mul3A_0, %arg1 : i32
    %mul3A_1 = arith.constant 640 : i32
    %mul3A_2 = arith.muli %arg1, %mul3A_1 : i32
    "tpu.region"() ({
      %run_scoped3A = tpu.sem_alloc : memref<!tpu.dma_semaphore, #tpu.memory_space<semaphore_mem>>
      %dma_start3A = arith.constant 0 : i32
      %dma_start3A_13 = tpu.memref_slice %arg11[%mul3A_2, %dma_start3A] : memref<10240x16xf32, #tpu.memory_space<vmem_shared>> -> memref<640x16xf32, #tpu.memory_space<vmem_shared>>
      tpu.enqueue_dma source(%arg5 : memref<640x16xf32, #tpu.memory_space<hbm>>) target(%dma_start3A_13 : memref<640x16xf32, #tpu.memory_space<vmem_shared>>) target_semaphore(%run_scoped3A : memref<!tpu.dma_semaphore, #tpu.memory_space<semaphore_mem>>)
      %dma_wait3A = arith.constant 0 : i32
      %dma_wait3A_14 = tpu.memref_slice %arg11[%mul3A_2, %dma_wait3A] : memref<10240x16xf32, #tpu.memory_space<vmem_shared>> -> memref<640x16xf32, #tpu.memory_space<vmem_shared>>
      tpu.wait_dma2 semaphore(%run_scoped3A : memref<!tpu.dma_semaphore, #tpu.memory_space<semaphore_mem>>) src(%arg5 : memref<640x16xf32, #tpu.memory_space<hbm>>) dst(%dma_wait3A_14 : memref<640x16xf32, #tpu.memory_space<vmem_shared>>)
      tpu.yield
    }) : () -> ()
    "tpu.region"() ({
      %run_scoped3A = tpu.sem_alloc : memref<!tpu.dma_semaphore, #tpu.memory_space<semaphore_mem>>
      %dma_start3A = arith.constant 0 : i32
      %dma_start3A_13 = arith.constant 0 : i32
      %dma_start3A_14 = tpu.memref_slice %arg3[%add3A, %dma_start3A, %dma_start3A_13] : memref<32x80x128xi32, #tpu.memory_space<hbm>> -> memref<1x80x128xi32, #tpu.memory_space<hbm>>
      %dma_start3A_15 = tpu.memref_squeeze %dma_start3A_14 : memref<1x80x128xi32, #tpu.memory_space<hbm>> -> memref<80x128xi32, #tpu.memory_space<hbm>>
      %dma_start3A_16 = arith.constant 0 : i32
      %dma_start3A_17 = arith.constant 0 : i32
      %dma_start3A_18 = tpu.memref_slice %arg3[%add3A, %dma_start3A_16, %dma_start3A_17] : memref<32x80x128xi32, #tpu.memory_space<hbm>> -> memref<1x80x128xi32, #tpu.memory_space<hbm>>
      %dma_start3A_19 = tpu.memref_squeeze %dma_start3A_18 : memref<1x80x128xi32, #tpu.memory_space<hbm>> -> memref<80x128xi32, #tpu.memory_space<hbm>>
      tpu.enqueue_dma source(%dma_start3A_19 : memref<80x128xi32, #tpu.memory_space<hbm>>) target(%arg7 : memref<80x128xi32, #tpu.memory_space<vmem>>) target_semaphore(%run_scoped3A : memref<!tpu.dma_semaphore, #tpu.memory_space<semaphore_mem>>)
      %dma_wait3A = arith.constant 0 : i32
      %dma_wait3A_20 = arith.constant 0 : i32
      %dma_wait3A_21 = tpu.memref_slice %arg3[%add3A, %dma_wait3A, %dma_wait3A_20] : memref<32x80x128xi32, #tpu.memory_space<hbm>> -> memref<1x80x128xi32, #tpu.memory_space<hbm>>
      %dma_wait3A_22 = tpu.memref_squeeze %dma_wait3A_21 : memref<1x80x128xi32, #tpu.memory_space<hbm>> -> memref<80x128xi32, #tpu.memory_space<hbm>>
      %dma_wait3A_23 = arith.constant 0 : i32
      %dma_wait3A_24 = arith.constant 0 : i32
      %dma_wait3A_25 = tpu.memref_slice %arg3[%add3A, %dma_wait3A_23, %dma_wait3A_24] : memref<32x80x128xi32, #tpu.memory_space<hbm>> -> memref<1x80x128xi32, #tpu.memory_space<hbm>>
      %dma_wait3A_26 = tpu.memref_squeeze %dma_wait3A_25 : memref<1x80x128xi32, #tpu.memory_space<hbm>> -> memref<80x128xi32, #tpu.memory_space<hbm>>
      tpu.wait_dma2 semaphore(%run_scoped3A : memref<!tpu.dma_semaphore, #tpu.memory_space<semaphore_mem>>) src(%dma_wait3A_26 : memref<80x128xi32, #tpu.memory_space<hbm>>) dst(%arg7 : memref<80x128xi32, #tpu.memory_space<vmem>>)
      tpu.yield
    }) : () -> ()
    "tpu.region"() ({
      %run_scoped3A = tpu.sem_alloc : memref<!tpu.dma_semaphore, #tpu.memory_space<semaphore_mem>>
      %dma_start3A = arith.constant 0 : i32
      %dma_start3A_13 = arith.constant 0 : i32
      %dma_start3A_14 = tpu.memref_slice %arg4[%add3A, %dma_start3A, %dma_start3A_13] : memref<32x80x128xi32, #tpu.memory_space<hbm>> -> memref<1x80x128xi32, #tpu.memory_space<hbm>>
      %dma_start3A_15 = tpu.memref_squeeze %dma_start3A_14 : memref<1x80x128xi32, #tpu.memory_space<hbm>> -> memref<80x128xi32, #tpu.memory_space<hbm>>
      %dma_start3A_16 = arith.constant 0 : i32
      %dma_start3A_17 = arith.constant 0 : i32
      %dma_start3A_18 = tpu.memref_slice %arg4[%add3A, %dma_start3A_16, %dma_start3A_17] : memref<32x80x128xi32, #tpu.memory_space<hbm>> -> memref<1x80x128xi32, #tpu.memory_space<hbm>>
      %dma_start3A_19 = tpu.memref_squeeze %dma_start3A_18 : memref<1x80x128xi32, #tpu.memory_space<hbm>> -> memref<80x128xi32, #tpu.memory_space<hbm>>
      tpu.enqueue_dma source(%dma_start3A_19 : memref<80x128xi32, #tpu.memory_space<hbm>>) target(%arg8 : memref<80x128xi32, #tpu.memory_space<vmem>>) target_semaphore(%run_scoped3A : memref<!tpu.dma_semaphore, #tpu.memory_space<semaphore_mem>>)
      %dma_wait3A = arith.constant 0 : i32
      %dma_wait3A_20 = arith.constant 0 : i32
      %dma_wait3A_21 = tpu.memref_slice %arg4[%add3A, %dma_wait3A, %dma_wait3A_20] : memref<32x80x128xi32, #tpu.memory_space<hbm>> -> memref<1x80x128xi32, #tpu.memory_space<hbm>>
      %dma_wait3A_22 = tpu.memref_squeeze %dma_wait3A_21 : memref<1x80x128xi32, #tpu.memory_space<hbm>> -> memref<80x128xi32, #tpu.memory_space<hbm>>
      %dma_wait3A_23 = arith.constant 0 : i32
      %dma_wait3A_24 = arith.constant 0 : i32
      %dma_wait3A_25 = tpu.memref_slice %arg4[%add3A, %dma_wait3A_23, %dma_wait3A_24] : memref<32x80x128xi32, #tpu.memory_space<hbm>> -> memref<1x80x128xi32, #tpu.memory_space<hbm>>
      %dma_wait3A_26 = tpu.memref_squeeze %dma_wait3A_25 : memref<1x80x128xi32, #tpu.memory_space<hbm>> -> memref<80x128xi32, #tpu.memory_space<hbm>>
      tpu.wait_dma2 semaphore(%run_scoped3A : memref<!tpu.dma_semaphore, #tpu.memory_space<semaphore_mem>>) src(%dma_wait3A_26 : memref<80x128xi32, #tpu.memory_space<hbm>>) dst(%arg8 : memref<80x128xi32, #tpu.memory_space<vmem>>)
      tpu.yield
    }) : () -> ()
    %barrier3A = arith.constant 0 : index
    tpu.barrier barrier_id(%barrier3A)
    %scan3A = arith.constant 0 : i32
    %scan3A_3 = arith.constant 0 : i32
    %scan3A_4 = arith.constant 4 : i32
    %scan3A_5 = arith.addi %scan3A_3, %scan3A_4 : i32
    %scan3A_6 = arith.constant 1 : i32
    scf.for %scan3A_13 = %scan3A_3 to %scan3A_5 step %scan3A_6  : i32 {
      %mul3A_14 = arith.constant 2 : i32
      %mul3A_15 = arith.muli %mul3A_14, %scan3A_13 : i32
      %mul3A_16 = arith.constant 10 : i32
      %mul3A_17 = arith.muli %mul3A_15, %mul3A_16 : i32
      %mul3A_18 = arith.constant 2 : i32
      %mul3A_19 = arith.muli %mul3A_18, %scan3A_13 : i32
      %add3A_20 = arith.constant 1 : i32
      %add3A_21 = arith.addi %mul3A_19, %add3A_20 : i32
      %mul3A_22 = arith.constant 10 : i32
      %mul3A_23 = arith.muli %add3A_21, %mul3A_22 : i32
      %add3A_24 = arith.constant 0 : i32
      %add3A_25 = arith.addi %mul3A_17, %add3A_24 : i32
      %dma_start3A = arith.constant 0 : i32
      %dma_start3A_26 = arith.constant 0 : i32
      %dma_start3A_27 = arith.constant 0 : i32
      %dma_start3A_28 = tpu.memref_slice %arg9[%dma_start3A, %dma_start3A_26, %dma_start3A_27] : memref<10x128x16xf32, #tpu.memory_space<vmem>> -> memref<1x128x16xf32, #tpu.memory_space<vmem>>
      %dma_start3A_29 = tpu.memref_squeeze %dma_start3A_28 : memref<1x128x16xf32, #tpu.memory_space<vmem>> -> memref<128x16xf32, #tpu.memory_space<vmem>>
      %dma_start3A_30 = arith.constant 0 : i32
      %dma_start3A_31 = tpu.memref_slice %arg7[%add3A_25, %dma_start3A_30] : memref<80x128xi32, #tpu.memory_space<vmem>> -> memref<1x128xi32, #tpu.memory_space<vmem>>
      %dma_start3A_32 = tpu.memref_squeeze %dma_start3A_31 : memref<1x128xi32, #tpu.memory_space<vmem>> -> memref<128xi32, #tpu.memory_space<vmem>>
      %dma_start3A_33 = arith.constant 0 : i32
      %dma_start3A_34 = arith.constant 0 : i32
      %dma_start3A_35 = tpu.memref_slice %arg2[%dma_start3A_33, %dma_start3A_34] : memref<10240x16xf32, #tpu.memory_space<hbm>> -> memref<10240x16xf32, #tpu.memory_space<hbm>>
      tpu.enqueue_indirect_dma source(%dma_start3A_35 : memref<10240x16xf32, #tpu.memory_space<hbm>>) target(%dma_start3A_29 : memref<128x16xf32, #tpu.memory_space<vmem>>) offsets(%dma_start3A_32 : memref<128xi32, #tpu.memory_space<vmem>>) semaphore(%arg12 : memref<!tpu.dma_semaphore, #tpu.memory_space<semaphore_mem>>)
      %add3A_36 = arith.constant 1 : i32
      %add3A_37 = arith.addi %mul3A_17, %add3A_36 : i32
      %dma_start3A_38 = arith.constant 1 : i32
      %dma_start3A_39 = arith.constant 0 : i32
      %dma_start3A_40 = arith.constant 0 : i32
      %dma_start3A_41 = tpu.memref_slice %arg9[%dma_start3A_38, %dma_start3A_39, %dma_start3A_40] : memref<10x128x16xf32, #tpu.memory_space<vmem>> -> memref<1x128x16xf32, #tpu.memory_space<vmem>>
      %dma_start3A_42 = tpu.memref_squeeze %dma_start3A_41 : memref<1x128x16xf32, #tpu.memory_space<vmem>> -> memref<128x16xf32, #tpu.memory_space<vmem>>
      %dma_start3A_43 = arith.constant 0 : i32
      %dma_start3A_44 = tpu.memref_slice %arg7[%add3A_37, %dma_start3A_43] : memref<80x128xi32, #tpu.memory_space<vmem>> -> memref<1x128xi32, #tpu.memory_space<vmem>>
      %dma_start3A_45 = tpu.memref_squeeze %dma_start3A_44 : memref<1x128xi32, #tpu.memory_space<vmem>> -> memref<128xi32, #tpu.memory_space<vmem>>
      %dma_start3A_46 = arith.constant 0 : i32
      %dma_start3A_47 = arith.constant 0 : i32
      %dma_start3A_48 = tpu.memref_slice %arg2[%dma_start3A_46, %dma_start3A_47] : memref<10240x16xf32, #tpu.memory_space<hbm>> -> memref<10240x16xf32, #tpu.memory_space<hbm>>
      tpu.enqueue_indirect_dma source(%dma_start3A_48 : memref<10240x16xf32, #tpu.memory_space<hbm>>) target(%dma_start3A_42 : memref<128x16xf32, #tpu.memory_space<vmem>>) offsets(%dma_start3A_45 : memref<128xi32, #tpu.memory_space<vmem>>) semaphore(%arg12 : memref<!tpu.dma_semaphore, #tpu.memory_space<semaphore_mem>>)
      %add3A_49 = arith.constant 2 : i32
      %add3A_50 = arith.addi %mul3A_17, %add3A_49 : i32
      %dma_start3A_51 = arith.constant 2 : i32
      %dma_start3A_52 = arith.constant 0 : i32
      %dma_start3A_53 = arith.constant 0 : i32
      %dma_start3A_54 = tpu.memref_slice %arg9[%dma_start3A_51, %dma_start3A_52, %dma_start3A_53] : memref<10x128x16xf32, #tpu.memory_space<vmem>> -> memref<1x128x16xf32, #tpu.memory_space<vmem>>
      %dma_start3A_55 = tpu.memref_squeeze %dma_start3A_54 : memref<1x128x16xf32, #tpu.memory_space<vmem>> -> memref<128x16xf32, #tpu.memory_space<vmem>>
      %dma_start3A_56 = arith.constant 0 : i32
      %dma_start3A_57 = tpu.memref_slice %arg7[%add3A_50, %dma_start3A_56] : memref<80x128xi32, #tpu.memory_space<vmem>> -> memref<1x128xi32, #tpu.memory_space<vmem>>
      %dma_start3A_58 = tpu.memref_squeeze %dma_start3A_57 : memref<1x128xi32, #tpu.memory_space<vmem>> -> memref<128xi32, #tpu.memory_space<vmem>>
      %dma_start3A_59 = arith.constant 0 : i32
      %dma_start3A_60 = arith.constant 0 : i32
      %dma_start3A_61 = tpu.memref_slice %arg2[%dma_start3A_59, %dma_start3A_60] : memref<10240x16xf32, #tpu.memory_space<hbm>> -> memref<10240x16xf32, #tpu.memory_space<hbm>>
      tpu.enqueue_indirect_dma source(%dma_start3A_61 : memref<10240x16xf32, #tpu.memory_space<hbm>>) target(%dma_start3A_55 : memref<128x16xf32, #tpu.memory_space<vmem>>) offsets(%dma_start3A_58 : memref<128xi32, #tpu.memory_space<vmem>>) semaphore(%arg12 : memref<!tpu.dma_semaphore, #tpu.memory_space<semaphore_mem>>)
      %add3A_62 = arith.constant 3 : i32
      %add3A_63 = arith.addi %mul3A_17, %add3A_62 : i32
      %dma_start3A_64 = arith.constant 3 : i32
      %dma_start3A_65 = arith.constant 0 : i32
      %dma_start3A_66 = arith.constant 0 : i32
      %dma_start3A_67 = tpu.memref_slice %arg9[%dma_start3A_64, %dma_start3A_65, %dma_start3A_66] : memref<10x128x16xf32, #tpu.memory_space<vmem>> -> memref<1x128x16xf32, #tpu.memory_space<vmem>>
      %dma_start3A_68 = tpu.memref_squeeze %dma_start3A_67 : memref<1x128x16xf32, #tpu.memory_space<vmem>> -> memref<128x16xf32, #tpu.memory_space<vmem>>
      %dma_start3A_69 = arith.constant 0 : i32
      %dma_start3A_70 = tpu.memref_slice %arg7[%add3A_63, %dma_start3A_69] : memref<80x128xi32, #tpu.memory_space<vmem>> -> memref<1x128xi32, #tpu.memory_space<vmem>>
      %dma_start3A_71 = tpu.memref_squeeze %dma_start3A_70 : memref<1x128xi32, #tpu.memory_space<vmem>> -> memref<128xi32, #tpu.memory_space<vmem>>
      %dma_start3A_72 = arith.constant 0 : i32
      %dma_start3A_73 = arith.constant 0 : i32
      %dma_start3A_74 = tpu.memref_slice %arg2[%dma_start3A_72, %dma_start3A_73] : memref<10240x16xf32, #tpu.memory_space<hbm>> -> memref<10240x16xf32, #tpu.memory_space<hbm>>
      tpu.enqueue_indirect_dma source(%dma_start3A_74 : memref<10240x16xf32, #tpu.memory_space<hbm>>) target(%dma_start3A_68 : memref<128x16xf32, #tpu.memory_space<vmem>>) offsets(%dma_start3A_71 : memref<128xi32, #tpu.memory_space<vmem>>) semaphore(%arg12 : memref<!tpu.dma_semaphore, #tpu.memory_space<semaphore_mem>>)
      %add3A_75 = arith.constant 4 : i32
      %add3A_76 = arith.addi %mul3A_17, %add3A_75 : i32
      %dma_start3A_77 = arith.constant 4 : i32
      %dma_start3A_78 = arith.constant 0 : i32
      %dma_start3A_79 = arith.constant 0 : i32
      %dma_start3A_80 = tpu.memref_slice %arg9[%dma_start3A_77, %dma_start3A_78, %dma_start3A_79] : memref<10x128x16xf32, #tpu.memory_space<vmem>> -> memref<1x128x16xf32, #tpu.memory_space<vmem>>
      %dma_start3A_81 = tpu.memref_squeeze %dma_start3A_80 : memref<1x128x16xf32, #tpu.memory_space<vmem>> -> memref<128x16xf32, #tpu.memory_space<vmem>>
      %dma_start3A_82 = arith.constant 0 : i32
      %dma_start3A_83 = tpu.memref_slice %arg7[%add3A_76, %dma_start3A_82] : memref<80x128xi32, #tpu.memory_space<vmem>> -> memref<1x128xi32, #tpu.memory_space<vmem>>
      %dma_start3A_84 = tpu.memref_squeeze %dma_start3A_83 : memref<1x128xi32, #tpu.memory_space<vmem>> -> memref<128xi32, #tpu.memory_space<vmem>>
      %dma_start3A_85 = arith.constant 0 : i32
      %dma_start3A_86 = arith.constant 0 : i32
      %dma_start3A_87 = tpu.memref_slice %arg2[%dma_start3A_85, %dma_start3A_86] : memref<10240x16xf32, #tpu.memory_space<hbm>> -> memref<10240x16xf32, #tpu.memory_space<hbm>>
      tpu.enqueue_indirect_dma source(%dma_start3A_87 : memref<10240x16xf32, #tpu.memory_space<hbm>>) target(%dma_start3A_81 : memref<128x16xf32, #tpu.memory_space<vmem>>) offsets(%dma_start3A_84 : memref<128xi32, #tpu.memory_space<vmem>>) semaphore(%arg12 : memref<!tpu.dma_semaphore, #tpu.memory_space<semaphore_mem>>)
      %add3A_88 = arith.constant 5 : i32
      %add3A_89 = arith.addi %mul3A_17, %add3A_88 : i32
      %dma_start3A_90 = arith.constant 5 : i32
      %dma_start3A_91 = arith.constant 0 : i32
      %dma_start3A_92 = arith.constant 0 : i32
      %dma_start3A_93 = tpu.memref_slice %arg9[%dma_start3A_90, %dma_start3A_91, %dma_start3A_92] : memref<10x128x16xf32, #tpu.memory_space<vmem>> -> memref<1x128x16xf32, #tpu.memory_space<vmem>>
      %dma_start3A_94 = tpu.memref_squeeze %dma_start3A_93 : memref<1x128x16xf32, #tpu.memory_space<vmem>> -> memref<128x16xf32, #tpu.memory_space<vmem>>
      %dma_start3A_95 = arith.constant 0 : i32
      %dma_start3A_96 = tpu.memref_slice %arg7[%add3A_89, %dma_start3A_95] : memref<80x128xi32, #tpu.memory_space<vmem>> -> memref<1x128xi32, #tpu.memory_space<vmem>>
      %dma_start3A_97 = tpu.memref_squeeze %dma_start3A_96 : memref<1x128xi32, #tpu.memory_space<vmem>> -> memref<128xi32, #tpu.memory_space<vmem>>
      %dma_start3A_98 = arith.constant 0 : i32
      %dma_start3A_99 = arith.constant 0 : i32
      %dma_start3A_100 = tpu.memref_slice %arg2[%dma_start3A_98, %dma_start3A_99] : memref<10240x16xf32, #tpu.memory_space<hbm>> -> memref<10240x16xf32, #tpu.memory_space<hbm>>
      tpu.enqueue_indirect_dma source(%dma_start3A_100 : memref<10240x16xf32, #tpu.memory_space<hbm>>) target(%dma_start3A_94 : memref<128x16xf32, #tpu.memory_space<vmem>>) offsets(%dma_start3A_97 : memref<128xi32, #tpu.memory_space<vmem>>) semaphore(%arg12 : memref<!tpu.dma_semaphore, #tpu.memory_space<semaphore_mem>>)
      %add3A_101 = arith.constant 6 : i32
      %add3A_102 = arith.addi %mul3A_17, %add3A_101 : i32
      %dma_start3A_103 = arith.constant 6 : i32
      %dma_start3A_104 = arith.constant 0 : i32
      %dma_start3A_105 = arith.constant 0 : i32
      %dma_start3A_106 = tpu.memref_slice %arg9[%dma_start3A_103, %dma_start3A_104, %dma_start3A_105] : memref<10x128x16xf32, #tpu.memory_space<vmem>> -> memref<1x128x16xf32, #tpu.memory_space<vmem>>
      %dma_start3A_107 = tpu.memref_squeeze %dma_start3A_106 : memref<1x128x16xf32, #tpu.memory_space<vmem>> -> memref<128x16xf32, #tpu.memory_space<vmem>>
      %dma_start3A_108 = arith.constant 0 : i32
      %dma_start3A_109 = tpu.memref_slice %arg7[%add3A_102, %dma_start3A_108] : memref<80x128xi32, #tpu.memory_space<vmem>> -> memref<1x128xi32, #tpu.memory_space<vmem>>
      %dma_start3A_110 = tpu.memref_squeeze %dma_start3A_109 : memref<1x128xi32, #tpu.memory_space<vmem>> -> memref<128xi32, #tpu.memory_space<vmem>>
      %dma_start3A_111 = arith.constant 0 : i32
      %dma_start3A_112 = arith.constant 0 : i32
      %dma_start3A_113 = tpu.memref_slice %arg2[%dma_start3A_111, %dma_start3A_112] : memref<10240x16xf32, #tpu.memory_space<hbm>> -> memref<10240x16xf32, #tpu.memory_space<hbm>>
      tpu.enqueue_indirect_dma source(%dma_start3A_113 : memref<10240x16xf32, #tpu.memory_space<hbm>>) target(%dma_start3A_107 : memref<128x16xf32, #tpu.memory_space<vmem>>) offsets(%dma_start3A_110 : memref<128xi32, #tpu.memory_space<vmem>>) semaphore(%arg12 : memref<!tpu.dma_semaphore, #tpu.memory_space<semaphore_mem>>)
      %add3A_114 = arith.constant 7 : i32
      %add3A_115 = arith.addi %mul3A_17, %add3A_114 : i32
      %dma_start3A_116 = arith.constant 7 : i32
      %dma_start3A_117 = arith.constant 0 : i32
      %dma_start3A_118 = arith.constant 0 : i32
      %dma_start3A_119 = tpu.memref_slice %arg9[%dma_start3A_116, %dma_start3A_117, %dma_start3A_118] : memref<10x128x16xf32, #tpu.memory_space<vmem>> -> memref<1x128x16xf32, #tpu.memory_space<vmem>>
      %dma_start3A_120 = tpu.memref_squeeze %dma_start3A_119 : memref<1x128x16xf32, #tpu.memory_space<vmem>> -> memref<128x16xf32, #tpu.memory_space<vmem>>
      %dma_start3A_121 = arith.constant 0 : i32
      %dma_start3A_122 = tpu.memref_slice %arg7[%add3A_115, %dma_start3A_121] : memref<80x128xi32, #tpu.memory_space<vmem>> -> memref<1x128xi32, #tpu.memory_space<vmem>>
      %dma_start3A_123 = tpu.memref_squeeze %dma_start3A_122 : memref<1x128xi32, #tpu.memory_space<vmem>> -> memref<128xi32, #tpu.memory_space<vmem>>
      %dma_start3A_124 = arith.constant 0 : i32
      %dma_start3A_125 = arith.constant 0 : i32
      %dma_start3A_126 = tpu.memref_slice %arg2[%dma_start3A_124, %dma_start3A_125] : memref<10240x16xf32, #tpu.memory_space<hbm>> -> memref<10240x16xf32, #tpu.memory_space<hbm>>
      tpu.enqueue_indirect_dma source(%dma_start3A_126 : memref<10240x16xf32, #tpu.memory_space<hbm>>) target(%dma_start3A_120 : memref<128x16xf32, #tpu.memory_space<vmem>>) offsets(%dma_start3A_123 : memref<128xi32, #tpu.memory_space<vmem>>) semaphore(%arg12 : memref<!tpu.dma_semaphore, #tpu.memory_space<semaphore_mem>>)
      %add3A_127 = arith.constant 8 : i32
      %add3A_128 = arith.addi %mul3A_17, %add3A_127 : i32
      %dma_start3A_129 = arith.constant 8 : i32
      %dma_start3A_130 = arith.constant 0 : i32
      %dma_start3A_131 = arith.constant 0 : i32
      %dma_start3A_132 = tpu.memref_slice %arg9[%dma_start3A_129, %dma_start3A_130, %dma_start3A_131] : memref<10x128x16xf32, #tpu.memory_space<vmem>> -> memref<1x128x16xf32, #tpu.memory_space<vmem>>
      %dma_start3A_133 = tpu.memref_squeeze %dma_start3A_132 : memref<1x128x16xf32, #tpu.memory_space<vmem>> -> memref<128x16xf32, #tpu.memory_space<vmem>>
      %dma_start3A_134 = arith.constant 0 : i32
      %dma_start3A_135 = tpu.memref_slice %arg7[%add3A_128, %dma_start3A_134] : memref<80x128xi32, #tpu.memory_space<vmem>> -> memref<1x128xi32, #tpu.memory_space<vmem>>
      %dma_start3A_136 = tpu.memref_squeeze %dma_start3A_135 : memref<1x128xi32, #tpu.memory_space<vmem>> -> memref<128xi32, #tpu.memory_space<vmem>>
      %dma_start3A_137 = arith.constant 0 : i32
      %dma_start3A_138 = arith.constant 0 : i32
      %dma_start3A_139 = tpu.memref_slice %arg2[%dma_start3A_137, %dma_start3A_138] : memref<10240x16xf32, #tpu.memory_space<hbm>> -> memref<10240x16xf32, #tpu.memory_space<hbm>>
      tpu.enqueue_indirect_dma source(%dma_start3A_139 : memref<10240x16xf32, #tpu.memory_space<hbm>>) target(%dma_start3A_133 : memref<128x16xf32, #tpu.memory_space<vmem>>) offsets(%dma_start3A_136 : memref<128xi32, #tpu.memory_space<vmem>>) semaphore(%arg12 : memref<!tpu.dma_semaphore, #tpu.memory_space<semaphore_mem>>)
      %add3A_140 = arith.constant 9 : i32
      %add3A_141 = arith.addi %mul3A_17, %add3A_140 : i32
      %dma_start3A_142 = arith.constant 9 : i32
      %dma_start3A_143 = arith.constant 0 : i32
      %dma_start3A_144 = arith.constant 0 : i32
      %dma_start3A_145 = tpu.memref_slice %arg9[%dma_start3A_142, %dma_start3A_143, %dma_start3A_144] : memref<10x128x16xf32, #tpu.memory_space<vmem>> -> memref<1x128x16xf32, #tpu.memory_space<vmem>>
      %dma_start3A_146 = tpu.memref_squeeze %dma_start3A_145 : memref<1x128x16xf32, #tpu.memory_space<vmem>> -> memref<128x16xf32, #tpu.memory_space<vmem>>
      %dma_start3A_147 = arith.constant 0 : i32
      %dma_start3A_148 = tpu.memref_slice %arg7[%add3A_141, %dma_start3A_147] : memref<80x128xi32, #tpu.memory_space<vmem>> -> memref<1x128xi32, #tpu.memory_space<vmem>>
      %dma_start3A_149 = tpu.memref_squeeze %dma_start3A_148 : memref<1x128xi32, #tpu.memory_space<vmem>> -> memref<128xi32, #tpu.memory_space<vmem>>
      %dma_start3A_150 = arith.constant 0 : i32
      %dma_start3A_151 = arith.constant 0 : i32
      %dma_start3A_152 = tpu.memref_slice %arg2[%dma_start3A_150, %dma_start3A_151] : memref<10240x16xf32, #tpu.memory_space<hbm>> -> memref<10240x16xf32, #tpu.memory_space<hbm>>
      tpu.enqueue_indirect_dma source(%dma_start3A_152 : memref<10240x16xf32, #tpu.memory_space<hbm>>) target(%dma_start3A_146 : memref<128x16xf32, #tpu.memory_space<vmem>>) offsets(%dma_start3A_149 : memref<128xi32, #tpu.memory_space<vmem>>) semaphore(%arg12 : memref<!tpu.dma_semaphore, #tpu.memory_space<semaphore_mem>>)
      %add3A_153 = arith.constant 0 : i32
      %add3A_154 = arith.addi %mul3A_23, %add3A_153 : i32
      %dma_start3A_155 = arith.constant 0 : i32
      %dma_start3A_156 = arith.constant 0 : i32
      %dma_start3A_157 = arith.constant 0 : i32
      %dma_start3A_158 = tpu.memref_slice %arg10[%dma_start3A_155, %dma_start3A_156, %dma_start3A_157] : memref<10x128x16xf32, #tpu.memory_space<vmem>> -> memref<1x128x16xf32, #tpu.memory_space<vmem>>
      %dma_start3A_159 = tpu.memref_squeeze %dma_start3A_158 : memref<1x128x16xf32, #tpu.memory_space<vmem>> -> memref<128x16xf32, #tpu.memory_space<vmem>>
      %dma_start3A_160 = arith.constant 0 : i32
      %dma_start3A_161 = tpu.memref_slice %arg7[%add3A_154, %dma_start3A_160] : memref<80x128xi32, #tpu.memory_space<vmem>> -> memref<1x128xi32, #tpu.memory_space<vmem>>
      %dma_start3A_162 = tpu.memref_squeeze %dma_start3A_161 : memref<1x128xi32, #tpu.memory_space<vmem>> -> memref<128xi32, #tpu.memory_space<vmem>>
      %dma_start3A_163 = arith.constant 0 : i32
      %dma_start3A_164 = arith.constant 0 : i32
      %dma_start3A_165 = tpu.memref_slice %arg2[%dma_start3A_163, %dma_start3A_164] : memref<10240x16xf32, #tpu.memory_space<hbm>> -> memref<10240x16xf32, #tpu.memory_space<hbm>>
      tpu.enqueue_indirect_dma source(%dma_start3A_165 : memref<10240x16xf32, #tpu.memory_space<hbm>>) target(%dma_start3A_159 : memref<128x16xf32, #tpu.memory_space<vmem>>) offsets(%dma_start3A_162 : memref<128xi32, #tpu.memory_space<vmem>>) semaphore(%arg13 : memref<!tpu.dma_semaphore, #tpu.memory_space<semaphore_mem>>)
      %add3A_166 = arith.constant 1 : i32
      %add3A_167 = arith.addi %mul3A_23, %add3A_166 : i32
      %dma_start3A_168 = arith.constant 1 : i32
      %dma_start3A_169 = arith.constant 0 : i32
      %dma_start3A_170 = arith.constant 0 : i32
      %dma_start3A_171 = tpu.memref_slice %arg10[%dma_start3A_168, %dma_start3A_169, %dma_start3A_170] : memref<10x128x16xf32, #tpu.memory_space<vmem>> -> memref<1x128x16xf32, #tpu.memory_space<vmem>>
      %dma_start3A_172 = tpu.memref_squeeze %dma_start3A_171 : memref<1x128x16xf32, #tpu.memory_space<vmem>> -> memref<128x16xf32, #tpu.memory_space<vmem>>
      %dma_start3A_173 = arith.constant 0 : i32
      %dma_start3A_174 = tpu.memref_slice %arg7[%add3A_167, %dma_start3A_173] : memref<80x128xi32, #tpu.memory_space<vmem>> -> memref<1x128xi32, #tpu.memory_space<vmem>>
      %dma_start3A_175 = tpu.memref_squeeze %dma_start3A_174 : memref<1x128xi32, #tpu.memory_space<vmem>> -> memref<128xi32, #tpu.memory_space<vmem>>
      %dma_start3A_176 = arith.constant 0 : i32
      %dma_start3A_177 = arith.constant 0 : i32
      %dma_start3A_178 = tpu.memref_slice %arg2[%dma_start3A_176, %dma_start3A_177] : memref<10240x16xf32, #tpu.memory_space<hbm>> -> memref<10240x16xf32, #tpu.memory_space<hbm>>
      tpu.enqueue_indirect_dma source(%dma_start3A_178 : memref<10240x16xf32, #tpu.memory_space<hbm>>) target(%dma_start3A_172 : memref<128x16xf32, #tpu.memory_space<vmem>>) offsets(%dma_start3A_175 : memref<128xi32, #tpu.memory_space<vmem>>) semaphore(%arg13 : memref<!tpu.dma_semaphore, #tpu.memory_space<semaphore_mem>>)
      %add3A_179 = arith.constant 2 : i32
      %add3A_180 = arith.addi %mul3A_23, %add3A_179 : i32
      %dma_start3A_181 = arith.constant 2 : i32
      %dma_start3A_182 = arith.constant 0 : i32
      %dma_start3A_183 = arith.constant 0 : i32
      %dma_start3A_184 = tpu.memref_slice %arg10[%dma_start3A_181, %dma_start3A_182, %dma_start3A_183] : memref<10x128x16xf32, #tpu.memory_space<vmem>> -> memref<1x128x16xf32, #tpu.memory_space<vmem>>
      %dma_start3A_185 = tpu.memref_squeeze %dma_start3A_184 : memref<1x128x16xf32, #tpu.memory_space<vmem>> -> memref<128x16xf32, #tpu.memory_space<vmem>>
      %dma_start3A_186 = arith.constant 0 : i32
      %dma_start3A_187 = tpu.memref_slice %arg7[%add3A_180, %dma_start3A_186] : memref<80x128xi32, #tpu.memory_space<vmem>> -> memref<1x128xi32, #tpu.memory_space<vmem>>
      %dma_start3A_188 = tpu.memref_squeeze %dma_start3A_187 : memref<1x128xi32, #tpu.memory_space<vmem>> -> memref<128xi32, #tpu.memory_space<vmem>>
      %dma_start3A_189 = arith.constant 0 : i32
      %dma_start3A_190 = arith.constant 0 : i32
      %dma_start3A_191 = tpu.memref_slice %arg2[%dma_start3A_189, %dma_start3A_190] : memref<10240x16xf32, #tpu.memory_space<hbm>> -> memref<10240x16xf32, #tpu.memory_space<hbm>>
      tpu.enqueue_indirect_dma source(%dma_start3A_191 : memref<10240x16xf32, #tpu.memory_space<hbm>>) target(%dma_start3A_185 : memref<128x16xf32, #tpu.memory_space<vmem>>) offsets(%dma_start3A_188 : memref<128xi32, #tpu.memory_space<vmem>>) semaphore(%arg13 : memref<!tpu.dma_semaphore, #tpu.memory_space<semaphore_mem>>)
      %add3A_192 = arith.constant 3 : i32
      %add3A_193 = arith.addi %mul3A_23, %add3A_192 : i32
      %dma_start3A_194 = arith.constant 3 : i32
      %dma_start3A_195 = arith.constant 0 : i32
      %dma_start3A_196 = arith.constant 0 : i32
      %dma_start3A_197 = tpu.memref_slice %arg10[%dma_start3A_194, %dma_start3A_195, %dma_start3A_196] : memref<10x128x16xf32, #tpu.memory_space<vmem>> -> memref<1x128x16xf32, #tpu.memory_space<vmem>>
      %dma_start3A_198 = tpu.memref_squeeze %dma_start3A_197 : memref<1x128x16xf32, #tpu.memory_space<vmem>> -> memref<128x16xf32, #tpu.memory_space<vmem>>
      %dma_start3A_199 = arith.constant 0 : i32
      %dma_start3A_200 = tpu.memref_slice %arg7[%add3A_193, %dma_start3A_199] : memref<80x128xi32, #tpu.memory_space<vmem>> -> memref<1x128xi32, #tpu.memory_space<vmem>>
      %dma_start3A_201 = tpu.memref_squeeze %dma_start3A_200 : memref<1x128xi32, #tpu.memory_space<vmem>> -> memref<128xi32, #tpu.memory_space<vmem>>
      %dma_start3A_202 = arith.constant 0 : i32
      %dma_start3A_203 = arith.constant 0 : i32
      %dma_start3A_204 = tpu.memref_slice %arg2[%dma_start3A_202, %dma_start3A_203] : memref<10240x16xf32, #tpu.memory_space<hbm>> -> memref<10240x16xf32, #tpu.memory_space<hbm>>
      tpu.enqueue_indirect_dma source(%dma_start3A_204 : memref<10240x16xf32, #tpu.memory_space<hbm>>) target(%dma_start3A_198 : memref<128x16xf32, #tpu.memory_space<vmem>>) offsets(%dma_start3A_201 : memref<128xi32, #tpu.memory_space<vmem>>) semaphore(%arg13 : memref<!tpu.dma_semaphore, #tpu.memory_space<semaphore_mem>>)
      %add3A_205 = arith.constant 4 : i32
      %add3A_206 = arith.addi %mul3A_23, %add3A_205 : i32
      %dma_start3A_207 = arith.constant 4 : i32
      %dma_start3A_208 = arith.constant 0 : i32
      %dma_start3A_209 = arith.constant 0 : i32
      %dma_start3A_210 = tpu.memref_slice %arg10[%dma_start3A_207, %dma_start3A_208, %dma_start3A_209] : memref<10x128x16xf32, #tpu.memory_space<vmem>> -> memref<1x128x16xf32, #tpu.memory_space<vmem>>
      %dma_start3A_211 = tpu.memref_squeeze %dma_start3A_210 : memref<1x128x16xf32, #tpu.memory_space<vmem>> -> memref<128x16xf32, #tpu.memory_space<vmem>>
      %dma_start3A_212 = arith.constant 0 : i32
      %dma_start3A_213 = tpu.memref_slice %arg7[%add3A_206, %dma_start3A_212] : memref<80x128xi32, #tpu.memory_space<vmem>> -> memref<1x128xi32, #tpu.memory_space<vmem>>
      %dma_start3A_214 = tpu.memref_squeeze %dma_start3A_213 : memref<1x128xi32, #tpu.memory_space<vmem>> -> memref<128xi32, #tpu.memory_space<vmem>>
      %dma_start3A_215 = arith.constant 0 : i32
      %dma_start3A_216 = arith.constant 0 : i32
      %dma_start3A_217 = tpu.memref_slice %arg2[%dma_start3A_215, %dma_start3A_216] : memref<10240x16xf32, #tpu.memory_space<hbm>> -> memref<10240x16xf32, #tpu.memory_space<hbm>>
      tpu.enqueue_indirect_dma source(%dma_start3A_217 : memref<10240x16xf32, #tpu.memory_space<hbm>>) target(%dma_start3A_211 : memref<128x16xf32, #tpu.memory_space<vmem>>) offsets(%dma_start3A_214 : memref<128xi32, #tpu.memory_space<vmem>>) semaphore(%arg13 : memref<!tpu.dma_semaphore, #tpu.memory_space<semaphore_mem>>)
      %add3A_218 = arith.constant 5 : i32
      %add3A_219 = arith.addi %mul3A_23, %add3A_218 : i32
      %dma_start3A_220 = arith.constant 5 : i32
      %dma_start3A_221 = arith.constant 0 : i32
      %dma_start3A_222 = arith.constant 0 : i32
      %dma_start3A_223 = tpu.memref_slice %arg10[%dma_start3A_220, %dma_start3A_221, %dma_start3A_222] : memref<10x128x16xf32, #tpu.memory_space<vmem>> -> memref<1x128x16xf32, #tpu.memory_space<vmem>>
      %dma_start3A_224 = tpu.memref_squeeze %dma_start3A_223 : memref<1x128x16xf32, #tpu.memory_space<vmem>> -> memref<128x16xf32, #tpu.memory_space<vmem>>
      %dma_start3A_225 = arith.constant 0 : i32
      %dma_start3A_226 = tpu.memref_slice %arg7[%add3A_219, %dma_start3A_225] : memref<80x128xi32, #tpu.memory_space<vmem>> -> memref<1x128xi32, #tpu.memory_space<vmem>>
      %dma_start3A_227 = tpu.memref_squeeze %dma_start3A_226 : memref<1x128xi32, #tpu.memory_space<vmem>> -> memref<128xi32, #tpu.memory_space<vmem>>
      %dma_start3A_228 = arith.constant 0 : i32
      %dma_start3A_229 = arith.constant 0 : i32
      %dma_start3A_230 = tpu.memref_slice %arg2[%dma_start3A_228, %dma_start3A_229] : memref<10240x16xf32, #tpu.memory_space<hbm>> -> memref<10240x16xf32, #tpu.memory_space<hbm>>
      tpu.enqueue_indirect_dma source(%dma_start3A_230 : memref<10240x16xf32, #tpu.memory_space<hbm>>) target(%dma_start3A_224 : memref<128x16xf32, #tpu.memory_space<vmem>>) offsets(%dma_start3A_227 : memref<128xi32, #tpu.memory_space<vmem>>) semaphore(%arg13 : memref<!tpu.dma_semaphore, #tpu.memory_space<semaphore_mem>>)
      %add3A_231 = arith.constant 6 : i32
      %add3A_232 = arith.addi %mul3A_23, %add3A_231 : i32
      %dma_start3A_233 = arith.constant 6 : i32
      %dma_start3A_234 = arith.constant 0 : i32
      %dma_start3A_235 = arith.constant 0 : i32
      %dma_start3A_236 = tpu.memref_slice %arg10[%dma_start3A_233, %dma_start3A_234, %dma_start3A_235] : memref<10x128x16xf32, #tpu.memory_space<vmem>> -> memref<1x128x16xf32, #tpu.memory_space<vmem>>
      %dma_start3A_237 = tpu.memref_squeeze %dma_start3A_236 : memref<1x128x16xf32, #tpu.memory_space<vmem>> -> memref<128x16xf32, #tpu.memory_space<vmem>>
      %dma_start3A_238 = arith.constant 0 : i32
      %dma_start3A_239 = tpu.memref_slice %arg7[%add3A_232, %dma_start3A_238] : memref<80x128xi32, #tpu.memory_space<vmem>> -> memref<1x128xi32, #tpu.memory_space<vmem>>
      %dma_start3A_240 = tpu.memref_squeeze %dma_start3A_239 : memref<1x128xi32, #tpu.memory_space<vmem>> -> memref<128xi32, #tpu.memory_space<vmem>>
      %dma_start3A_241 = arith.constant 0 : i32
      %dma_start3A_242 = arith.constant 0 : i32
      %dma_start3A_243 = tpu.memref_slice %arg2[%dma_start3A_241, %dma_start3A_242] : memref<10240x16xf32, #tpu.memory_space<hbm>> -> memref<10240x16xf32, #tpu.memory_space<hbm>>
      tpu.enqueue_indirect_dma source(%dma_start3A_243 : memref<10240x16xf32, #tpu.memory_space<hbm>>) target(%dma_start3A_237 : memref<128x16xf32, #tpu.memory_space<vmem>>) offsets(%dma_start3A_240 : memref<128xi32, #tpu.memory_space<vmem>>) semaphore(%arg13 : memref<!tpu.dma_semaphore, #tpu.memory_space<semaphore_mem>>)
      %add3A_244 = arith.constant 7 : i32
      %add3A_245 = arith.addi %mul3A_23, %add3A_244 : i32
      %dma_start3A_246 = arith.constant 7 : i32
      %dma_start3A_247 = arith.constant 0 : i32
      %dma_start3A_248 = arith.constant 0 : i32
      %dma_start3A_249 = tpu.memref_slice %arg10[%dma_start3A_246, %dma_start3A_247, %dma_start3A_248] : memref<10x128x16xf32, #tpu.memory_space<vmem>> -> memref<1x128x16xf32, #tpu.memory_space<vmem>>
      %dma_start3A_250 = tpu.memref_squeeze %dma_start3A_249 : memref<1x128x16xf32, #tpu.memory_space<vmem>> -> memref<128x16xf32, #tpu.memory_space<vmem>>
      %dma_start3A_251 = arith.constant 0 : i32
      %dma_start3A_252 = tpu.memref_slice %arg7[%add3A_245, %dma_start3A_251] : memref<80x128xi32, #tpu.memory_space<vmem>> -> memref<1x128xi32, #tpu.memory_space<vmem>>
      %dma_start3A_253 = tpu.memref_squeeze %dma_start3A_252 : memref<1x128xi32, #tpu.memory_space<vmem>> -> memref<128xi32, #tpu.memory_space<vmem>>
      %dma_start3A_254 = arith.constant 0 : i32
      %dma_start3A_255 = arith.constant 0 : i32
      %dma_start3A_256 = tpu.memref_slice %arg2[%dma_start3A_254, %dma_start3A_255] : memref<10240x16xf32, #tpu.memory_space<hbm>> -> memref<10240x16xf32, #tpu.memory_space<hbm>>
      tpu.enqueue_indirect_dma source(%dma_start3A_256 : memref<10240x16xf32, #tpu.memory_space<hbm>>) target(%dma_start3A_250 : memref<128x16xf32, #tpu.memory_space<vmem>>) offsets(%dma_start3A_253 : memref<128xi32, #tpu.memory_space<vmem>>) semaphore(%arg13 : memref<!tpu.dma_semaphore, #tpu.memory_space<semaphore_mem>>)
      %add3A_257 = arith.constant 8 : i32
      %add3A_258 = arith.addi %mul3A_23, %add3A_257 : i32
      %dma_start3A_259 = arith.constant 8 : i32
      %dma_start3A_260 = arith.constant 0 : i32
      %dma_start3A_261 = arith.constant 0 : i32
      %dma_start3A_262 = tpu.memref_slice %arg10[%dma_start3A_259, %dma_start3A_260, %dma_start3A_261] : memref<10x128x16xf32, #tpu.memory_space<vmem>> -> memref<1x128x16xf32, #tpu.memory_space<vmem>>
      %dma_start3A_263 = tpu.memref_squeeze %dma_start3A_262 : memref<1x128x16xf32, #tpu.memory_space<vmem>> -> memref<128x16xf32, #tpu.memory_space<vmem>>
      %dma_start3A_264 = arith.constant 0 : i32
      %dma_start3A_265 = tpu.memref_slice %arg7[%add3A_258, %dma_start3A_264] : memref<80x128xi32, #tpu.memory_space<vmem>> -> memref<1x128xi32, #tpu.memory_space<vmem>>
      %dma_start3A_266 = tpu.memref_squeeze %dma_start3A_265 : memref<1x128xi32, #tpu.memory_space<vmem>> -> memref<128xi32, #tpu.memory_space<vmem>>
      %dma_start3A_267 = arith.constant 0 : i32
      %dma_start3A_268 = arith.constant 0 : i32
      %dma_start3A_269 = tpu.memref_slice %arg2[%dma_start3A_267, %dma_start3A_268] : memref<10240x16xf32, #tpu.memory_space<hbm>> -> memref<10240x16xf32, #tpu.memory_space<hbm>>
      tpu.enqueue_indirect_dma source(%dma_start3A_269 : memref<10240x16xf32, #tpu.memory_space<hbm>>) target(%dma_start3A_263 : memref<128x16xf32, #tpu.memory_space<vmem>>) offsets(%dma_start3A_266 : memref<128xi32, #tpu.memory_space<vmem>>) semaphore(%arg13 : memref<!tpu.dma_semaphore, #tpu.memory_space<semaphore_mem>>)
      %add3A_270 = arith.constant 9 : i32
      %add3A_271 = arith.addi %mul3A_23, %add3A_270 : i32
      %dma_start3A_272 = arith.constant 9 : i32
      %dma_start3A_273 = arith.constant 0 : i32
      %dma_start3A_274 = arith.constant 0 : i32
      %dma_start3A_275 = tpu.memref_slice %arg10[%dma_start3A_272, %dma_start3A_273, %dma_start3A_274] : memref<10x128x16xf32, #tpu.memory_space<vmem>> -> memref<1x128x16xf32, #tpu.memory_space<vmem>>
      %dma_start3A_276 = tpu.memref_squeeze %dma_start3A_275 : memref<1x128x16xf32, #tpu.memory_space<vmem>> -> memref<128x16xf32, #tpu.memory_space<vmem>>
      %dma_start3A_277 = arith.constant 0 : i32
      %dma_start3A_278 = tpu.memref_slice %arg7[%add3A_271, %dma_start3A_277] : memref<80x128xi32, #tpu.memory_space<vmem>> -> memref<1x128xi32, #tpu.memory_space<vmem>>
      %dma_start3A_279 = tpu.memref_squeeze %dma_start3A_278 : memref<1x128xi32, #tpu.memory_space<vmem>> -> memref<128xi32, #tpu.memory_space<vmem>>
      %dma_start3A_280 = arith.constant 0 : i32
      %dma_start3A_281 = arith.constant 0 : i32
      %dma_start3A_282 = tpu.memref_slice %arg2[%dma_start3A_280, %dma_start3A_281] : memref<10240x16xf32, #tpu.memory_space<hbm>> -> memref<10240x16xf32, #tpu.memory_space<hbm>>
      tpu.enqueue_indirect_dma source(%dma_start3A_282 : memref<10240x16xf32, #tpu.memory_space<hbm>>) target(%dma_start3A_276 : memref<128x16xf32, #tpu.memory_space<vmem>>) offsets(%dma_start3A_279 : memref<128xi32, #tpu.memory_space<vmem>>) semaphore(%arg13 : memref<!tpu.dma_semaphore, #tpu.memory_space<semaphore_mem>>)
      %dma_wait3A = arith.constant 0 : i32
      %dma_wait3A_283 = arith.constant 0 : i32
      %dma_wait3A_284 = arith.constant 0 : i32
      %dma_wait3A_285 = tpu.memref_slice %arg9[%dma_wait3A, %dma_wait3A_283, %dma_wait3A_284] : memref<10x128x16xf32, #tpu.memory_space<vmem>> -> memref<1x128x16xf32, #tpu.memory_space<vmem>>
      %dma_wait3A_286 = tpu.memref_squeeze %dma_wait3A_285 : memref<1x128x16xf32, #tpu.memory_space<vmem>> -> memref<128x16xf32, #tpu.memory_space<vmem>>
      %dma_wait3A_287 = arith.constant 0 : i32
      %dma_wait3A_288 = tpu.memref_slice %arg7[%add3A_25, %dma_wait3A_287] : memref<80x128xi32, #tpu.memory_space<vmem>> -> memref<1x128xi32, #tpu.memory_space<vmem>>
      %dma_wait3A_289 = tpu.memref_squeeze %dma_wait3A_288 : memref<1x128xi32, #tpu.memory_space<vmem>> -> memref<128xi32, #tpu.memory_space<vmem>>
      %dma_wait3A_290 = arith.constant 0 : i32
      %dma_wait3A_291 = arith.constant 0 : i32
      %dma_wait3A_292 = tpu.memref_slice %arg2[%dma_wait3A_290, %dma_wait3A_291] : memref<10240x16xf32, #tpu.memory_space<hbm>> -> memref<10240x16xf32, #tpu.memory_space<hbm>>
      tpu.wait_indirect_dma semaphore(%arg12 : memref<!tpu.dma_semaphore, #tpu.memory_space<semaphore_mem>>) src(%dma_wait3A_292 : memref<10240x16xf32, #tpu.memory_space<hbm>>) dst(%dma_wait3A_286 : memref<128x16xf32, #tpu.memory_space<vmem>>)
      %dma_wait3A_293 = arith.constant 1 : i32
      %dma_wait3A_294 = arith.constant 0 : i32
      %dma_wait3A_295 = arith.constant 0 : i32
      %dma_wait3A_296 = tpu.memref_slice %arg9[%dma_wait3A_293, %dma_wait3A_294, %dma_wait3A_295] : memref<10x128x16xf32, #tpu.memory_space<vmem>> -> memref<1x128x16xf32, #tpu.memory_space<vmem>>
      %dma_wait3A_297 = tpu.memref_squeeze %dma_wait3A_296 : memref<1x128x16xf32, #tpu.memory_space<vmem>> -> memref<128x16xf32, #tpu.memory_space<vmem>>
      %dma_wait3A_298 = arith.constant 0 : i32
      %dma_wait3A_299 = tpu.memref_slice %arg7[%add3A_37, %dma_wait3A_298] : memref<80x128xi32, #tpu.memory_space<vmem>> -> memref<1x128xi32, #tpu.memory_space<vmem>>
      %dma_wait3A_300 = tpu.memref_squeeze %dma_wait3A_299 : memref<1x128xi32, #tpu.memory_space<vmem>> -> memref<128xi32, #tpu.memory_space<vmem>>
      %dma_wait3A_301 = arith.constant 0 : i32
      %dma_wait3A_302 = arith.constant 0 : i32
      %dma_wait3A_303 = tpu.memref_slice %arg2[%dma_wait3A_301, %dma_wait3A_302] : memref<10240x16xf32, #tpu.memory_space<hbm>> -> memref<10240x16xf32, #tpu.memory_space<hbm>>
      tpu.wait_indirect_dma semaphore(%arg12 : memref<!tpu.dma_semaphore, #tpu.memory_space<semaphore_mem>>) src(%dma_wait3A_303 : memref<10240x16xf32, #tpu.memory_space<hbm>>) dst(%dma_wait3A_297 : memref<128x16xf32, #tpu.memory_space<vmem>>)
      %dma_wait3A_304 = arith.constant 2 : i32
      %dma_wait3A_305 = arith.constant 0 : i32
      %dma_wait3A_306 = arith.constant 0 : i32
      %dma_wait3A_307 = tpu.memref_slice %arg9[%dma_wait3A_304, %dma_wait3A_305, %dma_wait3A_306] : memref<10x128x16xf32, #tpu.memory_space<vmem>> -> memref<1x128x16xf32, #tpu.memory_space<vmem>>
      %dma_wait3A_308 = tpu.memref_squeeze %dma_wait3A_307 : memref<1x128x16xf32, #tpu.memory_space<vmem>> -> memref<128x16xf32, #tpu.memory_space<vmem>>
      %dma_wait3A_309 = arith.constant 0 : i32
      %dma_wait3A_310 = tpu.memref_slice %arg7[%add3A_50, %dma_wait3A_309] : memref<80x128xi32, #tpu.memory_space<vmem>> -> memref<1x128xi32, #tpu.memory_space<vmem>>
      %dma_wait3A_311 = tpu.memref_squeeze %dma_wait3A_310 : memref<1x128xi32, #tpu.memory_space<vmem>> -> memref<128xi32, #tpu.memory_space<vmem>>
      %dma_wait3A_312 = arith.constant 0 : i32
      %dma_wait3A_313 = arith.constant 0 : i32
      %dma_wait3A_314 = tpu.memref_slice %arg2[%dma_wait3A_312, %dma_wait3A_313] : memref<10240x16xf32, #tpu.memory_space<hbm>> -> memref<10240x16xf32, #tpu.memory_space<hbm>>
      tpu.wait_indirect_dma semaphore(%arg12 : memref<!tpu.dma_semaphore, #tpu.memory_space<semaphore_mem>>) src(%dma_wait3A_314 : memref<10240x16xf32, #tpu.memory_space<hbm>>) dst(%dma_wait3A_308 : memref<128x16xf32, #tpu.memory_space<vmem>>)
      %dma_wait3A_315 = arith.constant 3 : i32
      %dma_wait3A_316 = arith.constant 0 : i32
      %dma_wait3A_317 = arith.constant 0 : i32
      %dma_wait3A_318 = tpu.memref_slice %arg9[%dma_wait3A_315, %dma_wait3A_316, %dma_wait3A_317] : memref<10x128x16xf32, #tpu.memory_space<vmem>> -> memref<1x128x16xf32, #tpu.memory_space<vmem>>
      %dma_wait3A_319 = tpu.memref_squeeze %dma_wait3A_318 : memref<1x128x16xf32, #tpu.memory_space<vmem>> -> memref<128x16xf32, #tpu.memory_space<vmem>>
      %dma_wait3A_320 = arith.constant 0 : i32
      %dma_wait3A_321 = tpu.memref_slice %arg7[%add3A_63, %dma_wait3A_320] : memref<80x128xi32, #tpu.memory_space<vmem>> -> memref<1x128xi32, #tpu.memory_space<vmem>>
      %dma_wait3A_322 = tpu.memref_squeeze %dma_wait3A_321 : memref<1x128xi32, #tpu.memory_space<vmem>> -> memref<128xi32, #tpu.memory_space<vmem>>
      %dma_wait3A_323 = arith.constant 0 : i32
      %dma_wait3A_324 = arith.constant 0 : i32
      %dma_wait3A_325 = tpu.memref_slice %arg2[%dma_wait3A_323, %dma_wait3A_324] : memref<10240x16xf32, #tpu.memory_space<hbm>> -> memref<10240x16xf32, #tpu.memory_space<hbm>>
      tpu.wait_indirect_dma semaphore(%arg12 : memref<!tpu.dma_semaphore, #tpu.memory_space<semaphore_mem>>) src(%dma_wait3A_325 : memref<10240x16xf32, #tpu.memory_space<hbm>>) dst(%dma_wait3A_319 : memref<128x16xf32, #tpu.memory_space<vmem>>)
      %dma_wait3A_326 = arith.constant 4 : i32
      %dma_wait3A_327 = arith.constant 0 : i32
      %dma_wait3A_328 = arith.constant 0 : i32
      %dma_wait3A_329 = tpu.memref_slice %arg9[%dma_wait3A_326, %dma_wait3A_327, %dma_wait3A_328] : memref<10x128x16xf32, #tpu.memory_space<vmem>> -> memref<1x128x16xf32, #tpu.memory_space<vmem>>
      %dma_wait3A_330 = tpu.memref_squeeze %dma_wait3A_329 : memref<1x128x16xf32, #tpu.memory_space<vmem>> -> memref<128x16xf32, #tpu.memory_space<vmem>>
      %dma_wait3A_331 = arith.constant 0 : i32
      %dma_wait3A_332 = tpu.memref_slice %arg7[%add3A_76, %dma_wait3A_331] : memref<80x128xi32, #tpu.memory_space<vmem>> -> memref<1x128xi32, #tpu.memory_space<vmem>>
      %dma_wait3A_333 = tpu.memref_squeeze %dma_wait3A_332 : memref<1x128xi32, #tpu.memory_space<vmem>> -> memref<128xi32, #tpu.memory_space<vmem>>
      %dma_wait3A_334 = arith.constant 0 : i32
      %dma_wait3A_335 = arith.constant 0 : i32
      %dma_wait3A_336 = tpu.memref_slice %arg2[%dma_wait3A_334, %dma_wait3A_335] : memref<10240x16xf32, #tpu.memory_space<hbm>> -> memref<10240x16xf32, #tpu.memory_space<hbm>>
      tpu.wait_indirect_dma semaphore(%arg12 : memref<!tpu.dma_semaphore, #tpu.memory_space<semaphore_mem>>) src(%dma_wait3A_336 : memref<10240x16xf32, #tpu.memory_space<hbm>>) dst(%dma_wait3A_330 : memref<128x16xf32, #tpu.memory_space<vmem>>)
      %dma_wait3A_337 = arith.constant 5 : i32
      %dma_wait3A_338 = arith.constant 0 : i32
      %dma_wait3A_339 = arith.constant 0 : i32
      %dma_wait3A_340 = tpu.memref_slice %arg9[%dma_wait3A_337, %dma_wait3A_338, %dma_wait3A_339] : memref<10x128x16xf32, #tpu.memory_space<vmem>> -> memref<1x128x16xf32, #tpu.memory_space<vmem>>
      %dma_wait3A_341 = tpu.memref_squeeze %dma_wait3A_340 : memref<1x128x16xf32, #tpu.memory_space<vmem>> -> memref<128x16xf32, #tpu.memory_space<vmem>>
      %dma_wait3A_342 = arith.constant 0 : i32
      %dma_wait3A_343 = tpu.memref_slice %arg7[%add3A_89, %dma_wait3A_342] : memref<80x128xi32, #tpu.memory_space<vmem>> -> memref<1x128xi32, #tpu.memory_space<vmem>>
      %dma_wait3A_344 = tpu.memref_squeeze %dma_wait3A_343 : memref<1x128xi32, #tpu.memory_space<vmem>> -> memref<128xi32, #tpu.memory_space<vmem>>
      %dma_wait3A_345 = arith.constant 0 : i32
      %dma_wait3A_346 = arith.constant 0 : i32
      %dma_wait3A_347 = tpu.memref_slice %arg2[%dma_wait3A_345, %dma_wait3A_346] : memref<10240x16xf32, #tpu.memory_space<hbm>> -> memref<10240x16xf32, #tpu.memory_space<hbm>>
      tpu.wait_indirect_dma semaphore(%arg12 : memref<!tpu.dma_semaphore, #tpu.memory_space<semaphore_mem>>) src(%dma_wait3A_347 : memref<10240x16xf32, #tpu.memory_space<hbm>>) dst(%dma_wait3A_341 : memref<128x16xf32, #tpu.memory_space<vmem>>)
      %dma_wait3A_348 = arith.constant 6 : i32
      %dma_wait3A_349 = arith.constant 0 : i32
      %dma_wait3A_350 = arith.constant 0 : i32
      %dma_wait3A_351 = tpu.memref_slice %arg9[%dma_wait3A_348, %dma_wait3A_349, %dma_wait3A_350] : memref<10x128x16xf32, #tpu.memory_space<vmem>> -> memref<1x128x16xf32, #tpu.memory_space<vmem>>
      %dma_wait3A_352 = tpu.memref_squeeze %dma_wait3A_351 : memref<1x128x16xf32, #tpu.memory_space<vmem>> -> memref<128x16xf32, #tpu.memory_space<vmem>>
      %dma_wait3A_353 = arith.constant 0 : i32
      %dma_wait3A_354 = tpu.memref_slice %arg7[%add3A_102, %dma_wait3A_353] : memref<80x128xi32, #tpu.memory_space<vmem>> -> memref<1x128xi32, #tpu.memory_space<vmem>>
      %dma_wait3A_355 = tpu.memref_squeeze %dma_wait3A_354 : memref<1x128xi32, #tpu.memory_space<vmem>> -> memref<128xi32, #tpu.memory_space<vmem>>
      %dma_wait3A_356 = arith.constant 0 : i32
      %dma_wait3A_357 = arith.constant 0 : i32
      %dma_wait3A_358 = tpu.memref_slice %arg2[%dma_wait3A_356, %dma_wait3A_357] : memref<10240x16xf32, #tpu.memory_space<hbm>> -> memref<10240x16xf32, #tpu.memory_space<hbm>>
      tpu.wait_indirect_dma semaphore(%arg12 : memref<!tpu.dma_semaphore, #tpu.memory_space<semaphore_mem>>) src(%dma_wait3A_358 : memref<10240x16xf32, #tpu.memory_space<hbm>>) dst(%dma_wait3A_352 : memref<128x16xf32, #tpu.memory_space<vmem>>)
      %dma_wait3A_359 = arith.constant 7 : i32
      %dma_wait3A_360 = arith.constant 0 : i32
      %dma_wait3A_361 = arith.constant 0 : i32
      %dma_wait3A_362 = tpu.memref_slice %arg9[%dma_wait3A_359, %dma_wait3A_360, %dma_wait3A_361] : memref<10x128x16xf32, #tpu.memory_space<vmem>> -> memref<1x128x16xf32, #tpu.memory_space<vmem>>
      %dma_wait3A_363 = tpu.memref_squeeze %dma_wait3A_362 : memref<1x128x16xf32, #tpu.memory_space<vmem>> -> memref<128x16xf32, #tpu.memory_space<vmem>>
      %dma_wait3A_364 = arith.constant 0 : i32
      %dma_wait3A_365 = tpu.memref_slice %arg7[%add3A_115, %dma_wait3A_364] : memref<80x128xi32, #tpu.memory_space<vmem>> -> memref<1x128xi32, #tpu.memory_space<vmem>>
      %dma_wait3A_366 = tpu.memref_squeeze %dma_wait3A_365 : memref<1x128xi32, #tpu.memory_space<vmem>> -> memref<128xi32, #tpu.memory_space<vmem>>
      %dma_wait3A_367 = arith.constant 0 : i32
      %dma_wait3A_368 = arith.constant 0 : i32
      %dma_wait3A_369 = tpu.memref_slice %arg2[%dma_wait3A_367, %dma_wait3A_368] : memref<10240x16xf32, #tpu.memory_space<hbm>> -> memref<10240x16xf32, #tpu.memory_space<hbm>>
      tpu.wait_indirect_dma semaphore(%arg12 : memref<!tpu.dma_semaphore, #tpu.memory_space<semaphore_mem>>) src(%dma_wait3A_369 : memref<10240x16xf32, #tpu.memory_space<hbm>>) dst(%dma_wait3A_363 : memref<128x16xf32, #tpu.memory_space<vmem>>)
      %dma_wait3A_370 = arith.constant 8 : i32
      %dma_wait3A_371 = arith.constant 0 : i32
      %dma_wait3A_372 = arith.constant 0 : i32
      %dma_wait3A_373 = tpu.memref_slice %arg9[%dma_wait3A_370, %dma_wait3A_371, %dma_wait3A_372] : memref<10x128x16xf32, #tpu.memory_space<vmem>> -> memref<1x128x16xf32, #tpu.memory_space<vmem>>
      %dma_wait3A_374 = tpu.memref_squeeze %dma_wait3A_373 : memref<1x128x16xf32, #tpu.memory_space<vmem>> -> memref<128x16xf32, #tpu.memory_space<vmem>>
      %dma_wait3A_375 = arith.constant 0 : i32
      %dma_wait3A_376 = tpu.memref_slice %arg7[%add3A_128, %dma_wait3A_375] : memref<80x128xi32, #tpu.memory_space<vmem>> -> memref<1x128xi32, #tpu.memory_space<vmem>>
      %dma_wait3A_377 = tpu.memref_squeeze %dma_wait3A_376 : memref<1x128xi32, #tpu.memory_space<vmem>> -> memref<128xi32, #tpu.memory_space<vmem>>
      %dma_wait3A_378 = arith.constant 0 : i32
      %dma_wait3A_379 = arith.constant 0 : i32
      %dma_wait3A_380 = tpu.memref_slice %arg2[%dma_wait3A_378, %dma_wait3A_379] : memref<10240x16xf32, #tpu.memory_space<hbm>> -> memref<10240x16xf32, #tpu.memory_space<hbm>>
      tpu.wait_indirect_dma semaphore(%arg12 : memref<!tpu.dma_semaphore, #tpu.memory_space<semaphore_mem>>) src(%dma_wait3A_380 : memref<10240x16xf32, #tpu.memory_space<hbm>>) dst(%dma_wait3A_374 : memref<128x16xf32, #tpu.memory_space<vmem>>)
      %dma_wait3A_381 = arith.constant 9 : i32
      %dma_wait3A_382 = arith.constant 0 : i32
      %dma_wait3A_383 = arith.constant 0 : i32
      %dma_wait3A_384 = tpu.memref_slice %arg9[%dma_wait3A_381, %dma_wait3A_382, %dma_wait3A_383] : memref<10x128x16xf32, #tpu.memory_space<vmem>> -> memref<1x128x16xf32, #tpu.memory_space<vmem>>
      %dma_wait3A_385 = tpu.memref_squeeze %dma_wait3A_384 : memref<1x128x16xf32, #tpu.memory_space<vmem>> -> memref<128x16xf32, #tpu.memory_space<vmem>>
      %dma_wait3A_386 = arith.constant 0 : i32
      %dma_wait3A_387 = tpu.memref_slice %arg7[%add3A_141, %dma_wait3A_386] : memref<80x128xi32, #tpu.memory_space<vmem>> -> memref<1x128xi32, #tpu.memory_space<vmem>>
      %dma_wait3A_388 = tpu.memref_squeeze %dma_wait3A_387 : memref<1x128xi32, #tpu.memory_space<vmem>> -> memref<128xi32, #tpu.memory_space<vmem>>
      %dma_wait3A_389 = arith.constant 0 : i32
      %dma_wait3A_390 = arith.constant 0 : i32
      %dma_wait3A_391 = tpu.memref_slice %arg2[%dma_wait3A_389, %dma_wait3A_390] : memref<10240x16xf32, #tpu.memory_space<hbm>> -> memref<10240x16xf32, #tpu.memory_space<hbm>>
      tpu.wait_indirect_dma semaphore(%arg12 : memref<!tpu.dma_semaphore, #tpu.memory_space<semaphore_mem>>) src(%dma_wait3A_391 : memref<10240x16xf32, #tpu.memory_space<hbm>>) dst(%dma_wait3A_385 : memref<128x16xf32, #tpu.memory_space<vmem>>)
      %add3A_392 = arith.constant 0 : i32
      %add3A_393 = arith.addi %mul3A_17, %add3A_392 : i32
      %dma_start3A_394 = arith.constant 0 : i32
      %dma_start3A_395 = arith.constant 0 : i32
      %dma_start3A_396 = arith.constant 0 : i32
      %dma_start3A_397 = tpu.memref_slice %arg9[%dma_start3A_394, %dma_start3A_395, %dma_start3A_396] : memref<10x128x16xf32, #tpu.memory_space<vmem>> -> memref<1x128x16xf32, #tpu.memory_space<vmem>>
      %dma_start3A_398 = tpu.memref_squeeze %dma_start3A_397 : memref<1x128x16xf32, #tpu.memory_space<vmem>> -> memref<128x16xf32, #tpu.memory_space<vmem>>
      %dma_start3A_399 = arith.constant 0 : i32
      %dma_start3A_400 = tpu.memref_slice %arg8[%add3A_393, %dma_start3A_399] : memref<80x128xi32, #tpu.memory_space<vmem>> -> memref<1x128xi32, #tpu.memory_space<vmem>>
      %dma_start3A_401 = tpu.memref_squeeze %dma_start3A_400 : memref<1x128xi32, #tpu.memory_space<vmem>> -> memref<128xi32, #tpu.memory_space<vmem>>
      %dma_start3A_402 = arith.constant 0 : i32
      %dma_start3A_403 = arith.constant 0 : i32
      %dma_start3A_404 = tpu.memref_slice %arg11[%dma_start3A_402, %dma_start3A_403] : memref<10240x16xf32, #tpu.memory_space<vmem_shared>> -> memref<10240x16xf32, #tpu.memory_space<vmem_shared>>
      tpu.enqueue_indirect_dma source(%dma_start3A_398 : memref<128x16xf32, #tpu.memory_space<vmem>>) target(%dma_start3A_404 : memref<10240x16xf32, #tpu.memory_space<vmem_shared>>) offsets(%dma_start3A_401 : memref<128xi32, #tpu.memory_space<vmem>>) semaphore(%arg14 : memref<!tpu.dma_semaphore, #tpu.memory_space<semaphore_mem>>) {add = true}
      %add3A_405 = arith.constant 1 : i32
      %add3A_406 = arith.addi %mul3A_17, %add3A_405 : i32
      %dma_start3A_407 = arith.constant 1 : i32
      %dma_start3A_408 = arith.constant 0 : i32
      %dma_start3A_409 = arith.constant 0 : i32
      %dma_start3A_410 = tpu.memref_slice %arg9[%dma_start3A_407, %dma_start3A_408, %dma_start3A_409] : memref<10x128x16xf32, #tpu.memory_space<vmem>> -> memref<1x128x16xf32, #tpu.memory_space<vmem>>
      %dma_start3A_411 = tpu.memref_squeeze %dma_start3A_410 : memref<1x128x16xf32, #tpu.memory_space<vmem>> -> memref<128x16xf32, #tpu.memory_space<vmem>>
      %dma_start3A_412 = arith.constant 0 : i32
      %dma_start3A_413 = tpu.memref_slice %arg8[%add3A_406, %dma_start3A_412] : memref<80x128xi32, #tpu.memory_space<vmem>> -> memref<1x128xi32, #tpu.memory_space<vmem>>
      %dma_start3A_414 = tpu.memref_squeeze %dma_start3A_413 : memref<1x128xi32, #tpu.memory_space<vmem>> -> memref<128xi32, #tpu.memory_space<vmem>>
      %dma_start3A_415 = arith.constant 0 : i32
      %dma_start3A_416 = arith.constant 0 : i32
      %dma_start3A_417 = tpu.memref_slice %arg11[%dma_start3A_415, %dma_start3A_416] : memref<10240x16xf32, #tpu.memory_space<vmem_shared>> -> memref<10240x16xf32, #tpu.memory_space<vmem_shared>>
      tpu.enqueue_indirect_dma source(%dma_start3A_411 : memref<128x16xf32, #tpu.memory_space<vmem>>) target(%dma_start3A_417 : memref<10240x16xf32, #tpu.memory_space<vmem_shared>>) offsets(%dma_start3A_414 : memref<128xi32, #tpu.memory_space<vmem>>) semaphore(%arg14 : memref<!tpu.dma_semaphore, #tpu.memory_space<semaphore_mem>>) {add = true}
      %add3A_418 = arith.constant 2 : i32
      %add3A_419 = arith.addi %mul3A_17, %add3A_418 : i32
      %dma_start3A_420 = arith.constant 2 : i32
      %dma_start3A_421 = arith.constant 0 : i32
      %dma_start3A_422 = arith.constant 0 : i32
      %dma_start3A_423 = tpu.memref_slice %arg9[%dma_start3A_420, %dma_start3A_421, %dma_start3A_422] : memref<10x128x16xf32, #tpu.memory_space<vmem>> -> memref<1x128x16xf32, #tpu.memory_space<vmem>>
      %dma_start3A_424 = tpu.memref_squeeze %dma_start3A_423 : memref<1x128x16xf32, #tpu.memory_space<vmem>> -> memref<128x16xf32, #tpu.memory_space<vmem>>
      %dma_start3A_425 = arith.constant 0 : i32
      %dma_start3A_426 = tpu.memref_slice %arg8[%add3A_419, %dma_start3A_425] : memref<80x128xi32, #tpu.memory_space<vmem>> -> memref<1x128xi32, #tpu.memory_space<vmem>>
      %dma_start3A_427 = tpu.memref_squeeze %dma_start3A_426 : memref<1x128xi32, #tpu.memory_space<vmem>> -> memref<128xi32, #tpu.memory_space<vmem>>
      %dma_start3A_428 = arith.constant 0 : i32
      %dma_start3A_429 = arith.constant 0 : i32
      %dma_start3A_430 = tpu.memref_slice %arg11[%dma_start3A_428, %dma_start3A_429] : memref<10240x16xf32, #tpu.memory_space<vmem_shared>> -> memref<10240x16xf32, #tpu.memory_space<vmem_shared>>
      tpu.enqueue_indirect_dma source(%dma_start3A_424 : memref<128x16xf32, #tpu.memory_space<vmem>>) target(%dma_start3A_430 : memref<10240x16xf32, #tpu.memory_space<vmem_shared>>) offsets(%dma_start3A_427 : memref<128xi32, #tpu.memory_space<vmem>>) semaphore(%arg14 : memref<!tpu.dma_semaphore, #tpu.memory_space<semaphore_mem>>) {add = true}
      %add3A_431 = arith.constant 3 : i32
      %add3A_432 = arith.addi %mul3A_17, %add3A_431 : i32
      %dma_start3A_433 = arith.constant 3 : i32
      %dma_start3A_434 = arith.constant 0 : i32
      %dma_start3A_435 = arith.constant 0 : i32
      %dma_start3A_436 = tpu.memref_slice %arg9[%dma_start3A_433, %dma_start3A_434, %dma_start3A_435] : memref<10x128x16xf32, #tpu.memory_space<vmem>> -> memref<1x128x16xf32, #tpu.memory_space<vmem>>
      %dma_start3A_437 = tpu.memref_squeeze %dma_start3A_436 : memref<1x128x16xf32, #tpu.memory_space<vmem>> -> memref<128x16xf32, #tpu.memory_space<vmem>>
      %dma_start3A_438 = arith.constant 0 : i32
      %dma_start3A_439 = tpu.memref_slice %arg8[%add3A_432, %dma_start3A_438] : memref<80x128xi32, #tpu.memory_space<vmem>> -> memref<1x128xi32, #tpu.memory_space<vmem>>
      %dma_start3A_440 = tpu.memref_squeeze %dma_start3A_439 : memref<1x128xi32, #tpu.memory_space<vmem>> -> memref<128xi32, #tpu.memory_space<vmem>>
      %dma_start3A_441 = arith.constant 0 : i32
      %dma_start3A_442 = arith.constant 0 : i32
      %dma_start3A_443 = tpu.memref_slice %arg11[%dma_start3A_441, %dma_start3A_442] : memref<10240x16xf32, #tpu.memory_space<vmem_shared>> -> memref<10240x16xf32, #tpu.memory_space<vmem_shared>>
      tpu.enqueue_indirect_dma source(%dma_start3A_437 : memref<128x16xf32, #tpu.memory_space<vmem>>) target(%dma_start3A_443 : memref<10240x16xf32, #tpu.memory_space<vmem_shared>>) offsets(%dma_start3A_440 : memref<128xi32, #tpu.memory_space<vmem>>) semaphore(%arg14 : memref<!tpu.dma_semaphore, #tpu.memory_space<semaphore_mem>>) {add = true}
      %add3A_444 = arith.constant 4 : i32
      %add3A_445 = arith.addi %mul3A_17, %add3A_444 : i32
      %dma_start3A_446 = arith.constant 4 : i32
      %dma_start3A_447 = arith.constant 0 : i32
      %dma_start3A_448 = arith.constant 0 : i32
      %dma_start3A_449 = tpu.memref_slice %arg9[%dma_start3A_446, %dma_start3A_447, %dma_start3A_448] : memref<10x128x16xf32, #tpu.memory_space<vmem>> -> memref<1x128x16xf32, #tpu.memory_space<vmem>>
      %dma_start3A_450 = tpu.memref_squeeze %dma_start3A_449 : memref<1x128x16xf32, #tpu.memory_space<vmem>> -> memref<128x16xf32, #tpu.memory_space<vmem>>
      %dma_start3A_451 = arith.constant 0 : i32
      %dma_start3A_452 = tpu.memref_slice %arg8[%add3A_445, %dma_start3A_451] : memref<80x128xi32, #tpu.memory_space<vmem>> -> memref<1x128xi32, #tpu.memory_space<vmem>>
      %dma_start3A_453 = tpu.memref_squeeze %dma_start3A_452 : memref<1x128xi32, #tpu.memory_space<vmem>> -> memref<128xi32, #tpu.memory_space<vmem>>
      %dma_start3A_454 = arith.constant 0 : i32
      %dma_start3A_455 = arith.constant 0 : i32
      %dma_start3A_456 = tpu.memref_slice %arg11[%dma_start3A_454, %dma_start3A_455] : memref<10240x16xf32, #tpu.memory_space<vmem_shared>> -> memref<10240x16xf32, #tpu.memory_space<vmem_shared>>
      tpu.enqueue_indirect_dma source(%dma_start3A_450 : memref<128x16xf32, #tpu.memory_space<vmem>>) target(%dma_start3A_456 : memref<10240x16xf32, #tpu.memory_space<vmem_shared>>) offsets(%dma_start3A_453 : memref<128xi32, #tpu.memory_space<vmem>>) semaphore(%arg14 : memref<!tpu.dma_semaphore, #tpu.memory_space<semaphore_mem>>) {add = true}
      %add3A_457 = arith.constant 5 : i32
      %add3A_458 = arith.addi %mul3A_17, %add3A_457 : i32
      %dma_start3A_459 = arith.constant 5 : i32
      %dma_start3A_460 = arith.constant 0 : i32
      %dma_start3A_461 = arith.constant 0 : i32
      %dma_start3A_462 = tpu.memref_slice %arg9[%dma_start3A_459, %dma_start3A_460, %dma_start3A_461] : memref<10x128x16xf32, #tpu.memory_space<vmem>> -> memref<1x128x16xf32, #tpu.memory_space<vmem>>
      %dma_start3A_463 = tpu.memref_squeeze %dma_start3A_462 : memref<1x128x16xf32, #tpu.memory_space<vmem>> -> memref<128x16xf32, #tpu.memory_space<vmem>>
      %dma_start3A_464 = arith.constant 0 : i32
      %dma_start3A_465 = tpu.memref_slice %arg8[%add3A_458, %dma_start3A_464] : memref<80x128xi32, #tpu.memory_space<vmem>> -> memref<1x128xi32, #tpu.memory_space<vmem>>
      %dma_start3A_466 = tpu.memref_squeeze %dma_start3A_465 : memref<1x128xi32, #tpu.memory_space<vmem>> -> memref<128xi32, #tpu.memory_space<vmem>>
      %dma_start3A_467 = arith.constant 0 : i32
      %dma_start3A_468 = arith.constant 0 : i32
      %dma_start3A_469 = tpu.memref_slice %arg11[%dma_start3A_467, %dma_start3A_468] : memref<10240x16xf32, #tpu.memory_space<vmem_shared>> -> memref<10240x16xf32, #tpu.memory_space<vmem_shared>>
      tpu.enqueue_indirect_dma source(%dma_start3A_463 : memref<128x16xf32, #tpu.memory_space<vmem>>) target(%dma_start3A_469 : memref<10240x16xf32, #tpu.memory_space<vmem_shared>>) offsets(%dma_start3A_466 : memref<128xi32, #tpu.memory_space<vmem>>) semaphore(%arg14 : memref<!tpu.dma_semaphore, #tpu.memory_space<semaphore_mem>>) {add = true}
      %add3A_470 = arith.constant 6 : i32
      %add3A_471 = arith.addi %mul3A_17, %add3A_470 : i32
      %dma_start3A_472 = arith.constant 6 : i32
      %dma_start3A_473 = arith.constant 0 : i32
      %dma_start3A_474 = arith.constant 0 : i32
      %dma_start3A_475 = tpu.memref_slice %arg9[%dma_start3A_472, %dma_start3A_473, %dma_start3A_474] : memref<10x128x16xf32, #tpu.memory_space<vmem>> -> memref<1x128x16xf32, #tpu.memory_space<vmem>>
      %dma_start3A_476 = tpu.memref_squeeze %dma_start3A_475 : memref<1x128x16xf32, #tpu.memory_space<vmem>> -> memref<128x16xf32, #tpu.memory_space<vmem>>
      %dma_start3A_477 = arith.constant 0 : i32
      %dma_start3A_478 = tpu.memref_slice %arg8[%add3A_471, %dma_start3A_477] : memref<80x128xi32, #tpu.memory_space<vmem>> -> memref<1x128xi32, #tpu.memory_space<vmem>>
      %dma_start3A_479 = tpu.memref_squeeze %dma_start3A_478 : memref<1x128xi32, #tpu.memory_space<vmem>> -> memref<128xi32, #tpu.memory_space<vmem>>
      %dma_start3A_480 = arith.constant 0 : i32
      %dma_start3A_481 = arith.constant 0 : i32
      %dma_start3A_482 = tpu.memref_slice %arg11[%dma_start3A_480, %dma_start3A_481] : memref<10240x16xf32, #tpu.memory_space<vmem_shared>> -> memref<10240x16xf32, #tpu.memory_space<vmem_shared>>
      tpu.enqueue_indirect_dma source(%dma_start3A_476 : memref<128x16xf32, #tpu.memory_space<vmem>>) target(%dma_start3A_482 : memref<10240x16xf32, #tpu.memory_space<vmem_shared>>) offsets(%dma_start3A_479 : memref<128xi32, #tpu.memory_space<vmem>>) semaphore(%arg14 : memref<!tpu.dma_semaphore, #tpu.memory_space<semaphore_mem>>) {add = true}
      %add3A_483 = arith.constant 7 : i32
      %add3A_484 = arith.addi %mul3A_17, %add3A_483 : i32
      %dma_start3A_485 = arith.constant 7 : i32
      %dma_start3A_486 = arith.constant 0 : i32
      %dma_start3A_487 = arith.constant 0 : i32
      %dma_start3A_488 = tpu.memref_slice %arg9[%dma_start3A_485, %dma_start3A_486, %dma_start3A_487] : memref<10x128x16xf32, #tpu.memory_space<vmem>> -> memref<1x128x16xf32, #tpu.memory_space<vmem>>
      %dma_start3A_489 = tpu.memref_squeeze %dma_start3A_488 : memref<1x128x16xf32, #tpu.memory_space<vmem>> -> memref<128x16xf32, #tpu.memory_space<vmem>>
      %dma_start3A_490 = arith.constant 0 : i32
      %dma_start3A_491 = tpu.memref_slice %arg8[%add3A_484, %dma_start3A_490] : memref<80x128xi32, #tpu.memory_space<vmem>> -> memref<1x128xi32, #tpu.memory_space<vmem>>
      %dma_start3A_492 = tpu.memref_squeeze %dma_start3A_491 : memref<1x128xi32, #tpu.memory_space<vmem>> -> memref<128xi32, #tpu.memory_space<vmem>>
      %dma_start3A_493 = arith.constant 0 : i32
      %dma_start3A_494 = arith.constant 0 : i32
      %dma_start3A_495 = tpu.memref_slice %arg11[%dma_start3A_493, %dma_start3A_494] : memref<10240x16xf32, #tpu.memory_space<vmem_shared>> -> memref<10240x16xf32, #tpu.memory_space<vmem_shared>>
      tpu.enqueue_indirect_dma source(%dma_start3A_489 : memref<128x16xf32, #tpu.memory_space<vmem>>) target(%dma_start3A_495 : memref<10240x16xf32, #tpu.memory_space<vmem_shared>>) offsets(%dma_start3A_492 : memref<128xi32, #tpu.memory_space<vmem>>) semaphore(%arg14 : memref<!tpu.dma_semaphore, #tpu.memory_space<semaphore_mem>>) {add = true}
      %add3A_496 = arith.constant 8 : i32
      %add3A_497 = arith.addi %mul3A_17, %add3A_496 : i32
      %dma_start3A_498 = arith.constant 8 : i32
      %dma_start3A_499 = arith.constant 0 : i32
      %dma_start3A_500 = arith.constant 0 : i32
      %dma_start3A_501 = tpu.memref_slice %arg9[%dma_start3A_498, %dma_start3A_499, %dma_start3A_500] : memref<10x128x16xf32, #tpu.memory_space<vmem>> -> memref<1x128x16xf32, #tpu.memory_space<vmem>>
      %dma_start3A_502 = tpu.memref_squeeze %dma_start3A_501 : memref<1x128x16xf32, #tpu.memory_space<vmem>> -> memref<128x16xf32, #tpu.memory_space<vmem>>
      %dma_start3A_503 = arith.constant 0 : i32
      %dma_start3A_504 = tpu.memref_slice %arg8[%add3A_497, %dma_start3A_503] : memref<80x128xi32, #tpu.memory_space<vmem>> -> memref<1x128xi32, #tpu.memory_space<vmem>>
      %dma_start3A_505 = tpu.memref_squeeze %dma_start3A_504 : memref<1x128xi32, #tpu.memory_space<vmem>> -> memref<128xi32, #tpu.memory_space<vmem>>
      %dma_start3A_506 = arith.constant 0 : i32
      %dma_start3A_507 = arith.constant 0 : i32
      %dma_start3A_508 = tpu.memref_slice %arg11[%dma_start3A_506, %dma_start3A_507] : memref<10240x16xf32, #tpu.memory_space<vmem_shared>> -> memref<10240x16xf32, #tpu.memory_space<vmem_shared>>
      tpu.enqueue_indirect_dma source(%dma_start3A_502 : memref<128x16xf32, #tpu.memory_space<vmem>>) target(%dma_start3A_508 : memref<10240x16xf32, #tpu.memory_space<vmem_shared>>) offsets(%dma_start3A_505 : memref<128xi32, #tpu.memory_space<vmem>>) semaphore(%arg14 : memref<!tpu.dma_semaphore, #tpu.memory_space<semaphore_mem>>) {add = true}
      %add3A_509 = arith.constant 9 : i32
      %add3A_510 = arith.addi %mul3A_17, %add3A_509 : i32
      %dma_start3A_511 = arith.constant 9 : i32
      %dma_start3A_512 = arith.constant 0 : i32
      %dma_start3A_513 = arith.constant 0 : i32
      %dma_start3A_514 = tpu.memref_slice %arg9[%dma_start3A_511, %dma_start3A_512, %dma_start3A_513] : memref<10x128x16xf32, #tpu.memory_space<vmem>> -> memref<1x128x16xf32, #tpu.memory_space<vmem>>
      %dma_start3A_515 = tpu.memref_squeeze %dma_start3A_514 : memref<1x128x16xf32, #tpu.memory_space<vmem>> -> memref<128x16xf32, #tpu.memory_space<vmem>>
      %dma_start3A_516 = arith.constant 0 : i32
      %dma_start3A_517 = tpu.memref_slice %arg8[%add3A_510, %dma_start3A_516] : memref<80x128xi32, #tpu.memory_space<vmem>> -> memref<1x128xi32, #tpu.memory_space<vmem>>
      %dma_start3A_518 = tpu.memref_squeeze %dma_start3A_517 : memref<1x128xi32, #tpu.memory_space<vmem>> -> memref<128xi32, #tpu.memory_space<vmem>>
      %dma_start3A_519 = arith.constant 0 : i32
      %dma_start3A_520 = arith.constant 0 : i32
      %dma_start3A_521 = tpu.memref_slice %arg11[%dma_start3A_519, %dma_start3A_520] : memref<10240x16xf32, #tpu.memory_space<vmem_shared>> -> memref<10240x16xf32, #tpu.memory_space<vmem_shared>>
      tpu.enqueue_indirect_dma source(%dma_start3A_515 : memref<128x16xf32, #tpu.memory_space<vmem>>) target(%dma_start3A_521 : memref<10240x16xf32, #tpu.memory_space<vmem_shared>>) offsets(%dma_start3A_518 : memref<128xi32, #tpu.memory_space<vmem>>) semaphore(%arg14 : memref<!tpu.dma_semaphore, #tpu.memory_space<semaphore_mem>>) {add = true}
      %dma_wait3A_522 = arith.constant 0 : i32
      %dma_wait3A_523 = arith.constant 0 : i32
      %dma_wait3A_524 = arith.constant 0 : i32
      %dma_wait3A_525 = tpu.memref_slice %arg10[%dma_wait3A_522, %dma_wait3A_523, %dma_wait3A_524] : memref<10x128x16xf32, #tpu.memory_space<vmem>> -> memref<1x128x16xf32, #tpu.memory_space<vmem>>
      %dma_wait3A_526 = tpu.memref_squeeze %dma_wait3A_525 : memref<1x128x16xf32, #tpu.memory_space<vmem>> -> memref<128x16xf32, #tpu.memory_space<vmem>>
      %dma_wait3A_527 = arith.constant 0 : i32
      %dma_wait3A_528 = tpu.memref_slice %arg7[%add3A_154, %dma_wait3A_527] : memref<80x128xi32, #tpu.memory_space<vmem>> -> memref<1x128xi32, #tpu.memory_space<vmem>>
      %dma_wait3A_529 = tpu.memref_squeeze %dma_wait3A_528 : memref<1x128xi32, #tpu.memory_space<vmem>> -> memref<128xi32, #tpu.memory_space<vmem>>
      %dma_wait3A_530 = arith.constant 0 : i32
      %dma_wait3A_531 = arith.constant 0 : i32
      %dma_wait3A_532 = tpu.memref_slice %arg2[%dma_wait3A_530, %dma_wait3A_531] : memref<10240x16xf32, #tpu.memory_space<hbm>> -> memref<10240x16xf32, #tpu.memory_space<hbm>>
      tpu.wait_indirect_dma semaphore(%arg13 : memref<!tpu.dma_semaphore, #tpu.memory_space<semaphore_mem>>) src(%dma_wait3A_532 : memref<10240x16xf32, #tpu.memory_space<hbm>>) dst(%dma_wait3A_526 : memref<128x16xf32, #tpu.memory_space<vmem>>)
      %dma_wait3A_533 = arith.constant 1 : i32
      %dma_wait3A_534 = arith.constant 0 : i32
      %dma_wait3A_535 = arith.constant 0 : i32
      %dma_wait3A_536 = tpu.memref_slice %arg10[%dma_wait3A_533, %dma_wait3A_534, %dma_wait3A_535] : memref<10x128x16xf32, #tpu.memory_space<vmem>> -> memref<1x128x16xf32, #tpu.memory_space<vmem>>
      %dma_wait3A_537 = tpu.memref_squeeze %dma_wait3A_536 : memref<1x128x16xf32, #tpu.memory_space<vmem>> -> memref<128x16xf32, #tpu.memory_space<vmem>>
      %dma_wait3A_538 = arith.constant 0 : i32
      %dma_wait3A_539 = tpu.memref_slice %arg7[%add3A_167, %dma_wait3A_538] : memref<80x128xi32, #tpu.memory_space<vmem>> -> memref<1x128xi32, #tpu.memory_space<vmem>>
      %dma_wait3A_540 = tpu.memref_squeeze %dma_wait3A_539 : memref<1x128xi32, #tpu.memory_space<vmem>> -> memref<128xi32, #tpu.memory_space<vmem>>
      %dma_wait3A_541 = arith.constant 0 : i32
      %dma_wait3A_542 = arith.constant 0 : i32
      %dma_wait3A_543 = tpu.memref_slice %arg2[%dma_wait3A_541, %dma_wait3A_542] : memref<10240x16xf32, #tpu.memory_space<hbm>> -> memref<10240x16xf32, #tpu.memory_space<hbm>>
      tpu.wait_indirect_dma semaphore(%arg13 : memref<!tpu.dma_semaphore, #tpu.memory_space<semaphore_mem>>) src(%dma_wait3A_543 : memref<10240x16xf32, #tpu.memory_space<hbm>>) dst(%dma_wait3A_537 : memref<128x16xf32, #tpu.memory_space<vmem>>)
      %dma_wait3A_544 = arith.constant 2 : i32
      %dma_wait3A_545 = arith.constant 0 : i32
      %dma_wait3A_546 = arith.constant 0 : i32
      %dma_wait3A_547 = tpu.memref_slice %arg10[%dma_wait3A_544, %dma_wait3A_545, %dma_wait3A_546] : memref<10x128x16xf32, #tpu.memory_space<vmem>> -> memref<1x128x16xf32, #tpu.memory_space<vmem>>
      %dma_wait3A_548 = tpu.memref_squeeze %dma_wait3A_547 : memref<1x128x16xf32, #tpu.memory_space<vmem>> -> memref<128x16xf32, #tpu.memory_space<vmem>>
      %dma_wait3A_549 = arith.constant 0 : i32
      %dma_wait3A_550 = tpu.memref_slice %arg7[%add3A_180, %dma_wait3A_549] : memref<80x128xi32, #tpu.memory_space<vmem>> -> memref<1x128xi32, #tpu.memory_space<vmem>>
      %dma_wait3A_551 = tpu.memref_squeeze %dma_wait3A_550 : memref<1x128xi32, #tpu.memory_space<vmem>> -> memref<128xi32, #tpu.memory_space<vmem>>
      %dma_wait3A_552 = arith.constant 0 : i32
      %dma_wait3A_553 = arith.constant 0 : i32
      %dma_wait3A_554 = tpu.memref_slice %arg2[%dma_wait3A_552, %dma_wait3A_553] : memref<10240x16xf32, #tpu.memory_space<hbm>> -> memref<10240x16xf32, #tpu.memory_space<hbm>>
      tpu.wait_indirect_dma semaphore(%arg13 : memref<!tpu.dma_semaphore, #tpu.memory_space<semaphore_mem>>) src(%dma_wait3A_554 : memref<10240x16xf32, #tpu.memory_space<hbm>>) dst(%dma_wait3A_548 : memref<128x16xf32, #tpu.memory_space<vmem>>)
      %dma_wait3A_555 = arith.constant 3 : i32
      %dma_wait3A_556 = arith.constant 0 : i32
      %dma_wait3A_557 = arith.constant 0 : i32
      %dma_wait3A_558 = tpu.memref_slice %arg10[%dma_wait3A_555, %dma_wait3A_556, %dma_wait3A_557] : memref<10x128x16xf32, #tpu.memory_space<vmem>> -> memref<1x128x16xf32, #tpu.memory_space<vmem>>
      %dma_wait3A_559 = tpu.memref_squeeze %dma_wait3A_558 : memref<1x128x16xf32, #tpu.memory_space<vmem>> -> memref<128x16xf32, #tpu.memory_space<vmem>>
      %dma_wait3A_560 = arith.constant 0 : i32
      %dma_wait3A_561 = tpu.memref_slice %arg7[%add3A_193, %dma_wait3A_560] : memref<80x128xi32, #tpu.memory_space<vmem>> -> memref<1x128xi32, #tpu.memory_space<vmem>>
      %dma_wait3A_562 = tpu.memref_squeeze %dma_wait3A_561 : memref<1x128xi32, #tpu.memory_space<vmem>> -> memref<128xi32, #tpu.memory_space<vmem>>
      %dma_wait3A_563 = arith.constant 0 : i32
      %dma_wait3A_564 = arith.constant 0 : i32
      %dma_wait3A_565 = tpu.memref_slice %arg2[%dma_wait3A_563, %dma_wait3A_564] : memref<10240x16xf32, #tpu.memory_space<hbm>> -> memref<10240x16xf32, #tpu.memory_space<hbm>>
      tpu.wait_indirect_dma semaphore(%arg13 : memref<!tpu.dma_semaphore, #tpu.memory_space<semaphore_mem>>) src(%dma_wait3A_565 : memref<10240x16xf32, #tpu.memory_space<hbm>>) dst(%dma_wait3A_559 : memref<128x16xf32, #tpu.memory_space<vmem>>)
      %dma_wait3A_566 = arith.constant 4 : i32
      %dma_wait3A_567 = arith.constant 0 : i32
      %dma_wait3A_568 = arith.constant 0 : i32
      %dma_wait3A_569 = tpu.memref_slice %arg10[%dma_wait3A_566, %dma_wait3A_567, %dma_wait3A_568] : memref<10x128x16xf32, #tpu.memory_space<vmem>> -> memref<1x128x16xf32, #tpu.memory_space<vmem>>
      %dma_wait3A_570 = tpu.memref_squeeze %dma_wait3A_569 : memref<1x128x16xf32, #tpu.memory_space<vmem>> -> memref<128x16xf32, #tpu.memory_space<vmem>>
      %dma_wait3A_571 = arith.constant 0 : i32
      %dma_wait3A_572 = tpu.memref_slice %arg7[%add3A_206, %dma_wait3A_571] : memref<80x128xi32, #tpu.memory_space<vmem>> -> memref<1x128xi32, #tpu.memory_space<vmem>>
      %dma_wait3A_573 = tpu.memref_squeeze %dma_wait3A_572 : memref<1x128xi32, #tpu.memory_space<vmem>> -> memref<128xi32, #tpu.memory_space<vmem>>
      %dma_wait3A_574 = arith.constant 0 : i32
      %dma_wait3A_575 = arith.constant 0 : i32
      %dma_wait3A_576 = tpu.memref_slice %arg2[%dma_wait3A_574, %dma_wait3A_575] : memref<10240x16xf32, #tpu.memory_space<hbm>> -> memref<10240x16xf32, #tpu.memory_space<hbm>>
      tpu.wait_indirect_dma semaphore(%arg13 : memref<!tpu.dma_semaphore, #tpu.memory_space<semaphore_mem>>) src(%dma_wait3A_576 : memref<10240x16xf32, #tpu.memory_space<hbm>>) dst(%dma_wait3A_570 : memref<128x16xf32, #tpu.memory_space<vmem>>)
      %dma_wait3A_577 = arith.constant 5 : i32
      %dma_wait3A_578 = arith.constant 0 : i32
      %dma_wait3A_579 = arith.constant 0 : i32
      %dma_wait3A_580 = tpu.memref_slice %arg10[%dma_wait3A_577, %dma_wait3A_578, %dma_wait3A_579] : memref<10x128x16xf32, #tpu.memory_space<vmem>> -> memref<1x128x16xf32, #tpu.memory_space<vmem>>
      %dma_wait3A_581 = tpu.memref_squeeze %dma_wait3A_580 : memref<1x128x16xf32, #tpu.memory_space<vmem>> -> memref<128x16xf32, #tpu.memory_space<vmem>>
      %dma_wait3A_582 = arith.constant 0 : i32
      %dma_wait3A_583 = tpu.memref_slice %arg7[%add3A_219, %dma_wait3A_582] : memref<80x128xi32, #tpu.memory_space<vmem>> -> memref<1x128xi32, #tpu.memory_space<vmem>>
      %dma_wait3A_584 = tpu.memref_squeeze %dma_wait3A_583 : memref<1x128xi32, #tpu.memory_space<vmem>> -> memref<128xi32, #tpu.memory_space<vmem>>
      %dma_wait3A_585 = arith.constant 0 : i32
      %dma_wait3A_586 = arith.constant 0 : i32
      %dma_wait3A_587 = tpu.memref_slice %arg2[%dma_wait3A_585, %dma_wait3A_586] : memref<10240x16xf32, #tpu.memory_space<hbm>> -> memref<10240x16xf32, #tpu.memory_space<hbm>>
      tpu.wait_indirect_dma semaphore(%arg13 : memref<!tpu.dma_semaphore, #tpu.memory_space<semaphore_mem>>) src(%dma_wait3A_587 : memref<10240x16xf32, #tpu.memory_space<hbm>>) dst(%dma_wait3A_581 : memref<128x16xf32, #tpu.memory_space<vmem>>)
      %dma_wait3A_588 = arith.constant 6 : i32
      %dma_wait3A_589 = arith.constant 0 : i32
      %dma_wait3A_590 = arith.constant 0 : i32
      %dma_wait3A_591 = tpu.memref_slice %arg10[%dma_wait3A_588, %dma_wait3A_589, %dma_wait3A_590] : memref<10x128x16xf32, #tpu.memory_space<vmem>> -> memref<1x128x16xf32, #tpu.memory_space<vmem>>
      %dma_wait3A_592 = tpu.memref_squeeze %dma_wait3A_591 : memref<1x128x16xf32, #tpu.memory_space<vmem>> -> memref<128x16xf32, #tpu.memory_space<vmem>>
      %dma_wait3A_593 = arith.constant 0 : i32
      %dma_wait3A_594 = tpu.memref_slice %arg7[%add3A_232, %dma_wait3A_593] : memref<80x128xi32, #tpu.memory_space<vmem>> -> memref<1x128xi32, #tpu.memory_space<vmem>>
      %dma_wait3A_595 = tpu.memref_squeeze %dma_wait3A_594 : memref<1x128xi32, #tpu.memory_space<vmem>> -> memref<128xi32, #tpu.memory_space<vmem>>
      %dma_wait3A_596 = arith.constant 0 : i32
      %dma_wait3A_597 = arith.constant 0 : i32
      %dma_wait3A_598 = tpu.memref_slice %arg2[%dma_wait3A_596, %dma_wait3A_597] : memref<10240x16xf32, #tpu.memory_space<hbm>> -> memref<10240x16xf32, #tpu.memory_space<hbm>>
      tpu.wait_indirect_dma semaphore(%arg13 : memref<!tpu.dma_semaphore, #tpu.memory_space<semaphore_mem>>) src(%dma_wait3A_598 : memref<10240x16xf32, #tpu.memory_space<hbm>>) dst(%dma_wait3A_592 : memref<128x16xf32, #tpu.memory_space<vmem>>)
      %dma_wait3A_599 = arith.constant 7 : i32
      %dma_wait3A_600 = arith.constant 0 : i32
      %dma_wait3A_601 = arith.constant 0 : i32
      %dma_wait3A_602 = tpu.memref_slice %arg10[%dma_wait3A_599, %dma_wait3A_600, %dma_wait3A_601] : memref<10x128x16xf32, #tpu.memory_space<vmem>> -> memref<1x128x16xf32, #tpu.memory_space<vmem>>
      %dma_wait3A_603 = tpu.memref_squeeze %dma_wait3A_602 : memref<1x128x16xf32, #tpu.memory_space<vmem>> -> memref<128x16xf32, #tpu.memory_space<vmem>>
      %dma_wait3A_604 = arith.constant 0 : i32
      %dma_wait3A_605 = tpu.memref_slice %arg7[%add3A_245, %dma_wait3A_604] : memref<80x128xi32, #tpu.memory_space<vmem>> -> memref<1x128xi32, #tpu.memory_space<vmem>>
      %dma_wait3A_606 = tpu.memref_squeeze %dma_wait3A_605 : memref<1x128xi32, #tpu.memory_space<vmem>> -> memref<128xi32, #tpu.memory_space<vmem>>
      %dma_wait3A_607 = arith.constant 0 : i32
      %dma_wait3A_608 = arith.constant 0 : i32
      %dma_wait3A_609 = tpu.memref_slice %arg2[%dma_wait3A_607, %dma_wait3A_608] : memref<10240x16xf32, #tpu.memory_space<hbm>> -> memref<10240x16xf32, #tpu.memory_space<hbm>>
      tpu.wait_indirect_dma semaphore(%arg13 : memref<!tpu.dma_semaphore, #tpu.memory_space<semaphore_mem>>) src(%dma_wait3A_609 : memref<10240x16xf32, #tpu.memory_space<hbm>>) dst(%dma_wait3A_603 : memref<128x16xf32, #tpu.memory_space<vmem>>)
      %dma_wait3A_610 = arith.constant 8 : i32
      %dma_wait3A_611 = arith.constant 0 : i32
      %dma_wait3A_612 = arith.constant 0 : i32
      %dma_wait3A_613 = tpu.memref_slice %arg10[%dma_wait3A_610, %dma_wait3A_611, %dma_wait3A_612] : memref<10x128x16xf32, #tpu.memory_space<vmem>> -> memref<1x128x16xf32, #tpu.memory_space<vmem>>
      %dma_wait3A_614 = tpu.memref_squeeze %dma_wait3A_613 : memref<1x128x16xf32, #tpu.memory_space<vmem>> -> memref<128x16xf32, #tpu.memory_space<vmem>>
      %dma_wait3A_615 = arith.constant 0 : i32
      %dma_wait3A_616 = tpu.memref_slice %arg7[%add3A_258, %dma_wait3A_615] : memref<80x128xi32, #tpu.memory_space<vmem>> -> memref<1x128xi32, #tpu.memory_space<vmem>>
      %dma_wait3A_617 = tpu.memref_squeeze %dma_wait3A_616 : memref<1x128xi32, #tpu.memory_space<vmem>> -> memref<128xi32, #tpu.memory_space<vmem>>
      %dma_wait3A_618 = arith.constant 0 : i32
      %dma_wait3A_619 = arith.constant 0 : i32
      %dma_wait3A_620 = tpu.memref_slice %arg2[%dma_wait3A_618, %dma_wait3A_619] : memref<10240x16xf32, #tpu.memory_space<hbm>> -> memref<10240x16xf32, #tpu.memory_space<hbm>>
      tpu.wait_indirect_dma semaphore(%arg13 : memref<!tpu.dma_semaphore, #tpu.memory_space<semaphore_mem>>) src(%dma_wait3A_620 : memref<10240x16xf32, #tpu.memory_space<hbm>>) dst(%dma_wait3A_614 : memref<128x16xf32, #tpu.memory_space<vmem>>)
      %dma_wait3A_621 = arith.constant 9 : i32
      %dma_wait3A_622 = arith.constant 0 : i32
      %dma_wait3A_623 = arith.constant 0 : i32
      %dma_wait3A_624 = tpu.memref_slice %arg10[%dma_wait3A_621, %dma_wait3A_622, %dma_wait3A_623] : memref<10x128x16xf32, #tpu.memory_space<vmem>> -> memref<1x128x16xf32, #tpu.memory_space<vmem>>
      %dma_wait3A_625 = tpu.memref_squeeze %dma_wait3A_624 : memref<1x128x16xf32, #tpu.memory_space<vmem>> -> memref<128x16xf32, #tpu.memory_space<vmem>>
      %dma_wait3A_626 = arith.constant 0 : i32
      %dma_wait3A_627 = tpu.memref_slice %arg7[%add3A_271, %dma_wait3A_626] : memref<80x128xi32, #tpu.memory_space<vmem>> -> memref<1x128xi32, #tpu.memory_space<vmem>>
      %dma_wait3A_628 = tpu.memref_squeeze %dma_wait3A_627 : memref<1x128xi32, #tpu.memory_space<vmem>> -> memref<128xi32, #tpu.memory_space<vmem>>
      %dma_wait3A_629 = arith.constant 0 : i32
      %dma_wait3A_630 = arith.constant 0 : i32
      %dma_wait3A_631 = tpu.memref_slice %arg2[%dma_wait3A_629, %dma_wait3A_630] : memref<10240x16xf32, #tpu.memory_space<hbm>> -> memref<10240x16xf32, #tpu.memory_space<hbm>>
      tpu.wait_indirect_dma semaphore(%arg13 : memref<!tpu.dma_semaphore, #tpu.memory_space<semaphore_mem>>) src(%dma_wait3A_631 : memref<10240x16xf32, #tpu.memory_space<hbm>>) dst(%dma_wait3A_625 : memref<128x16xf32, #tpu.memory_space<vmem>>)
      %add3A_632 = arith.constant 0 : i32
      %add3A_633 = arith.addi %mul3A_23, %add3A_632 : i32
      %dma_start3A_634 = arith.constant 0 : i32
      %dma_start3A_635 = arith.constant 0 : i32
      %dma_start3A_636 = arith.constant 0 : i32
      %dma_start3A_637 = tpu.memref_slice %arg10[%dma_start3A_634, %dma_start3A_635, %dma_start3A_636] : memref<10x128x16xf32, #tpu.memory_space<vmem>> -> memref<1x128x16xf32, #tpu.memory_space<vmem>>
      %dma_start3A_638 = tpu.memref_squeeze %dma_start3A_637 : memref<1x128x16xf32, #tpu.memory_space<vmem>> -> memref<128x16xf32, #tpu.memory_space<vmem>>
      %dma_start3A_639 = arith.constant 0 : i32
      %dma_start3A_640 = tpu.memref_slice %arg8[%add3A_633, %dma_start3A_639] : memref<80x128xi32, #tpu.memory_space<vmem>> -> memref<1x128xi32, #tpu.memory_space<vmem>>
      %dma_start3A_641 = tpu.memref_squeeze %dma_start3A_640 : memref<1x128xi32, #tpu.memory_space<vmem>> -> memref<128xi32, #tpu.memory_space<vmem>>
      %dma_start3A_642 = arith.constant 0 : i32
      %dma_start3A_643 = arith.constant 0 : i32
      %dma_start3A_644 = tpu.memref_slice %arg11[%dma_start3A_642, %dma_start3A_643] : memref<10240x16xf32, #tpu.memory_space<vmem_shared>> -> memref<10240x16xf32, #tpu.memory_space<vmem_shared>>
      tpu.enqueue_indirect_dma source(%dma_start3A_638 : memref<128x16xf32, #tpu.memory_space<vmem>>) target(%dma_start3A_644 : memref<10240x16xf32, #tpu.memory_space<vmem_shared>>) offsets(%dma_start3A_641 : memref<128xi32, #tpu.memory_space<vmem>>) semaphore(%arg14 : memref<!tpu.dma_semaphore, #tpu.memory_space<semaphore_mem>>) {add = true}
      %add3A_645 = arith.constant 1 : i32
      %add3A_646 = arith.addi %mul3A_23, %add3A_645 : i32
      %dma_start3A_647 = arith.constant 1 : i32
      %dma_start3A_648 = arith.constant 0 : i32
      %dma_start3A_649 = arith.constant 0 : i32
      %dma_start3A_650 = tpu.memref_slice %arg10[%dma_start3A_647, %dma_start3A_648, %dma_start3A_649] : memref<10x128x16xf32, #tpu.memory_space<vmem>> -> memref<1x128x16xf32, #tpu.memory_space<vmem>>
      %dma_start3A_651 = tpu.memref_squeeze %dma_start3A_650 : memref<1x128x16xf32, #tpu.memory_space<vmem>> -> memref<128x16xf32, #tpu.memory_space<vmem>>
      %dma_start3A_652 = arith.constant 0 : i32
      %dma_start3A_653 = tpu.memref_slice %arg8[%add3A_646, %dma_start3A_652] : memref<80x128xi32, #tpu.memory_space<vmem>> -> memref<1x128xi32, #tpu.memory_space<vmem>>
      %dma_start3A_654 = tpu.memref_squeeze %dma_start3A_653 : memref<1x128xi32, #tpu.memory_space<vmem>> -> memref<128xi32, #tpu.memory_space<vmem>>
      %dma_start3A_655 = arith.constant 0 : i32
      %dma_start3A_656 = arith.constant 0 : i32
      %dma_start3A_657 = tpu.memref_slice %arg11[%dma_start3A_655, %dma_start3A_656] : memref<10240x16xf32, #tpu.memory_space<vmem_shared>> -> memref<10240x16xf32, #tpu.memory_space<vmem_shared>>
      tpu.enqueue_indirect_dma source(%dma_start3A_651 : memref<128x16xf32, #tpu.memory_space<vmem>>) target(%dma_start3A_657 : memref<10240x16xf32, #tpu.memory_space<vmem_shared>>) offsets(%dma_start3A_654 : memref<128xi32, #tpu.memory_space<vmem>>) semaphore(%arg14 : memref<!tpu.dma_semaphore, #tpu.memory_space<semaphore_mem>>) {add = true}
      %add3A_658 = arith.constant 2 : i32
      %add3A_659 = arith.addi %mul3A_23, %add3A_658 : i32
      %dma_start3A_660 = arith.constant 2 : i32
      %dma_start3A_661 = arith.constant 0 : i32
      %dma_start3A_662 = arith.constant 0 : i32
      %dma_start3A_663 = tpu.memref_slice %arg10[%dma_start3A_660, %dma_start3A_661, %dma_start3A_662] : memref<10x128x16xf32, #tpu.memory_space<vmem>> -> memref<1x128x16xf32, #tpu.memory_space<vmem>>
      %dma_start3A_664 = tpu.memref_squeeze %dma_start3A_663 : memref<1x128x16xf32, #tpu.memory_space<vmem>> -> memref<128x16xf32, #tpu.memory_space<vmem>>
      %dma_start3A_665 = arith.constant 0 : i32
      %dma_start3A_666 = tpu.memref_slice %arg8[%add3A_659, %dma_start3A_665] : memref<80x128xi32, #tpu.memory_space<vmem>> -> memref<1x128xi32, #tpu.memory_space<vmem>>
      %dma_start3A_667 = tpu.memref_squeeze %dma_start3A_666 : memref<1x128xi32, #tpu.memory_space<vmem>> -> memref<128xi32, #tpu.memory_space<vmem>>
      %dma_start3A_668 = arith.constant 0 : i32
      %dma_start3A_669 = arith.constant 0 : i32
      %dma_start3A_670 = tpu.memref_slice %arg11[%dma_start3A_668, %dma_start3A_669] : memref<10240x16xf32, #tpu.memory_space<vmem_shared>> -> memref<10240x16xf32, #tpu.memory_space<vmem_shared>>
      tpu.enqueue_indirect_dma source(%dma_start3A_664 : memref<128x16xf32, #tpu.memory_space<vmem>>) target(%dma_start3A_670 : memref<10240x16xf32, #tpu.memory_space<vmem_shared>>) offsets(%dma_start3A_667 : memref<128xi32, #tpu.memory_space<vmem>>) semaphore(%arg14 : memref<!tpu.dma_semaphore, #tpu.memory_space<semaphore_mem>>) {add = true}
      %add3A_671 = arith.constant 3 : i32
      %add3A_672 = arith.addi %mul3A_23, %add3A_671 : i32
      %dma_start3A_673 = arith.constant 3 : i32
      %dma_start3A_674 = arith.constant 0 : i32
      %dma_start3A_675 = arith.constant 0 : i32
      %dma_start3A_676 = tpu.memref_slice %arg10[%dma_start3A_673, %dma_start3A_674, %dma_start3A_675] : memref<10x128x16xf32, #tpu.memory_space<vmem>> -> memref<1x128x16xf32, #tpu.memory_space<vmem>>
      %dma_start3A_677 = tpu.memref_squeeze %dma_start3A_676 : memref<1x128x16xf32, #tpu.memory_space<vmem>> -> memref<128x16xf32, #tpu.memory_space<vmem>>
      %dma_start3A_678 = arith.constant 0 : i32
      %dma_start3A_679 = tpu.memref_slice %arg8[%add3A_672, %dma_start3A_678] : memref<80x128xi32, #tpu.memory_space<vmem>> -> memref<1x128xi32, #tpu.memory_space<vmem>>
      %dma_start3A_680 = tpu.memref_squeeze %dma_start3A_679 : memref<1x128xi32, #tpu.memory_space<vmem>> -> memref<128xi32, #tpu.memory_space<vmem>>
      %dma_start3A_681 = arith.constant 0 : i32
      %dma_start3A_682 = arith.constant 0 : i32
      %dma_start3A_683 = tpu.memref_slice %arg11[%dma_start3A_681, %dma_start3A_682] : memref<10240x16xf32, #tpu.memory_space<vmem_shared>> -> memref<10240x16xf32, #tpu.memory_space<vmem_shared>>
      tpu.enqueue_indirect_dma source(%dma_start3A_677 : memref<128x16xf32, #tpu.memory_space<vmem>>) target(%dma_start3A_683 : memref<10240x16xf32, #tpu.memory_space<vmem_shared>>) offsets(%dma_start3A_680 : memref<128xi32, #tpu.memory_space<vmem>>) semaphore(%arg14 : memref<!tpu.dma_semaphore, #tpu.memory_space<semaphore_mem>>) {add = true}
      %add3A_684 = arith.constant 4 : i32
      %add3A_685 = arith.addi %mul3A_23, %add3A_684 : i32
      %dma_start3A_686 = arith.constant 4 : i32
      %dma_start3A_687 = arith.constant 0 : i32
      %dma_start3A_688 = arith.constant 0 : i32
      %dma_start3A_689 = tpu.memref_slice %arg10[%dma_start3A_686, %dma_start3A_687, %dma_start3A_688] : memref<10x128x16xf32, #tpu.memory_space<vmem>> -> memref<1x128x16xf32, #tpu.memory_space<vmem>>
      %dma_start3A_690 = tpu.memref_squeeze %dma_start3A_689 : memref<1x128x16xf32, #tpu.memory_space<vmem>> -> memref<128x16xf32, #tpu.memory_space<vmem>>
      %dma_start3A_691 = arith.constant 0 : i32
      %dma_start3A_692 = tpu.memref_slice %arg8[%add3A_685, %dma_start3A_691] : memref<80x128xi32, #tpu.memory_space<vmem>> -> memref<1x128xi32, #tpu.memory_space<vmem>>
      %dma_start3A_693 = tpu.memref_squeeze %dma_start3A_692 : memref<1x128xi32, #tpu.memory_space<vmem>> -> memref<128xi32, #tpu.memory_space<vmem>>
      %dma_start3A_694 = arith.constant 0 : i32
      %dma_start3A_695 = arith.constant 0 : i32
      %dma_start3A_696 = tpu.memref_slice %arg11[%dma_start3A_694, %dma_start3A_695] : memref<10240x16xf32, #tpu.memory_space<vmem_shared>> -> memref<10240x16xf32, #tpu.memory_space<vmem_shared>>
      tpu.enqueue_indirect_dma source(%dma_start3A_690 : memref<128x16xf32, #tpu.memory_space<vmem>>) target(%dma_start3A_696 : memref<10240x16xf32, #tpu.memory_space<vmem_shared>>) offsets(%dma_start3A_693 : memref<128xi32, #tpu.memory_space<vmem>>) semaphore(%arg14 : memref<!tpu.dma_semaphore, #tpu.memory_space<semaphore_mem>>) {add = true}
      %add3A_697 = arith.constant 5 : i32
      %add3A_698 = arith.addi %mul3A_23, %add3A_697 : i32
      %dma_start3A_699 = arith.constant 5 : i32
      %dma_start3A_700 = arith.constant 0 : i32
      %dma_start3A_701 = arith.constant 0 : i32
      %dma_start3A_702 = tpu.memref_slice %arg10[%dma_start3A_699, %dma_start3A_700, %dma_start3A_701] : memref<10x128x16xf32, #tpu.memory_space<vmem>> -> memref<1x128x16xf32, #tpu.memory_space<vmem>>
      %dma_start3A_703 = tpu.memref_squeeze %dma_start3A_702 : memref<1x128x16xf32, #tpu.memory_space<vmem>> -> memref<128x16xf32, #tpu.memory_space<vmem>>
      %dma_start3A_704 = arith.constant 0 : i32
      %dma_start3A_705 = tpu.memref_slice %arg8[%add3A_698, %dma_start3A_704] : memref<80x128xi32, #tpu.memory_space<vmem>> -> memref<1x128xi32, #tpu.memory_space<vmem>>
      %dma_start3A_706 = tpu.memref_squeeze %dma_start3A_705 : memref<1x128xi32, #tpu.memory_space<vmem>> -> memref<128xi32, #tpu.memory_space<vmem>>
      %dma_start3A_707 = arith.constant 0 : i32
      %dma_start3A_708 = arith.constant 0 : i32
      %dma_start3A_709 = tpu.memref_slice %arg11[%dma_start3A_707, %dma_start3A_708] : memref<10240x16xf32, #tpu.memory_space<vmem_shared>> -> memref<10240x16xf32, #tpu.memory_space<vmem_shared>>
      tpu.enqueue_indirect_dma source(%dma_start3A_703 : memref<128x16xf32, #tpu.memory_space<vmem>>) target(%dma_start3A_709 : memref<10240x16xf32, #tpu.memory_space<vmem_shared>>) offsets(%dma_start3A_706 : memref<128xi32, #tpu.memory_space<vmem>>) semaphore(%arg14 : memref<!tpu.dma_semaphore, #tpu.memory_space<semaphore_mem>>) {add = true}
      %add3A_710 = arith.constant 6 : i32
      %add3A_711 = arith.addi %mul3A_23, %add3A_710 : i32
      %dma_start3A_712 = arith.constant 6 : i32
      %dma_start3A_713 = arith.constant 0 : i32
      %dma_start3A_714 = arith.constant 0 : i32
      %dma_start3A_715 = tpu.memref_slice %arg10[%dma_start3A_712, %dma_start3A_713, %dma_start3A_714] : memref<10x128x16xf32, #tpu.memory_space<vmem>> -> memref<1x128x16xf32, #tpu.memory_space<vmem>>
      %dma_start3A_716 = tpu.memref_squeeze %dma_start3A_715 : memref<1x128x16xf32, #tpu.memory_space<vmem>> -> memref<128x16xf32, #tpu.memory_space<vmem>>
      %dma_start3A_717 = arith.constant 0 : i32
      %dma_start3A_718 = tpu.memref_slice %arg8[%add3A_711, %dma_start3A_717] : memref<80x128xi32, #tpu.memory_space<vmem>> -> memref<1x128xi32, #tpu.memory_space<vmem>>
      %dma_start3A_719 = tpu.memref_squeeze %dma_start3A_718 : memref<1x128xi32, #tpu.memory_space<vmem>> -> memref<128xi32, #tpu.memory_space<vmem>>
      %dma_start3A_720 = arith.constant 0 : i32
      %dma_start3A_721 = arith.constant 0 : i32
      %dma_start3A_722 = tpu.memref_slice %arg11[%dma_start3A_720, %dma_start3A_721] : memref<10240x16xf32, #tpu.memory_space<vmem_shared>> -> memref<10240x16xf32, #tpu.memory_space<vmem_shared>>
      tpu.enqueue_indirect_dma source(%dma_start3A_716 : memref<128x16xf32, #tpu.memory_space<vmem>>) target(%dma_start3A_722 : memref<10240x16xf32, #tpu.memory_space<vmem_shared>>) offsets(%dma_start3A_719 : memref<128xi32, #tpu.memory_space<vmem>>) semaphore(%arg14 : memref<!tpu.dma_semaphore, #tpu.memory_space<semaphore_mem>>) {add = true}
      %add3A_723 = arith.constant 7 : i32
      %add3A_724 = arith.addi %mul3A_23, %add3A_723 : i32
      %dma_start3A_725 = arith.constant 7 : i32
      %dma_start3A_726 = arith.constant 0 : i32
      %dma_start3A_727 = arith.constant 0 : i32
      %dma_start3A_728 = tpu.memref_slice %arg10[%dma_start3A_725, %dma_start3A_726, %dma_start3A_727] : memref<10x128x16xf32, #tpu.memory_space<vmem>> -> memref<1x128x16xf32, #tpu.memory_space<vmem>>
      %dma_start3A_729 = tpu.memref_squeeze %dma_start3A_728 : memref<1x128x16xf32, #tpu.memory_space<vmem>> -> memref<128x16xf32, #tpu.memory_space<vmem>>
      %dma_start3A_730 = arith.constant 0 : i32
      %dma_start3A_731 = tpu.memref_slice %arg8[%add3A_724, %dma_start3A_730] : memref<80x128xi32, #tpu.memory_space<vmem>> -> memref<1x128xi32, #tpu.memory_space<vmem>>
      %dma_start3A_732 = tpu.memref_squeeze %dma_start3A_731 : memref<1x128xi32, #tpu.memory_space<vmem>> -> memref<128xi32, #tpu.memory_space<vmem>>
      %dma_start3A_733 = arith.constant 0 : i32
      %dma_start3A_734 = arith.constant 0 : i32
      %dma_start3A_735 = tpu.memref_slice %arg11[%dma_start3A_733, %dma_start3A_734] : memref<10240x16xf32, #tpu.memory_space<vmem_shared>> -> memref<10240x16xf32, #tpu.memory_space<vmem_shared>>
      tpu.enqueue_indirect_dma source(%dma_start3A_729 : memref<128x16xf32, #tpu.memory_space<vmem>>) target(%dma_start3A_735 : memref<10240x16xf32, #tpu.memory_space<vmem_shared>>) offsets(%dma_start3A_732 : memref<128xi32, #tpu.memory_space<vmem>>) semaphore(%arg14 : memref<!tpu.dma_semaphore, #tpu.memory_space<semaphore_mem>>) {add = true}
      %add3A_736 = arith.constant 8 : i32
      %add3A_737 = arith.addi %mul3A_23, %add3A_736 : i32
      %dma_start3A_738 = arith.constant 8 : i32
      %dma_start3A_739 = arith.constant 0 : i32
      %dma_start3A_740 = arith.constant 0 : i32
      %dma_start3A_741 = tpu.memref_slice %arg10[%dma_start3A_738, %dma_start3A_739, %dma_start3A_740] : memref<10x128x16xf32, #tpu.memory_space<vmem>> -> memref<1x128x16xf32, #tpu.memory_space<vmem>>
      %dma_start3A_742 = tpu.memref_squeeze %dma_start3A_741 : memref<1x128x16xf32, #tpu.memory_space<vmem>> -> memref<128x16xf32, #tpu.memory_space<vmem>>
      %dma_start3A_743 = arith.constant 0 : i32
      %dma_start3A_744 = tpu.memref_slice %arg8[%add3A_737, %dma_start3A_743] : memref<80x128xi32, #tpu.memory_space<vmem>> -> memref<1x128xi32, #tpu.memory_space<vmem>>
      %dma_start3A_745 = tpu.memref_squeeze %dma_start3A_744 : memref<1x128xi32, #tpu.memory_space<vmem>> -> memref<128xi32, #tpu.memory_space<vmem>>
      %dma_start3A_746 = arith.constant 0 : i32
      %dma_start3A_747 = arith.constant 0 : i32
      %dma_start3A_748 = tpu.memref_slice %arg11[%dma_start3A_746, %dma_start3A_747] : memref<10240x16xf32, #tpu.memory_space<vmem_shared>> -> memref<10240x16xf32, #tpu.memory_space<vmem_shared>>
      tpu.enqueue_indirect_dma source(%dma_start3A_742 : memref<128x16xf32, #tpu.memory_space<vmem>>) target(%dma_start3A_748 : memref<10240x16xf32, #tpu.memory_space<vmem_shared>>) offsets(%dma_start3A_745 : memref<128xi32, #tpu.memory_space<vmem>>) semaphore(%arg14 : memref<!tpu.dma_semaphore, #tpu.memory_space<semaphore_mem>>) {add = true}
      %add3A_749 = arith.constant 9 : i32
      %add3A_750 = arith.addi %mul3A_23, %add3A_749 : i32
      %dma_start3A_751 = arith.constant 9 : i32
      %dma_start3A_752 = arith.constant 0 : i32
      %dma_start3A_753 = arith.constant 0 : i32
      %dma_start3A_754 = tpu.memref_slice %arg10[%dma_start3A_751, %dma_start3A_752, %dma_start3A_753] : memref<10x128x16xf32, #tpu.memory_space<vmem>> -> memref<1x128x16xf32, #tpu.memory_space<vmem>>
      %dma_start3A_755 = tpu.memref_squeeze %dma_start3A_754 : memref<1x128x16xf32, #tpu.memory_space<vmem>> -> memref<128x16xf32, #tpu.memory_space<vmem>>
      %dma_start3A_756 = arith.constant 0 : i32
      %dma_start3A_757 = tpu.memref_slice %arg8[%add3A_750, %dma_start3A_756] : memref<80x128xi32, #tpu.memory_space<vmem>> -> memref<1x128xi32, #tpu.memory_space<vmem>>
      %dma_start3A_758 = tpu.memref_squeeze %dma_start3A_757 : memref<1x128xi32, #tpu.memory_space<vmem>> -> memref<128xi32, #tpu.memory_space<vmem>>
      %dma_start3A_759 = arith.constant 0 : i32
      %dma_start3A_760 = arith.constant 0 : i32
      %dma_start3A_761 = tpu.memref_slice %arg11[%dma_start3A_759, %dma_start3A_760] : memref<10240x16xf32, #tpu.memory_space<vmem_shared>> -> memref<10240x16xf32, #tpu.memory_space<vmem_shared>>
      tpu.enqueue_indirect_dma source(%dma_start3A_755 : memref<128x16xf32, #tpu.memory_space<vmem>>) target(%dma_start3A_761 : memref<10240x16xf32, #tpu.memory_space<vmem_shared>>) offsets(%dma_start3A_758 : memref<128xi32, #tpu.memory_space<vmem>>) semaphore(%arg14 : memref<!tpu.dma_semaphore, #tpu.memory_space<semaphore_mem>>) {add = true}
      %dma_wait3A_762 = arith.constant 0 : i32
      %dma_wait3A_763 = arith.constant 0 : i32
      %dma_wait3A_764 = arith.constant 0 : i32
      %dma_wait3A_765 = tpu.memref_slice %arg9[%dma_wait3A_762, %dma_wait3A_763, %dma_wait3A_764] : memref<10x128x16xf32, #tpu.memory_space<vmem>> -> memref<1x128x16xf32, #tpu.memory_space<vmem>>
      %dma_wait3A_766 = tpu.memref_squeeze %dma_wait3A_765 : memref<1x128x16xf32, #tpu.memory_space<vmem>> -> memref<128x16xf32, #tpu.memory_space<vmem>>
      %dma_wait3A_767 = arith.constant 0 : i32
      %dma_wait3A_768 = tpu.memref_slice %arg8[%add3A_393, %dma_wait3A_767] : memref<80x128xi32, #tpu.memory_space<vmem>> -> memref<1x128xi32, #tpu.memory_space<vmem>>
      %dma_wait3A_769 = tpu.memref_squeeze %dma_wait3A_768 : memref<1x128xi32, #tpu.memory_space<vmem>> -> memref<128xi32, #tpu.memory_space<vmem>>
      %dma_wait3A_770 = arith.constant 0 : i32
      %dma_wait3A_771 = arith.constant 0 : i32
      %dma_wait3A_772 = tpu.memref_slice %arg11[%dma_wait3A_770, %dma_wait3A_771] : memref<10240x16xf32, #tpu.memory_space<vmem_shared>> -> memref<10240x16xf32, #tpu.memory_space<vmem_shared>>
      tpu.wait_indirect_dma semaphore(%arg14 : memref<!tpu.dma_semaphore, #tpu.memory_space<semaphore_mem>>) src(%dma_wait3A_766 : memref<128x16xf32, #tpu.memory_space<vmem>>) dst(%dma_wait3A_772 : memref<10240x16xf32, #tpu.memory_space<vmem_shared>>)
      %dma_wait3A_773 = arith.constant 1 : i32
      %dma_wait3A_774 = arith.constant 0 : i32
      %dma_wait3A_775 = arith.constant 0 : i32
      %dma_wait3A_776 = tpu.memref_slice %arg9[%dma_wait3A_773, %dma_wait3A_774, %dma_wait3A_775] : memref<10x128x16xf32, #tpu.memory_space<vmem>> -> memref<1x128x16xf32, #tpu.memory_space<vmem>>
      %dma_wait3A_777 = tpu.memref_squeeze %dma_wait3A_776 : memref<1x128x16xf32, #tpu.memory_space<vmem>> -> memref<128x16xf32, #tpu.memory_space<vmem>>
      %dma_wait3A_778 = arith.constant 0 : i32
      %dma_wait3A_779 = tpu.memref_slice %arg8[%add3A_406, %dma_wait3A_778] : memref<80x128xi32, #tpu.memory_space<vmem>> -> memref<1x128xi32, #tpu.memory_space<vmem>>
      %dma_wait3A_780 = tpu.memref_squeeze %dma_wait3A_779 : memref<1x128xi32, #tpu.memory_space<vmem>> -> memref<128xi32, #tpu.memory_space<vmem>>
      %dma_wait3A_781 = arith.constant 0 : i32
      %dma_wait3A_782 = arith.constant 0 : i32
      %dma_wait3A_783 = tpu.memref_slice %arg11[%dma_wait3A_781, %dma_wait3A_782] : memref<10240x16xf32, #tpu.memory_space<vmem_shared>> -> memref<10240x16xf32, #tpu.memory_space<vmem_shared>>
      tpu.wait_indirect_dma semaphore(%arg14 : memref<!tpu.dma_semaphore, #tpu.memory_space<semaphore_mem>>) src(%dma_wait3A_777 : memref<128x16xf32, #tpu.memory_space<vmem>>) dst(%dma_wait3A_783 : memref<10240x16xf32, #tpu.memory_space<vmem_shared>>)
      %dma_wait3A_784 = arith.constant 2 : i32
      %dma_wait3A_785 = arith.constant 0 : i32
      %dma_wait3A_786 = arith.constant 0 : i32
      %dma_wait3A_787 = tpu.memref_slice %arg9[%dma_wait3A_784, %dma_wait3A_785, %dma_wait3A_786] : memref<10x128x16xf32, #tpu.memory_space<vmem>> -> memref<1x128x16xf32, #tpu.memory_space<vmem>>
      %dma_wait3A_788 = tpu.memref_squeeze %dma_wait3A_787 : memref<1x128x16xf32, #tpu.memory_space<vmem>> -> memref<128x16xf32, #tpu.memory_space<vmem>>
      %dma_wait3A_789 = arith.constant 0 : i32
      %dma_wait3A_790 = tpu.memref_slice %arg8[%add3A_419, %dma_wait3A_789] : memref<80x128xi32, #tpu.memory_space<vmem>> -> memref<1x128xi32, #tpu.memory_space<vmem>>
      %dma_wait3A_791 = tpu.memref_squeeze %dma_wait3A_790 : memref<1x128xi32, #tpu.memory_space<vmem>> -> memref<128xi32, #tpu.memory_space<vmem>>
      %dma_wait3A_792 = arith.constant 0 : i32
      %dma_wait3A_793 = arith.constant 0 : i32
      %dma_wait3A_794 = tpu.memref_slice %arg11[%dma_wait3A_792, %dma_wait3A_793] : memref<10240x16xf32, #tpu.memory_space<vmem_shared>> -> memref<10240x16xf32, #tpu.memory_space<vmem_shared>>
      tpu.wait_indirect_dma semaphore(%arg14 : memref<!tpu.dma_semaphore, #tpu.memory_space<semaphore_mem>>) src(%dma_wait3A_788 : memref<128x16xf32, #tpu.memory_space<vmem>>) dst(%dma_wait3A_794 : memref<10240x16xf32, #tpu.memory_space<vmem_shared>>)
      %dma_wait3A_795 = arith.constant 3 : i32
      %dma_wait3A_796 = arith.constant 0 : i32
      %dma_wait3A_797 = arith.constant 0 : i32
      %dma_wait3A_798 = tpu.memref_slice %arg9[%dma_wait3A_795, %dma_wait3A_796, %dma_wait3A_797] : memref<10x128x16xf32, #tpu.memory_space<vmem>> -> memref<1x128x16xf32, #tpu.memory_space<vmem>>
      %dma_wait3A_799 = tpu.memref_squeeze %dma_wait3A_798 : memref<1x128x16xf32, #tpu.memory_space<vmem>> -> memref<128x16xf32, #tpu.memory_space<vmem>>
      %dma_wait3A_800 = arith.constant 0 : i32
      %dma_wait3A_801 = tpu.memref_slice %arg8[%add3A_432, %dma_wait3A_800] : memref<80x128xi32, #tpu.memory_space<vmem>> -> memref<1x128xi32, #tpu.memory_space<vmem>>
      %dma_wait3A_802 = tpu.memref_squeeze %dma_wait3A_801 : memref<1x128xi32, #tpu.memory_space<vmem>> -> memref<128xi32, #tpu.memory_space<vmem>>
      %dma_wait3A_803 = arith.constant 0 : i32
      %dma_wait3A_804 = arith.constant 0 : i32
      %dma_wait3A_805 = tpu.memref_slice %arg11[%dma_wait3A_803, %dma_wait3A_804] : memref<10240x16xf32, #tpu.memory_space<vmem_shared>> -> memref<10240x16xf32, #tpu.memory_space<vmem_shared>>
      tpu.wait_indirect_dma semaphore(%arg14 : memref<!tpu.dma_semaphore, #tpu.memory_space<semaphore_mem>>) src(%dma_wait3A_799 : memref<128x16xf32, #tpu.memory_space<vmem>>) dst(%dma_wait3A_805 : memref<10240x16xf32, #tpu.memory_space<vmem_shared>>)
      %dma_wait3A_806 = arith.constant 4 : i32
      %dma_wait3A_807 = arith.constant 0 : i32
      %dma_wait3A_808 = arith.constant 0 : i32
      %dma_wait3A_809 = tpu.memref_slice %arg9[%dma_wait3A_806, %dma_wait3A_807, %dma_wait3A_808] : memref<10x128x16xf32, #tpu.memory_space<vmem>> -> memref<1x128x16xf32, #tpu.memory_space<vmem>>
      %dma_wait3A_810 = tpu.memref_squeeze %dma_wait3A_809 : memref<1x128x16xf32, #tpu.memory_space<vmem>> -> memref<128x16xf32, #tpu.memory_space<vmem>>
      %dma_wait3A_811 = arith.constant 0 : i32
      %dma_wait3A_812 = tpu.memref_slice %arg8[%add3A_445, %dma_wait3A_811] : memref<80x128xi32, #tpu.memory_space<vmem>> -> memref<1x128xi32, #tpu.memory_space<vmem>>
      %dma_wait3A_813 = tpu.memref_squeeze %dma_wait3A_812 : memref<1x128xi32, #tpu.memory_space<vmem>> -> memref<128xi32, #tpu.memory_space<vmem>>
      %dma_wait3A_814 = arith.constant 0 : i32
      %dma_wait3A_815 = arith.constant 0 : i32
      %dma_wait3A_816 = tpu.memref_slice %arg11[%dma_wait3A_814, %dma_wait3A_815] : memref<10240x16xf32, #tpu.memory_space<vmem_shared>> -> memref<10240x16xf32, #tpu.memory_space<vmem_shared>>
      tpu.wait_indirect_dma semaphore(%arg14 : memref<!tpu.dma_semaphore, #tpu.memory_space<semaphore_mem>>) src(%dma_wait3A_810 : memref<128x16xf32, #tpu.memory_space<vmem>>) dst(%dma_wait3A_816 : memref<10240x16xf32, #tpu.memory_space<vmem_shared>>)
      %dma_wait3A_817 = arith.constant 5 : i32
      %dma_wait3A_818 = arith.constant 0 : i32
      %dma_wait3A_819 = arith.constant 0 : i32
      %dma_wait3A_820 = tpu.memref_slice %arg9[%dma_wait3A_817, %dma_wait3A_818, %dma_wait3A_819] : memref<10x128x16xf32, #tpu.memory_space<vmem>> -> memref<1x128x16xf32, #tpu.memory_space<vmem>>
      %dma_wait3A_821 = tpu.memref_squeeze %dma_wait3A_820 : memref<1x128x16xf32, #tpu.memory_space<vmem>> -> memref<128x16xf32, #tpu.memory_space<vmem>>
      %dma_wait3A_822 = arith.constant 0 : i32
      %dma_wait3A_823 = tpu.memref_slice %arg8[%add3A_458, %dma_wait3A_822] : memref<80x128xi32, #tpu.memory_space<vmem>> -> memref<1x128xi32, #tpu.memory_space<vmem>>
      %dma_wait3A_824 = tpu.memref_squeeze %dma_wait3A_823 : memref<1x128xi32, #tpu.memory_space<vmem>> -> memref<128xi32, #tpu.memory_space<vmem>>
      %dma_wait3A_825 = arith.constant 0 : i32
      %dma_wait3A_826 = arith.constant 0 : i32
      %dma_wait3A_827 = tpu.memref_slice %arg11[%dma_wait3A_825, %dma_wait3A_826] : memref<10240x16xf32, #tpu.memory_space<vmem_shared>> -> memref<10240x16xf32, #tpu.memory_space<vmem_shared>>
      tpu.wait_indirect_dma semaphore(%arg14 : memref<!tpu.dma_semaphore, #tpu.memory_space<semaphore_mem>>) src(%dma_wait3A_821 : memref<128x16xf32, #tpu.memory_space<vmem>>) dst(%dma_wait3A_827 : memref<10240x16xf32, #tpu.memory_space<vmem_shared>>)
      %dma_wait3A_828 = arith.constant 6 : i32
      %dma_wait3A_829 = arith.constant 0 : i32
      %dma_wait3A_830 = arith.constant 0 : i32
      %dma_wait3A_831 = tpu.memref_slice %arg9[%dma_wait3A_828, %dma_wait3A_829, %dma_wait3A_830] : memref<10x128x16xf32, #tpu.memory_space<vmem>> -> memref<1x128x16xf32, #tpu.memory_space<vmem>>
      %dma_wait3A_832 = tpu.memref_squeeze %dma_wait3A_831 : memref<1x128x16xf32, #tpu.memory_space<vmem>> -> memref<128x16xf32, #tpu.memory_space<vmem>>
      %dma_wait3A_833 = arith.constant 0 : i32
      %dma_wait3A_834 = tpu.memref_slice %arg8[%add3A_471, %dma_wait3A_833] : memref<80x128xi32, #tpu.memory_space<vmem>> -> memref<1x128xi32, #tpu.memory_space<vmem>>
      %dma_wait3A_835 = tpu.memref_squeeze %dma_wait3A_834 : memref<1x128xi32, #tpu.memory_space<vmem>> -> memref<128xi32, #tpu.memory_space<vmem>>
      %dma_wait3A_836 = arith.constant 0 : i32
      %dma_wait3A_837 = arith.constant 0 : i32
      %dma_wait3A_838 = tpu.memref_slice %arg11[%dma_wait3A_836, %dma_wait3A_837] : memref<10240x16xf32, #tpu.memory_space<vmem_shared>> -> memref<10240x16xf32, #tpu.memory_space<vmem_shared>>
      tpu.wait_indirect_dma semaphore(%arg14 : memref<!tpu.dma_semaphore, #tpu.memory_space<semaphore_mem>>) src(%dma_wait3A_832 : memref<128x16xf32, #tpu.memory_space<vmem>>) dst(%dma_wait3A_838 : memref<10240x16xf32, #tpu.memory_space<vmem_shared>>)
      %dma_wait3A_839 = arith.constant 7 : i32
      %dma_wait3A_840 = arith.constant 0 : i32
      %dma_wait3A_841 = arith.constant 0 : i32
      %dma_wait3A_842 = tpu.memref_slice %arg9[%dma_wait3A_839, %dma_wait3A_840, %dma_wait3A_841] : memref<10x128x16xf32, #tpu.memory_space<vmem>> -> memref<1x128x16xf32, #tpu.memory_space<vmem>>
      %dma_wait3A_843 = tpu.memref_squeeze %dma_wait3A_842 : memref<1x128x16xf32, #tpu.memory_space<vmem>> -> memref<128x16xf32, #tpu.memory_space<vmem>>
      %dma_wait3A_844 = arith.constant 0 : i32
      %dma_wait3A_845 = tpu.memref_slice %arg8[%add3A_484, %dma_wait3A_844] : memref<80x128xi32, #tpu.memory_space<vmem>> -> memref<1x128xi32, #tpu.memory_space<vmem>>
      %dma_wait3A_846 = tpu.memref_squeeze %dma_wait3A_845 : memref<1x128xi32, #tpu.memory_space<vmem>> -> memref<128xi32, #tpu.memory_space<vmem>>
      %dma_wait3A_847 = arith.constant 0 : i32
      %dma_wait3A_848 = arith.constant 0 : i32
      %dma_wait3A_849 = tpu.memref_slice %arg11[%dma_wait3A_847, %dma_wait3A_848] : memref<10240x16xf32, #tpu.memory_space<vmem_shared>> -> memref<10240x16xf32, #tpu.memory_space<vmem_shared>>
      tpu.wait_indirect_dma semaphore(%arg14 : memref<!tpu.dma_semaphore, #tpu.memory_space<semaphore_mem>>) src(%dma_wait3A_843 : memref<128x16xf32, #tpu.memory_space<vmem>>) dst(%dma_wait3A_849 : memref<10240x16xf32, #tpu.memory_space<vmem_shared>>)
      %dma_wait3A_850 = arith.constant 8 : i32
      %dma_wait3A_851 = arith.constant 0 : i32
      %dma_wait3A_852 = arith.constant 0 : i32
      %dma_wait3A_853 = tpu.memref_slice %arg9[%dma_wait3A_850, %dma_wait3A_851, %dma_wait3A_852] : memref<10x128x16xf32, #tpu.memory_space<vmem>> -> memref<1x128x16xf32, #tpu.memory_space<vmem>>
      %dma_wait3A_854 = tpu.memref_squeeze %dma_wait3A_853 : memref<1x128x16xf32, #tpu.memory_space<vmem>> -> memref<128x16xf32, #tpu.memory_space<vmem>>
      %dma_wait3A_855 = arith.constant 0 : i32
      %dma_wait3A_856 = tpu.memref_slice %arg8[%add3A_497, %dma_wait3A_855] : memref<80x128xi32, #tpu.memory_space<vmem>> -> memref<1x128xi32, #tpu.memory_space<vmem>>
      %dma_wait3A_857 = tpu.memref_squeeze %dma_wait3A_856 : memref<1x128xi32, #tpu.memory_space<vmem>> -> memref<128xi32, #tpu.memory_space<vmem>>
      %dma_wait3A_858 = arith.constant 0 : i32
      %dma_wait3A_859 = arith.constant 0 : i32
      %dma_wait3A_860 = tpu.memref_slice %arg11[%dma_wait3A_858, %dma_wait3A_859] : memref<10240x16xf32, #tpu.memory_space<vmem_shared>> -> memref<10240x16xf32, #tpu.memory_space<vmem_shared>>
      tpu.wait_indirect_dma semaphore(%arg14 : memref<!tpu.dma_semaphore, #tpu.memory_space<semaphore_mem>>) src(%dma_wait3A_854 : memref<128x16xf32, #tpu.memory_space<vmem>>) dst(%dma_wait3A_860 : memref<10240x16xf32, #tpu.memory_space<vmem_shared>>)
      %dma_wait3A_861 = arith.constant 9 : i32
      %dma_wait3A_862 = arith.constant 0 : i32
      %dma_wait3A_863 = arith.constant 0 : i32
      %dma_wait3A_864 = tpu.memref_slice %arg9[%dma_wait3A_861, %dma_wait3A_862, %dma_wait3A_863] : memref<10x128x16xf32, #tpu.memory_space<vmem>> -> memref<1x128x16xf32, #tpu.memory_space<vmem>>
      %dma_wait3A_865 = tpu.memref_squeeze %dma_wait3A_864 : memref<1x128x16xf32, #tpu.memory_space<vmem>> -> memref<128x16xf32, #tpu.memory_space<vmem>>
      %dma_wait3A_866 = arith.constant 0 : i32
      %dma_wait3A_867 = tpu.memref_slice %arg8[%add3A_510, %dma_wait3A_866] : memref<80x128xi32, #tpu.memory_space<vmem>> -> memref<1x128xi32, #tpu.memory_space<vmem>>
      %dma_wait3A_868 = tpu.memref_squeeze %dma_wait3A_867 : memref<1x128xi32, #tpu.memory_space<vmem>> -> memref<128xi32, #tpu.memory_space<vmem>>
      %dma_wait3A_869 = arith.constant 0 : i32
      %dma_wait3A_870 = arith.constant 0 : i32
      %dma_wait3A_871 = tpu.memref_slice %arg11[%dma_wait3A_869, %dma_wait3A_870] : memref<10240x16xf32, #tpu.memory_space<vmem_shared>> -> memref<10240x16xf32, #tpu.memory_space<vmem_shared>>
      tpu.wait_indirect_dma semaphore(%arg14 : memref<!tpu.dma_semaphore, #tpu.memory_space<semaphore_mem>>) src(%dma_wait3A_865 : memref<128x16xf32, #tpu.memory_space<vmem>>) dst(%dma_wait3A_871 : memref<10240x16xf32, #tpu.memory_space<vmem_shared>>)
      %dma_wait3A_872 = arith.constant 0 : i32
      %dma_wait3A_873 = arith.constant 0 : i32
      %dma_wait3A_874 = arith.constant 0 : i32
      %dma_wait3A_875 = tpu.memref_slice %arg10[%dma_wait3A_872, %dma_wait3A_873, %dma_wait3A_874] : memref<10x128x16xf32, #tpu.memory_space<vmem>> -> memref<1x128x16xf32, #tpu.memory_space<vmem>>
      %dma_wait3A_876 = tpu.memref_squeeze %dma_wait3A_875 : memref<1x128x16xf32, #tpu.memory_space<vmem>> -> memref<128x16xf32, #tpu.memory_space<vmem>>
      %dma_wait3A_877 = arith.constant 0 : i32
      %dma_wait3A_878 = tpu.memref_slice %arg8[%add3A_633, %dma_wait3A_877] : memref<80x128xi32, #tpu.memory_space<vmem>> -> memref<1x128xi32, #tpu.memory_space<vmem>>
      %dma_wait3A_879 = tpu.memref_squeeze %dma_wait3A_878 : memref<1x128xi32, #tpu.memory_space<vmem>> -> memref<128xi32, #tpu.memory_space<vmem>>
      %dma_wait3A_880 = arith.constant 0 : i32
      %dma_wait3A_881 = arith.constant 0 : i32
      %dma_wait3A_882 = tpu.memref_slice %arg11[%dma_wait3A_880, %dma_wait3A_881] : memref<10240x16xf32, #tpu.memory_space<vmem_shared>> -> memref<10240x16xf32, #tpu.memory_space<vmem_shared>>
      tpu.wait_indirect_dma semaphore(%arg14 : memref<!tpu.dma_semaphore, #tpu.memory_space<semaphore_mem>>) src(%dma_wait3A_876 : memref<128x16xf32, #tpu.memory_space<vmem>>) dst(%dma_wait3A_882 : memref<10240x16xf32, #tpu.memory_space<vmem_shared>>)
      %dma_wait3A_883 = arith.constant 1 : i32
      %dma_wait3A_884 = arith.constant 0 : i32
      %dma_wait3A_885 = arith.constant 0 : i32
      %dma_wait3A_886 = tpu.memref_slice %arg10[%dma_wait3A_883, %dma_wait3A_884, %dma_wait3A_885] : memref<10x128x16xf32, #tpu.memory_space<vmem>> -> memref<1x128x16xf32, #tpu.memory_space<vmem>>
      %dma_wait3A_887 = tpu.memref_squeeze %dma_wait3A_886 : memref<1x128x16xf32, #tpu.memory_space<vmem>> -> memref<128x16xf32, #tpu.memory_space<vmem>>
      %dma_wait3A_888 = arith.constant 0 : i32
      %dma_wait3A_889 = tpu.memref_slice %arg8[%add3A_646, %dma_wait3A_888] : memref<80x128xi32, #tpu.memory_space<vmem>> -> memref<1x128xi32, #tpu.memory_space<vmem>>
      %dma_wait3A_890 = tpu.memref_squeeze %dma_wait3A_889 : memref<1x128xi32, #tpu.memory_space<vmem>> -> memref<128xi32, #tpu.memory_space<vmem>>
      %dma_wait3A_891 = arith.constant 0 : i32
      %dma_wait3A_892 = arith.constant 0 : i32
      %dma_wait3A_893 = tpu.memref_slice %arg11[%dma_wait3A_891, %dma_wait3A_892] : memref<10240x16xf32, #tpu.memory_space<vmem_shared>> -> memref<10240x16xf32, #tpu.memory_space<vmem_shared>>
      tpu.wait_indirect_dma semaphore(%arg14 : memref<!tpu.dma_semaphore, #tpu.memory_space<semaphore_mem>>) src(%dma_wait3A_887 : memref<128x16xf32, #tpu.memory_space<vmem>>) dst(%dma_wait3A_893 : memref<10240x16xf32, #tpu.memory_space<vmem_shared>>)
      %dma_wait3A_894 = arith.constant 2 : i32
      %dma_wait3A_895 = arith.constant 0 : i32
      %dma_wait3A_896 = arith.constant 0 : i32
      %dma_wait3A_897 = tpu.memref_slice %arg10[%dma_wait3A_894, %dma_wait3A_895, %dma_wait3A_896] : memref<10x128x16xf32, #tpu.memory_space<vmem>> -> memref<1x128x16xf32, #tpu.memory_space<vmem>>
      %dma_wait3A_898 = tpu.memref_squeeze %dma_wait3A_897 : memref<1x128x16xf32, #tpu.memory_space<vmem>> -> memref<128x16xf32, #tpu.memory_space<vmem>>
      %dma_wait3A_899 = arith.constant 0 : i32
      %dma_wait3A_900 = tpu.memref_slice %arg8[%add3A_659, %dma_wait3A_899] : memref<80x128xi32, #tpu.memory_space<vmem>> -> memref<1x128xi32, #tpu.memory_space<vmem>>
      %dma_wait3A_901 = tpu.memref_squeeze %dma_wait3A_900 : memref<1x128xi32, #tpu.memory_space<vmem>> -> memref<128xi32, #tpu.memory_space<vmem>>
      %dma_wait3A_902 = arith.constant 0 : i32
      %dma_wait3A_903 = arith.constant 0 : i32
      %dma_wait3A_904 = tpu.memref_slice %arg11[%dma_wait3A_902, %dma_wait3A_903] : memref<10240x16xf32, #tpu.memory_space<vmem_shared>> -> memref<10240x16xf32, #tpu.memory_space<vmem_shared>>
      tpu.wait_indirect_dma semaphore(%arg14 : memref<!tpu.dma_semaphore, #tpu.memory_space<semaphore_mem>>) src(%dma_wait3A_898 : memref<128x16xf32, #tpu.memory_space<vmem>>) dst(%dma_wait3A_904 : memref<10240x16xf32, #tpu.memory_space<vmem_shared>>)
      %dma_wait3A_905 = arith.constant 3 : i32
      %dma_wait3A_906 = arith.constant 0 : i32
      %dma_wait3A_907 = arith.constant 0 : i32
      %dma_wait3A_908 = tpu.memref_slice %arg10[%dma_wait3A_905, %dma_wait3A_906, %dma_wait3A_907] : memref<10x128x16xf32, #tpu.memory_space<vmem>> -> memref<1x128x16xf32, #tpu.memory_space<vmem>>
      %dma_wait3A_909 = tpu.memref_squeeze %dma_wait3A_908 : memref<1x128x16xf32, #tpu.memory_space<vmem>> -> memref<128x16xf32, #tpu.memory_space<vmem>>
      %dma_wait3A_910 = arith.constant 0 : i32
      %dma_wait3A_911 = tpu.memref_slice %arg8[%add3A_672, %dma_wait3A_910] : memref<80x128xi32, #tpu.memory_space<vmem>> -> memref<1x128xi32, #tpu.memory_space<vmem>>
      %dma_wait3A_912 = tpu.memref_squeeze %dma_wait3A_911 : memref<1x128xi32, #tpu.memory_space<vmem>> -> memref<128xi32, #tpu.memory_space<vmem>>
      %dma_wait3A_913 = arith.constant 0 : i32
      %dma_wait3A_914 = arith.constant 0 : i32
      %dma_wait3A_915 = tpu.memref_slice %arg11[%dma_wait3A_913, %dma_wait3A_914] : memref<10240x16xf32, #tpu.memory_space<vmem_shared>> -> memref<10240x16xf32, #tpu.memory_space<vmem_shared>>
      tpu.wait_indirect_dma semaphore(%arg14 : memref<!tpu.dma_semaphore, #tpu.memory_space<semaphore_mem>>) src(%dma_wait3A_909 : memref<128x16xf32, #tpu.memory_space<vmem>>) dst(%dma_wait3A_915 : memref<10240x16xf32, #tpu.memory_space<vmem_shared>>)
      %dma_wait3A_916 = arith.constant 4 : i32
      %dma_wait3A_917 = arith.constant 0 : i32
      %dma_wait3A_918 = arith.constant 0 : i32
      %dma_wait3A_919 = tpu.memref_slice %arg10[%dma_wait3A_916, %dma_wait3A_917, %dma_wait3A_918] : memref<10x128x16xf32, #tpu.memory_space<vmem>> -> memref<1x128x16xf32, #tpu.memory_space<vmem>>
      %dma_wait3A_920 = tpu.memref_squeeze %dma_wait3A_919 : memref<1x128x16xf32, #tpu.memory_space<vmem>> -> memref<128x16xf32, #tpu.memory_space<vmem>>
      %dma_wait3A_921 = arith.constant 0 : i32
      %dma_wait3A_922 = tpu.memref_slice %arg8[%add3A_685, %dma_wait3A_921] : memref<80x128xi32, #tpu.memory_space<vmem>> -> memref<1x128xi32, #tpu.memory_space<vmem>>
      %dma_wait3A_923 = tpu.memref_squeeze %dma_wait3A_922 : memref<1x128xi32, #tpu.memory_space<vmem>> -> memref<128xi32, #tpu.memory_space<vmem>>
      %dma_wait3A_924 = arith.constant 0 : i32
      %dma_wait3A_925 = arith.constant 0 : i32
      %dma_wait3A_926 = tpu.memref_slice %arg11[%dma_wait3A_924, %dma_wait3A_925] : memref<10240x16xf32, #tpu.memory_space<vmem_shared>> -> memref<10240x16xf32, #tpu.memory_space<vmem_shared>>
      tpu.wait_indirect_dma semaphore(%arg14 : memref<!tpu.dma_semaphore, #tpu.memory_space<semaphore_mem>>) src(%dma_wait3A_920 : memref<128x16xf32, #tpu.memory_space<vmem>>) dst(%dma_wait3A_926 : memref<10240x16xf32, #tpu.memory_space<vmem_shared>>)
      %dma_wait3A_927 = arith.constant 5 : i32
      %dma_wait3A_928 = arith.constant 0 : i32
      %dma_wait3A_929 = arith.constant 0 : i32
      %dma_wait3A_930 = tpu.memref_slice %arg10[%dma_wait3A_927, %dma_wait3A_928, %dma_wait3A_929] : memref<10x128x16xf32, #tpu.memory_space<vmem>> -> memref<1x128x16xf32, #tpu.memory_space<vmem>>
      %dma_wait3A_931 = tpu.memref_squeeze %dma_wait3A_930 : memref<1x128x16xf32, #tpu.memory_space<vmem>> -> memref<128x16xf32, #tpu.memory_space<vmem>>
      %dma_wait3A_932 = arith.constant 0 : i32
      %dma_wait3A_933 = tpu.memref_slice %arg8[%add3A_698, %dma_wait3A_932] : memref<80x128xi32, #tpu.memory_space<vmem>> -> memref<1x128xi32, #tpu.memory_space<vmem>>
      %dma_wait3A_934 = tpu.memref_squeeze %dma_wait3A_933 : memref<1x128xi32, #tpu.memory_space<vmem>> -> memref<128xi32, #tpu.memory_space<vmem>>
      %dma_wait3A_935 = arith.constant 0 : i32
      %dma_wait3A_936 = arith.constant 0 : i32
      %dma_wait3A_937 = tpu.memref_slice %arg11[%dma_wait3A_935, %dma_wait3A_936] : memref<10240x16xf32, #tpu.memory_space<vmem_shared>> -> memref<10240x16xf32, #tpu.memory_space<vmem_shared>>
      tpu.wait_indirect_dma semaphore(%arg14 : memref<!tpu.dma_semaphore, #tpu.memory_space<semaphore_mem>>) src(%dma_wait3A_931 : memref<128x16xf32, #tpu.memory_space<vmem>>) dst(%dma_wait3A_937 : memref<10240x16xf32, #tpu.memory_space<vmem_shared>>)
      %dma_wait3A_938 = arith.constant 6 : i32
      %dma_wait3A_939 = arith.constant 0 : i32
      %dma_wait3A_940 = arith.constant 0 : i32
      %dma_wait3A_941 = tpu.memref_slice %arg10[%dma_wait3A_938, %dma_wait3A_939, %dma_wait3A_940] : memref<10x128x16xf32, #tpu.memory_space<vmem>> -> memref<1x128x16xf32, #tpu.memory_space<vmem>>
      %dma_wait3A_942 = tpu.memref_squeeze %dma_wait3A_941 : memref<1x128x16xf32, #tpu.memory_space<vmem>> -> memref<128x16xf32, #tpu.memory_space<vmem>>
      %dma_wait3A_943 = arith.constant 0 : i32
      %dma_wait3A_944 = tpu.memref_slice %arg8[%add3A_711, %dma_wait3A_943] : memref<80x128xi32, #tpu.memory_space<vmem>> -> memref<1x128xi32, #tpu.memory_space<vmem>>
      %dma_wait3A_945 = tpu.memref_squeeze %dma_wait3A_944 : memref<1x128xi32, #tpu.memory_space<vmem>> -> memref<128xi32, #tpu.memory_space<vmem>>
      %dma_wait3A_946 = arith.constant 0 : i32
      %dma_wait3A_947 = arith.constant 0 : i32
      %dma_wait3A_948 = tpu.memref_slice %arg11[%dma_wait3A_946, %dma_wait3A_947] : memref<10240x16xf32, #tpu.memory_space<vmem_shared>> -> memref<10240x16xf32, #tpu.memory_space<vmem_shared>>
      tpu.wait_indirect_dma semaphore(%arg14 : memref<!tpu.dma_semaphore, #tpu.memory_space<semaphore_mem>>) src(%dma_wait3A_942 : memref<128x16xf32, #tpu.memory_space<vmem>>) dst(%dma_wait3A_948 : memref<10240x16xf32, #tpu.memory_space<vmem_shared>>)
      %dma_wait3A_949 = arith.constant 7 : i32
      %dma_wait3A_950 = arith.constant 0 : i32
      %dma_wait3A_951 = arith.constant 0 : i32
      %dma_wait3A_952 = tpu.memref_slice %arg10[%dma_wait3A_949, %dma_wait3A_950, %dma_wait3A_951] : memref<10x128x16xf32, #tpu.memory_space<vmem>> -> memref<1x128x16xf32, #tpu.memory_space<vmem>>
      %dma_wait3A_953 = tpu.memref_squeeze %dma_wait3A_952 : memref<1x128x16xf32, #tpu.memory_space<vmem>> -> memref<128x16xf32, #tpu.memory_space<vmem>>
      %dma_wait3A_954 = arith.constant 0 : i32
      %dma_wait3A_955 = tpu.memref_slice %arg8[%add3A_724, %dma_wait3A_954] : memref<80x128xi32, #tpu.memory_space<vmem>> -> memref<1x128xi32, #tpu.memory_space<vmem>>
      %dma_wait3A_956 = tpu.memref_squeeze %dma_wait3A_955 : memref<1x128xi32, #tpu.memory_space<vmem>> -> memref<128xi32, #tpu.memory_space<vmem>>
      %dma_wait3A_957 = arith.constant 0 : i32
      %dma_wait3A_958 = arith.constant 0 : i32
      %dma_wait3A_959 = tpu.memref_slice %arg11[%dma_wait3A_957, %dma_wait3A_958] : memref<10240x16xf32, #tpu.memory_space<vmem_shared>> -> memref<10240x16xf32, #tpu.memory_space<vmem_shared>>
      tpu.wait_indirect_dma semaphore(%arg14 : memref<!tpu.dma_semaphore, #tpu.memory_space<semaphore_mem>>) src(%dma_wait3A_953 : memref<128x16xf32, #tpu.memory_space<vmem>>) dst(%dma_wait3A_959 : memref<10240x16xf32, #tpu.memory_space<vmem_shared>>)
      %dma_wait3A_960 = arith.constant 8 : i32
      %dma_wait3A_961 = arith.constant 0 : i32
      %dma_wait3A_962 = arith.constant 0 : i32
      %dma_wait3A_963 = tpu.memref_slice %arg10[%dma_wait3A_960, %dma_wait3A_961, %dma_wait3A_962] : memref<10x128x16xf32, #tpu.memory_space<vmem>> -> memref<1x128x16xf32, #tpu.memory_space<vmem>>
      %dma_wait3A_964 = tpu.memref_squeeze %dma_wait3A_963 : memref<1x128x16xf32, #tpu.memory_space<vmem>> -> memref<128x16xf32, #tpu.memory_space<vmem>>
      %dma_wait3A_965 = arith.constant 0 : i32
      %dma_wait3A_966 = tpu.memref_slice %arg8[%add3A_737, %dma_wait3A_965] : memref<80x128xi32, #tpu.memory_space<vmem>> -> memref<1x128xi32, #tpu.memory_space<vmem>>
      %dma_wait3A_967 = tpu.memref_squeeze %dma_wait3A_966 : memref<1x128xi32, #tpu.memory_space<vmem>> -> memref<128xi32, #tpu.memory_space<vmem>>
      %dma_wait3A_968 = arith.constant 0 : i32
      %dma_wait3A_969 = arith.constant 0 : i32
      %dma_wait3A_970 = tpu.memref_slice %arg11[%dma_wait3A_968, %dma_wait3A_969] : memref<10240x16xf32, #tpu.memory_space<vmem_shared>> -> memref<10240x16xf32, #tpu.memory_space<vmem_shared>>
      tpu.wait_indirect_dma semaphore(%arg14 : memref<!tpu.dma_semaphore, #tpu.memory_space<semaphore_mem>>) src(%dma_wait3A_964 : memref<128x16xf32, #tpu.memory_space<vmem>>) dst(%dma_wait3A_970 : memref<10240x16xf32, #tpu.memory_space<vmem_shared>>)
      %dma_wait3A_971 = arith.constant 9 : i32
      %dma_wait3A_972 = arith.constant 0 : i32
      %dma_wait3A_973 = arith.constant 0 : i32
      %dma_wait3A_974 = tpu.memref_slice %arg10[%dma_wait3A_971, %dma_wait3A_972, %dma_wait3A_973] : memref<10x128x16xf32, #tpu.memory_space<vmem>> -> memref<1x128x16xf32, #tpu.memory_space<vmem>>
      %dma_wait3A_975 = tpu.memref_squeeze %dma_wait3A_974 : memref<1x128x16xf32, #tpu.memory_space<vmem>> -> memref<128x16xf32, #tpu.memory_space<vmem>>
      %dma_wait3A_976 = arith.constant 0 : i32
      %dma_wait3A_977 = tpu.memref_slice %arg8[%add3A_750, %dma_wait3A_976] : memref<80x128xi32, #tpu.memory_space<vmem>> -> memref<1x128xi32, #tpu.memory_space<vmem>>
      %dma_wait3A_978 = tpu.memref_squeeze %dma_wait3A_977 : memref<1x128xi32, #tpu.memory_space<vmem>> -> memref<128xi32, #tpu.memory_space<vmem>>
      %dma_wait3A_979 = arith.constant 0 : i32
      %dma_wait3A_980 = arith.constant 0 : i32
      %dma_wait3A_981 = tpu.memref_slice %arg11[%dma_wait3A_979, %dma_wait3A_980] : memref<10240x16xf32, #tpu.memory_space<vmem_shared>> -> memref<10240x16xf32, #tpu.memory_space<vmem_shared>>
      tpu.wait_indirect_dma semaphore(%arg14 : memref<!tpu.dma_semaphore, #tpu.memory_space<semaphore_mem>>) src(%dma_wait3A_975 : memref<128x16xf32, #tpu.memory_space<vmem>>) dst(%dma_wait3A_981 : memref<10240x16xf32, #tpu.memory_space<vmem_shared>>)
    }
    %scan3A_7 = arith.constant 4 : i32
    %barrier3A_8 = arith.constant 0 : index
    tpu.barrier barrier_id(%barrier3A_8)
    %mul3A_9 = arith.constant 640 : i32
    %mul3A_10 = arith.muli %arg1, %mul3A_9 : i32
    %mul3A_11 = arith.constant 640 : i32
    %mul3A_12 = arith.muli %arg1, %mul3A_11 : i32
    "tpu.region"() ({
      %run_scoped3A = tpu.sem_alloc : memref<!tpu.dma_semaphore, #tpu.memory_space<semaphore_mem>>
      %dma_start3A = arith.constant 0 : i32
      %dma_start3A_13 = arith.constant 0 : i32
      %dma_start3A_14 = tpu.memref_slice %arg6[%arg0, %dma_start3A, %dma_start3A_13] : memref<2x10240x16xf32, #tpu.memory_space<hbm>> -> memref<1x10240x16xf32, #tpu.memory_space<hbm>>
      %dma_start3A_15 = tpu.memref_squeeze %dma_start3A_14 : memref<1x10240x16xf32, #tpu.memory_space<hbm>> -> memref<10240x16xf32, #tpu.memory_space<hbm>>
      %dma_start3A_16 = arith.constant 0 : i32
      %dma_start3A_17 = tpu.memref_slice %dma_start3A_15[%mul3A_12, %dma_start3A_16] : memref<10240x16xf32, #tpu.memory_space<hbm>> -> memref<640x16xf32, #tpu.memory_space<hbm>>
      %dma_start3A_18 = arith.constant 0 : i32
      %dma_start3A_19 = tpu.memref_slice %arg11[%mul3A_10, %dma_start3A_18] : memref<10240x16xf32, #tpu.memory_space<vmem_shared>> -> memref<640x16xf32, #tpu.memory_space<vmem_shared>>
      tpu.enqueue_dma source(%dma_start3A_19 : memref<640x16xf32, #tpu.memory_space<vmem_shared>>) target(%dma_start3A_17 : memref<640x16xf32, #tpu.memory_space<hbm>>) target_semaphore(%run_scoped3A : memref<!tpu.dma_semaphore, #tpu.memory_space<semaphore_mem>>)
      %dma_wait3A = arith.constant 0 : i32
      %dma_wait3A_20 = arith.constant 0 : i32
      %dma_wait3A_21 = tpu.memref_slice %arg6[%arg0, %dma_wait3A, %dma_wait3A_20] : memref<2x10240x16xf32, #tpu.memory_space<hbm>> -> memref<1x10240x16xf32, #tpu.memory_space<hbm>>
      %dma_wait3A_22 = tpu.memref_squeeze %dma_wait3A_21 : memref<1x10240x16xf32, #tpu.memory_space<hbm>> -> memref<10240x16xf32, #tpu.memory_space<hbm>>
      %dma_wait3A_23 = arith.constant 0 : i32
      %dma_wait3A_24 = tpu.memref_slice %dma_wait3A_22[%mul3A_12, %dma_wait3A_23] : memref<10240x16xf32, #tpu.memory_space<hbm>> -> memref<640x16xf32, #tpu.memory_space<hbm>>
      %dma_wait3A_25 = arith.constant 0 : i32
      %dma_wait3A_26 = tpu.memref_slice %arg11[%mul3A_10, %dma_wait3A_25] : memref<10240x16xf32, #tpu.memory_space<vmem_shared>> -> memref<640x16xf32, #tpu.memory_space<vmem_shared>>
      tpu.wait_dma2 semaphore(%run_scoped3A : memref<!tpu.dma_semaphore, #tpu.memory_space<semaphore_mem>>) src(%dma_wait3A_26 : memref<640x16xf32, #tpu.memory_space<vmem_shared>>) dst(%dma_wait3A_24 : memref<640x16xf32, #tpu.memory_space<hbm>>)
      tpu.yield
    }) : () -> ()
    return
  }
}

module attributes {stable_mosaic.version = 14 : i64} {
  func.func @_prep_body(%arg0: memref<2x320000xi32, #tpu.memory_space<vmem>>, %arg1: memref<320000xi32, #tpu.memory_space<vmem>>, %arg2: memref<320000xi32, #tpu.memory_space<vmem>>) attributes {dimension_semantics = [], scalar_prefetch = 0 : i64, scratch_operands = 0 : i64, tpu.core_type = #tpu.core_type<tc>} {
    %get3A = arith.constant 0 : index
    %get3A_0 = arith.constant 0 : index
    %get3A_1 = vector.load %arg0[%get3A, %get3A_0] : memref<2x320000xi32, #tpu.memory_space<vmem>>, vector<1x320000xi32>
    %get3A_2 = vector.shape_cast %get3A_1 : vector<1x320000xi32> to vector<320000xi32>
    %swap3A = arith.constant 0 : index
    %swap3A_3 = vector.load %arg1[%swap3A] : memref<320000xi32, #tpu.memory_space<vmem>>, vector<320000xi32>
    tpu.vector_store %arg1[%swap3A], %get3A_2 {strides = array<i32>} : memref<320000xi32, #tpu.memory_space<vmem>>, vector<320000xi32>,
    %get3A_4 = arith.constant 1 : index
    %get3A_5 = arith.constant 0 : index
    %get3A_6 = vector.load %arg0[%get3A_4, %get3A_5] : memref<2x320000xi32, #tpu.memory_space<vmem>>, vector<1x320000xi32>
    %get3A_7 = vector.shape_cast %get3A_6 : vector<1x320000xi32> to vector<320000xi32>
    %swap3A_8 = arith.constant 0 : index
    %swap3A_9 = vector.load %arg2[%swap3A_8] : memref<320000xi32, #tpu.memory_space<vmem>>, vector<320000xi32>
    tpu.vector_store %arg2[%swap3A_8], %get3A_7 {strides = array<i32>} : memref<320000xi32, #tpu.memory_space<vmem>>, vector<320000xi32>,
    return
  }
}

module attributes {stable_mosaic.version = 14 : i64} {
  func.func @_tc1_body(%arg0: i32, %arg1: memref<640x128xf32, #tpu.memory_space<vmem>>, %arg2: memref<640x128xf32, #tpu.memory_space<vmem>>, %arg3: memref<640x1024xf32, #tpu.memory_space<vmem>>, %arg4: memref<1024x128xf32, #tpu.memory_space<vmem>>, %arg5: memref<640x128xf32, #tpu.memory_space<vmem>>, %arg6: memref<640x128xf32, #tpu.memory_space<vmem>>) attributes {dimension_semantics = [#tpu.dimension_semantics<arbitrary>], iteration_bounds = array<i64: 2>, scalar_prefetch = 0 : i64, scratch_operands = 0 : i64, tpu.core_type = #tpu.core_type<tc>, window_params = [{transform_indices = @transform_0, window_bounds = array<i64: 640, 128>}, {transform_indices = @transform_1, window_bounds = array<i64: 640, 128>}, {transform_indices = @transform_2, window_bounds = array<i64: 640, 1024>}, {pipeline_mode = #tpu.pipeline_mode<synchronous>, transform_indices = @transform_3, window_bounds = array<i64: 1024, 128>}, {transform_indices = @transform_4, window_bounds = array<i64: 640, 128>}, {transform_indices = @transform_5, window_bounds = array<i64: 640, 128>}]} {
    %get3A = arith.constant 0 : index
    %get3A_0 = arith.constant 0 : index
    %get3A_1 = vector.load %arg1[%get3A, %get3A_0] : memref<640x128xf32, #tpu.memory_space<vmem>>, vector<640x128xf32>
    %get3A_2 = arith.constant 0 : index
    %get3A_3 = arith.constant 0 : index
    %get3A_4 = vector.load %arg2[%get3A_2, %get3A_3] : memref<640x128xf32, #tpu.memory_space<vmem>>, vector<640x128xf32>
    %add3A = arith.addf %get3A_1, %get3A_4 : vector<640x128xf32>
    %add3A_5 = arith.constant 1.000000e+00 : f32
    %add3A_6 = vector.broadcast %add3A_5 : f32 to vector<640x128xf32>
    %add3A_7 = arith.addf %add3A, %add3A_6 : vector<640x128xf32>
    %rsqrt3A = math.rsqrt %add3A_7 : vector<640x128xf32>
    %get3A_8 = arith.constant 0 : index
    %get3A_9 = arith.constant 0 : index
    %get3A_10 = vector.load %arg3[%get3A_8, %get3A_9] : memref<640x1024xf32, #tpu.memory_space<vmem>>, vector<640x1024xf32>
    %get3A_11 = arith.constant 0 : index
    %get3A_12 = arith.constant 0 : index
    %get3A_13 = vector.load %arg4[%get3A_11, %get3A_12] : memref<1024x128xf32, #tpu.memory_space<vmem>>, vector<1024x128xf32>
    %dot_general3A = arith.constant dense<0.000000e+00> : vector<640x128xf32>
    %dot_general3A_14 = tpu.matmul %get3A_10, %get3A_13, %dot_general3A {dimension_numbers = #tpu.dot_dimension_numbers<[1], [0], [0], [1], [0, 0, 1, 1], [], []>, transpose_lhs_hint = false} : vector<640x1024xf32>, vector<1024x128xf32>, vector<640x128xf32> -> vector<640x128xf32>
    %mul3A = arith.mulf %dot_general3A_14, %rsqrt3A : vector<640x128xf32>
    %swap3A = arith.constant 0 : index
    %swap3A_15 = arith.constant 0 : index
    %swap3A_16 = vector.load %arg5[%swap3A, %swap3A_15] : memref<640x128xf32, #tpu.memory_space<vmem>>, vector<640x128xf32>
    tpu.vector_store %arg5[%swap3A, %swap3A_15], %mul3A {strides = array<i32>} : memref<640x128xf32, #tpu.memory_space<vmem>>, vector<640x128xf32>,
    %swap3A_17 = arith.constant 0 : index
    %swap3A_18 = arith.constant 0 : index
    %swap3A_19 = vector.load %arg6[%swap3A_17, %swap3A_18] : memref<640x128xf32, #tpu.memory_space<vmem>>, vector<640x128xf32>
    tpu.vector_store %arg6[%swap3A_17, %swap3A_18], %rsqrt3A {strides = array<i32>} : memref<640x128xf32, #tpu.memory_space<vmem>>, vector<640x128xf32>,
    return
  }
  func.func @transform_0(%arg0: i32) -> (i32, i32) {
    %c0_i32 = arith.constant 0 : i32
    %c0_i32_0 = arith.constant 0 : i32
    return %arg0, %c0_i32 : i32, i32
  }
  func.func @transform_1(%arg0: i32) -> (i32, i32) {
    %c0_i32 = arith.constant 0 : i32
    %c0_i32_0 = arith.constant 0 : i32
    return %arg0, %c0_i32 : i32, i32
  }
  func.func @transform_2(%arg0: i32) -> (i32, i32) {
    %c0_i32 = arith.constant 0 : i32
    %c0_i32_0 = arith.constant 0 : i32
    return %arg0, %c0_i32 : i32, i32
  }
  func.func @transform_3(%arg0: i32) -> (i32, i32) {
    %c0_i32 = arith.constant 0 : i32
    %c0_i32_0 = arith.constant 0 : i32
    %c0_i32_1 = arith.constant 0 : i32
    return %c0_i32, %c0_i32_0 : i32, i32
  }
  func.func @transform_4(%arg0: i32) -> (i32, i32) {
    %c0_i32 = arith.constant 0 : i32
    %c0_i32_0 = arith.constant 0 : i32
    return %arg0, %c0_i32 : i32, i32
  }
  func.func @transform_5(%arg0: i32) -> (i32, i32) {
    %c0_i32 = arith.constant 0 : i32
    %c0_i32_0 = arith.constant 0 : i32
    return %arg0, %c0_i32 : i32, i32
  }
}

module attributes {stable_mosaic.version = 14 : i64} {
  func.func @_tc2_body(%arg0: i32, %arg1: memref<2x320x256xf32, #tpu.memory_space<vmem>>, %arg2: memref<320x256xf32, #tpu.memory_space<vmem>>, %arg3: memref<320x256xf32, #tpu.memory_space<vmem>>, %arg4: memref<1x256xf32, #tpu.memory_space<vmem>>, %arg5: memref<256x128xf32, #tpu.memory_space<vmem>>, %arg6: memref<320x128xf32, #tpu.memory_space<vmem>>) attributes {dimension_semantics = [#tpu.dimension_semantics<arbitrary>], iteration_bounds = array<i64: 2>, scalar_prefetch = 0 : i64, scratch_operands = 0 : i64, tpu.core_type = #tpu.core_type<tc>, window_params = [{transform_indices = @transform_0, window_bounds = array<i64: 2, 320, 256>}, {transform_indices = @transform_1, window_bounds = array<i64: 320, 256>}, {transform_indices = @transform_2, window_bounds = array<i64: 320, 256>}, {pipeline_mode = #tpu.pipeline_mode<synchronous>, transform_indices = @transform_3, window_bounds = array<i64: 1, 256>}, {pipeline_mode = #tpu.pipeline_mode<synchronous>, transform_indices = @transform_4, window_bounds = array<i64: 256, 128>}, {transform_indices = @transform_5, window_bounds = array<i64: 320, 128>}]} {
    %get3A = arith.constant 0 : index
    %get3A_0 = arith.constant 0 : index
    %get3A_1 = vector.load %arg3[%get3A, %get3A_0] : memref<320x256xf32, #tpu.memory_space<vmem>>, vector<320x256xf32>
    %get3A_2 = arith.constant 0 : index
    %get3A_3 = arith.constant 0 : index
    %get3A_4 = arith.constant 0 : index
    %get3A_5 = vector.load %arg1[%get3A_2, %get3A_3, %get3A_4] : memref<2x320x256xf32, #tpu.memory_space<vmem>>, vector<1x320x256xf32>
    %get3A_6 = vector.shape_cast %get3A_5 : vector<1x320x256xf32> to vector<320x256xf32>
    %get3A_7 = arith.constant 1 : index
    %get3A_8 = arith.constant 0 : index
    %get3A_9 = arith.constant 0 : index
    %get3A_10 = vector.load %arg1[%get3A_7, %get3A_8, %get3A_9] : memref<2x320x256xf32, #tpu.memory_space<vmem>>, vector<1x320x256xf32>
    %get3A_11 = vector.shape_cast %get3A_10 : vector<1x320x256xf32> to vector<320x256xf32>
    %add3A = arith.addf %get3A_6, %get3A_11 : vector<320x256xf32>
    %get3A_12 = arith.constant 0 : index
    %get3A_13 = arith.constant 0 : index
    %get3A_14 = vector.load %arg2[%get3A_12, %get3A_13] : memref<320x256xf32, #tpu.memory_space<vmem>>, vector<320x256xf32>
    %add3A_15 = arith.addf %add3A, %get3A_14 : vector<320x256xf32>
    %mul3A = arith.mulf %add3A_15, %get3A_1 : vector<320x256xf32>
    %get3A_16 = arith.constant 0 : index
    %get3A_17 = arith.constant 0 : index
    %get3A_18 = vector.load %arg4[%get3A_16, %get3A_17] : memref<1x256xf32, #tpu.memory_space<vmem>>, vector<1x256xf32>
    %add3A_19 = vector.broadcast %get3A_18 : vector<1x256xf32> to vector<320x256xf32>
    %add3A_20 = arith.addf %mul3A, %add3A_19 : vector<320x256xf32>
    %max3A = arith.constant 0.000000e+00 : f32
    %max3A_21 = vector.broadcast %max3A : f32 to vector<320x256xf32>
    %max3A_22 = arith.maximumf %add3A_20, %max3A_21 : vector<320x256xf32>
    %mul3A_23 = arith.mulf %max3A_22, %get3A_1 : vector<320x256xf32>
    %get3A_24 = arith.constant 0 : index
    %get3A_25 = arith.constant 0 : index
    %get3A_26 = vector.load %arg5[%get3A_24, %get3A_25] : memref<256x128xf32, #tpu.memory_space<vmem>>, vector<256x128xf32>
    %dot_general3A = arith.constant dense<0.000000e+00> : vector<320x128xf32>
    %dot_general3A_27 = tpu.matmul %mul3A_23, %get3A_26, %dot_general3A {dimension_numbers = #tpu.dot_dimension_numbers<[1], [0], [0], [1], [0, 0, 1, 1], [], []>, transpose_lhs_hint = false} : vector<320x256xf32>, vector<256x128xf32>, vector<320x128xf32> -> vector<320x128xf32>
    %swap3A = arith.constant 0 : index
    %swap3A_28 = arith.constant 0 : index
    %swap3A_29 = vector.load %arg6[%swap3A, %swap3A_28] : memref<320x128xf32, #tpu.memory_space<vmem>>, vector<320x128xf32>
    tpu.vector_store %arg6[%swap3A, %swap3A_28], %dot_general3A_27 {strides = array<i32>} : memref<320x128xf32, #tpu.memory_space<vmem>>, vector<320x128xf32>,
    return
  }
  func.func @transform_0(%arg0: i32) -> (i32, i32, i32) {
    %c0_i32 = arith.constant 0 : i32
    %c0_i32_0 = arith.constant 0 : i32
    %c0_i32_1 = arith.constant 0 : i32
    return %c0_i32, %arg0, %c0_i32_0 : i32, i32, i32
  }
  func.func @transform_1(%arg0: i32) -> (i32, i32) {
    %c0_i32 = arith.constant 0 : i32
    %c0_i32_0 = arith.constant 0 : i32
    return %arg0, %c0_i32 : i32, i32
  }
  func.func @transform_2(%arg0: i32) -> (i32, i32) {
    %c0_i32 = arith.constant 0 : i32
    %c0_i32_0 = arith.constant 0 : i32
    return %arg0, %c0_i32 : i32, i32
  }
  func.func @transform_3(%arg0: i32) -> (i32, i32) {
    %c0_i32 = arith.constant 0 : i32
    %c0_i32_0 = arith.constant 0 : i32
    %c0_i32_1 = arith.constant 0 : i32
    return %c0_i32, %c0_i32_0 : i32, i32
  }
  func.func @transform_4(%arg0: i32) -> (i32, i32) {
    %c0_i32 = arith.constant 0 : i32
    %c0_i32_0 = arith.constant 0 : i32
    %c0_i32_1 = arith.constant 0 : i32
    return %c0_i32, %c0_i32_0 : i32, i32
  }
  func.func @transform_5(%arg0: i32) -> (i32, i32) {
    %c0_i32 = arith.constant 0 : i32
    %c0_i32_0 = arith.constant 0 : i32
    return %arg0, %c0_i32 : i32, i32
  }
}

module attributes {stable_mosaic.version = 14 : i64} {
  func.func @_tc3_body(%arg0: i32, %arg1: memref<2x320x128xf32, #tpu.memory_space<vmem>>, %arg2: memref<320x128xf32, #tpu.memory_space<vmem>>, %arg3: memref<320x256xf32, #tpu.memory_space<vmem>>, %arg4: memref<256x128xf32, #tpu.memory_space<vmem>>, %arg5: memref<1x128xf32, #tpu.memory_space<vmem>>, %arg6: memref<128x16xf32, #tpu.memory_space<vmem>>, %arg7: memref<16x128xf32, #tpu.memory_space<vmem>>, %arg8: memref<320x128xf32, #tpu.memory_space<vmem>>) attributes {dimension_semantics = [#tpu.dimension_semantics<arbitrary>], iteration_bounds = array<i64: 2>, scalar_prefetch = 0 : i64, scratch_operands = 0 : i64, tpu.core_type = #tpu.core_type<tc>, window_params = [{transform_indices = @transform_0, window_bounds = array<i64: 2, 320, 128>}, {transform_indices = @transform_1, window_bounds = array<i64: 320, 128>}, {transform_indices = @transform_2, window_bounds = array<i64: 320, 256>}, {pipeline_mode = #tpu.pipeline_mode<synchronous>, transform_indices = @transform_3, window_bounds = array<i64: 256, 128>}, {pipeline_mode = #tpu.pipeline_mode<synchronous>, transform_indices = @transform_4, window_bounds = array<i64: 1, 128>}, {pipeline_mode = #tpu.pipeline_mode<synchronous>, transform_indices = @transform_5, window_bounds = array<i64: 128, 16>}, {pipeline_mode = #tpu.pipeline_mode<synchronous>, transform_indices = @transform_6, window_bounds = array<i64: 16, 128>}, {transform_indices = @transform_7, window_bounds = array<i64: 320, 128>}]} {
    %get3A = arith.constant 0 : index
    %get3A_0 = arith.constant 0 : index
    %get3A_1 = vector.load %arg3[%get3A, %get3A_0] : memref<320x256xf32, #tpu.memory_space<vmem>>, vector<320x256xf32>
    %get3A_2 = arith.constant 0 : index
    %get3A_3 = arith.constant 0 : index
    %get3A_4 = vector.load %arg4[%get3A_2, %get3A_3] : memref<256x128xf32, #tpu.memory_space<vmem>>, vector<256x128xf32>
    %dot_general3A = arith.constant dense<0.000000e+00> : vector<320x128xf32>
    %dot_general3A_5 = tpu.matmul %get3A_1, %get3A_4, %dot_general3A {dimension_numbers = #tpu.dot_dimension_numbers<[1], [0], [0], [1], [0, 0, 1, 1], [], []>, precision = #tpu.contract_precision<fp32>, transpose_lhs_hint = false} : vector<320x256xf32>, vector<256x128xf32>, vector<320x128xf32> -> vector<320x128xf32>
    %get3A_6 = arith.constant 0 : index
    %get3A_7 = arith.constant 0 : index
    %get3A_8 = arith.constant 0 : index
    %get3A_9 = vector.load %arg1[%get3A_6, %get3A_7, %get3A_8] : memref<2x320x128xf32, #tpu.memory_space<vmem>>, vector<1x320x128xf32>
    %get3A_10 = vector.shape_cast %get3A_9 : vector<1x320x128xf32> to vector<320x128xf32>
    %get3A_11 = arith.constant 1 : index
    %get3A_12 = arith.constant 0 : index
    %get3A_13 = arith.constant 0 : index
    %get3A_14 = vector.load %arg1[%get3A_11, %get3A_12, %get3A_13] : memref<2x320x128xf32, #tpu.memory_space<vmem>>, vector<1x320x128xf32>
    %get3A_15 = vector.shape_cast %get3A_14 : vector<1x320x128xf32> to vector<320x128xf32>
    %add3A = arith.addf %get3A_10, %get3A_15 : vector<320x128xf32>
    %get3A_16 = arith.constant 0 : index
    %get3A_17 = arith.constant 0 : index
    %get3A_18 = vector.load %arg2[%get3A_16, %get3A_17] : memref<320x128xf32, #tpu.memory_space<vmem>>, vector<320x128xf32>
    %add3A_19 = arith.addf %add3A, %get3A_18 : vector<320x128xf32>
    %mul3A = arith.mulf %add3A_19, %dot_general3A_5 : vector<320x128xf32>
    %get3A_20 = arith.constant 0 : index
    %get3A_21 = arith.constant 0 : index
    %get3A_22 = vector.load %arg5[%get3A_20, %get3A_21] : memref<1x128xf32, #tpu.memory_space<vmem>>, vector<1x128xf32>
    %add3A_23 = vector.broadcast %get3A_22 : vector<1x128xf32> to vector<320x128xf32>
    %add3A_24 = arith.addf %mul3A, %add3A_23 : vector<320x128xf32>
    %max3A = arith.constant 0.000000e+00 : f32
    %max3A_25 = vector.broadcast %max3A : f32 to vector<320x128xf32>
    %max3A_26 = arith.maximumf %add3A_24, %max3A_25 : vector<320x128xf32>
    %reduce_max3A = vector.shape_cast %max3A_26 : vector<320x128xf32> to vector<1x320x128xf32>
    %reduce_max3A_27 = arith.constant dense<0xFF800000> : vector<1xf32>
    %reduce_max3A_28 = vector.multi_reduction <maximumf>, %reduce_max3A, %reduce_max3A_27 [1, 2] : vector<1x320x128xf32> to vector<1xf32>
    %reduce_max3A_29 = vector.shape_cast %reduce_max3A_28 : vector<1xf32> to vector<1x1x1xf32>
    %reduce_max3A_30 = vector.extract %reduce_max3A_29[0, 0, 0] : f32 from vector<1x1x1xf32>
    %iota3A = tpu.iota {dimensions = array<i32: 1>} : vector<320x128xi32>
    %jit3A = arith.constant 8 : i32
    %eq3A = arith.constant 0 : i32
    %eq3A_31 = arith.cmpi eq, %jit3A, %eq3A : i32
    %jit3A_32 = arith.constant 1 : i32
    %select_n3A = arith.select %eq3A_31, %jit3A_32, %jit3A : i32
    %rem3A = vector.broadcast %select_n3A : i32 to vector<320x128xi32>
    %rem3A_33 = arith.remsi %iota3A, %rem3A : vector<320x128xi32>
    %ne3A = arith.constant 0 : i32
    %ne3A_34 = vector.broadcast %ne3A : i32 to vector<320x128xi32>
    %ne3A_35 = arith.cmpi ne, %rem3A_33, %ne3A_34 : vector<320x128xi32>
    %lt3A = arith.constant 0 : i32
    %lt3A_36 = vector.broadcast %lt3A : i32 to vector<320x128xi32>
    %lt3A_37 = arith.cmpi slt, %rem3A_33, %lt3A_36 : vector<320x128xi32>
    %lt3A_38 = arith.constant 0 : i32
    %lt3A_39 = arith.cmpi slt, %select_n3A, %lt3A_38 : i32
    %ne3A_40 = vector.broadcast %lt3A_39 : i1 to vector<320x128xi1>
    %ne3A_41 = vector.broadcast %ne3A_40 : vector<320x128xi1> to vector<320x128xi1>
    %ne3A_42 = arith.xori %lt3A_37, %ne3A_41 : vector<320x128xi1>
    %and3A = arith.andi %ne3A_42, %ne3A_35 : vector<320x128xi1>
    %add3A_43 = vector.broadcast %select_n3A : i32 to vector<320x128xi32>
    %add3A_44 = arith.addi %rem3A_33, %add3A_43 : vector<320x128xi32>
    %select_n3A_45 = arith.select %and3A, %add3A_44, %rem3A_33 : vector<320x128xi1>, vector<320x128xi32>
    %lt3A_46 = arith.constant 7 : i32
    %lt3A_47 = vector.broadcast %lt3A_46 : i32 to vector<320x128xi32>
    %lt3A_48 = arith.cmpi slt, %select_n3A_45, %lt3A_47 : vector<320x128xi32>
    %sub3A = vector.broadcast %reduce_max3A_30 : f32 to vector<320x128xf32>
    %sub3A_49 = arith.subf %max3A_26, %sub3A : vector<320x128xf32>
    %exp3A = math.exp %sub3A_49 : vector<320x128xf32>
    %jit3A_50 = arith.constant 0.000000e+00 : f32
    %broadcast_in_dim3A = vector.broadcast %jit3A_50 : f32 to vector<320x128xf32>
    %select_n3A_51 = arith.select %lt3A_48, %exp3A, %broadcast_in_dim3A : vector<320x128xi1>, vector<320x128xf32>
    %get3A_52 = arith.constant 0 : index
    %get3A_53 = arith.constant 0 : index
    %get3A_54 = vector.load %arg6[%get3A_52, %get3A_53] : memref<128x16xf32, #tpu.memory_space<vmem>>, vector<128x16xf32>
    %dot_general3A_55 = arith.constant dense<0.000000e+00> : vector<320x16xf32>
    %dot_general3A_56 = tpu.matmul %select_n3A_51, %get3A_54, %dot_general3A_55 {dimension_numbers = #tpu.dot_dimension_numbers<[1], [0], [0], [1], [0, 0, 1, 1], [], []>, precision = #tpu.contract_precision<fp32>, transpose_lhs_hint = false} : vector<320x128xf32>, vector<128x16xf32>, vector<320x16xf32> -> vector<320x16xf32>
    %log3A = math.log %dot_general3A_56 : vector<320x16xf32>
    %get3A_57 = arith.constant 0 : index
    %get3A_58 = arith.constant 0 : index
    %get3A_59 = vector.load %arg7[%get3A_57, %get3A_58] : memref<16x128xf32, #tpu.memory_space<vmem>>, vector<16x128xf32>
    %dot_general3A_60 = arith.constant dense<0.000000e+00> : vector<320x128xf32>
    %dot_general3A_61 = tpu.matmul %log3A, %get3A_59, %dot_general3A_60 {dimension_numbers = #tpu.dot_dimension_numbers<[1], [0], [0], [1], [0, 0, 1, 1], [], []>, precision = #tpu.contract_precision<fp32>, transpose_lhs_hint = false} : vector<320x16xf32>, vector<16x128xf32>, vector<320x128xf32> -> vector<320x128xf32>
    %sub3A_62 = vector.broadcast %reduce_max3A_30 : f32 to vector<320x128xf32>
    %sub3A_63 = arith.subf %max3A_26, %sub3A_62 : vector<320x128xf32>
    %sub3A_64 = arith.subf %sub3A_63, %dot_general3A_61 : vector<320x128xf32>
    %swap3A = arith.constant 0 : index
    %swap3A_65 = arith.constant 0 : index
    %swap3A_66 = vector.load %arg8[%swap3A, %swap3A_65] : memref<320x128xf32, #tpu.memory_space<vmem>>, vector<320x128xf32>
    tpu.vector_store %arg8[%swap3A, %swap3A_65], %sub3A_64 {strides = array<i32>} : memref<320x128xf32, #tpu.memory_space<vmem>>, vector<320x128xf32>,
    return
  }
  func.func @transform_0(%arg0: i32) -> (i32, i32, i32) {
    %c0_i32 = arith.constant 0 : i32
    %c0_i32_0 = arith.constant 0 : i32
    %c0_i32_1 = arith.constant 0 : i32
    return %c0_i32, %arg0, %c0_i32_0 : i32, i32, i32
  }
  func.func @transform_1(%arg0: i32) -> (i32, i32) {
    %c0_i32 = arith.constant 0 : i32
    %c0_i32_0 = arith.constant 0 : i32
    return %arg0, %c0_i32 : i32, i32
  }
  func.func @transform_2(%arg0: i32) -> (i32, i32) {
    %c0_i32 = arith.constant 0 : i32
    %c0_i32_0 = arith.constant 0 : i32
    return %arg0, %c0_i32 : i32, i32
  }
  func.func @transform_3(%arg0: i32) -> (i32, i32) {
    %c0_i32 = arith.constant 0 : i32
    %c0_i32_0 = arith.constant 0 : i32
    %c0_i32_1 = arith.constant 0 : i32
    return %c0_i32, %c0_i32_0 : i32, i32
  }
  func.func @transform_4(%arg0: i32) -> (i32, i32) {
    %c0_i32 = arith.constant 0 : i32
    %c0_i32_0 = arith.constant 0 : i32
    %c0_i32_1 = arith.constant 0 : i32
    return %c0_i32, %c0_i32_0 : i32, i32
  }
  func.func @transform_5(%arg0: i32) -> (i32, i32) {
    %c0_i32 = arith.constant 0 : i32
    %c0_i32_0 = arith.constant 0 : i32
    %c0_i32_1 = arith.constant 0 : i32
    return %c0_i32, %c0_i32_0 : i32, i32
  }
  func.func @transform_6(%arg0: i32) -> (i32, i32) {
    %c0_i32 = arith.constant 0 : i32
    %c0_i32_0 = arith.constant 0 : i32
    %c0_i32_1 = arith.constant 0 : i32
    return %c0_i32, %c0_i32_0 : i32, i32
  }
  func.func @transform_7(%arg0: i32) -> (i32, i32) {
    %c0_i32 = arith.constant 0 : i32
    %c0_i32_0 = arith.constant 0 : i32
    return %arg0, %c0_i32 : i32, i32
  }
}

</mosaic_0001>

<sc_bundles>
// kernel: kernel.12.cloned.1.call-start
scs
__scs_entry_jumppad:
0x0: {  	(pc) =	sbr.rel $0x88, $3  }
0x1: {  	(tag) =	ssettag $0x0;
	lr =	simm.s32 $0x1  }
0x2: {  	[smem:$0x3F9B] =	sst lr;
	_ =	strace $0xD0000000  }
0x3: {  	_ = 	snop  }
0x4: {  	_ = 	snop  }
0x5: {  	_ = 	snop  }
0x6: {  	_ = 	snop  }
0x7: {  	_ = 	snop  }
__scs_overlays_trampoline_lowered:
0x8: {  	[smem:$0x3FAA] =	sst s0  }
0x9: {  	[smem:$0x3FAB] =	sst s1  }
0xa: {  	[smem:$0x3FAC] =	sst s2  }
0xb: {  	[smem:$0x3FAD] =	sst s3  }
0xc: {  	[smem:$0x3FAE] =	sst s4  }
0xd: {  	[smem:$0x3FAF] =	sst s5  }
0xe: {  	[smem:$0x3FB0] =	sst s6  }
0xf: {  	[smem:$0x3FB1] =	sst s7  }
0x10: {  	[smem:$0x3FB2] =	sst s8  }
0x11: {  	[smem:$0x3FB3] =	sst s9;
	s0 =	simm.s32 @!p0 $0x0  }
0x12: {  	s1 =	sld [smem:$0x3F99];
	s0 =	simm.s32 @p0 $0x1  }
0x13: {  	[smem:$0x3FB4] =	sst s0;
	s0 =	simm.s32 @!p1 $0x0  }
0x14: {  	s2 =	sld [smem:$0x3F98];
	s0 =	simm.s32 @p1 $0x1  }
0x15: {  	[smem:$0x3FB5] =	sst s0;
	s0 =	simm.s32 @!p2 $0x0  }
0x16: {  	s3 =	sld [smem:$0x3FDB];
	s0 =	simm.s32 @p2 $0x1  }
0x17: {  	s4 =	simm.s32 $0x1BF5;
	[smem:$0x3FB7] =	sst s0  }
0x18: {  	s0 =	sld [smem:$0x3F9A];
	_ =	swait.ge [sflag:s4], $0x0  }
0x19: {  	s7 =	sld [smem:$0x3F9B]  }
0x1a: {  	s8 =	sadd.s32 $0xFFFFE003, lr  }
0x1b: {  	s9 =	sadd.s32 $0xFFFFFEF7, lr;
	s5 =	simm.s32 $0xFFFFFFFF;
	p2 =	slt.u32 s8, $0xFFFFF086  }
0x1c: {  	p1 =	slt.u32 s9, $0xF7A;
	s5 =	simm.s32 @!p2 $0x0  }
0x1d: {  	s5 =	simm.s32 @p1 $0x1;
	p0 =	seq.s32 s7, s2  }
0x1e: {  	s7 =	smul.u32 @!p0 $0xF7A, s2;
	p2 =	seq.s32 @!p0 s5, $0x0  }
0x1f: {  	s9 =	smul.u32 $0xF7A, s1;
	s8 =	simm.s32 @!p0 $0x1BF5;
	p2 =	por !p2, p0  }
0x20: {  	[sflag:s8] =	ssyncset.s32 @!p0 $0xFFFFF086;
	s6 =	sadd.s32 @!p0 s3, s7;
	s7 =	simm.s32 @!p0 $0x108  }
0x21: {  	s3 =	sadd.s32 s3, s9;
	s6 =	sadd.s32 @!p0 $0x88, s6;
	s7 =	simm.s32 @p2 $0x1082  }
0x22: {  	[simem:s7], [sflag:s8] =	dma.local @!p0 [hbm:s6], $0xF7A  }
0x23: {  	s9 =	sor.u32 $0xD0000000, s2;
	s6 =	simm.s32 $0x108;
	_ =	swait.ge @!p0 [sflag:s8], $0x0  }
0x24: {  	s3 =	sadd.s32 $0x88, s3;
	s6 =	simm.s32 @!p1 $0x1082;
	[sflag:s4] =	ssyncset.s32 $0xFFFFF086  }
0x25: {  	[simem:s6], [sflag:s4] =	dma.local [hbm:s3], $0xF7A  }
0x26: {  	[smem:$0x3F9B] =	sst s1;
	(tag) =	ssettag s2;
	_ =	strace s9  }
0x27: {  	s1 =	sld [smem:$0x3FAB]  }
0x28: {  	s2 =	sld [smem:$0x3FAC]  }
0x29: {  	s4 =	sld [smem:$0x3FAE]  }
0x2a: {  	p0 =	seq.s32 s5, $0x0;
	s5 =	sld [smem:$0x3FAF]  }
0x2b: {  	s6 =	sld [smem:$0x3FB0]  }
0x2c: {  	s7 =	sld [smem:$0x3FB1]  }
0x2d: {  	s3 =	simm.s32 $0x108;
	s8 =	sld [smem:$0x3FB2]  }
0x2e: {  	s3 =	simm.s32 @!p0 $0x1082;
	s9 =	sld [smem:$0x3FB3]  }
0x2f: {  	lr =	sadd.s32 s0, s3;
	s0 =	sld [smem:$0x3FAA]  }
0x30: {  	s3 =	sld [smem:$0x3FAD]  }
0x31: {  	[smem:$0x3FB6] =	sst s10  }
0x32: {  	s10 =	sld [smem:$0x3FB4];
	_ =	sdelay $0x3  }
0x33: {  	p0 =	seq.s32 s10, $0x1;
	s10 =	sld [smem:$0x3FB6];
	_ =	sdelay $0x3  }
0x34: {  	[smem:$0x3FB6] =	sst s10  }
0x35: {  	s10 =	sld [smem:$0x3FB5];
	_ =	sdelay $0x3  }
0x36: {  	p1 =	seq.s32 s10, $0x1;
	s10 =	sld [smem:$0x3FB6];
	_ =	sdelay $0x3  }
0x37: {  	[smem:$0x3FB6] =	sst s10  }
0x38: {  	s10 =	sld [smem:$0x3FB7]  }
0x39: {  	_ = 	snop;
	(pc) =	sbr.ind lr, $3  }
0x3a: {  	_ = 	snop  }
0x3b: {  	_ = 	snop  }
0x3c: {  	p2 =	seq.s32 s10, $0x1;
	s10 =	sld [smem:$0x3FB6]  }
0x3d: {  	_ =	shalt  }
0x3e: {  	_ =	shalt  }
0x3f: {  	_ =	shalt  }
0x40: {  	_ =	shalt  }
0x41: {  	_ =	shalt  }
0x42: {  	_ =	shalt  }
0x43: {  	_ =	shalt  }
0x44: {  	_ =	shalt  }
0x45: {  	_ =	shalt  }
0x46: {  	_ =	shalt  }
0x47: {  	_ =	shalt  }
0x48: {  	_ =	shalt  }
0x49: {  	_ =	shalt  }
0x4a: {  	_ =	shalt  }
0x4b: {  	_ =	shalt  }
0x4c: {  	_ =	shalt  }
0x4d: {  	_ =	shalt  }
0x4e: {  	_ =	shalt  }
0x4f: {  	_ =	shalt  }
0x50: {  	_ =	shalt  }
0x51: {  	_ =	shalt  }
0x52: {  	_ =	shalt  }
0x53: {  	_ =	shalt  }
0x54: {  	_ =	shalt  }
0x55: {  	_ =	shalt  }
0x56: {  	_ =	shalt  }
0x57: {  	_ =	shalt  }
0x58: {  	_ =	shalt  }
0x59: {  	_ =	shalt  }
0x5a: {  	_ =	shalt  }
0x5b: {  	_ =	shalt  }
0x5c: {  	_ =	shalt  }
0x5d: {  	_ =	shalt  }
0x5e: {  	_ =	shalt  }
0x5f: {  	_ =	shalt  }
0x60: {  	_ =	shalt  }
0x61: {  	_ =	shalt  }
0x62: {  	_ =	shalt  }
0x63: {  	_ =	shalt  }
0x64: {  	_ =	shalt  }
0x65: {  	_ =	shalt  }
0x66: {  	_ =	shalt  }
0x67: {  	_ =	shalt  }
0x68: {  	_ =	shalt  }
0x69: {  	_ =	shalt  }
0x6a: {  	_ =	shalt  }
0x6b: {  	_ =	shalt  }
0x6c: {  	_ =	shalt  }
0x6d: {  	_ =	shalt  }
0x6e: {  	_ =	shalt  }
0x6f: {  	_ =	shalt  }
0x70: {  	_ =	shalt  }
0x71: {  	_ =	shalt  }
0x72: {  	_ =	shalt  }
0x73: {  	_ =	shalt  }
0x74: {  	_ =	shalt  }
0x75: {  	_ =	shalt  }
0x76: {  	_ =	shalt  }
0x77: {  	_ =	shalt  }
0x78: {  	_ =	shalt  }
0x79: {  	_ =	shalt  }
0x7a: {  	_ =	shalt  }
0x7b: {  	_ =	shalt  }
0x7c: {  	_ =	shalt  }
0x7d: {  	_ =	shalt  }
0x7e: {  	_ =	shalt  }
0x7f: {  	_ =	shalt  }
0x80: {  	_ =	shalt  }
0x81: {  	_ =	shalt  }
0x82: {  	_ =	shalt  }
0x83: {  	_ =	shalt  }
0x84: {  	_ =	shalt  }
0x85: {  	_ =	shalt  }
0x86: {  	_ =	shalt  }
0x87: {  	_ =	shalt  }
.Lfunc_end0:
.L_simem_size_0:
called_computation.1_lowered:
.L_overlay_start_0:
0x88: {  	s2 =	sld [smem:$0x3FD9]  }
0x89: {  	s3 =	sld [smem:$0x3FFE];
	_ =	sdelay $0x1  }
0x8a: {  	s1 =	srdreg.scid  }
0x8b: {  	s0 =	sand.u32 $0x1, s1  }
0x8c: {  	s17 =	sshll.u32 s0, $0xA;
	s2 =	sadd.s32 s3, s2  }
0x8d: {  	s2 =	sadd.s32 s2, s17  }
0x8e: {  	[smem:$0x3FC2] =	sst s2  }
0x8f: {  	_ = 	snop  }
0x90: {  	s2 =	sld [smem:$0x3FD0];
	(tm) =	ssettm $0x1  }
0x91: {  	s18 =	sld [smem:$0x3FFB];
	_ =	sdelay $0x3  }
0x92: {  	_ =	strace s18  }
0x93: {  	s3 =	sld [smem:$0x3FFC];
	_ =	sdelay $0x3  }
0x94: {  	_ =	strace s3  }
0x95: {  	s3 =	sld [smem:$0x3FFD];
	_ =	sdelay $0x3  }
0x96: {  	_ =	strace s3  }
0x97: {  	_ =	strace $0x8FFFFFFF  }
0x98: {  	s19 =	sld [smem:$0x3FDB];
	_ =	sdelay $0x1  }
0x99: {  	s4 =	simm.s32 $_scs_section_size  }
0x9a: {  	s5 =	simm.s32 $_size__tile_overlayer_lowered;
	s6 =	simm.s32 $_tile_overlayer_lowered  }
0x9b: {  	s22 =	simm.s32 $0x1BFF;
	s21 =	sshll.u32 s6, $0x1;
	s3 =	sadd.s32 s4, s19  }
0x9c: {  	s7 =	simm.s32 $0x0;
	s20 =	sshll.u32 s5, $0x1;
	s5 =	sadd.s32 s21, s3  }
0x9d: {  	[timem:s7], [sflag:s22] =	dma.local [hbm:s5], s20  }
0x9e: {  	_ =	swait.ge [sflag:s22], s20  }
0x9f: {  	s4 =	ssub.s32 $0x0, s20;
	[sflag:s22] =	ssyncset.done $0x0  }
0xa0: {  	[sflag:s22] =	ssyncadd.s32 s4;
	_ =	sdelay $0x1  }
0xa1: {  	s23 =	simm.s32 $0x1B8B  }
0xa2: {  	_ =	swait.ge [sflag:s23], $0x1  }
0xa3: {  	[sflag:s23] =	ssyncset.done $0x0  }
0xa4: {  	s25 =	simm.s32 $0x1B8E;
	s24 =	sld [smem:$0x3FFE];
	[sflag:s23] =	ssyncadd.s32 $0xFFFFFFFF  }
0xa5: {  	s26 =	simm.s32 $execute0_lowered;
	[smem:$0x3FD2] =	sst s25  }
0xa6: {  	s5 =	sshll.u32 s26, $0x1;
	_ =	strace $0x80000049;
	[dreg:$0x1] =	wrdreg $0xFFFFFFFF  }
0xa7: {  	s28 =	simm.s32 $_size_execute0_lowered;
	s3 =	sadd.s32 s3, s5;
	[dreg:$0x0] =	wrdreg $0x0  }
0xa8: {  	s5 =	sshll.u32 s28, $0x1;
	[dreg:$0x2] =	wrdreg s3  }
0xa9: {  	[dreg:$0x3] =	wrdreg s5  }
0xaa: {  	[dreg:$0x4] =	wrdreg $0xC0  }
0xab: {  	_ =	task [dreg:s7], $0x5FFFF  }
0xac: {  	[dreg:$0x1] =	wrdreg $0xFFFFFFFF  }
0xad: {  	[dreg:$0x0] =	wrdreg $0x60  }
0xae: {  	[dreg:$0x2] =	wrdreg s24  }
0xaf: {  	[dreg:$0x3] =	wrdreg s2  }
0xb0: {  	[dreg:$0x4] =	wrdreg $0xF0000  }
0xb1: {  	[dreg:$0x5] =	wrdreg $0x9  }
0xb2: {  	_ =	task.clear_ibuf [dreg:s7], $0x6FFFF;
	_ =	strace $0x90000049  }
0xb3: {  	s29 =	simm.s32 $0x9;
	_ =	strace $0x8000004B  }
0xb4: {  	_ =	swait.ge [sflag:s29], $0x1  }
0xb5: {  	[sflag:s29] =	ssyncadd.s32 $0xFFFFFFFF  }
0xb6: {  	_ =	strace $0x9000004B  }
0xb7: {  	_ =	sfence  }
0xb8: {  	s30 =	sld [smem:$0x0];
	_ =	sdelay $0x2  }
0xb9: {  	s31 =	sshll.u32 s1, $0xD;
	s1 =	sshrl.u32 s1, $0x2  }
0xba: {  	s3 =	sand.u32 $0x4000, s31;
	s1 =	sadd.s32 s1, s30  }
0xbb: {  	s0 =	sor.u32 s3, s0;
	s1 =	sshll.u32 s1, $0x11  }
0xbc: {  	s0 =	sor.u32 s1, s0  }
0xbd: {  	s0 =	sadd.s32 $0x8F2B, s0  }
0xbe: {  	[sflag:s0] =	ssyncadd.remote.s32 $0x1  }
0xbf: {  	_ =	sfence.sel $0xFFFF  }
0xc0: {  	[dreg:$0x0] =	wrdreg $0xFFFFFFFF;
	(pc) =	sbr.abs _section_cstart, $3  }
0xc1: {  	[dreg:$0x1] =	wrdreg $0xFFFFFFFF  }
0xc2: {  	_ =	task.clear_ibuf [dreg:s7], $0x2FFFF;
	_ =	strace $0x9FFFFFFF  }
0xc3: {  	(tm) =	ssettm $0x7FFFFFFF  }
tec
execute0_lowered:
.L_overlay_start_1:
0x0: {  	(tag) =	ssettag $0x1  }
0x1: {  	s0 =	rddreg [dreg:$0x0]  }
0x2: {  	s2 =	rddreg [dreg:$0x2];
	s1 =	srdreg.scid;
	s4 =	simm.s32 $0x0  }
0x3: {  	s8 =	stileid.u32;
	s13 =	simm.s32 $0x80;
	s14 =	simm.s32 $0x5000  }
0x4: {  	s15 =	simm.s32 $0x5800;
	s16 =	simm.s32 $0x6000;
	s17 =	simm.s32 $0x6800  }
0x5: {  	s18 =	simm.s32 $0x7000;
	s19 =	simm.s32 $0x7800;
	s20 =	simm.s32 $0x8000  }
0x6: {  	s21 =	simm.s32 $0x8800;
	s28 =	simm.s32 $0xB000;
	s29 =	simm.s32 $0xB800  }
0x7: {  	s30 =	simm.s32 $0xC000;
	s31 =	simm.s32 $0xC800;
	s12 =	simm.s32 $0xE800  }
0x8: {  	s9 =	simm.s32 $0x0;
	s1 =	sand.u32 $0x1, s1;
	[smem:$0x7FF] =	sst s4  }
0x9: {  	s5 =	sadd.s32 $0x17A00, s0;
	s7 =	smul.u32 $0x2800, s8;
	s23 =	sshll.u32 s8, $0x6  }
0xa: {  	s4 =	simm.s32 $0x1;
	s3 =	sshll.u32 s1, $0x4;
	_ =	strace $0x8000004A  }
0xb: {  	s22 =	smul.u32 $0x5000, s1;
	s1 =	ssub.s32 $0x2, s1;
	s10 =	sor.u32 $0x1C04, s23  }
0xc: {  	s23 =	simm.s32 $0x9800;
	s3 =	sor.u32 s8, s3;
	s6 =	sshrl.u32 s1, $0x1  }
0xd: {  	s24 =	sadd.s32 s7, s2;
	s26 =	sshrl.u32 s7, $0x3;
	s7 =	simm.s32 $0x2  }
0xe: {  	s8 =	simm.s32 $0x3;
	[dreg:$0x4] =	wrdreg s10;
	s3 =	smul.u32 $0x500, s3  }
0xf: {  	s1 =	ssub.s32 s1, s6;
	s11 =	sshrl.u32 s24, $0x3;
	s24 =	simm.s32 $0x4  }
0x10: {  	s1 =	smax.u32 s1, $0x1;
	[dreg:$0x8] =	wrdreg s11;
	s3 =	sadd.s32 s3, s0  }
0x11: {  	s0 =	sadd.s32 s22, s0;
	[dreg:$0x7] =	wrdreg s1;
	s25 =	sadd.s32 $0x3A00, s3  }
0x12: {  	s22 =	simm.s32 $0x9000;
	s3 =	sadd.s32 $0xDA00, s3;
	[dreg:$0x5] =	wrdreg s25  }
0x13: {  	s1 =	simm.s32 $0xE000;
	s0 =	sadd.s32 $0x1CA00, s0;
	[dreg:$0x6] =	wrdreg s3  }
0x14: {  	s0 =	sadd.s32 s26, s0;
	s25 =	simm.s32 $0xA000;
	s26 =	simm.s32 $0xA800  }
0x15: {  	s3 =	simm.s32 $0xD800;
	[dreg:$0x9] =	wrdreg s0;
	s0 =	simm.s32 $0xD000  }
.LBB2_1:
0x16: {  	s6 =	rddreg [dreg:$0x1]  }
0x17: {  	[spmem:s11], [sflag:s10] =	dma.local [hbm:s6], $0x500  }
0x18: {  	_ =	swait.ge [sflag:s24], $0x500  }
0x19: {  	[sflag:s24] =	ssyncset.done $0x0  }
0x1a: {  	s6 =	simm.s32 $0x0;
	s11 =	rddreg [dreg:$0x5];
	[sflag:s24] =	ssyncadd.s32 $0xFFFFFB00  }
0x1b: {  	[tilespmem:s6], [sflag:$0x4] =	stream.linear.gather [hbm4b:s11+s6], $0x2800, $0x38;
	[tilespmem:$0x11800] =	vst v63  }
0x1c: {  	_ =	swait.ge [sflag:s24], $0x2800  }
0x1d: {  	[sflag:s24] =	ssyncset.done $0x0  }
0x1e: {  	s11 =	simm.s32 $0x2800;
	s10 =	rddreg [dreg:$0x6];
	[sflag:s24] =	ssyncadd.s32 $0xFFFFD800  }
0x1f: {  	[tilespmem:s11], [sflag:$0x4] =	stream.linear.gather [hbm4b:s10+s6], $0x2800, $0x38;
	[tilespmem:$0x11800] =	vst v63  }
0x20: {  	_ =	swait.ge [sflag:s24], $0x2800  }
0x21: {  	[sflag:s24] =	ssyncset.done $0x0  }
0x22: {  	[sflag:s24] =	ssyncadd.s32 $0xFFFFD800  }
0x23: {  	s24 =	simm.s32 $0x0;
	[bflag:$0x0] =	sbarrier.arrive $0xFFFF  }
0x24: {  	[tilespmem:s14], [sflag:$0x1] =	stream.indirect.gather [hbm4b:s5+s13], $0x10, s24, s13, $0xb8;
	[tilespmem:$0x11800] =	vst v63  }
0x25: {  	s10 =	simm.s32 $0x80  }
0x26: {  	[tilespmem:s15], [sflag:$0x1] =	stream.indirect.gather [hbm4b:s5+s13], $0x10, s10, s13, $0xb8;
	[tilespmem:$0x11800] =	vst v63  }
0x27: {  	s11 =	simm.s32 $0x100  }
0x28: {  	[tilespmem:s16], [sflag:$0x1] =	stream.indirect.gather [hbm4b:s5+s13], $0x10, s11, s13, $0xb8;
	[tilespmem:$0x11800] =	vst v63  }
0x29: {  	s24 =	simm.s32 $0x180  }
0x2a: {  	[tilespmem:s17], [sflag:$0x1] =	stream.indirect.gather [hbm4b:s5+s13], $0x10, s24, s13, $0xb8;
	[tilespmem:$0x11800] =	vst v63  }
0x2b: {  	s10 =	simm.s32 $0x200  }
0x2c: {  	[tilespmem:s18], [sflag:$0x1] =	stream.indirect.gather [hbm4b:s5+s13], $0x10, s10, s13, $0xb8;
	[tilespmem:$0x11800] =	vst v63  }
0x2d: {  	s11 =	simm.s32 $0x280  }
0x2e: {  	[tilespmem:s19], [sflag:$0x1] =	stream.indirect.gather [hbm4b:s5+s13], $0x10, s11, s13, $0xb8;
	[tilespmem:$0x11800] =	vst v63  }
0x2f: {  	s24 =	simm.s32 $0x300  }
0x30: {  	[tilespmem:s20], [sflag:$0x1] =	stream.indirect.gather [hbm4b:s5+s13], $0x10, s24, s13, $0xb8;
	[tilespmem:$0x11800] =	vst v63  }
0x31: {  	s10 =	simm.s32 $0x380  }
0x32: {  	[tilespmem:s21], [sflag:$0x1] =	stream.indirect.gather [hbm4b:s5+s13], $0x10, s10, s13, $0xb8;
	[tilespmem:$0x11800] =	vst v63  }
0x33: {  	s11 =	simm.s32 $0x400  }
0x34: {  	[tilespmem:s22], [sflag:$0x1] =	stream.indirect.gather [hbm4b:s5+s13], $0x10, s11, s13, $0xb8;
	[tilespmem:$0x11800] =	vst v63  }
0x35: {  	s24 =	simm.s32 $0x480  }
0x36: {  	[tilespmem:s23], [sflag:$0x1] =	stream.indirect.gather [hbm4b:s5+s13], $0x10, s24, s13, $0xb8;
	[tilespmem:$0x11800] =	vst v63  }
0x37: {  	s10 =	simm.s32 $0x500  }
0x38: {  	[tilespmem:s25], [sflag:$0x2] =	stream.indirect.gather [hbm4b:s5+s13], $0x10, s10, s13, $0xb8;
	[tilespmem:$0x11800] =	vst v63  }
0x39: {  	s11 =	simm.s32 $0x580  }
0x3a: {  	[tilespmem:s26], [sflag:$0x2] =	stream.indirect.gather [hbm4b:s5+s13], $0x10, s11, s13, $0xb8;
	[tilespmem:$0x11800] =	vst v63  }
0x3b: {  	s24 =	simm.s32 $0x600  }
0x3c: {  	[tilespmem:s28], [sflag:$0x2] =	stream.indirect.gather [hbm4b:s5+s13], $0x10, s24, s13, $0xb8;
	[tilespmem:$0x11800] =	vst v63  }
0x3d: {  	s10 =	simm.s32 $0x680  }
0x3e: {  	[tilespmem:s29], [sflag:$0x2] =	stream.indirect.gather [hbm4b:s5+s13], $0x10, s10, s13, $0xb8;
	[tilespmem:$0x11800] =	vst v63  }
0x3f: {  	s11 =	simm.s32 $0x700  }
0x40: {  	[tilespmem:s30], [sflag:$0x2] =	stream.indirect.gather [hbm4b:s5+s13], $0x10, s11, s13, $0xb8;
	[tilespmem:$0x11800] =	vst v63  }
0x41: {  	s24 =	simm.s32 $0x780  }
0x42: {  	[tilespmem:s31], [sflag:$0x2] =	stream.indirect.gather [hbm4b:s5+s13], $0x10, s24, s13, $0xb8;
	[tilespmem:$0x11800] =	vst v63  }
0x43: {  	s10 =	simm.s32 $0x800  }
0x44: {  	[tilespmem:s0], [sflag:$0x2] =	stream.indirect.gather [hbm4b:s5+s13], $0x10, s10, s13, $0xb8;
	[tilespmem:$0x11800] =	vst v63  }
0x45: {  	s11 =	simm.s32 $0x880  }
0x46: {  	[tilespmem:s3], [sflag:$0x2] =	stream.indirect.gather [hbm4b:s5+s13], $0x10, s11, s13, $0xb8;
	[tilespmem:$0x11800] =	vst v63  }
0x47: {  	s24 =	simm.s32 $0x900  }
0x48: {  	[tilespmem:s1], [sflag:$0x2] =	stream.indirect.gather [hbm4b:s5+s13], $0x10, s24, s13, $0xb8;
	[tilespmem:$0x11800] =	vst v63  }
0x49: {  	s10 =	simm.s32 $0x980  }
0x4a: {  	[tilespmem:s12], [sflag:$0x2] =	stream.indirect.gather [hbm4b:s5+s13], $0x10, s10, s13, $0xb8;
	[tilespmem:$0x11800] =	vst v63  }
0x4b: {  	_ =	swait.ge [sflag:s4], $0x800  }
0x4c: {  	[sflag:s4] =	ssyncset.done $0x0  }
0x4d: {  	[sflag:s4] =	ssyncadd.s32 $0xFFFFF800  }
0x4e: {  	_ =	swait.ge [sflag:s4], $0x800  }
0x4f: {  	[sflag:s4] =	ssyncset.done $0x0  }
0x50: {  	[sflag:s4] =	ssyncadd.s32 $0xFFFFF800  }
0x51: {  	_ =	swait.ge [sflag:s4], $0x800  }
0x52: {  	[sflag:s4] =	ssyncset.done $0x0  }
0x53: {  	[sflag:s4] =	ssyncadd.s32 $0xFFFFF800  }
0x54: {  	_ =	swait.ge [sflag:s4], $0x800  }
0x55: {  	[sflag:s4] =	ssyncset.done $0x0  }
0x56: {  	[sflag:s4] =	ssyncadd.s32 $0xFFFFF800  }
0x57: {  	_ =	swait.ge [sflag:s4], $0x800  }
0x58: {  	[sflag:s4] =	ssyncset.done $0x0  }
0x59: {  	[sflag:s4] =	ssyncadd.s32 $0xFFFFF800  }
0x5a: {  	_ =	swait.ge [sflag:s4], $0x800  }
0x5b: {  	[sflag:s4] =	ssyncset.done $0x0  }
0x5c: {  	[sflag:s4] =	ssyncadd.s32 $0xFFFFF800  }
0x5d: {  	_ =	swait.ge [sflag:s4], $0x800  }
0x5e: {  	[sflag:s4] =	ssyncset.done $0x0  }
0x5f: {  	[sflag:s4] =	ssyncadd.s32 $0xFFFFF800  }
0x60: {  	_ =	swait.ge [sflag:s4], $0x800  }
0x61: {  	[sflag:s4] =	ssyncset.done $0x0  }
0x62: {  	[sflag:s4] =	ssyncadd.s32 $0xFFFFF800  }
0x63: {  	_ =	swait.ge [sflag:s4], $0x800  }
0x64: {  	[sflag:s4] =	ssyncset.done $0x0  }
0x65: {  	[sflag:s4] =	ssyncadd.s32 $0xFFFFF800  }
0x66: {  	_ =	swait.ge [sflag:s4], $0x800  }
0x67: {  	[sflag:s4] =	ssyncset.done $0x0  }
0x68: {  	s11 =	simm.s32 $0x2800;
	[sflag:s4] =	ssyncadd.s32 $0xFFFFF800  }
0x69: {  	[spmem:s2] =	stream.indirect.scatter.add.f32 [tilespmem:s14], [sflag:$0x3], $0x10, s11, s13, $0xb8;
	[tilespmem:$0x11800] =	vst v63  }
0x6a: {  	s24 =	simm.s32 $0x2880  }
0x6b: {  	[spmem:s2] =	stream.indirect.scatter.add.f32 [tilespmem:s15], [sflag:$0x3], $0x10, s24, s13, $0xb8;
	[tilespmem:$0x11800] =	vst v63  }
0x6c: {  	s10 =	simm.s32 $0x2900  }
0x6d: {  	[spmem:s2] =	stream.indirect.scatter.add.f32 [tilespmem:s16], [sflag:$0x3], $0x10, s10, s13, $0xb8;
	[tilespmem:$0x11800] =	vst v63  }
0x6e: {  	s11 =	simm.s32 $0x2980  }
0x6f: {  	[spmem:s2] =	stream.indirect.scatter.add.f32 [tilespmem:s17], [sflag:$0x3], $0x10, s11, s13, $0xb8;
	[tilespmem:$0x11800] =	vst v63  }
0x70: {  	s24 =	simm.s32 $0x2A00  }
0x71: {  	[spmem:s2] =	stream.indirect.scatter.add.f32 [tilespmem:s18], [sflag:$0x3], $0x10, s24, s13, $0xb8;
	[tilespmem:$0x11800] =	vst v63  }
0x72: {  	s10 =	simm.s32 $0x2A80  }
0x73: {  	[spmem:s2] =	stream.indirect.scatter.add.f32 [tilespmem:s19], [sflag:$0x3], $0x10, s10, s13, $0xb8;
	[tilespmem:$0x11800] =	vst v63  }
0x74: {  	s11 =	simm.s32 $0x2B00  }
0x75: {  	[spmem:s2] =	stream.indirect.scatter.add.f32 [tilespmem:s20], [sflag:$0x3], $0x10, s11, s13, $0xb8;
	[tilespmem:$0x11800] =	vst v63  }
0x76: {  	s24 =	simm.s32 $0x2B80  }
0x77: {  	[spmem:s2] =	stream.indirect.scatter.add.f32 [tilespmem:s21], [sflag:$0x3], $0x10, s24, s13, $0xb8;
	[tilespmem:$0x11800] =	vst v63  }
0x78: {  	s10 =	simm.s32 $0x2C00  }
0x79: {  	[spmem:s2] =	stream.indirect.scatter.add.f32 [tilespmem:s22], [sflag:$0x3], $0x10, s10, s13, $0xb8;
	[tilespmem:$0x11800] =	vst v63  }
0x7a: {  	s11 =	simm.s32 $0x2C80  }
0x7b: {  	[spmem:s2] =	stream.indirect.scatter.add.f32 [tilespmem:s23], [sflag:$0x3], $0x10, s11, s13, $0xb8;
	[tilespmem:$0x11800] =	vst v63  }
0x7c: {  	_ =	swait.ge [sflag:s7], $0x800  }
0x7d: {  	[sflag:s7] =	ssyncset.done $0x0  }
0x7e: {  	[sflag:s7] =	ssyncadd.s32 $0xFFFFF800  }
0x7f: {  	_ =	swait.ge [sflag:s7], $0x800  }
0x80: {  	[sflag:s7] =	ssyncset.done $0x0  }
0x81: {  	[sflag:s7] =	ssyncadd.s32 $0xFFFFF800  }
0x82: {  	_ =	swait.ge [sflag:s7], $0x800  }
0x83: {  	[sflag:s7] =	ssyncset.done $0x0  }
0x84: {  	[sflag:s7] =	ssyncadd.s32 $0xFFFFF800  }
0x85: {  	_ =	swait.ge [sflag:s7], $0x800  }
0x86: {  	[sflag:s7] =	ssyncset.done $0x0  }
0x87: {  	[sflag:s7] =	ssyncadd.s32 $0xFFFFF800  }
0x88: {  	_ =	swait.ge [sflag:s7], $0x800  }
0x89: {  	[sflag:s7] =	ssyncset.done $0x0  }
0x8a: {  	[sflag:s7] =	ssyncadd.s32 $0xFFFFF800  }
0x8b: {  	_ =	swait.ge [sflag:s7], $0x800  }
0x8c: {  	[sflag:s7] =	ssyncset.done $0x0  }
0x8d: {  	[sflag:s7] =	ssyncadd.s32 $0xFFFFF800  }
0x8e: {  	_ =	swait.ge [sflag:s7], $0x800  }
0x8f: {  	[sflag:s7] =	ssyncset.done $0x0  }
0x90: {  	[sflag:s7] =	ssyncadd.s32 $0xFFFFF800  }
0x91: {  	_ =	swait.ge [sflag:s7], $0x800  }
0x92: {  	[sflag:s7] =	ssyncset.done $0x0  }
0x93: {  	[sflag:s7] =	ssyncadd.s32 $0xFFFFF800  }
0x94: {  	_ =	swait.ge [sflag:s7], $0x800  }
0x95: {  	[sflag:s7] =	ssyncset.done $0x0  }
0x96: {  	[sflag:s7] =	ssyncadd.s32 $0xFFFFF800  }
0x97: {  	_ =	swait.ge [sflag:s7], $0x800  }
0x98: {  	[sflag:s7] =	ssyncset.done $0x0  }
0x99: {  	s24 =	simm.s32 $0x2D00;
	[sflag:s7] =	ssyncadd.s32 $0xFFFFF800  }
0x9a: {  	[spmem:s2] =	stream.indirect.scatter.add.f32 [tilespmem:s25], [sflag:$0x3], $0x10, s24, s13, $0xb8;
	[tilespmem:$0x11800] =	vst v63  }
0x9b: {  	s10 =	simm.s32 $0x2D80  }
0x9c: {  	[spmem:s2] =	stream.indirect.scatter.add.f32 [tilespmem:s26], [sflag:$0x3], $0x10, s10, s13, $0xb8;
	[tilespmem:$0x11800] =	vst v63  }
0x9d: {  	s11 =	simm.s32 $0x2E00  }
0x9e: {  	[spmem:s2] =	stream.indirect.scatter.add.f32 [tilespmem:s28], [sflag:$0x3], $0x10, s11, s13, $0xb8;
	[tilespmem:$0x11800] =	vst v63  }
0x9f: {  	s24 =	simm.s32 $0x2E80  }
0xa0: {  	[spmem:s2] =	stream.indirect.scatter.add.f32 [tilespmem:s29], [sflag:$0x3], $0x10, s24, s13, $0xb8;
	[tilespmem:$0x11800] =	vst v63  }
0xa1: {  	s10 =	simm.s32 $0x2F00  }
0xa2: {  	[spmem:s2] =	stream.indirect.scatter.add.f32 [tilespmem:s30], [sflag:$0x3], $0x10, s10, s13, $0xb8;
	[tilespmem:$0x11800] =	vst v63  }
0xa3: {  	s11 =	simm.s32 $0x2F80  }
0xa4: {  	[spmem:s2] =	stream.indirect.scatter.add.f32 [tilespmem:s31], [sflag:$0x3], $0x10, s11, s13, $0xb8;
	[tilespmem:$0x11800] =	vst v63  }
0xa5: {  	s24 =	simm.s32 $0x3000  }
0xa6: {  	[spmem:s2] =	stream.indirect.scatter.add.f32 [tilespmem:s0], [sflag:$0x3], $0x10, s24, s13, $0xb8;
	[tilespmem:$0x11800] =	vst v63  }
0xa7: {  	s10 =	simm.s32 $0x3080  }
0xa8: {  	[spmem:s2] =	stream.indirect.scatter.add.f32 [tilespmem:s3], [sflag:$0x3], $0x10, s10, s13, $0xb8;
	[tilespmem:$0x11800] =	vst v63  }
0xa9: {  	s11 =	simm.s32 $0x3100  }
0xaa: {  	[spmem:s2] =	stream.indirect.scatter.add.f32 [tilespmem:s1], [sflag:$0x3], $0x10, s11, s13, $0xb8;
	[tilespmem:$0x11800] =	vst v63  }
0xab: {  	s24 =	simm.s32 $0x3180  }
0xac: {  	[spmem:s2] =	stream.indirect.scatter.add.f32 [tilespmem:s12], [sflag:$0x3], $0x10, s24, s13, $0xb8;
	[tilespmem:$0x11800] =	vst v63  }
0xad: {  	_ =	swait.ge [sflag:s8], $0x800  }
0xae: {  	[sflag:s8] =	ssyncset.done $0x0  }
0xaf: {  	[sflag:s8] =	ssyncadd.s32 $0xFFFFF800  }
0xb0: {  	_ =	swait.ge [sflag:s8], $0x800  }
0xb1: {  	[sflag:s8] =	ssyncset.done $0x0  }
0xb2: {  	[sflag:s8] =	ssyncadd.s32 $0xFFFFF800  }
0xb3: {  	_ =	swait.ge [sflag:s8], $0x800  }
0xb4: {  	[sflag:s8] =	ssyncset.done $0x0  }
0xb5: {  	[sflag:s8] =	ssyncadd.s32 $0xFFFFF800  }
0xb6: {  	_ =	swait.ge [sflag:s8], $0x800  }
0xb7: {  	[sflag:s8] =	ssyncset.done $0x0  }
0xb8: {  	[sflag:s8] =	ssyncadd.s32 $0xFFFFF800  }
0xb9: {  	_ =	swait.ge [sflag:s8], $0x800  }
0xba: {  	[sflag:s8] =	ssyncset.done $0x0  }
0xbb: {  	[sflag:s8] =	ssyncadd.s32 $0xFFFFF800  }
0xbc: {  	_ =	swait.ge [sflag:s8], $0x800  }
0xbd: {  	[sflag:s8] =	ssyncset.done $0x0  }
0xbe: {  	[sflag:s8] =	ssyncadd.s32 $0xFFFFF800  }
0xbf: {  	_ =	swait.ge [sflag:s8], $0x800  }
0xc0: {  	[sflag:s8] =	ssyncset.done $0x0  }
0xc1: {  	[sflag:s8] =	ssyncadd.s32 $0xFFFFF800  }
0xc2: {  	_ =	swait.ge [sflag:s8], $0x800  }
0xc3: {  	[sflag:s8] =	ssyncset.done $0x0  }
0xc4: {  	[sflag:s8] =	ssyncadd.s32 $0xFFFFF800  }
0xc5: {  	_ =	swait.ge [sflag:s8], $0x800  }
0xc6: {  	[sflag:s8] =	ssyncset.done $0x0  }
0xc7: {  	[sflag:s8] =	ssyncadd.s32 $0xFFFFF800  }
0xc8: {  	_ =	swait.ge [sflag:s8], $0x800  }
0xc9: {  	[sflag:s8] =	ssyncset.done $0x0  }
0xca: {  	[sflag:s8] =	ssyncadd.s32 $0xFFFFF800  }
0xcb: {  	_ =	swait.ge [sflag:s8], $0x800  }
0xcc: {  	[sflag:s8] =	ssyncset.done $0x0  }
0xcd: {  	[sflag:s8] =	ssyncadd.s32 $0xFFFFF800  }
0xce: {  	_ =	swait.ge [sflag:s8], $0x800  }
0xcf: {  	[sflag:s8] =	ssyncset.done $0x0  }
0xd0: {  	[sflag:s8] =	ssyncadd.s32 $0xFFFFF800  }
0xd1: {  	_ =	swait.ge [sflag:s8], $0x800  }
0xd2: {  	[sflag:s8] =	ssyncset.done $0x0  }
0xd3: {  	[sflag:s8] =	ssyncadd.s32 $0xFFFFF800  }
0xd4: {  	_ =	swait.ge [sflag:s8], $0x800  }
0xd5: {  	[sflag:s8] =	ssyncset.done $0x0  }
0xd6: {  	[sflag:s8] =	ssyncadd.s32 $0xFFFFF800  }
0xd7: {  	_ =	swait.ge [sflag:s8], $0x800  }
0xd8: {  	[sflag:s8] =	ssyncset.done $0x0  }
0xd9: {  	[sflag:s8] =	ssyncadd.s32 $0xFFFFF800  }
0xda: {  	_ =	swait.ge [sflag:s8], $0x800  }
0xdb: {  	[sflag:s8] =	ssyncset.done $0x0  }
0xdc: {  	[sflag:s8] =	ssyncadd.s32 $0xFFFFF800  }
0xdd: {  	_ =	swait.ge [sflag:s8], $0x800  }
0xde: {  	[sflag:s8] =	ssyncset.done $0x0  }
0xdf: {  	[sflag:s8] =	ssyncadd.s32 $0xFFFFF800  }
0xe0: {  	_ =	swait.ge [sflag:s8], $0x800  }
0xe1: {  	[sflag:s8] =	ssyncset.done $0x0  }
0xe2: {  	[sflag:s8] =	ssyncadd.s32 $0xFFFFF800  }
0xe3: {  	_ =	swait.ge [sflag:s8], $0x800  }
0xe4: {  	[sflag:s8] =	ssyncset.done $0x0  }
0xe5: {  	[sflag:s8] =	ssyncadd.s32 $0xFFFFF800  }
0xe6: {  	_ =	swait.ge [sflag:s8], $0x800  }
0xe7: {  	s6 =	simm.s32 $0x5000;
	s24 =	simm.s32 $0x2800;
	[sflag:s8] =	ssyncset.done $0x0  }
.LBB2_2:
0xe8: {  	s10 =	sshra.s32 s24, $0x2  }
0xe9: {  	[sflag:s8] =	ssyncadd.s32 $0xFFFFF800;
	s24 =	smov.u32 s6;
	s11 =	sadd.s32 $0x2800, s6  }
0xea: {  	[tilespmem:s14], [sflag:$0x1] =	stream.indirect.gather [hbm4b:s5+s13], $0x10, s10, s13, $0xb8;
	[tilespmem:$0x11800] =	vst v63  }
0xeb: {  	p0 =	sne.s32 s6, $0x7800;
	s6 =	sadd.s32 $0x80, s10  }
0xec: {  	[tilespmem:s15], [sflag:$0x1] =	stream.indirect.gather [hbm4b:s5+s13], $0x10, s6, s13, $0xb8;
	[tilespmem:$0x11800] =	vst v63  }
0xed: {  	s6 =	sadd.s32 $0x100, s10  }
0xee: {  	[tilespmem:s16], [sflag:$0x1] =	stream.indirect.gather [hbm4b:s5+s13], $0x10, s6, s13, $0xb8;
	[tilespmem:$0x11800] =	vst v63  }
0xef: {  	s6 =	sadd.s32 $0x180, s10  }
0xf0: {  	[tilespmem:s17], [sflag:$0x1] =	stream.indirect.gather [hbm4b:s5+s13], $0x10, s6, s13, $0xb8;
	[tilespmem:$0x11800] =	vst v63  }
0xf1: {  	s6 =	sadd.s32 $0x200, s10  }
0xf2: {  	[tilespmem:s18], [sflag:$0x1] =	stream.indirect.gather [hbm4b:s5+s13], $0x10, s6, s13, $0xb8;
	[tilespmem:$0x11800] =	vst v63  }
0xf3: {  	s6 =	sadd.s32 $0x280, s10  }
0xf4: {  	[tilespmem:s19], [sflag:$0x1] =	stream.indirect.gather [hbm4b:s5+s13], $0x10, s6, s13, $0xb8;
	[tilespmem:$0x11800] =	vst v63  }
0xf5: {  	s6 =	sadd.s32 $0x300, s10  }
0xf6: {  	[tilespmem:s20], [sflag:$0x1] =	stream.indirect.gather [hbm4b:s5+s13], $0x10, s6, s13, $0xb8;
	[tilespmem:$0x11800] =	vst v63  }
0xf7: {  	s6 =	sadd.s32 $0x380, s10  }
0xf8: {  	[tilespmem:s21], [sflag:$0x1] =	stream.indirect.gather [hbm4b:s5+s13], $0x10, s6, s13, $0xb8;
	[tilespmem:$0x11800] =	vst v63  }
0xf9: {  	s6 =	sadd.s32 $0x400, s10  }
0xfa: {  	[tilespmem:s22], [sflag:$0x1] =	stream.indirect.gather [hbm4b:s5+s13], $0x10, s6, s13, $0xb8;
	[tilespmem:$0x11800] =	vst v63  }
0xfb: {  	s6 =	sadd.s32 $0x480, s10  }
0xfc: {  	[tilespmem:s23], [sflag:$0x1] =	stream.indirect.gather [hbm4b:s5+s13], $0x10, s6, s13, $0xb8;
	[tilespmem:$0x11800] =	vst v63  }
0xfd: {  	s6 =	sadd.s32 $0x500, s10  }
0xfe: {  	[tilespmem:s25], [sflag:$0x2] =	stream.indirect.gather [hbm4b:s5+s13], $0x10, s6, s13, $0xb8;
	[tilespmem:$0x11800] =	vst v63  }
0xff: {  	s6 =	sadd.s32 $0x580, s10  }
0x100: {  	[tilespmem:s26], [sflag:$0x2] =	stream.indirect.gather [hbm4b:s5+s13], $0x10, s6, s13, $0xb8;
	[tilespmem:$0x11800] =	vst v63  }
0x101: {  	s6 =	sadd.s32 $0x600, s10  }
0x102: {  	[tilespmem:s28], [sflag:$0x2] =	stream.indirect.gather [hbm4b:s5+s13], $0x10, s6, s13, $0xb8;
	[tilespmem:$0x11800] =	vst v63  }
0x103: {  	s6 =	sadd.s32 $0x680, s10  }
0x104: {  	[tilespmem:s29], [sflag:$0x2] =	stream.indirect.gather [hbm4b:s5+s13], $0x10, s6, s13, $0xb8;
	[tilespmem:$0x11800] =	vst v63  }
0x105: {  	s6 =	sadd.s32 $0x700, s10  }
0x106: {  	[tilespmem:s30], [sflag:$0x2] =	stream.indirect.gather [hbm4b:s5+s13], $0x10, s6, s13, $0xb8;
	[tilespmem:$0x11800] =	vst v63  }
0x107: {  	s6 =	sadd.s32 $0x780, s10  }
0x108: {  	[tilespmem:s31], [sflag:$0x2] =	stream.indirect.gather [hbm4b:s5+s13], $0x10, s6, s13, $0xb8;
	[tilespmem:$0x11800] =	vst v63  }
0x109: {  	s6 =	sadd.s32 $0x800, s10  }
0x10a: {  	[tilespmem:s0], [sflag:$0x2] =	stream.indirect.gather [hbm4b:s5+s13], $0x10, s6, s13, $0xb8;
	[tilespmem:$0x11800] =	vst v63  }
0x10b: {  	s6 =	sadd.s32 $0x880, s10  }
0x10c: {  	[tilespmem:s3], [sflag:$0x2] =	stream.indirect.gather [hbm4b:s5+s13], $0x10, s6, s13, $0xb8;
	[tilespmem:$0x11800] =	vst v63  }
0x10d: {  	s6 =	sadd.s32 $0x900, s10  }
0x10e: {  	[tilespmem:s1], [sflag:$0x2] =	stream.indirect.gather [hbm4b:s5+s13], $0x10, s6, s13, $0xb8;
	[tilespmem:$0x11800] =	vst v63  }
0x10f: {  	s6 =	sadd.s32 $0x980, s10  }
0x110: {  	[tilespmem:s12], [sflag:$0x2] =	stream.indirect.gather [hbm4b:s5+s13], $0x10, s6, s13, $0xb8;
	[tilespmem:$0x11800] =	vst v63  }
0x111: {  	_ =	swait.ge [sflag:s4], $0x800  }
0x112: {  	[sflag:s4] =	ssyncset.done $0x0  }
0x113: {  	[sflag:s4] =	ssyncadd.s32 $0xFFFFF800  }
0x114: {  	_ =	swait.ge [sflag:s4], $0x800  }
0x115: {  	[sflag:s4] =	ssyncset.done $0x0  }
0x116: {  	[sflag:s4] =	ssyncadd.s32 $0xFFFFF800  }
0x117: {  	_ =	swait.ge [sflag:s4], $0x800  }
0x118: {  	[sflag:s4] =	ssyncset.done $0x0  }
0x119: {  	[sflag:s4] =	ssyncadd.s32 $0xFFFFF800  }
0x11a: {  	_ =	swait.ge [sflag:s4], $0x800  }
0x11b: {  	[sflag:s4] =	ssyncset.done $0x0  }
0x11c: {  	[sflag:s4] =	ssyncadd.s32 $0xFFFFF800  }
0x11d: {  	_ =	swait.ge [sflag:s4], $0x800  }
0x11e: {  	[sflag:s4] =	ssyncset.done $0x0  }
0x11f: {  	[sflag:s4] =	ssyncadd.s32 $0xFFFFF800  }
0x120: {  	_ =	swait.ge [sflag:s4], $0x800  }
0x121: {  	[sflag:s4] =	ssyncset.done $0x0  }
0x122: {  	[sflag:s4] =	ssyncadd.s32 $0xFFFFF800  }
0x123: {  	_ =	swait.ge [sflag:s4], $0x800  }
0x124: {  	[sflag:s4] =	ssyncset.done $0x0  }
0x125: {  	[sflag:s4] =	ssyncadd.s32 $0xFFFFF800  }
0x126: {  	_ =	swait.ge [sflag:s4], $0x800  }
0x127: {  	[sflag:s4] =	ssyncset.done $0x0  }
0x128: {  	[sflag:s4] =	ssyncadd.s32 $0xFFFFF800  }
0x129: {  	_ =	swait.ge [sflag:s4], $0x800  }
0x12a: {  	[sflag:s4] =	ssyncset.done $0x0  }
0x12b: {  	[sflag:s4] =	ssyncadd.s32 $0xFFFFF800  }
0x12c: {  	_ =	swait.ge [sflag:s4], $0x800  }
0x12d: {  	[sflag:s4] =	ssyncset.done $0x0  }
0x12e: {  	s6 =	sadd.s32 $0x2800, s10;
	[sflag:s4] =	ssyncadd.s32 $0xFFFFF800  }
0x12f: {  	[spmem:s2] =	stream.indirect.scatter.add.f32 [tilespmem:s14], [sflag:$0x3], $0x10, s6, s13, $0xb8;
	[tilespmem:$0x11800] =	vst v63  }
0x130: {  	s6 =	sadd.s32 $0x2880, s10  }
0x131: {  	[spmem:s2] =	stream.indirect.scatter.add.f32 [tilespmem:s15], [sflag:$0x3], $0x10, s6, s13, $0xb8;
	[tilespmem:$0x11800] =	vst v63  }
0x132: {  	s6 =	sadd.s32 $0x2900, s10  }
0x133: {  	[spmem:s2] =	stream.indirect.scatter.add.f32 [tilespmem:s16], [sflag:$0x3], $0x10, s6, s13, $0xb8;
	[tilespmem:$0x11800] =	vst v63  }
0x134: {  	s6 =	sadd.s32 $0x2980, s10  }
0x135: {  	[spmem:s2] =	stream.indirect.scatter.add.f32 [tilespmem:s17], [sflag:$0x3], $0x10, s6, s13, $0xb8;
	[tilespmem:$0x11800] =	vst v63  }
0x136: {  	s6 =	sadd.s32 $0x2A00, s10  }
0x137: {  	[spmem:s2] =	stream.indirect.scatter.add.f32 [tilespmem:s18], [sflag:$0x3], $0x10, s6, s13, $0xb8;
	[tilespmem:$0x11800] =	vst v63  }
0x138: {  	s6 =	sadd.s32 $0x2A80, s10  }
0x139: {  	[spmem:s2] =	stream.indirect.scatter.add.f32 [tilespmem:s19], [sflag:$0x3], $0x10, s6, s13, $0xb8;
	[tilespmem:$0x11800] =	vst v63  }
0x13a: {  	s6 =	sadd.s32 $0x2B00, s10  }
0x13b: {  	[spmem:s2] =	stream.indirect.scatter.add.f32 [tilespmem:s20], [sflag:$0x3], $0x10, s6, s13, $0xb8;
	[tilespmem:$0x11800] =	vst v63  }
0x13c: {  	s6 =	sadd.s32 $0x2B80, s10  }
0x13d: {  	[spmem:s2] =	stream.indirect.scatter.add.f32 [tilespmem:s21], [sflag:$0x3], $0x10, s6, s13, $0xb8;
	[tilespmem:$0x11800] =	vst v63  }
0x13e: {  	s6 =	sadd.s32 $0x2C00, s10  }
0x13f: {  	[spmem:s2] =	stream.indirect.scatter.add.f32 [tilespmem:s22], [sflag:$0x3], $0x10, s6, s13, $0xb8;
	[tilespmem:$0x11800] =	vst v63  }
0x140: {  	s6 =	sadd.s32 $0x2C80, s10  }
0x141: {  	[spmem:s2] =	stream.indirect.scatter.add.f32 [tilespmem:s23], [sflag:$0x3], $0x10, s6, s13, $0xb8;
	[tilespmem:$0x11800] =	vst v63  }
0x142: {  	_ =	swait.ge [sflag:s7], $0x800  }
0x143: {  	[sflag:s7] =	ssyncset.done $0x0  }
0x144: {  	[sflag:s7] =	ssyncadd.s32 $0xFFFFF800  }
0x145: {  	_ =	swait.ge [sflag:s7], $0x800  }
0x146: {  	[sflag:s7] =	ssyncset.done $0x0  }
0x147: {  	[sflag:s7] =	ssyncadd.s32 $0xFFFFF800  }
0x148: {  	_ =	swait.ge [sflag:s7], $0x800  }
0x149: {  	[sflag:s7] =	ssyncset.done $0x0  }
0x14a: {  	[sflag:s7] =	ssyncadd.s32 $0xFFFFF800  }
0x14b: {  	_ =	swait.ge [sflag:s7], $0x800  }
0x14c: {  	[sflag:s7] =	ssyncset.done $0x0  }
0x14d: {  	[sflag:s7] =	ssyncadd.s32 $0xFFFFF800  }
0x14e: {  	_ =	swait.ge [sflag:s7], $0x800  }
0x14f: {  	[sflag:s7] =	ssyncset.done $0x0  }
0x150: {  	[sflag:s7] =	ssyncadd.s32 $0xFFFFF800  }
0x151: {  	_ =	swait.ge [sflag:s7], $0x800  }
0x152: {  	[sflag:s7] =	ssyncset.done $0x0  }
0x153: {  	[sflag:s7] =	ssyncadd.s32 $0xFFFFF800  }
0x154: {  	_ =	swait.ge [sflag:s7], $0x800  }
0x155: {  	[sflag:s7] =	ssyncset.done $0x0  }
0x156: {  	[sflag:s7] =	ssyncadd.s32 $0xFFFFF800  }
0x157: {  	_ =	swait.ge [sflag:s7], $0x800  }
0x158: {  	[sflag:s7] =	ssyncset.done $0x0  }
0x159: {  	[sflag:s7] =	ssyncadd.s32 $0xFFFFF800  }
0x15a: {  	_ =	swait.ge [sflag:s7], $0x800  }
0x15b: {  	[sflag:s7] =	ssyncset.done $0x0  }
0x15c: {  	[sflag:s7] =	ssyncadd.s32 $0xFFFFF800  }
0x15d: {  	_ =	swait.ge [sflag:s7], $0x800  }
0x15e: {  	[sflag:s7] =	ssyncset.done $0x0  }
0x15f: {  	s6 =	sadd.s32 $0x2D00, s10;
	[sflag:s7] =	ssyncadd.s32 $0xFFFFF800  }
0x160: {  	[spmem:s2] =	stream.indirect.scatter.add.f32 [tilespmem:s25], [sflag:$0x3], $0x10, s6, s13, $0xb8;
	[tilespmem:$0x11800] =	vst v63  }
0x161: {  	s6 =	sadd.s32 $0x2D80, s10  }
0x162: {  	[spmem:s2] =	stream.indirect.scatter.add.f32 [tilespmem:s26], [sflag:$0x3], $0x10, s6, s13, $0xb8;
	[tilespmem:$0x11800] =	vst v63  }
0x163: {  	s6 =	sadd.s32 $0x2E00, s10  }
0x164: {  	[spmem:s2] =	stream.indirect.scatter.add.f32 [tilespmem:s28], [sflag:$0x3], $0x10, s6, s13, $0xb8;
	[tilespmem:$0x11800] =	vst v63  }
0x165: {  	s6 =	sadd.s32 $0x2E80, s10  }
0x166: {  	[spmem:s2] =	stream.indirect.scatter.add.f32 [tilespmem:s29], [sflag:$0x3], $0x10, s6, s13, $0xb8;
	[tilespmem:$0x11800] =	vst v63  }
0x167: {  	s6 =	sadd.s32 $0x2F00, s10  }
0x168: {  	[spmem:s2] =	stream.indirect.scatter.add.f32 [tilespmem:s30], [sflag:$0x3], $0x10, s6, s13, $0xb8;
	[tilespmem:$0x11800] =	vst v63  }
0x169: {  	s6 =	sadd.s32 $0x2F80, s10  }
0x16a: {  	[spmem:s2] =	stream.indirect.scatter.add.f32 [tilespmem:s31], [sflag:$0x3], $0x10, s6, s13, $0xb8;
	[tilespmem:$0x11800] =	vst v63  }
0x16b: {  	s6 =	sadd.s32 $0x3000, s10  }
0x16c: {  	[spmem:s2] =	stream.indirect.scatter.add.f32 [tilespmem:s0], [sflag:$0x3], $0x10, s6, s13, $0xb8;
	[tilespmem:$0x11800] =	vst v63  }
0x16d: {  	s6 =	sadd.s32 $0x3080, s10  }
0x16e: {  	[spmem:s2] =	stream.indirect.scatter.add.f32 [tilespmem:s3], [sflag:$0x3], $0x10, s6, s13, $0xb8;
	[tilespmem:$0x11800] =	vst v63  }
0x16f: {  	s6 =	sadd.s32 $0x3100, s10  }
0x170: {  	[spmem:s2] =	stream.indirect.scatter.add.f32 [tilespmem:s1], [sflag:$0x3], $0x10, s6, s13, $0xb8;
	[tilespmem:$0x11800] =	vst v63  }
0x171: {  	s6 =	sadd.s32 $0x3180, s10  }
0x172: {  	[spmem:s2] =	stream.indirect.scatter.add.f32 [tilespmem:s12], [sflag:$0x3], $0x10, s6, s13, $0xb8;
	[tilespmem:$0x11800] =	vst v63  }
0x173: {  	_ =	swait.ge [sflag:s8], $0x800  }
0x174: {  	[sflag:s8] =	ssyncset.done $0x0  }
0x175: {  	[sflag:s8] =	ssyncadd.s32 $0xFFFFF800  }
0x176: {  	_ =	swait.ge [sflag:s8], $0x800  }
0x177: {  	[sflag:s8] =	ssyncset.done $0x0  }
0x178: {  	[sflag:s8] =	ssyncadd.s32 $0xFFFFF800  }
0x179: {  	_ =	swait.ge [sflag:s8], $0x800  }
0x17a: {  	[sflag:s8] =	ssyncset.done $0x0  }
0x17b: {  	[sflag:s8] =	ssyncadd.s32 $0xFFFFF800  }
0x17c: {  	_ =	swait.ge [sflag:s8], $0x800  }
0x17d: {  	[sflag:s8] =	ssyncset.done $0x0  }
0x17e: {  	[sflag:s8] =	ssyncadd.s32 $0xFFFFF800  }
0x17f: {  	_ =	swait.ge [sflag:s8], $0x800  }
0x180: {  	[sflag:s8] =	ssyncset.done $0x0  }
0x181: {  	[sflag:s8] =	ssyncadd.s32 $0xFFFFF800  }
0x182: {  	_ =	swait.ge [sflag:s8], $0x800  }
0x183: {  	[sflag:s8] =	ssyncset.done $0x0  }
0x184: {  	[sflag:s8] =	ssyncadd.s32 $0xFFFFF800  }
0x185: {  	_ =	swait.ge [sflag:s8], $0x800  }
0x186: {  	[sflag:s8] =	ssyncset.done $0x0  }
0x187: {  	[sflag:s8] =	ssyncadd.s32 $0xFFFFF800  }
0x188: {  	_ =	swait.ge [sflag:s8], $0x800  }
0x189: {  	[sflag:s8] =	ssyncset.done $0x0  }
0x18a: {  	[sflag:s8] =	ssyncadd.s32 $0xFFFFF800  }
0x18b: {  	_ =	swait.ge [sflag:s8], $0x800  }
0x18c: {  	[sflag:s8] =	ssyncset.done $0x0  }
0x18d: {  	[sflag:s8] =	ssyncadd.s32 $0xFFFFF800  }
0x18e: {  	_ =	swait.ge [sflag:s8], $0x800  }
0x18f: {  	[sflag:s8] =	ssyncset.done $0x0  }
0x190: {  	[sflag:s8] =	ssyncadd.s32 $0xFFFFF800  }
0x191: {  	_ =	swait.ge [sflag:s8], $0x800  }
0x192: {  	[sflag:s8] =	ssyncset.done $0x0  }
0x193: {  	[sflag:s8] =	ssyncadd.s32 $0xFFFFF800  }
0x194: {  	_ =	swait.ge [sflag:s8], $0x800  }
0x195: {  	[sflag:s8] =	ssyncset.done $0x0  }
0x196: {  	[sflag:s8] =	ssyncadd.s32 $0xFFFFF800  }
0x197: {  	_ =	swait.ge [sflag:s8], $0x800  }
0x198: {  	[sflag:s8] =	ssyncset.done $0x0  }
0x199: {  	[sflag:s8] =	ssyncadd.s32 $0xFFFFF800  }
0x19a: {  	_ =	swait.ge [sflag:s8], $0x800  }
0x19b: {  	[sflag:s8] =	ssyncset.done $0x0  }
0x19c: {  	[sflag:s8] =	ssyncadd.s32 $0xFFFFF800  }
0x19d: {  	_ =	swait.ge [sflag:s8], $0x800  }
0x19e: {  	[sflag:s8] =	ssyncset.done $0x0  }
0x19f: {  	[sflag:s8] =	ssyncadd.s32 $0xFFFFF800  }
0x1a0: {  	_ =	swait.ge [sflag:s8], $0x800  }
0x1a1: {  	[sflag:s8] =	ssyncset.done $0x0  }
0x1a2: {  	[sflag:s8] =	ssyncadd.s32 $0xFFFFF800  }
0x1a3: {  	_ =	swait.ge [sflag:s8], $0x800  }
0x1a4: {  	[sflag:s8] =	ssyncset.done $0x0  }
0x1a5: {  	[sflag:s8] =	ssyncadd.s32 $0xFFFFF800  }
0x1a6: {  	_ =	swait.ge [sflag:s8], $0x800  }
0x1a7: {  	[sflag:s8] =	ssyncset.done $0x0  }
0x1a8: {  	[sflag:s8] =	ssyncadd.s32 $0xFFFFF800  }
.Ltmp0:
0x1a9: {  	_ =	swait.ge [sflag:s8], $0x800;
	(pc) =	sbr.rel @p0 .LBB2_2-.Ltmp0, $4  }
0x1aa: {  	[sflag:s8] =	ssyncset.done $0x0  }
0x1ab: {  	[sflag:s8] =	ssyncadd.s32 $0xFFFFF800  }
0x1ac: {  	_ =	swait.ge [sflag:s8], $0x800  }
0x1ad: {  	s6 =	smov.u32 s11;
	[sflag:s8] =	ssyncset.done $0x0  }
0x1ae: {  	s6 =	sshra.s32 s24, $0x2;
	[sflag:s8] =	ssyncadd.s32 $0xFFFFF800  }
0x1af: {  	[tilespmem:s14], [sflag:$0x1] =	stream.indirect.gather [hbm4b:s5+s13], $0x10, s6, s13, $0xb8;
	[tilespmem:$0x11800] =	vst v63  }
0x1b0: {  	s10 =	sadd.s32 $0x80, s6  }
0x1b1: {  	[tilespmem:s15], [sflag:$0x1] =	stream.indirect.gather [hbm4b:s5+s13], $0x10, s10, s13, $0xb8;
	[tilespmem:$0x11800] =	vst v63  }
0x1b2: {  	s11 =	sadd.s32 $0x100, s6  }
0x1b3: {  	[tilespmem:s16], [sflag:$0x1] =	stream.indirect.gather [hbm4b:s5+s13], $0x10, s11, s13, $0xb8;
	[tilespmem:$0x11800] =	vst v63  }
0x1b4: {  	s24 =	sadd.s32 $0x180, s6  }
0x1b5: {  	[tilespmem:s17], [sflag:$0x1] =	stream.indirect.gather [hbm4b:s5+s13], $0x10, s24, s13, $0xb8;
	[tilespmem:$0x11800] =	vst v63  }
0x1b6: {  	s11 =	sadd.s32 $0x200, s6  }
0x1b7: {  	[tilespmem:s18], [sflag:$0x1] =	stream.indirect.gather [hbm4b:s5+s13], $0x10, s11, s13, $0xb8;
	[tilespmem:$0x11800] =	vst v63  }
0x1b8: {  	s24 =	sadd.s32 $0x280, s6  }
0x1b9: {  	[tilespmem:s19], [sflag:$0x1] =	stream.indirect.gather [hbm4b:s5+s13], $0x10, s24, s13, $0xb8;
	[tilespmem:$0x11800] =	vst v63  }
0x1ba: {  	s11 =	sadd.s32 $0x300, s6  }
0x1bb: {  	[tilespmem:s20], [sflag:$0x1] =	stream.indirect.gather [hbm4b:s5+s13], $0x10, s11, s13, $0xb8;
	[tilespmem:$0x11800] =	vst v63  }
0x1bc: {  	s24 =	sadd.s32 $0x380, s6  }
0x1bd: {  	[tilespmem:s21], [sflag:$0x1] =	stream.indirect.gather [hbm4b:s5+s13], $0x10, s24, s13, $0xb8;
	[tilespmem:$0x11800] =	vst v63  }
0x1be: {  	s11 =	sadd.s32 $0x400, s6  }
0x1bf: {  	[tilespmem:s22], [sflag:$0x1] =	stream.indirect.gather [hbm4b:s5+s13], $0x10, s11, s13, $0xb8;
	[tilespmem:$0x11800] =	vst v63  }
0x1c0: {  	s24 =	sadd.s32 $0x480, s6  }
0x1c1: {  	[tilespmem:s23], [sflag:$0x1] =	stream.indirect.gather [hbm4b:s5+s13], $0x10, s24, s13, $0xb8;
	[tilespmem:$0x11800] =	vst v63  }
0x1c2: {  	s11 =	sadd.s32 $0x500, s6  }
0x1c3: {  	[tilespmem:s25], [sflag:$0x2] =	stream.indirect.gather [hbm4b:s5+s13], $0x10, s11, s13, $0xb8;
	[tilespmem:$0x11800] =	vst v63  }
0x1c4: {  	s24 =	sadd.s32 $0x580, s6  }
0x1c5: {  	[tilespmem:s26], [sflag:$0x2] =	stream.indirect.gather [hbm4b:s5+s13], $0x10, s24, s13, $0xb8;
	[tilespmem:$0x11800] =	vst v63  }
0x1c6: {  	s11 =	sadd.s32 $0x600, s6  }
0x1c7: {  	[tilespmem:s28], [sflag:$0x2] =	stream.indirect.gather [hbm4b:s5+s13], $0x10, s11, s13, $0xb8;
	[tilespmem:$0x11800] =	vst v63  }
0x1c8: {  	s24 =	sadd.s32 $0x680, s6  }
0x1c9: {  	[tilespmem:s29], [sflag:$0x2] =	stream.indirect.gather [hbm4b:s5+s13], $0x10, s24, s13, $0xb8;
	[tilespmem:$0x11800] =	vst v63  }
0x1ca: {  	s11 =	sadd.s32 $0x700, s6  }
0x1cb: {  	[tilespmem:s30], [sflag:$0x2] =	stream.indirect.gather [hbm4b:s5+s13], $0x10, s11, s13, $0xb8;
	[tilespmem:$0x11800] =	vst v63  }
0x1cc: {  	s24 =	sadd.s32 $0x780, s6  }
0x1cd: {  	[tilespmem:s31], [sflag:$0x2] =	stream.indirect.gather [hbm4b:s5+s13], $0x10, s24, s13, $0xb8;
	[tilespmem:$0x11800] =	vst v63  }
0x1ce: {  	s11 =	sadd.s32 $0x800, s6  }
0x1cf: {  	[tilespmem:s0], [sflag:$0x2] =	stream.indirect.gather [hbm4b:s5+s13], $0x10, s11, s13, $0xb8;
	[tilespmem:$0x11800] =	vst v63  }
0x1d0: {  	s24 =	sadd.s32 $0x880, s6  }
0x1d1: {  	[tilespmem:s3], [sflag:$0x2] =	stream.indirect.gather [hbm4b:s5+s13], $0x10, s24, s13, $0xb8;
	[tilespmem:$0x11800] =	vst v63  }
0x1d2: {  	s11 =	sadd.s32 $0x900, s6  }
0x1d3: {  	[tilespmem:s1], [sflag:$0x2] =	stream.indirect.gather [hbm4b:s5+s13], $0x10, s11, s13, $0xb8;
	[tilespmem:$0x11800] =	vst v63  }
0x1d4: {  	s24 =	sadd.s32 $0x980, s6  }
0x1d5: {  	[tilespmem:s12], [sflag:$0x2] =	stream.indirect.gather [hbm4b:s5+s13], $0x10, s24, s13, $0xb8;
	[tilespmem:$0x11800] =	vst v63  }
0x1d6: {  	_ =	swait.ge [sflag:s4], $0x800  }
0x1d7: {  	[sflag:s4] =	ssyncset.done $0x0  }
0x1d8: {  	[sflag:s4] =	ssyncadd.s32 $0xFFFFF800  }
0x1d9: {  	_ =	swait.ge [sflag:s4], $0x800  }
0x1da: {  	[sflag:s4] =	ssyncset.done $0x0  }
0x1db: {  	[sflag:s4] =	ssyncadd.s32 $0xFFFFF800  }
0x1dc: {  	_ =	swait.ge [sflag:s4], $0x800  }
0x1dd: {  	[sflag:s4] =	ssyncset.done $0x0  }
0x1de: {  	[sflag:s4] =	ssyncadd.s32 $0xFFFFF800  }
0x1df: {  	_ =	swait.ge [sflag:s4], $0x800  }
0x1e0: {  	[sflag:s4] =	ssyncset.done $0x0  }
0x1e1: {  	[sflag:s4] =	ssyncadd.s32 $0xFFFFF800  }
0x1e2: {  	_ =	swait.ge [sflag:s4], $0x800  }
0x1e3: {  	[sflag:s4] =	ssyncset.done $0x0  }
0x1e4: {  	[sflag:s4] =	ssyncadd.s32 $0xFFFFF800  }
0x1e5: {  	_ =	swait.ge [sflag:s4], $0x800  }
0x1e6: {  	[sflag:s4] =	ssyncset.done $0x0  }
0x1e7: {  	[sflag:s4] =	ssyncadd.s32 $0xFFFFF800  }
0x1e8: {  	_ =	swait.ge [sflag:s4], $0x800  }
0x1e9: {  	[sflag:s4] =	ssyncset.done $0x0  }
0x1ea: {  	[sflag:s4] =	ssyncadd.s32 $0xFFFFF800  }
0x1eb: {  	_ =	swait.ge [sflag:s4], $0x800  }
0x1ec: {  	[sflag:s4] =	ssyncset.done $0x0  }
0x1ed: {  	[sflag:s4] =	ssyncadd.s32 $0xFFFFF800  }
0x1ee: {  	_ =	swait.ge [sflag:s4], $0x800  }
0x1ef: {  	[sflag:s4] =	ssyncset.done $0x0  }
0x1f0: {  	[sflag:s4] =	ssyncadd.s32 $0xFFFFF800  }
0x1f1: {  	_ =	swait.ge [sflag:s4], $0x800  }
0x1f2: {  	[sflag:s4] =	ssyncset.done $0x0  }
0x1f3: {  	s11 =	sadd.s32 $0x2800, s6;
	[sflag:s4] =	ssyncadd.s32 $0xFFFFF800  }
0x1f4: {  	[spmem:s2] =	stream.indirect.scatter.add.f32 [tilespmem:s14], [sflag:$0x3], $0x10, s11, s13, $0xb8;
	[tilespmem:$0x11800] =	vst v63  }
0x1f5: {  	s24 =	sadd.s32 $0x2880, s6  }
0x1f6: {  	[spmem:s2] =	stream.indirect.scatter.add.f32 [tilespmem:s15], [sflag:$0x3], $0x10, s24, s13, $0xb8;
	[tilespmem:$0x11800] =	vst v63  }
0x1f7: {  	s11 =	sadd.s32 $0x2900, s6  }
0x1f8: {  	[spmem:s2] =	stream.indirect.scatter.add.f32 [tilespmem:s16], [sflag:$0x3], $0x10, s11, s13, $0xb8;
	[tilespmem:$0x11800] =	vst v63  }
0x1f9: {  	s24 =	sadd.s32 $0x2980, s6  }
0x1fa: {  	[spmem:s2] =	stream.indirect.scatter.add.f32 [tilespmem:s17], [sflag:$0x3], $0x10, s24, s13, $0xb8;
	[tilespmem:$0x11800] =	vst v63  }
0x1fb: {  	s11 =	sadd.s32 $0x2A00, s6  }
0x1fc: {  	[spmem:s2] =	stream.indirect.scatter.add.f32 [tilespmem:s18], [sflag:$0x3], $0x10, s11, s13, $0xb8;
	[tilespmem:$0x11800] =	vst v63  }
0x1fd: {  	s24 =	sadd.s32 $0x2A80, s6  }
0x1fe: {  	[spmem:s2] =	stream.indirect.scatter.add.f32 [tilespmem:s19], [sflag:$0x3], $0x10, s24, s13, $0xb8;
	[tilespmem:$0x11800] =	vst v63  }
0x1ff: {  	s11 =	sadd.s32 $0x2B00, s6  }
0x200: {  	[spmem:s2] =	stream.indirect.scatter.add.f32 [tilespmem:s20], [sflag:$0x3], $0x10, s11, s13, $0xb8;
	[tilespmem:$0x11800] =	vst v63  }
0x201: {  	s24 =	sadd.s32 $0x2B80, s6  }
0x202: {  	[spmem:s2] =	stream.indirect.scatter.add.f32 [tilespmem:s21], [sflag:$0x3], $0x10, s24, s13, $0xb8;
	[tilespmem:$0x11800] =	vst v63  }
0x203: {  	s11 =	sadd.s32 $0x2C00, s6  }
0x204: {  	[spmem:s2] =	stream.indirect.scatter.add.f32 [tilespmem:s22], [sflag:$0x3], $0x10, s11, s13, $0xb8;
	[tilespmem:$0x11800] =	vst v63  }
0x205: {  	s24 =	sadd.s32 $0x2C80, s6  }
0x206: {  	[spmem:s2] =	stream.indirect.scatter.add.f32 [tilespmem:s23], [sflag:$0x3], $0x10, s24, s13, $0xb8;
	[tilespmem:$0x11800] =	vst v63  }
0x207: {  	_ =	swait.ge [sflag:s7], $0x800  }
0x208: {  	[sflag:s7] =	ssyncset.done $0x0  }
0x209: {  	[sflag:s7] =	ssyncadd.s32 $0xFFFFF800  }
0x20a: {  	_ =	swait.ge [sflag:s7], $0x800  }
0x20b: {  	[sflag:s7] =	ssyncset.done $0x0  }
0x20c: {  	[sflag:s7] =	ssyncadd.s32 $0xFFFFF800  }
0x20d: {  	_ =	swait.ge [sflag:s7], $0x800  }
0x20e: {  	[sflag:s7] =	ssyncset.done $0x0  }
0x20f: {  	[sflag:s7] =	ssyncadd.s32 $0xFFFFF800  }
0x210: {  	_ =	swait.ge [sflag:s7], $0x800  }
0x211: {  	[sflag:s7] =	ssyncset.done $0x0  }
0x212: {  	[sflag:s7] =	ssyncadd.s32 $0xFFFFF800  }
0x213: {  	_ =	swait.ge [sflag:s7], $0x800  }
0x214: {  	[sflag:s7] =	ssyncset.done $0x0  }
0x215: {  	[sflag:s7] =	ssyncadd.s32 $0xFFFFF800  }
0x216: {  	_ =	swait.ge [sflag:s7], $0x800  }
0x217: {  	[sflag:s7] =	ssyncset.done $0x0  }
0x218: {  	[sflag:s7] =	ssyncadd.s32 $0xFFFFF800  }
0x219: {  	_ =	swait.ge [sflag:s7], $0x800  }
0x21a: {  	[sflag:s7] =	ssyncset.done $0x0  }
0x21b: {  	[sflag:s7] =	ssyncadd.s32 $0xFFFFF800  }
0x21c: {  	_ =	swait.ge [sflag:s7], $0x800  }
0x21d: {  	[sflag:s7] =	ssyncset.done $0x0  }
0x21e: {  	[sflag:s7] =	ssyncadd.s32 $0xFFFFF800  }
0x21f: {  	_ =	swait.ge [sflag:s7], $0x800  }
0x220: {  	[sflag:s7] =	ssyncset.done $0x0  }
0x221: {  	[sflag:s7] =	ssyncadd.s32 $0xFFFFF800  }
0x222: {  	_ =	swait.ge [sflag:s7], $0x800  }
0x223: {  	[sflag:s7] =	ssyncset.done $0x0  }
0x224: {  	s11 =	sadd.s32 $0x2D00, s6;
	[sflag:s7] =	ssyncadd.s32 $0xFFFFF800  }
0x225: {  	[spmem:s2] =	stream.indirect.scatter.add.f32 [tilespmem:s25], [sflag:$0x3], $0x10, s11, s13, $0xb8;
	[tilespmem:$0x11800] =	vst v63  }
0x226: {  	s24 =	sadd.s32 $0x2D80, s6  }
0x227: {  	[spmem:s2] =	stream.indirect.scatter.add.f32 [tilespmem:s26], [sflag:$0x3], $0x10, s24, s13, $0xb8;
	[tilespmem:$0x11800] =	vst v63  }
0x228: {  	s11 =	sadd.s32 $0x2E00, s6  }
0x229: {  	[spmem:s2] =	stream.indirect.scatter.add.f32 [tilespmem:s28], [sflag:$0x3], $0x10, s11, s13, $0xb8;
	[tilespmem:$0x11800] =	vst v63  }
0x22a: {  	s24 =	sadd.s32 $0x2E80, s6  }
0x22b: {  	[spmem:s2] =	stream.indirect.scatter.add.f32 [tilespmem:s29], [sflag:$0x3], $0x10, s24, s13, $0xb8;
	[tilespmem:$0x11800] =	vst v63  }
0x22c: {  	s11 =	sadd.s32 $0x2F00, s6  }
0x22d: {  	[spmem:s2] =	stream.indirect.scatter.add.f32 [tilespmem:s30], [sflag:$0x3], $0x10, s11, s13, $0xb8;
	[tilespmem:$0x11800] =	vst v63  }
0x22e: {  	s24 =	sadd.s32 $0x2F80, s6  }
0x22f: {  	[spmem:s2] =	stream.indirect.scatter.add.f32 [tilespmem:s31], [sflag:$0x3], $0x10, s24, s13, $0xb8;
	[tilespmem:$0x11800] =	vst v63  }
0x230: {  	s11 =	sadd.s32 $0x3000, s6  }
0x231: {  	[spmem:s2] =	stream.indirect.scatter.add.f32 [tilespmem:s0], [sflag:$0x3], $0x10, s11, s13, $0xb8;
	[tilespmem:$0x11800] =	vst v63  }
0x232: {  	s24 =	sadd.s32 $0x3080, s6  }
0x233: {  	[spmem:s2] =	stream.indirect.scatter.add.f32 [tilespmem:s3], [sflag:$0x3], $0x10, s24, s13, $0xb8;
	[tilespmem:$0x11800] =	vst v63  }
0x234: {  	s11 =	sadd.s32 $0x3100, s6  }
0x235: {  	[spmem:s2] =	stream.indirect.scatter.add.f32 [tilespmem:s1], [sflag:$0x3], $0x10, s11, s13, $0xb8;
	[tilespmem:$0x11800] =	vst v63  }
0x236: {  	s6 =	sadd.s32 $0x3180, s6  }
0x237: {  	[spmem:s2] =	stream.indirect.scatter.add.f32 [tilespmem:s12], [sflag:$0x3], $0x10, s6, s13, $0xb8;
	[tilespmem:$0x11800] =	vst v63  }
0x238: {  	_ =	swait.ge [sflag:s8], $0x800  }
0x239: {  	[sflag:s8] =	ssyncset.done $0x0  }
0x23a: {  	[sflag:s8] =	ssyncadd.s32 $0xFFFFF800  }
0x23b: {  	_ =	swait.ge [sflag:s8], $0x800  }
0x23c: {  	[sflag:s8] =	ssyncset.done $0x0  }
0x23d: {  	[sflag:s8] =	ssyncadd.s32 $0xFFFFF800  }
0x23e: {  	_ =	swait.ge [sflag:s8], $0x800  }
0x23f: {  	[sflag:s8] =	ssyncset.done $0x0  }
0x240: {  	[sflag:s8] =	ssyncadd.s32 $0xFFFFF800  }
0x241: {  	_ =	swait.ge [sflag:s8], $0x800  }
0x242: {  	[sflag:s8] =	ssyncset.done $0x0  }
0x243: {  	[sflag:s8] =	ssyncadd.s32 $0xFFFFF800  }
0x244: {  	_ =	swait.ge [sflag:s8], $0x800  }
0x245: {  	[sflag:s8] =	ssyncset.done $0x0  }
0x246: {  	[sflag:s8] =	ssyncadd.s32 $0xFFFFF800  }
0x247: {  	_ =	swait.ge [sflag:s8], $0x800  }
0x248: {  	[sflag:s8] =	ssyncset.done $0x0  }
0x249: {  	[sflag:s8] =	ssyncadd.s32 $0xFFFFF800  }
0x24a: {  	_ =	swait.ge [sflag:s8], $0x800  }
0x24b: {  	[sflag:s8] =	ssyncset.done $0x0  }
0x24c: {  	[sflag:s8] =	ssyncadd.s32 $0xFFFFF800  }
0x24d: {  	_ =	swait.ge [sflag:s8], $0x800  }
0x24e: {  	[sflag:s8] =	ssyncset.done $0x0  }
0x24f: {  	[sflag:s8] =	ssyncadd.s32 $0xFFFFF800  }
0x250: {  	_ =	swait.ge [sflag:s8], $0x800  }
0x251: {  	[sflag:s8] =	ssyncset.done $0x0  }
0x252: {  	[sflag:s8] =	ssyncadd.s32 $0xFFFFF800  }
0x253: {  	_ =	swait.ge [sflag:s8], $0x800  }
0x254: {  	[sflag:s8] =	ssyncset.done $0x0  }
0x255: {  	[sflag:s8] =	ssyncadd.s32 $0xFFFFF800  }
0x256: {  	_ =	swait.ge [sflag:s8], $0x800  }
0x257: {  	[sflag:s8] =	ssyncset.done $0x0  }
0x258: {  	[sflag:s8] =	ssyncadd.s32 $0xFFFFF800  }
0x259: {  	_ =	swait.ge [sflag:s8], $0x800  }
0x25a: {  	[sflag:s8] =	ssyncset.done $0x0  }
0x25b: {  	[sflag:s8] =	ssyncadd.s32 $0xFFFFF800  }
0x25c: {  	_ =	swait.ge [sflag:s8], $0x800  }
0x25d: {  	[sflag:s8] =	ssyncset.done $0x0  }
0x25e: {  	[sflag:s8] =	ssyncadd.s32 $0xFFFFF800  }
0x25f: {  	_ =	swait.ge [sflag:s8], $0x800  }
0x260: {  	[sflag:s8] =	ssyncset.done $0x0  }
0x261: {  	[sflag:s8] =	ssyncadd.s32 $0xFFFFF800  }
0x262: {  	_ =	swait.ge [sflag:s8], $0x800  }
0x263: {  	[sflag:s8] =	ssyncset.done $0x0  }
0x264: {  	[sflag:s8] =	ssyncadd.s32 $0xFFFFF800  }
0x265: {  	_ =	swait.ge [sflag:s8], $0x800  }
0x266: {  	[sflag:s8] =	ssyncset.done $0x0  }
0x267: {  	[sflag:s8] =	ssyncadd.s32 $0xFFFFF800  }
0x268: {  	_ =	swait.ge [sflag:s8], $0x800  }
0x269: {  	[sflag:s8] =	ssyncset.done $0x0  }
0x26a: {  	[sflag:s8] =	ssyncadd.s32 $0xFFFFF800  }
0x26b: {  	_ =	swait.ge [sflag:s8], $0x800  }
0x26c: {  	[sflag:s8] =	ssyncset.done $0x0  }
0x26d: {  	[sflag:s8] =	ssyncadd.s32 $0xFFFFF800  }
0x26e: {  	_ =	swait.ge [sflag:s8], $0x800  }
0x26f: {  	[sflag:s8] =	ssyncset.done $0x0  }
0x270: {  	[sflag:s8] =	ssyncadd.s32 $0xFFFFF800  }
0x271: {  	_ =	swait.ge [sflag:s8], $0x800  }
0x272: {  	[sflag:s8] =	ssyncset.done $0x0  }
0x273: {  	[sflag:s8] =	ssyncadd.s32 $0xFFFFF800  }
0x274: {  	[bflag:$0x0] =	sbarrier.arrive $0xFFFF  }
0x275: {  	s10 =	rddreg [dreg:$0x4]  }
0x276: {  	s11 =	rddreg [dreg:$0x8]  }
0x277: {  	s24 =	rddreg [dreg:$0x9]  }
0x278: {  	[hbm:s24], [sflag:s10] =	dma.local [spmem:s11], $0x500  }
0x279: {  	s24 =	simm.s32 $0x4  }
0x27a: {  	_ =	swait.ge [sflag:s24], $0x500  }
0x27b: {  	s9 =	sadd.s32 $0x1, s9;
	s6 =	rddreg [dreg:$0x7]  }
0x27c: {  	p0 =	sne.s32 s9, s6  }
.Ltmp1:
0x27d: {  	_ = 	snop;
	(pc) =	sbr.rel @p0 .LBB2_1-.Ltmp1, $3  }
0x27e: {  	_ =	sdelay $0x1  }
0x27f: {  	[sflag:s24] =	ssyncset.done $0x0  }
0x280: {  	[sflag:s24] =	ssyncadd.s32 $0xFFFFFB00  }
0x281: {  	_ =	sfence.sel $0x180000  }
0x282: {  	[bflag:$0x0] =	sbarrier.arrive $0xFFFF  }
0x283: {  	_ =	strace $0x9000004A  }
0x284: {  	s0 =	stileid.u32;
	[bflag:$0x2] =	sbarrier.arrive $0xFFFF  }
0x285: {  	p0 =	sne.s32 s0, $0x0;
	s0 =	rddreg [dreg:$0x3]  }
0x286: {  	s0 =	sadd.s32 @!p0 $0x100000, s0  }
0x287: {  	[sflag:s0] =	ssyncadd.tile.s32 @!p0 $0x1;
	_ =	shalt  }
.Lfunc_end2:
_tile_overlayer_lowered:
.L_overlay_start_2:
0x288: {  	(tag) =	ssettag $0x2  }
0x289: {  	s0 =	rddreg [dreg:$0x0];
	s2 =	stileid.u32  }
0x28a: {  	s1 =	rddreg [dreg:$0x1];
	p0 =	sne.s32 s2, $0x0  }
0x28b: {  	s3 =	rddreg [dreg:$0x2];
	[bflag:$0x3] =	sbarrier.arrive $0xFFFF;
	s2 =	simm.s32 @!p0 $0x1C04  }
0x28c: {  	[timem:s3], [sflag:s2] =	dma.local @!p0 [hbm:s0], s1  }
0x28d: {  	s0 =	simm.s32 @!p0 $0x4  }
0x28e: {  	_ =	swait.ge @!p0 [sflag:s0], s1  }
0x28f: {  	s1 =	ssub.s32 @!p0 $0x0, s1;
	[sflag:s0] =	ssyncset.done @!p0 $0x0  }
0x290: {  	[sflag:s0] =	ssyncadd.s32 @!p0 s1  }
0x291: {  	[bflag:$0x3] =	sbarrier.arrive $0xFFFF  }
0x292: {  	_ =	shalt  }

// kernel: kernel.15.cloned.1.call-start
scs
__scs_entry_jumppad:
0x0: {  	(pc) =	sbr.rel $0x88, $3  }
0x1: {  	(tag) =	ssettag $0x0;
	lr =	simm.s32 $0x1  }
0x2: {  	[smem:$0x3F9B] =	sst lr;
	_ =	strace $0xD0000000  }
0x3: {  	_ = 	snop  }
0x4: {  	_ = 	snop  }
0x5: {  	_ = 	snop  }
0x6: {  	_ = 	snop  }
0x7: {  	_ = 	snop  }
__scs_overlays_trampoline_lowered:
0x8: {  	[smem:$0x3FAA] =	sst s0  }
0x9: {  	[smem:$0x3FAB] =	sst s1  }
0xa: {  	[smem:$0x3FAC] =	sst s2  }
0xb: {  	[smem:$0x3FAD] =	sst s3  }
0xc: {  	[smem:$0x3FAE] =	sst s4  }
0xd: {  	[smem:$0x3FAF] =	sst s5  }
0xe: {  	[smem:$0x3FB0] =	sst s6  }
0xf: {  	[smem:$0x3FB1] =	sst s7  }
0x10: {  	[smem:$0x3FB2] =	sst s8  }
0x11: {  	[smem:$0x3FB3] =	sst s9;
	s0 =	simm.s32 @!p0 $0x0  }
0x12: {  	s1 =	sld [smem:$0x3F99];
	s0 =	simm.s32 @p0 $0x1  }
0x13: {  	[smem:$0x3FB4] =	sst s0;
	s0 =	simm.s32 @!p1 $0x0  }
0x14: {  	s2 =	sld [smem:$0x3F98];
	s0 =	simm.s32 @p1 $0x1  }
0x15: {  	[smem:$0x3FB5] =	sst s0;
	s0 =	simm.s32 @!p2 $0x0  }
0x16: {  	s3 =	sld [smem:$0x3FDB];
	s0 =	simm.s32 @p2 $0x1  }
0x17: {  	s4 =	simm.s32 $0x1BF5;
	[smem:$0x3FB7] =	sst s0  }
0x18: {  	s0 =	sld [smem:$0x3F9A];
	_ =	swait.ge [sflag:s4], $0x0  }
0x19: {  	s7 =	sld [smem:$0x3F9B]  }
0x1a: {  	s8 =	sadd.s32 $0xFFFFE003, lr  }
0x1b: {  	s9 =	sadd.s32 $0xFFFFFEF7, lr;
	s5 =	simm.s32 $0xFFFFFFFF;
	p2 =	slt.u32 s8, $0xFFFFF086  }
0x1c: {  	p1 =	slt.u32 s9, $0xF7A;
	s5 =	simm.s32 @!p2 $0x0  }
0x1d: {  	s5 =	simm.s32 @p1 $0x1;
	p0 =	seq.s32 s7, s2  }
0x1e: {  	s7 =	smul.u32 @!p0 $0xF7A, s2;
	p2 =	seq.s32 @!p0 s5, $0x0  }
0x1f: {  	s9 =	smul.u32 $0xF7A, s1;
	s8 =	simm.s32 @!p0 $0x1BF5;
	p2 =	por !p2, p0  }
0x20: {  	[sflag:s8] =	ssyncset.s32 @!p0 $0xFFFFF086;
	s6 =	sadd.s32 @!p0 s3, s7;
	s7 =	simm.s32 @!p0 $0x108  }
0x21: {  	s3 =	sadd.s32 s3, s9;
	s6 =	sadd.s32 @!p0 $0x88, s6;
	s7 =	simm.s32 @p2 $0x1082  }
0x22: {  	[simem:s7], [sflag:s8] =	dma.local @!p0 [hbm:s6], $0xF7A  }
0x23: {  	s9 =	sor.u32 $0xD0000000, s2;
	s6 =	simm.s32 $0x108;
	_ =	swait.ge @!p0 [sflag:s8], $0x0  }
0x24: {  	s3 =	sadd.s32 $0x88, s3;
	s6 =	simm.s32 @!p1 $0x1082;
	[sflag:s4] =	ssyncset.s32 $0xFFFFF086  }
0x25: {  	[simem:s6], [sflag:s4] =	dma.local [hbm:s3], $0xF7A  }
0x26: {  	[smem:$0x3F9B] =	sst s1;
	(tag) =	ssettag s2;
	_ =	strace s9  }
0x27: {  	s1 =	sld [smem:$0x3FAB]  }
0x28: {  	s2 =	sld [smem:$0x3FAC]  }
0x29: {  	s4 =	sld [smem:$0x3FAE]  }
0x2a: {  	p0 =	seq.s32 s5, $0x0;
	s5 =	sld [smem:$0x3FAF]  }
0x2b: {  	s6 =	sld [smem:$0x3FB0]  }
0x2c: {  	s7 =	sld [smem:$0x3FB1]  }
0x2d: {  	s3 =	simm.s32 $0x108;
	s8 =	sld [smem:$0x3FB2]  }
0x2e: {  	s3 =	simm.s32 @!p0 $0x1082;
	s9 =	sld [smem:$0x3FB3]  }
0x2f: {  	lr =	sadd.s32 s0, s3;
	s0 =	sld [smem:$0x3FAA]  }
0x30: {  	s3 =	sld [smem:$0x3FAD]  }
0x31: {  	[smem:$0x3FB6] =	sst s10  }
0x32: {  	s10 =	sld [smem:$0x3FB4];
	_ =	sdelay $0x3  }
0x33: {  	p0 =	seq.s32 s10, $0x1;
	s10 =	sld [smem:$0x3FB6];
	_ =	sdelay $0x3  }
0x34: {  	[smem:$0x3FB6] =	sst s10  }
0x35: {  	s10 =	sld [smem:$0x3FB5];
	_ =	sdelay $0x3  }
0x36: {  	p1 =	seq.s32 s10, $0x1;
	s10 =	sld [smem:$0x3FB6];
	_ =	sdelay $0x3  }
0x37: {  	[smem:$0x3FB6] =	sst s10  }
0x38: {  	s10 =	sld [smem:$0x3FB7]  }
0x39: {  	_ = 	snop;
	(pc) =	sbr.ind lr, $3  }
0x3a: {  	_ = 	snop  }
0x3b: {  	_ = 	snop  }
0x3c: {  	p2 =	seq.s32 s10, $0x1;
	s10 =	sld [smem:$0x3FB6]  }
0x3d: {  	_ =	shalt  }
0x3e: {  	_ =	shalt  }
0x3f: {  	_ =	shalt  }
0x40: {  	_ =	shalt  }
0x41: {  	_ =	shalt  }
0x42: {  	_ =	shalt  }
0x43: {  	_ =	shalt  }
0x44: {  	_ =	shalt  }
0x45: {  	_ =	shalt  }
0x46: {  	_ =	shalt  }
0x47: {  	_ =	shalt  }
0x48: {  	_ =	shalt  }
0x49: {  	_ =	shalt  }
0x4a: {  	_ =	shalt  }
0x4b: {  	_ =	shalt  }
0x4c: {  	_ =	shalt  }
0x4d: {  	_ =	shalt  }
0x4e: {  	_ =	shalt  }
0x4f: {  	_ =	shalt  }
0x50: {  	_ =	shalt  }
0x51: {  	_ =	shalt  }
0x52: {  	_ =	shalt  }
0x53: {  	_ =	shalt  }
0x54: {  	_ =	shalt  }
0x55: {  	_ =	shalt  }
0x56: {  	_ =	shalt  }
0x57: {  	_ =	shalt  }
0x58: {  	_ =	shalt  }
0x59: {  	_ =	shalt  }
0x5a: {  	_ =	shalt  }
0x5b: {  	_ =	shalt  }
0x5c: {  	_ =	shalt  }
0x5d: {  	_ =	shalt  }
0x5e: {  	_ =	shalt  }
0x5f: {  	_ =	shalt  }
0x60: {  	_ =	shalt  }
0x61: {  	_ =	shalt  }
0x62: {  	_ =	shalt  }
0x63: {  	_ =	shalt  }
0x64: {  	_ =	shalt  }
0x65: {  	_ =	shalt  }
0x66: {  	_ =	shalt  }
0x67: {  	_ =	shalt  }
0x68: {  	_ =	shalt  }
0x69: {  	_ =	shalt  }
0x6a: {  	_ =	shalt  }
0x6b: {  	_ =	shalt  }
0x6c: {  	_ =	shalt  }
0x6d: {  	_ =	shalt  }
0x6e: {  	_ =	shalt  }
0x6f: {  	_ =	shalt  }
0x70: {  	_ =	shalt  }
0x71: {  	_ =	shalt  }
0x72: {  	_ =	shalt  }
0x73: {  	_ =	shalt  }
0x74: {  	_ =	shalt  }
0x75: {  	_ =	shalt  }
0x76: {  	_ =	shalt  }
0x77: {  	_ =	shalt  }
0x78: {  	_ =	shalt  }
0x79: {  	_ =	shalt  }
0x7a: {  	_ =	shalt  }
0x7b: {  	_ =	shalt  }
0x7c: {  	_ =	shalt  }
0x7d: {  	_ =	shalt  }
0x7e: {  	_ =	shalt  }
0x7f: {  	_ =	shalt  }
0x80: {  	_ =	shalt  }
0x81: {  	_ =	shalt  }
0x82: {  	_ =	shalt  }
0x83: {  	_ =	shalt  }
0x84: {  	_ =	shalt  }
0x85: {  	_ =	shalt  }
0x86: {  	_ =	shalt  }
0x87: {  	_ =	shalt  }
.Lfunc_end0:
.L_simem_size_0:
called_computation.2_lowered:
.L_overlay_start_0:
0x88: {  	s2 =	sld [smem:$0x3FD9]  }
0x89: {  	s3 =	sld [smem:$0x3FFE];
	_ =	sdelay $0x1  }
0x8a: {  	s1 =	srdreg.scid  }
0x8b: {  	s0 =	sand.u32 $0x1, s1  }
0x8c: {  	s17 =	sshll.u32 s0, $0xA;
	s2 =	sadd.s32 s3, s2  }
0x8d: {  	s2 =	sadd.s32 s2, s17  }
0x8e: {  	[smem:$0x3FC2] =	sst s2  }
0x8f: {  	_ = 	snop  }
0x90: {  	s2 =	sld [smem:$0x3FD0];
	(tm) =	ssettm $0x1  }
0x91: {  	s18 =	sld [smem:$0x3FFB];
	_ =	sdelay $0x3  }
0x92: {  	_ =	strace s18  }
0x93: {  	s3 =	sld [smem:$0x3FFC];
	_ =	sdelay $0x3  }
0x94: {  	_ =	strace s3  }
0x95: {  	s3 =	sld [smem:$0x3FFD];
	_ =	sdelay $0x3  }
0x96: {  	_ =	strace s3  }
0x97: {  	_ =	strace $0x8FFFFFFF  }
0x98: {  	s19 =	sld [smem:$0x3FDB];
	_ =	sdelay $0x1  }
0x99: {  	s4 =	simm.s32 $_scs_section_size  }
0x9a: {  	s5 =	simm.s32 $_size__tile_overlayer_lowered;
	s6 =	simm.s32 $_tile_overlayer_lowered  }
0x9b: {  	s22 =	simm.s32 $0x1BFF;
	s21 =	sshll.u32 s6, $0x1;
	s3 =	sadd.s32 s4, s19  }
0x9c: {  	s7 =	simm.s32 $0x0;
	s20 =	sshll.u32 s5, $0x1;
	s5 =	sadd.s32 s21, s3  }
0x9d: {  	[timem:s7], [sflag:s22] =	dma.local [hbm:s5], s20  }
0x9e: {  	_ =	swait.ge [sflag:s22], s20  }
0x9f: {  	s4 =	ssub.s32 $0x0, s20;
	[sflag:s22] =	ssyncset.done $0x0  }
0xa0: {  	[sflag:s22] =	ssyncadd.s32 s4;
	_ =	sdelay $0x1  }
0xa1: {  	s23 =	simm.s32 $0x1B8B  }
0xa2: {  	_ =	swait.ge [sflag:s23], $0x1  }
0xa3: {  	[sflag:s23] =	ssyncset.done $0x0  }
0xa4: {  	s25 =	simm.s32 $0x1B8E;
	s24 =	sld [smem:$0x3FFE];
	[sflag:s23] =	ssyncadd.s32 $0xFFFFFFFF  }
0xa5: {  	s26 =	simm.s32 $execute0_lowered;
	[smem:$0x3FD2] =	sst s25  }
0xa6: {  	s5 =	sshll.u32 s26, $0x1;
	_ =	strace $0x8000004C;
	[dreg:$0x1] =	wrdreg $0xFFFFFFFF  }
0xa7: {  	s28 =	simm.s32 $_size_execute0_lowered;
	s3 =	sadd.s32 s3, s5;
	[dreg:$0x0] =	wrdreg $0x0  }
0xa8: {  	s5 =	sshll.u32 s28, $0x1;
	[dreg:$0x2] =	wrdreg s3  }
0xa9: {  	[dreg:$0x3] =	wrdreg s5  }
0xaa: {  	[dreg:$0x4] =	wrdreg $0xC0  }
0xab: {  	_ =	task [dreg:s7], $0x5FFFF  }
0xac: {  	[dreg:$0x1] =	wrdreg $0xFFFFFFFF  }
0xad: {  	[dreg:$0x0] =	wrdreg $0x60  }
0xae: {  	[dreg:$0x2] =	wrdreg s24  }
0xaf: {  	[dreg:$0x3] =	wrdreg s2  }
0xb0: {  	[dreg:$0x4] =	wrdreg $0xA0000  }
0xb1: {  	[dreg:$0x5] =	wrdreg $0x9  }
0xb2: {  	_ =	task.clear_ibuf [dreg:s7], $0x6FFFF;
	_ =	strace $0x9000004C  }
0xb3: {  	s29 =	simm.s32 $0x9;
	_ =	strace $0x8000004E  }
0xb4: {  	_ =	swait.ge [sflag:s29], $0x1  }
0xb5: {  	[sflag:s29] =	ssyncadd.s32 $0xFFFFFFFF  }
0xb6: {  	_ =	strace $0x9000004E  }
0xb7: {  	_ =	sfence  }
0xb8: {  	s30 =	sld [smem:$0x0];
	_ =	sdelay $0x2  }
0xb9: {  	s31 =	sshll.u32 s1, $0xD;
	s1 =	sshrl.u32 s1, $0x2  }
0xba: {  	s3 =	sand.u32 $0x4000, s31;
	s1 =	sadd.s32 s1, s30  }
0xbb: {  	s0 =	sor.u32 s3, s0;
	s1 =	sshll.u32 s1, $0x11  }
0xbc: {  	s0 =	sor.u32 s1, s0  }
0xbd: {  	s0 =	sadd.s32 $0x8F2B, s0  }
0xbe: {  	[sflag:s0] =	ssyncadd.remote.s32 $0x1  }
0xbf: {  	_ =	sfence.sel $0xFFFF  }
0xc0: {  	[dreg:$0x0] =	wrdreg $0xFFFFFFFF;
	(pc) =	sbr.abs _section_cstart, $3  }
0xc1: {  	[dreg:$0x1] =	wrdreg $0xFFFFFFFF  }
0xc2: {  	_ =	task.clear_ibuf [dreg:s7], $0x2FFFF;
	_ =	strace $0x9FFFFFFF  }
0xc3: {  	(tm) =	ssettm $0x7FFFFFFF  }
tec
execute0_lowered:
.L_overlay_start_1:
0x0: {  	(tag) =	ssettag $0x1  }
0x1: {  	s0 =	rddreg [dreg:$0x0]  }
0x2: {  	s2 =	rddreg [dreg:$0x2];
	s1 =	srdreg.scid;
	s4 =	simm.s32 $0x0  }
0x3: {  	s8 =	stileid.u32;
	s13 =	simm.s32 $0x80;
	s14 =	simm.s32 $0x5000  }
0x4: {  	s15 =	simm.s32 $0x5400;
	s16 =	simm.s32 $0x5800;
	s17 =	simm.s32 $0x5C00  }
0x5: {  	s18 =	simm.s32 $0x6000;
	s19 =	simm.s32 $0x6400;
	s20 =	simm.s32 $0x6800  }
0x6: {  	s21 =	simm.s32 $0x6C00;
	s28 =	simm.s32 $0x8000;
	s29 =	simm.s32 $0x8400  }
0x7: {  	s30 =	simm.s32 $0x8800;
	s31 =	simm.s32 $0x8C00;
	s12 =	simm.s32 $0x9C00  }
0x8: {  	s9 =	simm.s32 $0x0;
	s1 =	sand.u32 $0x1, s1;
	[smem:$0x7FF] =	sst s4  }
0x9: {  	s5 =	sadd.s32 $0x17A00, s0;
	s7 =	smul.u32 $0x1400, s8;
	s23 =	sshll.u32 s8, $0x6  }
0xa: {  	s4 =	simm.s32 $0x1;
	s3 =	sshll.u32 s1, $0x4;
	_ =	strace $0x8000004D  }
0xb: {  	s22 =	smul.u32 $0x2800, s1;
	s1 =	ssub.s32 $0x2, s1;
	s10 =	sor.u32 $0x1C04, s23  }
0xc: {  	s23 =	simm.s32 $0x7400;
	s3 =	sor.u32 s8, s3;
	s6 =	sshrl.u32 s1, $0x1  }
0xd: {  	s24 =	sadd.s32 s7, s2;
	s26 =	sshrl.u32 s7, $0x3;
	s7 =	simm.s32 $0x2  }
0xe: {  	s8 =	simm.s32 $0x3;
	[dreg:$0x4] =	wrdreg s10;
	s3 =	smul.u32 $0x500, s3  }
0xf: {  	s1 =	ssub.s32 s1, s6;
	s11 =	sshrl.u32 s24, $0x3;
	s24 =	simm.s32 $0x4  }
0x10: {  	s1 =	smax.u32 s1, $0x1;
	[dreg:$0x8] =	wrdreg s11;
	s3 =	sadd.s32 s3, s0  }
0x11: {  	s0 =	sadd.s32 s22, s0;
	[dreg:$0x7] =	wrdreg s1;
	s25 =	sadd.s32 $0x3A00, s3  }
0x12: {  	s22 =	simm.s32 $0x7000;
	s3 =	sadd.s32 $0xDA00, s3;
	[dreg:$0x5] =	wrdreg s25  }
0x13: {  	s1 =	simm.s32 $0x9800;
	s0 =	sadd.s32 $0x1A200, s0;
	[dreg:$0x6] =	wrdreg s3  }
0x14: {  	s0 =	sadd.s32 s26, s0;
	s25 =	simm.s32 $0x7800;
	s26 =	simm.s32 $0x7C00  }
0x15: {  	s3 =	simm.s32 $0x9400;
	[dreg:$0x9] =	wrdreg s0;
	s0 =	simm.s32 $0x9000  }
.LBB2_1:
0x16: {  	s6 =	rddreg [dreg:$0x1]  }
0x17: {  	[spmem:s11], [sflag:s10] =	dma.local [hbm:s6], $0x280  }
0x18: {  	_ =	swait.ge [sflag:s24], $0x280  }
0x19: {  	[sflag:s24] =	ssyncset.done $0x0  }
0x1a: {  	s6 =	simm.s32 $0x0;
	s11 =	rddreg [dreg:$0x5];
	[sflag:s24] =	ssyncadd.s32 $0xFFFFFD80  }
0x1b: {  	[tilespmem:s6], [sflag:$0x4] =	stream.linear.gather [hbm4b:s11+s6], $0x2800, $0x38;
	[tilespmem:$0xB400] =	vst v63  }
0x1c: {  	_ =	swait.ge [sflag:s24], $0x2800  }
0x1d: {  	[sflag:s24] =	ssyncset.done $0x0  }
0x1e: {  	s11 =	simm.s32 $0x2800;
	s10 =	rddreg [dreg:$0x6];
	[sflag:s24] =	ssyncadd.s32 $0xFFFFD800  }
0x1f: {  	[tilespmem:s11], [sflag:$0x4] =	stream.linear.gather [hbm4b:s10+s6], $0x2800, $0x38;
	[tilespmem:$0xB400] =	vst v63  }
0x20: {  	_ =	swait.ge [sflag:s24], $0x2800  }
0x21: {  	[sflag:s24] =	ssyncset.done $0x0  }
0x22: {  	[sflag:s24] =	ssyncadd.s32 $0xFFFFD800  }
0x23: {  	s24 =	simm.s32 $0x0;
	[bflag:$0x0] =	sbarrier.arrive $0xFFFF  }
0x24: {  	[tilespmem:s14], [sflag:$0x1] =	stream.indirect.gather [hbm4b:s5+s13], $0x8, s24, s13, $0xb8;
	[tilespmem:$0xB400] =	vst v63  }
0x25: {  	s10 =	simm.s32 $0x80  }
0x26: {  	[tilespmem:s15], [sflag:$0x1] =	stream.indirect.gather [hbm4b:s5+s13], $0x8, s10, s13, $0xb8;
	[tilespmem:$0xB400] =	vst v63  }
0x27: {  	s11 =	simm.s32 $0x100  }
0x28: {  	[tilespmem:s16], [sflag:$0x1] =	stream.indirect.gather [hbm4b:s5+s13], $0x8, s11, s13, $0xb8;
	[tilespmem:$0xB400] =	vst v63  }
0x29: {  	s24 =	simm.s32 $0x180  }
0x2a: {  	[tilespmem:s17], [sflag:$0x1] =	stream.indirect.gather [hbm4b:s5+s13], $0x8, s24, s13, $0xb8;
	[tilespmem:$0xB400] =	vst v63  }
0x2b: {  	s10 =	simm.s32 $0x200  }
0x2c: {  	[tilespmem:s18], [sflag:$0x1] =	stream.indirect.gather [hbm4b:s5+s13], $0x8, s10, s13, $0xb8;
	[tilespmem:$0xB400] =	vst v63  }
0x2d: {  	s11 =	simm.s32 $0x280  }
0x2e: {  	[tilespmem:s19], [sflag:$0x1] =	stream.indirect.gather [hbm4b:s5+s13], $0x8, s11, s13, $0xb8;
	[tilespmem:$0xB400] =	vst v63  }
0x2f: {  	s24 =	simm.s32 $0x300  }
0x30: {  	[tilespmem:s20], [sflag:$0x1] =	stream.indirect.gather [hbm4b:s5+s13], $0x8, s24, s13, $0xb8;
	[tilespmem:$0xB400] =	vst v63  }
0x31: {  	s10 =	simm.s32 $0x380  }
0x32: {  	[tilespmem:s21], [sflag:$0x1] =	stream.indirect.gather [hbm4b:s5+s13], $0x8, s10, s13, $0xb8;
	[tilespmem:$0xB400] =	vst v63  }
0x33: {  	s11 =	simm.s32 $0x400  }
0x34: {  	[tilespmem:s22], [sflag:$0x1] =	stream.indirect.gather [hbm4b:s5+s13], $0x8, s11, s13, $0xb8;
	[tilespmem:$0xB400] =	vst v63  }
0x35: {  	s24 =	simm.s32 $0x480  }
0x36: {  	[tilespmem:s23], [sflag:$0x1] =	stream.indirect.gather [hbm4b:s5+s13], $0x8, s24, s13, $0xb8;
	[tilespmem:$0xB400] =	vst v63  }
0x37: {  	s10 =	simm.s32 $0x500  }
0x38: {  	[tilespmem:s25], [sflag:$0x2] =	stream.indirect.gather [hbm4b:s5+s13], $0x8, s10, s13, $0xb8;
	[tilespmem:$0xB400] =	vst v63  }
0x39: {  	s11 =	simm.s32 $0x580  }
0x3a: {  	[tilespmem:s26], [sflag:$0x2] =	stream.indirect.gather [hbm4b:s5+s13], $0x8, s11, s13, $0xb8;
	[tilespmem:$0xB400] =	vst v63  }
0x3b: {  	s24 =	simm.s32 $0x600  }
0x3c: {  	[tilespmem:s28], [sflag:$0x2] =	stream.indirect.gather [hbm4b:s5+s13], $0x8, s24, s13, $0xb8;
	[tilespmem:$0xB400] =	vst v63  }
0x3d: {  	s10 =	simm.s32 $0x680  }
0x3e: {  	[tilespmem:s29], [sflag:$0x2] =	stream.indirect.gather [hbm4b:s5+s13], $0x8, s10, s13, $0xb8;
	[tilespmem:$0xB400] =	vst v63  }
0x3f: {  	s11 =	simm.s32 $0x700  }
0x40: {  	[tilespmem:s30], [sflag:$0x2] =	stream.indirect.gather [hbm4b:s5+s13], $0x8, s11, s13, $0xb8;
	[tilespmem:$0xB400] =	vst v63  }
0x41: {  	s24 =	simm.s32 $0x780  }
0x42: {  	[tilespmem:s31], [sflag:$0x2] =	stream.indirect.gather [hbm4b:s5+s13], $0x8, s24, s13, $0xb8;
	[tilespmem:$0xB400] =	vst v63  }
0x43: {  	s10 =	simm.s32 $0x800  }
0x44: {  	[tilespmem:s0], [sflag:$0x2] =	stream.indirect.gather [hbm4b:s5+s13], $0x8, s10, s13, $0xb8;
	[tilespmem:$0xB400] =	vst v63  }
0x45: {  	s11 =	simm.s32 $0x880  }
0x46: {  	[tilespmem:s3], [sflag:$0x2] =	stream.indirect.gather [hbm4b:s5+s13], $0x8, s11, s13, $0xb8;
	[tilespmem:$0xB400] =	vst v63  }
0x47: {  	s24 =	simm.s32 $0x900  }
0x48: {  	[tilespmem:s1], [sflag:$0x2] =	stream.indirect.gather [hbm4b:s5+s13], $0x8, s24, s13, $0xb8;
	[tilespmem:$0xB400] =	vst v63  }
0x49: {  	s10 =	simm.s32 $0x980  }
0x4a: {  	[tilespmem:s12], [sflag:$0x2] =	stream.indirect.gather [hbm4b:s5+s13], $0x8, s10, s13, $0xb8;
	[tilespmem:$0xB400] =	vst v63  }
0x4b: {  	_ =	swait.ge [sflag:s4], $0x400  }
0x4c: {  	[sflag:s4] =	ssyncset.done $0x0  }
0x4d: {  	[sflag:s4] =	ssyncadd.s32 $0xFFFFFC00  }
0x4e: {  	_ =	swait.ge [sflag:s4], $0x400  }
0x4f: {  	[sflag:s4] =	ssyncset.done $0x0  }
0x50: {  	[sflag:s4] =	ssyncadd.s32 $0xFFFFFC00  }
0x51: {  	_ =	swait.ge [sflag:s4], $0x400  }
0x52: {  	[sflag:s4] =	ssyncset.done $0x0  }
0x53: {  	[sflag:s4] =	ssyncadd.s32 $0xFFFFFC00  }
0x54: {  	_ =	swait.ge [sflag:s4], $0x400  }
0x55: {  	[sflag:s4] =	ssyncset.done $0x0  }
0x56: {  	[sflag:s4] =	ssyncadd.s32 $0xFFFFFC00  }
0x57: {  	_ =	swait.ge [sflag:s4], $0x400  }
0x58: {  	[sflag:s4] =	ssyncset.done $0x0  }
0x59: {  	[sflag:s4] =	ssyncadd.s32 $0xFFFFFC00  }
0x5a: {  	_ =	swait.ge [sflag:s4], $0x400  }
0x5b: {  	[sflag:s4] =	ssyncset.done $0x0  }
0x5c: {  	[sflag:s4] =	ssyncadd.s32 $0xFFFFFC00  }
0x5d: {  	_ =	swait.ge [sflag:s4], $0x400  }
0x5e: {  	[sflag:s4] =	ssyncset.done $0x0  }
0x5f: {  	[sflag:s4] =	ssyncadd.s32 $0xFFFFFC00  }
0x60: {  	_ =	swait.ge [sflag:s4], $0x400  }
0x61: {  	[sflag:s4] =	ssyncset.done $0x0  }
0x62: {  	[sflag:s4] =	ssyncadd.s32 $0xFFFFFC00  }
0x63: {  	_ =	swait.ge [sflag:s4], $0x400  }
0x64: {  	[sflag:s4] =	ssyncset.done $0x0  }
0x65: {  	[sflag:s4] =	ssyncadd.s32 $0xFFFFFC00  }
0x66: {  	_ =	swait.ge [sflag:s4], $0x400  }
0x67: {  	[sflag:s4] =	ssyncset.done $0x0  }
0x68: {  	s11 =	simm.s32 $0x2800;
	[sflag:s4] =	ssyncadd.s32 $0xFFFFFC00  }
0x69: {  	[spmem:s2] =	stream.indirect.scatter.add.f32 [tilespmem:s14], [sflag:$0x3], $0x8, s11, s13, $0xb8;
	[tilespmem:$0xB400] =	vst v63  }
0x6a: {  	s24 =	simm.s32 $0x2880  }
0x6b: {  	[spmem:s2] =	stream.indirect.scatter.add.f32 [tilespmem:s15], [sflag:$0x3], $0x8, s24, s13, $0xb8;
	[tilespmem:$0xB400] =	vst v63  }
0x6c: {  	s10 =	simm.s32 $0x2900  }
0x6d: {  	[spmem:s2] =	stream.indirect.scatter.add.f32 [tilespmem:s16], [sflag:$0x3], $0x8, s10, s13, $0xb8;
	[tilespmem:$0xB400] =	vst v63  }
0x6e: {  	s11 =	simm.s32 $0x2980  }
0x6f: {  	[spmem:s2] =	stream.indirect.scatter.add.f32 [tilespmem:s17], [sflag:$0x3], $0x8, s11, s13, $0xb8;
	[tilespmem:$0xB400] =	vst v63  }
0x70: {  	s24 =	simm.s32 $0x2A00  }
0x71: {  	[spmem:s2] =	stream.indirect.scatter.add.f32 [tilespmem:s18], [sflag:$0x3], $0x8, s24, s13, $0xb8;
	[tilespmem:$0xB400] =	vst v63  }
0x72: {  	s10 =	simm.s32 $0x2A80  }
0x73: {  	[spmem:s2] =	stream.indirect.scatter.add.f32 [tilespmem:s19], [sflag:$0x3], $0x8, s10, s13, $0xb8;
	[tilespmem:$0xB400] =	vst v63  }
0x74: {  	s11 =	simm.s32 $0x2B00  }
0x75: {  	[spmem:s2] =	stream.indirect.scatter.add.f32 [tilespmem:s20], [sflag:$0x3], $0x8, s11, s13, $0xb8;
	[tilespmem:$0xB400] =	vst v63  }
0x76: {  	s24 =	simm.s32 $0x2B80  }
0x77: {  	[spmem:s2] =	stream.indirect.scatter.add.f32 [tilespmem:s21], [sflag:$0x3], $0x8, s24, s13, $0xb8;
	[tilespmem:$0xB400] =	vst v63  }
0x78: {  	s10 =	simm.s32 $0x2C00  }
0x79: {  	[spmem:s2] =	stream.indirect.scatter.add.f32 [tilespmem:s22], [sflag:$0x3], $0x8, s10, s13, $0xb8;
	[tilespmem:$0xB400] =	vst v63  }
0x7a: {  	s11 =	simm.s32 $0x2C80  }
0x7b: {  	[spmem:s2] =	stream.indirect.scatter.add.f32 [tilespmem:s23], [sflag:$0x3], $0x8, s11, s13, $0xb8;
	[tilespmem:$0xB400] =	vst v63  }
0x7c: {  	_ =	swait.ge [sflag:s7], $0x400  }
0x7d: {  	[sflag:s7] =	ssyncset.done $0x0  }
0x7e: {  	[sflag:s7] =	ssyncadd.s32 $0xFFFFFC00  }
0x7f: {  	_ =	swait.ge [sflag:s7], $0x400  }
0x80: {  	[sflag:s7] =	ssyncset.done $0x0  }
0x81: {  	[sflag:s7] =	ssyncadd.s32 $0xFFFFFC00  }
0x82: {  	_ =	swait.ge [sflag:s7], $0x400  }
0x83: {  	[sflag:s7] =	ssyncset.done $0x0  }
0x84: {  	[sflag:s7] =	ssyncadd.s32 $0xFFFFFC00  }
0x85: {  	_ =	swait.ge [sflag:s7], $0x400  }
0x86: {  	[sflag:s7] =	ssyncset.done $0x0  }
0x87: {  	[sflag:s7] =	ssyncadd.s32 $0xFFFFFC00  }
0x88: {  	_ =	swait.ge [sflag:s7], $0x400  }
0x89: {  	[sflag:s7] =	ssyncset.done $0x0  }
0x8a: {  	[sflag:s7] =	ssyncadd.s32 $0xFFFFFC00  }
0x8b: {  	_ =	swait.ge [sflag:s7], $0x400  }
0x8c: {  	[sflag:s7] =	ssyncset.done $0x0  }
0x8d: {  	[sflag:s7] =	ssyncadd.s32 $0xFFFFFC00  }
0x8e: {  	_ =	swait.ge [sflag:s7], $0x400  }
0x8f: {  	[sflag:s7] =	ssyncset.done $0x0  }
0x90: {  	[sflag:s7] =	ssyncadd.s32 $0xFFFFFC00  }
0x91: {  	_ =	swait.ge [sflag:s7], $0x400  }
0x92: {  	[sflag:s7] =	ssyncset.done $0x0  }
0x93: {  	[sflag:s7] =	ssyncadd.s32 $0xFFFFFC00  }
0x94: {  	_ =	swait.ge [sflag:s7], $0x400  }
0x95: {  	[sflag:s7] =	ssyncset.done $0x0  }
0x96: {  	[sflag:s7] =	ssyncadd.s32 $0xFFFFFC00  }
0x97: {  	_ =	swait.ge [sflag:s7], $0x400  }
0x98: {  	[sflag:s7] =	ssyncset.done $0x0  }
0x99: {  	s24 =	simm.s32 $0x2D00;
	[sflag:s7] =	ssyncadd.s32 $0xFFFFFC00  }
0x9a: {  	[spmem:s2] =	stream.indirect.scatter.add.f32 [tilespmem:s25], [sflag:$0x3], $0x8, s24, s13, $0xb8;
	[tilespmem:$0xB400] =	vst v63  }
0x9b: {  	s10 =	simm.s32 $0x2D80  }
0x9c: {  	[spmem:s2] =	stream.indirect.scatter.add.f32 [tilespmem:s26], [sflag:$0x3], $0x8, s10, s13, $0xb8;
	[tilespmem:$0xB400] =	vst v63  }
0x9d: {  	s11 =	simm.s32 $0x2E00  }
0x9e: {  	[spmem:s2] =	stream.indirect.scatter.add.f32 [tilespmem:s28], [sflag:$0x3], $0x8, s11, s13, $0xb8;
	[tilespmem:$0xB400] =	vst v63  }
0x9f: {  	s24 =	simm.s32 $0x2E80  }
0xa0: {  	[spmem:s2] =	stream.indirect.scatter.add.f32 [tilespmem:s29], [sflag:$0x3], $0x8, s24, s13, $0xb8;
	[tilespmem:$0xB400] =	vst v63  }
0xa1: {  	s10 =	simm.s32 $0x2F00  }
0xa2: {  	[spmem:s2] =	stream.indirect.scatter.add.f32 [tilespmem:s30], [sflag:$0x3], $0x8, s10, s13, $0xb8;
	[tilespmem:$0xB400] =	vst v63  }
0xa3: {  	s11 =	simm.s32 $0x2F80  }
0xa4: {  	[spmem:s2] =	stream.indirect.scatter.add.f32 [tilespmem:s31], [sflag:$0x3], $0x8, s11, s13, $0xb8;
	[tilespmem:$0xB400] =	vst v63  }
0xa5: {  	s24 =	simm.s32 $0x3000  }
0xa6: {  	[spmem:s2] =	stream.indirect.scatter.add.f32 [tilespmem:s0], [sflag:$0x3], $0x8, s24, s13, $0xb8;
	[tilespmem:$0xB400] =	vst v63  }
0xa7: {  	s10 =	simm.s32 $0x3080  }
0xa8: {  	[spmem:s2] =	stream.indirect.scatter.add.f32 [tilespmem:s3], [sflag:$0x3], $0x8, s10, s13, $0xb8;
	[tilespmem:$0xB400] =	vst v63  }
0xa9: {  	s11 =	simm.s32 $0x3100  }
0xaa: {  	[spmem:s2] =	stream.indirect.scatter.add.f32 [tilespmem:s1], [sflag:$0x3], $0x8, s11, s13, $0xb8;
	[tilespmem:$0xB400] =	vst v63  }
0xab: {  	s24 =	simm.s32 $0x3180  }
0xac: {  	[spmem:s2] =	stream.indirect.scatter.add.f32 [tilespmem:s12], [sflag:$0x3], $0x8, s24, s13, $0xb8;
	[tilespmem:$0xB400] =	vst v63  }
0xad: {  	_ =	swait.ge [sflag:s8], $0x400  }
0xae: {  	[sflag:s8] =	ssyncset.done $0x0  }
0xaf: {  	[sflag:s8] =	ssyncadd.s32 $0xFFFFFC00  }
0xb0: {  	_ =	swait.ge [sflag:s8], $0x400  }
0xb1: {  	[sflag:s8] =	ssyncset.done $0x0  }
0xb2: {  	[sflag:s8] =	ssyncadd.s32 $0xFFFFFC00  }
0xb3: {  	_ =	swait.ge [sflag:s8], $0x400  }
0xb4: {  	[sflag:s8] =	ssyncset.done $0x0  }
0xb5: {  	[sflag:s8] =	ssyncadd.s32 $0xFFFFFC00  }
0xb6: {  	_ =	swait.ge [sflag:s8], $0x400  }
0xb7: {  	[sflag:s8] =	ssyncset.done $0x0  }
0xb8: {  	[sflag:s8] =	ssyncadd.s32 $0xFFFFFC00  }
0xb9: {  	_ =	swait.ge [sflag:s8], $0x400  }
0xba: {  	[sflag:s8] =	ssyncset.done $0x0  }
0xbb: {  	[sflag:s8] =	ssyncadd.s32 $0xFFFFFC00  }
0xbc: {  	_ =	swait.ge [sflag:s8], $0x400  }
0xbd: {  	[sflag:s8] =	ssyncset.done $0x0  }
0xbe: {  	[sflag:s8] =	ssyncadd.s32 $0xFFFFFC00  }
0xbf: {  	_ =	swait.ge [sflag:s8], $0x400  }
0xc0: {  	[sflag:s8] =	ssyncset.done $0x0  }
0xc1: {  	[sflag:s8] =	ssyncadd.s32 $0xFFFFFC00  }
0xc2: {  	_ =	swait.ge [sflag:s8], $0x400  }
0xc3: {  	[sflag:s8] =	ssyncset.done $0x0  }
0xc4: {  	[sflag:s8] =	ssyncadd.s32 $0xFFFFFC00  }
0xc5: {  	_ =	swait.ge [sflag:s8], $0x400  }
0xc6: {  	[sflag:s8] =	ssyncset.done $0x0  }
0xc7: {  	[sflag:s8] =	ssyncadd.s32 $0xFFFFFC00  }
0xc8: {  	_ =	swait.ge [sflag:s8], $0x400  }
0xc9: {  	[sflag:s8] =	ssyncset.done $0x0  }
0xca: {  	[sflag:s8] =	ssyncadd.s32 $0xFFFFFC00  }
0xcb: {  	_ =	swait.ge [sflag:s8], $0x400  }
0xcc: {  	[sflag:s8] =	ssyncset.done $0x0  }
0xcd: {  	[sflag:s8] =	ssyncadd.s32 $0xFFFFFC00  }
0xce: {  	_ =	swait.ge [sflag:s8], $0x400  }
0xcf: {  	[sflag:s8] =	ssyncset.done $0x0  }
0xd0: {  	[sflag:s8] =	ssyncadd.s32 $0xFFFFFC00  }
0xd1: {  	_ =	swait.ge [sflag:s8], $0x400  }
0xd2: {  	[sflag:s8] =	ssyncset.done $0x0  }
0xd3: {  	[sflag:s8] =	ssyncadd.s32 $0xFFFFFC00  }
0xd4: {  	_ =	swait.ge [sflag:s8], $0x400  }
0xd5: {  	[sflag:s8] =	ssyncset.done $0x0  }
0xd6: {  	[sflag:s8] =	ssyncadd.s32 $0xFFFFFC00  }
0xd7: {  	_ =	swait.ge [sflag:s8], $0x400  }
0xd8: {  	[sflag:s8] =	ssyncset.done $0x0  }
0xd9: {  	[sflag:s8] =	ssyncadd.s32 $0xFFFFFC00  }
0xda: {  	_ =	swait.ge [sflag:s8], $0x400  }
0xdb: {  	[sflag:s8] =	ssyncset.done $0x0  }
0xdc: {  	[sflag:s8] =	ssyncadd.s32 $0xFFFFFC00  }
0xdd: {  	_ =	swait.ge [sflag:s8], $0x400  }
0xde: {  	[sflag:s8] =	ssyncset.done $0x0  }
0xdf: {  	[sflag:s8] =	ssyncadd.s32 $0xFFFFFC00  }
0xe0: {  	_ =	swait.ge [sflag:s8], $0x400  }
0xe1: {  	[sflag:s8] =	ssyncset.done $0x0  }
0xe2: {  	[sflag:s8] =	ssyncadd.s32 $0xFFFFFC00  }
0xe3: {  	_ =	swait.ge [sflag:s8], $0x400  }
0xe4: {  	[sflag:s8] =	ssyncset.done $0x0  }
0xe5: {  	[sflag:s8] =	ssyncadd.s32 $0xFFFFFC00  }
0xe6: {  	_ =	swait.ge [sflag:s8], $0x400  }
0xe7: {  	s6 =	simm.s32 $0x5000;
	s24 =	simm.s32 $0x2800;
	[sflag:s8] =	ssyncset.done $0x0  }
.LBB2_2:
0xe8: {  	s10 =	sshra.s32 s24, $0x2  }
0xe9: {  	[sflag:s8] =	ssyncadd.s32 $0xFFFFFC00;
	s24 =	smov.u32 s6;
	s11 =	sadd.s32 $0x2800, s6  }
0xea: {  	[tilespmem:s14], [sflag:$0x1] =	stream.indirect.gather [hbm4b:s5+s13], $0x8, s10, s13, $0xb8;
	[tilespmem:$0xB400] =	vst v63  }
0xeb: {  	p0 =	sne.s32 s6, $0x7800;
	s6 =	sadd.s32 $0x80, s10  }
0xec: {  	[tilespmem:s15], [sflag:$0x1] =	stream.indirect.gather [hbm4b:s5+s13], $0x8, s6, s13, $0xb8;
	[tilespmem:$0xB400] =	vst v63  }
0xed: {  	s6 =	sadd.s32 $0x100, s10  }
0xee: {  	[tilespmem:s16], [sflag:$0x1] =	stream.indirect.gather [hbm4b:s5+s13], $0x8, s6, s13, $0xb8;
	[tilespmem:$0xB400] =	vst v63  }
0xef: {  	s6 =	sadd.s32 $0x180, s10  }
0xf0: {  	[tilespmem:s17], [sflag:$0x1] =	stream.indirect.gather [hbm4b:s5+s13], $0x8, s6, s13, $0xb8;
	[tilespmem:$0xB400] =	vst v63  }
0xf1: {  	s6 =	sadd.s32 $0x200, s10  }
0xf2: {  	[tilespmem:s18], [sflag:$0x1] =	stream.indirect.gather [hbm4b:s5+s13], $0x8, s6, s13, $0xb8;
	[tilespmem:$0xB400] =	vst v63  }
0xf3: {  	s6 =	sadd.s32 $0x280, s10  }
0xf4: {  	[tilespmem:s19], [sflag:$0x1] =	stream.indirect.gather [hbm4b:s5+s13], $0x8, s6, s13, $0xb8;
	[tilespmem:$0xB400] =	vst v63  }
0xf5: {  	s6 =	sadd.s32 $0x300, s10  }
0xf6: {  	[tilespmem:s20], [sflag:$0x1] =	stream.indirect.gather [hbm4b:s5+s13], $0x8, s6, s13, $0xb8;
	[tilespmem:$0xB400] =	vst v63  }
0xf7: {  	s6 =	sadd.s32 $0x380, s10  }
0xf8: {  	[tilespmem:s21], [sflag:$0x1] =	stream.indirect.gather [hbm4b:s5+s13], $0x8, s6, s13, $0xb8;
	[tilespmem:$0xB400] =	vst v63  }
0xf9: {  	s6 =	sadd.s32 $0x400, s10  }
0xfa: {  	[tilespmem:s22], [sflag:$0x1] =	stream.indirect.gather [hbm4b:s5+s13], $0x8, s6, s13, $0xb8;
	[tilespmem:$0xB400] =	vst v63  }
0xfb: {  	s6 =	sadd.s32 $0x480, s10  }
0xfc: {  	[tilespmem:s23], [sflag:$0x1] =	stream.indirect.gather [hbm4b:s5+s13], $0x8, s6, s13, $0xb8;
	[tilespmem:$0xB400] =	vst v63  }
0xfd: {  	s6 =	sadd.s32 $0x500, s10  }
0xfe: {  	[tilespmem:s25], [sflag:$0x2] =	stream.indirect.gather [hbm4b:s5+s13], $0x8, s6, s13, $0xb8;
	[tilespmem:$0xB400] =	vst v63  }
0xff: {  	s6 =	sadd.s32 $0x580, s10  }
0x100: {  	[tilespmem:s26], [sflag:$0x2] =	stream.indirect.gather [hbm4b:s5+s13], $0x8, s6, s13, $0xb8;
	[tilespmem:$0xB400] =	vst v63  }
0x101: {  	s6 =	sadd.s32 $0x600, s10  }
0x102: {  	[tilespmem:s28], [sflag:$0x2] =	stream.indirect.gather [hbm4b:s5+s13], $0x8, s6, s13, $0xb8;
	[tilespmem:$0xB400] =	vst v63  }
0x103: {  	s6 =	sadd.s32 $0x680, s10  }
0x104: {  	[tilespmem:s29], [sflag:$0x2] =	stream.indirect.gather [hbm4b:s5+s13], $0x8, s6, s13, $0xb8;
	[tilespmem:$0xB400] =	vst v63  }
0x105: {  	s6 =	sadd.s32 $0x700, s10  }
0x106: {  	[tilespmem:s30], [sflag:$0x2] =	stream.indirect.gather [hbm4b:s5+s13], $0x8, s6, s13, $0xb8;
	[tilespmem:$0xB400] =	vst v63  }
0x107: {  	s6 =	sadd.s32 $0x780, s10  }
0x108: {  	[tilespmem:s31], [sflag:$0x2] =	stream.indirect.gather [hbm4b:s5+s13], $0x8, s6, s13, $0xb8;
	[tilespmem:$0xB400] =	vst v63  }
0x109: {  	s6 =	sadd.s32 $0x800, s10  }
0x10a: {  	[tilespmem:s0], [sflag:$0x2] =	stream.indirect.gather [hbm4b:s5+s13], $0x8, s6, s13, $0xb8;
	[tilespmem:$0xB400] =	vst v63  }
0x10b: {  	s6 =	sadd.s32 $0x880, s10  }
0x10c: {  	[tilespmem:s3], [sflag:$0x2] =	stream.indirect.gather [hbm4b:s5+s13], $0x8, s6, s13, $0xb8;
	[tilespmem:$0xB400] =	vst v63  }
0x10d: {  	s6 =	sadd.s32 $0x900, s10  }
0x10e: {  	[tilespmem:s1], [sflag:$0x2] =	stream.indirect.gather [hbm4b:s5+s13], $0x8, s6, s13, $0xb8;
	[tilespmem:$0xB400] =	vst v63  }
0x10f: {  	s6 =	sadd.s32 $0x980, s10  }
0x110: {  	[tilespmem:s12], [sflag:$0x2] =	stream.indirect.gather [hbm4b:s5+s13], $0x8, s6, s13, $0xb8;
	[tilespmem:$0xB400] =	vst v63  }
0x111: {  	_ =	swait.ge [sflag:s4], $0x400  }
0x112: {  	[sflag:s4] =	ssyncset.done $0x0  }
0x113: {  	[sflag:s4] =	ssyncadd.s32 $0xFFFFFC00  }
0x114: {  	_ =	swait.ge [sflag:s4], $0x400  }
0x115: {  	[sflag:s4] =	ssyncset.done $0x0  }
0x116: {  	[sflag:s4] =	ssyncadd.s32 $0xFFFFFC00  }
0x117: {  	_ =	swait.ge [sflag:s4], $0x400  }
0x118: {  	[sflag:s4] =	ssyncset.done $0x0  }
0x119: {  	[sflag:s4] =	ssyncadd.s32 $0xFFFFFC00  }
0x11a: {  	_ =	swait.ge [sflag:s4], $0x400  }
0x11b: {  	[sflag:s4] =	ssyncset.done $0x0  }
0x11c: {  	[sflag:s4] =	ssyncadd.s32 $0xFFFFFC00  }
0x11d: {  	_ =	swait.ge [sflag:s4], $0x400  }
0x11e: {  	[sflag:s4] =	ssyncset.done $0x0  }
0x11f: {  	[sflag:s4] =	ssyncadd.s32 $0xFFFFFC00  }
0x120: {  	_ =	swait.ge [sflag:s4], $0x400  }
0x121: {  	[sflag:s4] =	ssyncset.done $0x0  }
0x122: {  	[sflag:s4] =	ssyncadd.s32 $0xFFFFFC00  }
0x123: {  	_ =	swait.ge [sflag:s4], $0x400  }
0x124: {  	[sflag:s4] =	ssyncset.done $0x0  }
0x125: {  	[sflag:s4] =	ssyncadd.s32 $0xFFFFFC00  }
0x126: {  	_ =	swait.ge [sflag:s4], $0x400  }
0x127: {  	[sflag:s4] =	ssyncset.done $0x0  }
0x128: {  	[sflag:s4] =	ssyncadd.s32 $0xFFFFFC00  }
0x129: {  	_ =	swait.ge [sflag:s4], $0x400  }
0x12a: {  	[sflag:s4] =	ssyncset.done $0x0  }
0x12b: {  	[sflag:s4] =	ssyncadd.s32 $0xFFFFFC00  }
0x12c: {  	_ =	swait.ge [sflag:s4], $0x400  }
0x12d: {  	[sflag:s4] =	ssyncset.done $0x0  }
0x12e: {  	s6 =	sadd.s32 $0x2800, s10;
	[sflag:s4] =	ssyncadd.s32 $0xFFFFFC00  }
0x12f: {  	[spmem:s2] =	stream.indirect.scatter.add.f32 [tilespmem:s14], [sflag:$0x3], $0x8, s6, s13, $0xb8;
	[tilespmem:$0xB400] =	vst v63  }
0x130: {  	s6 =	sadd.s32 $0x2880, s10  }
0x131: {  	[spmem:s2] =	stream.indirect.scatter.add.f32 [tilespmem:s15], [sflag:$0x3], $0x8, s6, s13, $0xb8;
	[tilespmem:$0xB400] =	vst v63  }
0x132: {  	s6 =	sadd.s32 $0x2900, s10  }
0x133: {  	[spmem:s2] =	stream.indirect.scatter.add.f32 [tilespmem:s16], [sflag:$0x3], $0x8, s6, s13, $0xb8;
	[tilespmem:$0xB400] =	vst v63  }
0x134: {  	s6 =	sadd.s32 $0x2980, s10  }
0x135: {  	[spmem:s2] =	stream.indirect.scatter.add.f32 [tilespmem:s17], [sflag:$0x3], $0x8, s6, s13, $0xb8;
	[tilespmem:$0xB400] =	vst v63  }
0x136: {  	s6 =	sadd.s32 $0x2A00, s10  }
0x137: {  	[spmem:s2] =	stream.indirect.scatter.add.f32 [tilespmem:s18], [sflag:$0x3], $0x8, s6, s13, $0xb8;
	[tilespmem:$0xB400] =	vst v63  }
0x138: {  	s6 =	sadd.s32 $0x2A80, s10  }
0x139: {  	[spmem:s2] =	stream.indirect.scatter.add.f32 [tilespmem:s19], [sflag:$0x3], $0x8, s6, s13, $0xb8;
	[tilespmem:$0xB400] =	vst v63  }
0x13a: {  	s6 =	sadd.s32 $0x2B00, s10  }
0x13b: {  	[spmem:s2] =	stream.indirect.scatter.add.f32 [tilespmem:s20], [sflag:$0x3], $0x8, s6, s13, $0xb8;
	[tilespmem:$0xB400] =	vst v63  }
0x13c: {  	s6 =	sadd.s32 $0x2B80, s10  }
0x13d: {  	[spmem:s2] =	stream.indirect.scatter.add.f32 [tilespmem:s21], [sflag:$0x3], $0x8, s6, s13, $0xb8;
	[tilespmem:$0xB400] =	vst v63  }
0x13e: {  	s6 =	sadd.s32 $0x2C00, s10  }
0x13f: {  	[spmem:s2] =	stream.indirect.scatter.add.f32 [tilespmem:s22], [sflag:$0x3], $0x8, s6, s13, $0xb8;
	[tilespmem:$0xB400] =	vst v63  }
0x140: {  	s6 =	sadd.s32 $0x2C80, s10  }
0x141: {  	[spmem:s2] =	stream.indirect.scatter.add.f32 [tilespmem:s23], [sflag:$0x3], $0x8, s6, s13, $0xb8;
	[tilespmem:$0xB400] =	vst v63  }
0x142: {  	_ =	swait.ge [sflag:s7], $0x400  }
0x143: {  	[sflag:s7] =	ssyncset.done $0x0  }
0x144: {  	[sflag:s7] =	ssyncadd.s32 $0xFFFFFC00  }
0x145: {  	_ =	swait.ge [sflag:s7], $0x400  }
0x146: {  	[sflag:s7] =	ssyncset.done $0x0  }
0x147: {  	[sflag:s7] =	ssyncadd.s32 $0xFFFFFC00  }
0x148: {  	_ =	swait.ge [sflag:s7], $0x400  }
0x149: {  	[sflag:s7] =	ssyncset.done $0x0  }
0x14a: {  	[sflag:s7] =	ssyncadd.s32 $0xFFFFFC00  }
0x14b: {  	_ =	swait.ge [sflag:s7], $0x400  }
0x14c: {  	[sflag:s7] =	ssyncset.done $0x0  }
0x14d: {  	[sflag:s7] =	ssyncadd.s32 $0xFFFFFC00  }
0x14e: {  	_ =	swait.ge [sflag:s7], $0x400  }
0x14f: {  	[sflag:s7] =	ssyncset.done $0x0  }
0x150: {  	[sflag:s7] =	ssyncadd.s32 $0xFFFFFC00  }
0x151: {  	_ =	swait.ge [sflag:s7], $0x400  }
0x152: {  	[sflag:s7] =	ssyncset.done $0x0  }
0x153: {  	[sflag:s7] =	ssyncadd.s32 $0xFFFFFC00  }
0x154: {  	_ =	swait.ge [sflag:s7], $0x400  }
0x155: {  	[sflag:s7] =	ssyncset.done $0x0  }
0x156: {  	[sflag:s7] =	ssyncadd.s32 $0xFFFFFC00  }
0x157: {  	_ =	swait.ge [sflag:s7], $0x400  }
0x158: {  	[sflag:s7] =	ssyncset.done $0x0  }
0x159: {  	[sflag:s7] =	ssyncadd.s32 $0xFFFFFC00  }
0x15a: {  	_ =	swait.ge [sflag:s7], $0x400  }
0x15b: {  	[sflag:s7] =	ssyncset.done $0x0  }
0x15c: {  	[sflag:s7] =	ssyncadd.s32 $0xFFFFFC00  }
0x15d: {  	_ =	swait.ge [sflag:s7], $0x400  }
0x15e: {  	[sflag:s7] =	ssyncset.done $0x0  }
0x15f: {  	s6 =	sadd.s32 $0x2D00, s10;
	[sflag:s7] =	ssyncadd.s32 $0xFFFFFC00  }
0x160: {  	[spmem:s2] =	stream.indirect.scatter.add.f32 [tilespmem:s25], [sflag:$0x3], $0x8, s6, s13, $0xb8;
	[tilespmem:$0xB400] =	vst v63  }
0x161: {  	s6 =	sadd.s32 $0x2D80, s10  }
0x162: {  	[spmem:s2] =	stream.indirect.scatter.add.f32 [tilespmem:s26], [sflag:$0x3], $0x8, s6, s13, $0xb8;
	[tilespmem:$0xB400] =	vst v63  }
0x163: {  	s6 =	sadd.s32 $0x2E00, s10  }
0x164: {  	[spmem:s2] =	stream.indirect.scatter.add.f32 [tilespmem:s28], [sflag:$0x3], $0x8, s6, s13, $0xb8;
	[tilespmem:$0xB400] =	vst v63  }
0x165: {  	s6 =	sadd.s32 $0x2E80, s10  }
0x166: {  	[spmem:s2] =	stream.indirect.scatter.add.f32 [tilespmem:s29], [sflag:$0x3], $0x8, s6, s13, $0xb8;
	[tilespmem:$0xB400] =	vst v63  }
0x167: {  	s6 =	sadd.s32 $0x2F00, s10  }
0x168: {  	[spmem:s2] =	stream.indirect.scatter.add.f32 [tilespmem:s30], [sflag:$0x3], $0x8, s6, s13, $0xb8;
	[tilespmem:$0xB400] =	vst v63  }
0x169: {  	s6 =	sadd.s32 $0x2F80, s10  }
0x16a: {  	[spmem:s2] =	stream.indirect.scatter.add.f32 [tilespmem:s31], [sflag:$0x3], $0x8, s6, s13, $0xb8;
	[tilespmem:$0xB400] =	vst v63  }
0x16b: {  	s6 =	sadd.s32 $0x3000, s10  }
0x16c: {  	[spmem:s2] =	stream.indirect.scatter.add.f32 [tilespmem:s0], [sflag:$0x3], $0x8, s6, s13, $0xb8;
	[tilespmem:$0xB400] =	vst v63  }
0x16d: {  	s6 =	sadd.s32 $0x3080, s10  }
0x16e: {  	[spmem:s2] =	stream.indirect.scatter.add.f32 [tilespmem:s3], [sflag:$0x3], $0x8, s6, s13, $0xb8;
	[tilespmem:$0xB400] =	vst v63  }
0x16f: {  	s6 =	sadd.s32 $0x3100, s10  }
0x170: {  	[spmem:s2] =	stream.indirect.scatter.add.f32 [tilespmem:s1], [sflag:$0x3], $0x8, s6, s13, $0xb8;
	[tilespmem:$0xB400] =	vst v63  }
0x171: {  	s6 =	sadd.s32 $0x3180, s10  }
0x172: {  	[spmem:s2] =	stream.indirect.scatter.add.f32 [tilespmem:s12], [sflag:$0x3], $0x8, s6, s13, $0xb8;
	[tilespmem:$0xB400] =	vst v63  }
0x173: {  	_ =	swait.ge [sflag:s8], $0x400  }
0x174: {  	[sflag:s8] =	ssyncset.done $0x0  }
0x175: {  	[sflag:s8] =	ssyncadd.s32 $0xFFFFFC00  }
0x176: {  	_ =	swait.ge [sflag:s8], $0x400  }
0x177: {  	[sflag:s8] =	ssyncset.done $0x0  }
0x178: {  	[sflag:s8] =	ssyncadd.s32 $0xFFFFFC00  }
0x179: {  	_ =	swait.ge [sflag:s8], $0x400  }
0x17a: {  	[sflag:s8] =	ssyncset.done $0x0  }
0x17b: {  	[sflag:s8] =	ssyncadd.s32 $0xFFFFFC00  }
0x17c: {  	_ =	swait.ge [sflag:s8], $0x400  }
0x17d: {  	[sflag:s8] =	ssyncset.done $0x0  }
0x17e: {  	[sflag:s8] =	ssyncadd.s32 $0xFFFFFC00  }
0x17f: {  	_ =	swait.ge [sflag:s8], $0x400  }
0x180: {  	[sflag:s8] =	ssyncset.done $0x0  }
0x181: {  	[sflag:s8] =	ssyncadd.s32 $0xFFFFFC00  }
0x182: {  	_ =	swait.ge [sflag:s8], $0x400  }
0x183: {  	[sflag:s8] =	ssyncset.done $0x0  }
0x184: {  	[sflag:s8] =	ssyncadd.s32 $0xFFFFFC00  }
0x185: {  	_ =	swait.ge [sflag:s8], $0x400  }
0x186: {  	[sflag:s8] =	ssyncset.done $0x0  }
0x187: {  	[sflag:s8] =	ssyncadd.s32 $0xFFFFFC00  }
0x188: {  	_ =	swait.ge [sflag:s8], $0x400  }
0x189: {  	[sflag:s8] =	ssyncset.done $0x0  }
0x18a: {  	[sflag:s8] =	ssyncadd.s32 $0xFFFFFC00  }
0x18b: {  	_ =	swait.ge [sflag:s8], $0x400  }
0x18c: {  	[sflag:s8] =	ssyncset.done $0x0  }
0x18d: {  	[sflag:s8] =	ssyncadd.s32 $0xFFFFFC00  }
0x18e: {  	_ =	swait.ge [sflag:s8], $0x400  }
0x18f: {  	[sflag:s8] =	ssyncset.done $0x0  }
0x190: {  	[sflag:s8] =	ssyncadd.s32 $0xFFFFFC00  }
0x191: {  	_ =	swait.ge [sflag:s8], $0x400  }
0x192: {  	[sflag:s8] =	ssyncset.done $0x0  }
0x193: {  	[sflag:s8] =	ssyncadd.s32 $0xFFFFFC00  }
0x194: {  	_ =	swait.ge [sflag:s8], $0x400  }
0x195: {  	[sflag:s8] =	ssyncset.done $0x0  }
0x196: {  	[sflag:s8] =	ssyncadd.s32 $0xFFFFFC00  }
0x197: {  	_ =	swait.ge [sflag:s8], $0x400  }
0x198: {  	[sflag:s8] =	ssyncset.done $0x0  }
0x199: {  	[sflag:s8] =	ssyncadd.s32 $0xFFFFFC00  }
0x19a: {  	_ =	swait.ge [sflag:s8], $0x400  }
0x19b: {  	[sflag:s8] =	ssyncset.done $0x0  }
0x19c: {  	[sflag:s8] =	ssyncadd.s32 $0xFFFFFC00  }
0x19d: {  	_ =	swait.ge [sflag:s8], $0x400  }
0x19e: {  	[sflag:s8] =	ssyncset.done $0x0  }
0x19f: {  	[sflag:s8] =	ssyncadd.s32 $0xFFFFFC00  }
0x1a0: {  	_ =	swait.ge [sflag:s8], $0x400  }
0x1a1: {  	[sflag:s8] =	ssyncset.done $0x0  }
0x1a2: {  	[sflag:s8] =	ssyncadd.s32 $0xFFFFFC00  }
0x1a3: {  	_ =	swait.ge [sflag:s8], $0x400  }
0x1a4: {  	[sflag:s8] =	ssyncset.done $0x0  }
0x1a5: {  	[sflag:s8] =	ssyncadd.s32 $0xFFFFFC00  }
0x1a6: {  	_ =	swait.ge [sflag:s8], $0x400  }
0x1a7: {  	[sflag:s8] =	ssyncset.done $0x0  }
0x1a8: {  	[sflag:s8] =	ssyncadd.s32 $0xFFFFFC00  }
.Ltmp0:
0x1a9: {  	_ =	swait.ge [sflag:s8], $0x400;
	(pc) =	sbr.rel @p0 .LBB2_2-.Ltmp0, $4  }
0x1aa: {  	[sflag:s8] =	ssyncset.done $0x0  }
0x1ab: {  	[sflag:s8] =	ssyncadd.s32 $0xFFFFFC00  }
0x1ac: {  	_ =	swait.ge [sflag:s8], $0x400  }
0x1ad: {  	s6 =	smov.u32 s11;
	[sflag:s8] =	ssyncset.done $0x0  }
0x1ae: {  	s6 =	sshra.s32 s24, $0x2;
	[sflag:s8] =	ssyncadd.s32 $0xFFFFFC00  }
0x1af: {  	[tilespmem:s14], [sflag:$0x1] =	stream.indirect.gather [hbm4b:s5+s13], $0x8, s6, s13, $0xb8;
	[tilespmem:$0xB400] =	vst v63  }
0x1b0: {  	s10 =	sadd.s32 $0x80, s6  }
0x1b1: {  	[tilespmem:s15], [sflag:$0x1] =	stream.indirect.gather [hbm4b:s5+s13], $0x8, s10, s13, $0xb8;
	[tilespmem:$0xB400] =	vst v63  }
0x1b2: {  	s11 =	sadd.s32 $0x100, s6  }
0x1b3: {  	[tilespmem:s16], [sflag:$0x1] =	stream.indirect.gather [hbm4b:s5+s13], $0x8, s11, s13, $0xb8;
	[tilespmem:$0xB400] =	vst v63  }
0x1b4: {  	s24 =	sadd.s32 $0x180, s6  }
0x1b5: {  	[tilespmem:s17], [sflag:$0x1] =	stream.indirect.gather [hbm4b:s5+s13], $0x8, s24, s13, $0xb8;
	[tilespmem:$0xB400] =	vst v63  }
0x1b6: {  	s11 =	sadd.s32 $0x200, s6  }
0x1b7: {  	[tilespmem:s18], [sflag:$0x1] =	stream.indirect.gather [hbm4b:s5+s13], $0x8, s11, s13, $0xb8;
	[tilespmem:$0xB400] =	vst v63  }
0x1b8: {  	s24 =	sadd.s32 $0x280, s6  }
0x1b9: {  	[tilespmem:s19], [sflag:$0x1] =	stream.indirect.gather [hbm4b:s5+s13], $0x8, s24, s13, $0xb8;
	[tilespmem:$0xB400] =	vst v63  }
0x1ba: {  	s11 =	sadd.s32 $0x300, s6  }
0x1bb: {  	[tilespmem:s20], [sflag:$0x1] =	stream.indirect.gather [hbm4b:s5+s13], $0x8, s11, s13, $0xb8;
	[tilespmem:$0xB400] =	vst v63  }
0x1bc: {  	s24 =	sadd.s32 $0x380, s6  }
0x1bd: {  	[tilespmem:s21], [sflag:$0x1] =	stream.indirect.gather [hbm4b:s5+s13], $0x8, s24, s13, $0xb8;
	[tilespmem:$0xB400] =	vst v63  }
0x1be: {  	s11 =	sadd.s32 $0x400, s6  }
0x1bf: {  	[tilespmem:s22], [sflag:$0x1] =	stream.indirect.gather [hbm4b:s5+s13], $0x8, s11, s13, $0xb8;
	[tilespmem:$0xB400] =	vst v63  }
0x1c0: {  	s24 =	sadd.s32 $0x480, s6  }
0x1c1: {  	[tilespmem:s23], [sflag:$0x1] =	stream.indirect.gather [hbm4b:s5+s13], $0x8, s24, s13, $0xb8;
	[tilespmem:$0xB400] =	vst v63  }
0x1c2: {  	s11 =	sadd.s32 $0x500, s6  }
0x1c3: {  	[tilespmem:s25], [sflag:$0x2] =	stream.indirect.gather [hbm4b:s5+s13], $0x8, s11, s13, $0xb8;
	[tilespmem:$0xB400] =	vst v63  }
0x1c4: {  	s24 =	sadd.s32 $0x580, s6  }
0x1c5: {  	[tilespmem:s26], [sflag:$0x2] =	stream.indirect.gather [hbm4b:s5+s13], $0x8, s24, s13, $0xb8;
	[tilespmem:$0xB400] =	vst v63  }
0x1c6: {  	s11 =	sadd.s32 $0x600, s6  }
0x1c7: {  	[tilespmem:s28], [sflag:$0x2] =	stream.indirect.gather [hbm4b:s5+s13], $0x8, s11, s13, $0xb8;
	[tilespmem:$0xB400] =	vst v63  }
0x1c8: {  	s24 =	sadd.s32 $0x680, s6  }
0x1c9: {  	[tilespmem:s29], [sflag:$0x2] =	stream.indirect.gather [hbm4b:s5+s13], $0x8, s24, s13, $0xb8;
	[tilespmem:$0xB400] =	vst v63  }
0x1ca: {  	s11 =	sadd.s32 $0x700, s6  }
0x1cb: {  	[tilespmem:s30], [sflag:$0x2] =	stream.indirect.gather [hbm4b:s5+s13], $0x8, s11, s13, $0xb8;
	[tilespmem:$0xB400] =	vst v63  }
0x1cc: {  	s24 =	sadd.s32 $0x780, s6  }
0x1cd: {  	[tilespmem:s31], [sflag:$0x2] =	stream.indirect.gather [hbm4b:s5+s13], $0x8, s24, s13, $0xb8;
	[tilespmem:$0xB400] =	vst v63  }
0x1ce: {  	s11 =	sadd.s32 $0x800, s6  }
0x1cf: {  	[tilespmem:s0], [sflag:$0x2] =	stream.indirect.gather [hbm4b:s5+s13], $0x8, s11, s13, $0xb8;
	[tilespmem:$0xB400] =	vst v63  }
0x1d0: {  	s24 =	sadd.s32 $0x880, s6  }
0x1d1: {  	[tilespmem:s3], [sflag:$0x2] =	stream.indirect.gather [hbm4b:s5+s13], $0x8, s24, s13, $0xb8;
	[tilespmem:$0xB400] =	vst v63  }
0x1d2: {  	s11 =	sadd.s32 $0x900, s6  }
0x1d3: {  	[tilespmem:s1], [sflag:$0x2] =	stream.indirect.gather [hbm4b:s5+s13], $0x8, s11, s13, $0xb8;
	[tilespmem:$0xB400] =	vst v63  }
0x1d4: {  	s24 =	sadd.s32 $0x980, s6  }
0x1d5: {  	[tilespmem:s12], [sflag:$0x2] =	stream.indirect.gather [hbm4b:s5+s13], $0x8, s24, s13, $0xb8;
	[tilespmem:$0xB400] =	vst v63  }
0x1d6: {  	_ =	swait.ge [sflag:s4], $0x400  }
0x1d7: {  	[sflag:s4] =	ssyncset.done $0x0  }
0x1d8: {  	[sflag:s4] =	ssyncadd.s32 $0xFFFFFC00  }
0x1d9: {  	_ =	swait.ge [sflag:s4], $0x400  }
0x1da: {  	[sflag:s4] =	ssyncset.done $0x0  }
0x1db: {  	[sflag:s4] =	ssyncadd.s32 $0xFFFFFC00  }
0x1dc: {  	_ =	swait.ge [sflag:s4], $0x400  }
0x1dd: {  	[sflag:s4] =	ssyncset.done $0x0  }
0x1de: {  	[sflag:s4] =	ssyncadd.s32 $0xFFFFFC00  }
0x1df: {  	_ =	swait.ge [sflag:s4], $0x400  }
0x1e0: {  	[sflag:s4] =	ssyncset.done $0x0  }
0x1e1: {  	[sflag:s4] =	ssyncadd.s32 $0xFFFFFC00  }
0x1e2: {  	_ =	swait.ge [sflag:s4], $0x400  }
0x1e3: {  	[sflag:s4] =	ssyncset.done $0x0  }
0x1e4: {  	[sflag:s4] =	ssyncadd.s32 $0xFFFFFC00  }
0x1e5: {  	_ =	swait.ge [sflag:s4], $0x400  }
0x1e6: {  	[sflag:s4] =	ssyncset.done $0x0  }
0x1e7: {  	[sflag:s4] =	ssyncadd.s32 $0xFFFFFC00  }
0x1e8: {  	_ =	swait.ge [sflag:s4], $0x400  }
0x1e9: {  	[sflag:s4] =	ssyncset.done $0x0  }
0x1ea: {  	[sflag:s4] =	ssyncadd.s32 $0xFFFFFC00  }
0x1eb: {  	_ =	swait.ge [sflag:s4], $0x400  }
0x1ec: {  	[sflag:s4] =	ssyncset.done $0x0  }
0x1ed: {  	[sflag:s4] =	ssyncadd.s32 $0xFFFFFC00  }
0x1ee: {  	_ =	swait.ge [sflag:s4], $0x400  }
0x1ef: {  	[sflag:s4] =	ssyncset.done $0x0  }
0x1f0: {  	[sflag:s4] =	ssyncadd.s32 $0xFFFFFC00  }
0x1f1: {  	_ =	swait.ge [sflag:s4], $0x400  }
0x1f2: {  	[sflag:s4] =	ssyncset.done $0x0  }
0x1f3: {  	s11 =	sadd.s32 $0x2800, s6;
	[sflag:s4] =	ssyncadd.s32 $0xFFFFFC00  }
0x1f4: {  	[spmem:s2] =	stream.indirect.scatter.add.f32 [tilespmem:s14], [sflag:$0x3], $0x8, s11, s13, $0xb8;
	[tilespmem:$0xB400] =	vst v63  }
0x1f5: {  	s24 =	sadd.s32 $0x2880, s6  }
0x1f6: {  	[spmem:s2] =	stream.indirect.scatter.add.f32 [tilespmem:s15], [sflag:$0x3], $0x8, s24, s13, $0xb8;
	[tilespmem:$0xB400] =	vst v63  }
0x1f7: {  	s11 =	sadd.s32 $0x2900, s6  }
0x1f8: {  	[spmem:s2] =	stream.indirect.scatter.add.f32 [tilespmem:s16], [sflag:$0x3], $0x8, s11, s13, $0xb8;
	[tilespmem:$0xB400] =	vst v63  }
0x1f9: {  	s24 =	sadd.s32 $0x2980, s6  }
0x1fa: {  	[spmem:s2] =	stream.indirect.scatter.add.f32 [tilespmem:s17], [sflag:$0x3], $0x8, s24, s13, $0xb8;
	[tilespmem:$0xB400] =	vst v63  }
0x1fb: {  	s11 =	sadd.s32 $0x2A00, s6  }
0x1fc: {  	[spmem:s2] =	stream.indirect.scatter.add.f32 [tilespmem:s18], [sflag:$0x3], $0x8, s11, s13, $0xb8;
	[tilespmem:$0xB400] =	vst v63  }
0x1fd: {  	s24 =	sadd.s32 $0x2A80, s6  }
0x1fe: {  	[spmem:s2] =	stream.indirect.scatter.add.f32 [tilespmem:s19], [sflag:$0x3], $0x8, s24, s13, $0xb8;
	[tilespmem:$0xB400] =	vst v63  }
0x1ff: {  	s11 =	sadd.s32 $0x2B00, s6  }
0x200: {  	[spmem:s2] =	stream.indirect.scatter.add.f32 [tilespmem:s20], [sflag:$0x3], $0x8, s11, s13, $0xb8;
	[tilespmem:$0xB400] =	vst v63  }
0x201: {  	s24 =	sadd.s32 $0x2B80, s6  }
0x202: {  	[spmem:s2] =	stream.indirect.scatter.add.f32 [tilespmem:s21], [sflag:$0x3], $0x8, s24, s13, $0xb8;
	[tilespmem:$0xB400] =	vst v63  }
0x203: {  	s11 =	sadd.s32 $0x2C00, s6  }
0x204: {  	[spmem:s2] =	stream.indirect.scatter.add.f32 [tilespmem:s22], [sflag:$0x3], $0x8, s11, s13, $0xb8;
	[tilespmem:$0xB400] =	vst v63  }
0x205: {  	s24 =	sadd.s32 $0x2C80, s6  }
0x206: {  	[spmem:s2] =	stream.indirect.scatter.add.f32 [tilespmem:s23], [sflag:$0x3], $0x8, s24, s13, $0xb8;
	[tilespmem:$0xB400] =	vst v63  }
0x207: {  	_ =	swait.ge [sflag:s7], $0x400  }
0x208: {  	[sflag:s7] =	ssyncset.done $0x0  }
0x209: {  	[sflag:s7] =	ssyncadd.s32 $0xFFFFFC00  }
0x20a: {  	_ =	swait.ge [sflag:s7], $0x400  }
0x20b: {  	[sflag:s7] =	ssyncset.done $0x0  }
0x20c: {  	[sflag:s7] =	ssyncadd.s32 $0xFFFFFC00  }
0x20d: {  	_ =	swait.ge [sflag:s7], $0x400  }
0x20e: {  	[sflag:s7] =	ssyncset.done $0x0  }
0x20f: {  	[sflag:s7] =	ssyncadd.s32 $0xFFFFFC00  }
0x210: {  	_ =	swait.ge [sflag:s7], $0x400  }
0x211: {  	[sflag:s7] =	ssyncset.done $0x0  }
0x212: {  	[sflag:s7] =	ssyncadd.s32 $0xFFFFFC00  }
0x213: {  	_ =	swait.ge [sflag:s7], $0x400  }
0x214: {  	[sflag:s7] =	ssyncset.done $0x0  }
0x215: {  	[sflag:s7] =	ssyncadd.s32 $0xFFFFFC00  }
0x216: {  	_ =	swait.ge [sflag:s7], $0x400  }
0x217: {  	[sflag:s7] =	ssyncset.done $0x0  }
0x218: {  	[sflag:s7] =	ssyncadd.s32 $0xFFFFFC00  }
0x219: {  	_ =	swait.ge [sflag:s7], $0x400  }
0x21a: {  	[sflag:s7] =	ssyncset.done $0x0  }
0x21b: {  	[sflag:s7] =	ssyncadd.s32 $0xFFFFFC00  }
0x21c: {  	_ =	swait.ge [sflag:s7], $0x400  }
0x21d: {  	[sflag:s7] =	ssyncset.done $0x0  }
0x21e: {  	[sflag:s7] =	ssyncadd.s32 $0xFFFFFC00  }
0x21f: {  	_ =	swait.ge [sflag:s7], $0x400  }
0x220: {  	[sflag:s7] =	ssyncset.done $0x0  }
0x221: {  	[sflag:s7] =	ssyncadd.s32 $0xFFFFFC00  }
0x222: {  	_ =	swait.ge [sflag:s7], $0x400  }
0x223: {  	[sflag:s7] =	ssyncset.done $0x0  }
0x224: {  	s11 =	sadd.s32 $0x2D00, s6;
	[sflag:s7] =	ssyncadd.s32 $0xFFFFFC00  }
0x225: {  	[spmem:s2] =	stream.indirect.scatter.add.f32 [tilespmem:s25], [sflag:$0x3], $0x8, s11, s13, $0xb8;
	[tilespmem:$0xB400] =	vst v63  }
0x226: {  	s24 =	sadd.s32 $0x2D80, s6  }
0x227: {  	[spmem:s2] =	stream.indirect.scatter.add.f32 [tilespmem:s26], [sflag:$0x3], $0x8, s24, s13, $0xb8;
	[tilespmem:$0xB400] =	vst v63  }
0x228: {  	s11 =	sadd.s32 $0x2E00, s6  }
0x229: {  	[spmem:s2] =	stream.indirect.scatter.add.f32 [tilespmem:s28], [sflag:$0x3], $0x8, s11, s13, $0xb8;
	[tilespmem:$0xB400] =	vst v63  }
0x22a: {  	s24 =	sadd.s32 $0x2E80, s6  }
0x22b: {  	[spmem:s2] =	stream.indirect.scatter.add.f32 [tilespmem:s29], [sflag:$0x3], $0x8, s24, s13, $0xb8;
	[tilespmem:$0xB400] =	vst v63  }
0x22c: {  	s11 =	sadd.s32 $0x2F00, s6  }
0x22d: {  	[spmem:s2] =	stream.indirect.scatter.add.f32 [tilespmem:s30], [sflag:$0x3], $0x8, s11, s13, $0xb8;
	[tilespmem:$0xB400] =	vst v63  }
0x22e: {  	s24 =	sadd.s32 $0x2F80, s6  }
0x22f: {  	[spmem:s2] =	stream.indirect.scatter.add.f32 [tilespmem:s31], [sflag:$0x3], $0x8, s24, s13, $0xb8;
	[tilespmem:$0xB400] =	vst v63  }
0x230: {  	s11 =	sadd.s32 $0x3000, s6  }
0x231: {  	[spmem:s2] =	stream.indirect.scatter.add.f32 [tilespmem:s0], [sflag:$0x3], $0x8, s11, s13, $0xb8;
	[tilespmem:$0xB400] =	vst v63  }
0x232: {  	s24 =	sadd.s32 $0x3080, s6  }
0x233: {  	[spmem:s2] =	stream.indirect.scatter.add.f32 [tilespmem:s3], [sflag:$0x3], $0x8, s24, s13, $0xb8;
	[tilespmem:$0xB400] =	vst v63  }
0x234: {  	s11 =	sadd.s32 $0x3100, s6  }
0x235: {  	[spmem:s2] =	stream.indirect.scatter.add.f32 [tilespmem:s1], [sflag:$0x3], $0x8, s11, s13, $0xb8;
	[tilespmem:$0xB400] =	vst v63  }
0x236: {  	s6 =	sadd.s32 $0x3180, s6  }
0x237: {  	[spmem:s2] =	stream.indirect.scatter.add.f32 [tilespmem:s12], [sflag:$0x3], $0x8, s6, s13, $0xb8;
	[tilespmem:$0xB400] =	vst v63  }
0x238: {  	_ =	swait.ge [sflag:s8], $0x400  }
0x239: {  	[sflag:s8] =	ssyncset.done $0x0  }
0x23a: {  	[sflag:s8] =	ssyncadd.s32 $0xFFFFFC00  }
0x23b: {  	_ =	swait.ge [sflag:s8], $0x400  }
0x23c: {  	[sflag:s8] =	ssyncset.done $0x0  }
0x23d: {  	[sflag:s8] =	ssyncadd.s32 $0xFFFFFC00  }
0x23e: {  	_ =	swait.ge [sflag:s8], $0x400  }
0x23f: {  	[sflag:s8] =	ssyncset.done $0x0  }
0x240: {  	[sflag:s8] =	ssyncadd.s32 $0xFFFFFC00  }
0x241: {  	_ =	swait.ge [sflag:s8], $0x400  }
0x242: {  	[sflag:s8] =	ssyncset.done $0x0  }
0x243: {  	[sflag:s8] =	ssyncadd.s32 $0xFFFFFC00  }
0x244: {  	_ =	swait.ge [sflag:s8], $0x400  }
0x245: {  	[sflag:s8] =	ssyncset.done $0x0  }
0x246: {  	[sflag:s8] =	ssyncadd.s32 $0xFFFFFC00  }
0x247: {  	_ =	swait.ge [sflag:s8], $0x400  }
0x248: {  	[sflag:s8] =	ssyncset.done $0x0  }
0x249: {  	[sflag:s8] =	ssyncadd.s32 $0xFFFFFC00  }
0x24a: {  	_ =	swait.ge [sflag:s8], $0x400  }
0x24b: {  	[sflag:s8] =	ssyncset.done $0x0  }
0x24c: {  	[sflag:s8] =	ssyncadd.s32 $0xFFFFFC00  }
0x24d: {  	_ =	swait.ge [sflag:s8], $0x400  }
0x24e: {  	[sflag:s8] =	ssyncset.done $0x0  }
0x24f: {  	[sflag:s8] =	ssyncadd.s32 $0xFFFFFC00  }
0x250: {  	_ =	swait.ge [sflag:s8], $0x400  }
0x251: {  	[sflag:s8] =	ssyncset.done $0x0  }
0x252: {  	[sflag:s8] =	ssyncadd.s32 $0xFFFFFC00  }
0x253: {  	_ =	swait.ge [sflag:s8], $0x400  }
0x254: {  	[sflag:s8] =	ssyncset.done $0x0  }
0x255: {  	[sflag:s8] =	ssyncadd.s32 $0xFFFFFC00  }
0x256: {  	_ =	swait.ge [sflag:s8], $0x400  }
0x257: {  	[sflag:s8] =	ssyncset.done $0x0  }
0x258: {  	[sflag:s8] =	ssyncadd.s32 $0xFFFFFC00  }
0x259: {  	_ =	swait.ge [sflag:s8], $0x400  }
0x25a: {  	[sflag:s8] =	ssyncset.done $0x0  }
0x25b: {  	[sflag:s8] =	ssyncadd.s32 $0xFFFFFC00  }
0x25c: {  	_ =	swait.ge [sflag:s8], $0x400  }
0x25d: {  	[sflag:s8] =	ssyncset.done $0x0  }
0x25e: {  	[sflag:s8] =	ssyncadd.s32 $0xFFFFFC00  }
0x25f: {  	_ =	swait.ge [sflag:s8], $0x400  }
0x260: {  	[sflag:s8] =	ssyncset.done $0x0  }
0x261: {  	[sflag:s8] =	ssyncadd.s32 $0xFFFFFC00  }
0x262: {  	_ =	swait.ge [sflag:s8], $0x400  }
0x263: {  	[sflag:s8] =	ssyncset.done $0x0  }
0x264: {  	[sflag:s8] =	ssyncadd.s32 $0xFFFFFC00  }
0x265: {  	_ =	swait.ge [sflag:s8], $0x400  }
0x266: {  	[sflag:s8] =	ssyncset.done $0x0  }
0x267: {  	[sflag:s8] =	ssyncadd.s32 $0xFFFFFC00  }
0x268: {  	_ =	swait.ge [sflag:s8], $0x400  }
0x269: {  	[sflag:s8] =	ssyncset.done $0x0  }
0x26a: {  	[sflag:s8] =	ssyncadd.s32 $0xFFFFFC00  }
0x26b: {  	_ =	swait.ge [sflag:s8], $0x400  }
0x26c: {  	[sflag:s8] =	ssyncset.done $0x0  }
0x26d: {  	[sflag:s8] =	ssyncadd.s32 $0xFFFFFC00  }
0x26e: {  	_ =	swait.ge [sflag:s8], $0x400  }
0x26f: {  	[sflag:s8] =	ssyncset.done $0x0  }
0x270: {  	[sflag:s8] =	ssyncadd.s32 $0xFFFFFC00  }
0x271: {  	_ =	swait.ge [sflag:s8], $0x400  }
0x272: {  	[sflag:s8] =	ssyncset.done $0x0  }
0x273: {  	[sflag:s8] =	ssyncadd.s32 $0xFFFFFC00  }
0x274: {  	[bflag:$0x0] =	sbarrier.arrive $0xFFFF  }
0x275: {  	s10 =	rddreg [dreg:$0x4]  }
0x276: {  	s11 =	rddreg [dreg:$0x8]  }
0x277: {  	s24 =	rddreg [dreg:$0x9]  }
0x278: {  	[hbm:s24], [sflag:s10] =	dma.local [spmem:s11], $0x280  }
0x279: {  	s24 =	simm.s32 $0x4  }
0x27a: {  	_ =	swait.ge [sflag:s24], $0x280  }
0x27b: {  	s9 =	sadd.s32 $0x1, s9;
	s6 =	rddreg [dreg:$0x7]  }
0x27c: {  	p0 =	sne.s32 s9, s6  }
.Ltmp1:
0x27d: {  	_ = 	snop;
	(pc) =	sbr.rel @p0 .LBB2_1-.Ltmp1, $3  }
0x27e: {  	_ =	sdelay $0x1  }
0x27f: {  	[sflag:s24] =	ssyncset.done $0x0  }
0x280: {  	[sflag:s24] =	ssyncadd.s32 $0xFFFFFD80  }
0x281: {  	_ =	sfence.sel $0x180000  }
0x282: {  	[bflag:$0x0] =	sbarrier.arrive $0xFFFF  }
0x283: {  	_ =	strace $0x9000004D  }
0x284: {  	s0 =	stileid.u32;
	[bflag:$0x2] =	sbarrier.arrive $0xFFFF  }
0x285: {  	p0 =	sne.s32 s0, $0x0;
	s0 =	rddreg [dreg:$0x3]  }
0x286: {  	s0 =	sadd.s32 @!p0 $0x100000, s0  }
0x287: {  	[sflag:s0] =	ssyncadd.tile.s32 @!p0 $0x1;
	_ =	shalt  }
.Lfunc_end2:
_tile_overlayer_lowered:
.L_overlay_start_2:
0x288: {  	(tag) =	ssettag $0x2  }
0x289: {  	s0 =	rddreg [dreg:$0x0];
	s2 =	stileid.u32  }
0x28a: {  	s1 =	rddreg [dreg:$0x1];
	p0 =	sne.s32 s2, $0x0  }
0x28b: {  	s3 =	rddreg [dreg:$0x2];
	[bflag:$0x3] =	sbarrier.arrive $0xFFFF;
	s2 =	simm.s32 @!p0 $0x1C04  }
0x28c: {  	[timem:s3], [sflag:s2] =	dma.local @!p0 [hbm:s0], s1  }
0x28d: {  	s0 =	simm.s32 @!p0 $0x4  }
0x28e: {  	_ =	swait.ge @!p0 [sflag:s0], s1  }
0x28f: {  	s1 =	ssub.s32 @!p0 $0x0, s1;
	[sflag:s0] =	ssyncset.done @!p0 $0x0  }
0x290: {  	[sflag:s0] =	ssyncadd.s32 @!p0 s1  }
0x291: {  	[bflag:$0x3] =	sbarrier.arrive $0xFFFF  }
0x292: {  	_ =	shalt  }

// kernel: kernel.9.cloned.1.call-start
scs
__scs_entry_jumppad:
0x0: {  	(pc) =	sbr.rel $0x88, $3  }
0x1: {  	(tag) =	ssettag $0x0;
	lr =	simm.s32 $0x1  }
0x2: {  	[smem:$0x3F9B] =	sst lr;
	_ =	strace $0xD0000000  }
0x3: {  	_ = 	snop  }
0x4: {  	_ = 	snop  }
0x5: {  	_ = 	snop  }
0x6: {  	_ = 	snop  }
0x7: {  	_ = 	snop  }
__scs_overlays_trampoline_lowered:
0x8: {  	[smem:$0x3FAA] =	sst s0  }
0x9: {  	[smem:$0x3FAB] =	sst s1  }
0xa: {  	[smem:$0x3FAC] =	sst s2  }
0xb: {  	[smem:$0x3FAD] =	sst s3  }
0xc: {  	[smem:$0x3FAE] =	sst s4  }
0xd: {  	[smem:$0x3FAF] =	sst s5  }
0xe: {  	[smem:$0x3FB0] =	sst s6  }
0xf: {  	[smem:$0x3FB1] =	sst s7  }
0x10: {  	[smem:$0x3FB2] =	sst s8  }
0x11: {  	[smem:$0x3FB3] =	sst s9;
	s0 =	simm.s32 @!p0 $0x0  }
0x12: {  	s1 =	sld [smem:$0x3F99];
	s0 =	simm.s32 @p0 $0x1  }
0x13: {  	[smem:$0x3FB4] =	sst s0;
	s0 =	simm.s32 @!p1 $0x0  }
0x14: {  	s2 =	sld [smem:$0x3F98];
	s0 =	simm.s32 @p1 $0x1  }
0x15: {  	[smem:$0x3FB5] =	sst s0;
	s0 =	simm.s32 @!p2 $0x0  }
0x16: {  	s3 =	sld [smem:$0x3FDB];
	s0 =	simm.s32 @p2 $0x1  }
0x17: {  	s4 =	simm.s32 $0x1BF5;
	[smem:$0x3FB7] =	sst s0  }
0x18: {  	s0 =	sld [smem:$0x3F9A];
	_ =	swait.ge [sflag:s4], $0x0  }
0x19: {  	s7 =	sld [smem:$0x3F9B]  }
0x1a: {  	s8 =	sadd.s32 $0xFFFFE003, lr  }
0x1b: {  	s9 =	sadd.s32 $0xFFFFFEF7, lr;
	s5 =	simm.s32 $0xFFFFFFFF;
	p2 =	slt.u32 s8, $0xFFFFF086  }
0x1c: {  	p1 =	slt.u32 s9, $0xF7A;
	s5 =	simm.s32 @!p2 $0x0  }
0x1d: {  	s5 =	simm.s32 @p1 $0x1;
	p0 =	seq.s32 s7, s2  }
0x1e: {  	s7 =	smul.u32 @!p0 $0xF7A, s2;
	p2 =	seq.s32 @!p0 s5, $0x0  }
0x1f: {  	s9 =	smul.u32 $0xF7A, s1;
	s8 =	simm.s32 @!p0 $0x1BF5;
	p2 =	por !p2, p0  }
0x20: {  	[sflag:s8] =	ssyncset.s32 @!p0 $0xFFFFF086;
	s6 =	sadd.s32 @!p0 s3, s7;
	s7 =	simm.s32 @!p0 $0x108  }
0x21: {  	s3 =	sadd.s32 s3, s9;
	s6 =	sadd.s32 @!p0 $0x88, s6;
	s7 =	simm.s32 @p2 $0x1082  }
0x22: {  	[simem:s7], [sflag:s8] =	dma.local @!p0 [hbm:s6], $0xF7A  }
0x23: {  	s9 =	sor.u32 $0xD0000000, s2;
	s6 =	simm.s32 $0x108;
	_ =	swait.ge @!p0 [sflag:s8], $0x0  }
0x24: {  	s3 =	sadd.s32 $0x88, s3;
	s6 =	simm.s32 @!p1 $0x1082;
	[sflag:s4] =	ssyncset.s32 $0xFFFFF086  }
0x25: {  	[simem:s6], [sflag:s4] =	dma.local [hbm:s3], $0xF7A  }
0x26: {  	[smem:$0x3F9B] =	sst s1;
	(tag) =	ssettag s2;
	_ =	strace s9  }
0x27: {  	s1 =	sld [smem:$0x3FAB]  }
0x28: {  	s2 =	sld [smem:$0x3FAC]  }
0x29: {  	s4 =	sld [smem:$0x3FAE]  }
0x2a: {  	p0 =	seq.s32 s5, $0x0;
	s5 =	sld [smem:$0x3FAF]  }
0x2b: {  	s6 =	sld [smem:$0x3FB0]  }
0x2c: {  	s7 =	sld [smem:$0x3FB1]  }
0x2d: {  	s3 =	simm.s32 $0x108;
	s8 =	sld [smem:$0x3FB2]  }
0x2e: {  	s3 =	simm.s32 @!p0 $0x1082;
	s9 =	sld [smem:$0x3FB3]  }
0x2f: {  	lr =	sadd.s32 s0, s3;
	s0 =	sld [smem:$0x3FAA]  }
0x30: {  	s3 =	sld [smem:$0x3FAD]  }
0x31: {  	[smem:$0x3FB6] =	sst s10  }
0x32: {  	s10 =	sld [smem:$0x3FB4];
	_ =	sdelay $0x3  }
0x33: {  	p0 =	seq.s32 s10, $0x1;
	s10 =	sld [smem:$0x3FB6];
	_ =	sdelay $0x3  }
0x34: {  	[smem:$0x3FB6] =	sst s10  }
0x35: {  	s10 =	sld [smem:$0x3FB5];
	_ =	sdelay $0x3  }
0x36: {  	p1 =	seq.s32 s10, $0x1;
	s10 =	sld [smem:$0x3FB6];
	_ =	sdelay $0x3  }
0x37: {  	[smem:$0x3FB6] =	sst s10  }
0x38: {  	s10 =	sld [smem:$0x3FB7]  }
0x39: {  	_ = 	snop;
	(pc) =	sbr.ind lr, $3  }
0x3a: {  	_ = 	snop  }
0x3b: {  	_ = 	snop  }
0x3c: {  	p2 =	seq.s32 s10, $0x1;
	s10 =	sld [smem:$0x3FB6]  }
0x3d: {  	_ =	shalt  }
0x3e: {  	_ =	shalt  }
0x3f: {  	_ =	shalt  }
0x40: {  	_ =	shalt  }
0x41: {  	_ =	shalt  }
0x42: {  	_ =	shalt  }
0x43: {  	_ =	shalt  }
0x44: {  	_ =	shalt  }
0x45: {  	_ =	shalt  }
0x46: {  	_ =	shalt  }
0x47: {  	_ =	shalt  }
0x48: {  	_ =	shalt  }
0x49: {  	_ =	shalt  }
0x4a: {  	_ =	shalt  }
0x4b: {  	_ =	shalt  }
0x4c: {  	_ =	shalt  }
0x4d: {  	_ =	shalt  }
0x4e: {  	_ =	shalt  }
0x4f: {  	_ =	shalt  }
0x50: {  	_ =	shalt  }
0x51: {  	_ =	shalt  }
0x52: {  	_ =	shalt  }
0x53: {  	_ =	shalt  }
0x54: {  	_ =	shalt  }
0x55: {  	_ =	shalt  }
0x56: {  	_ =	shalt  }
0x57: {  	_ =	shalt  }
0x58: {  	_ =	shalt  }
0x59: {  	_ =	shalt  }
0x5a: {  	_ =	shalt  }
0x5b: {  	_ =	shalt  }
0x5c: {  	_ =	shalt  }
0x5d: {  	_ =	shalt  }
0x5e: {  	_ =	shalt  }
0x5f: {  	_ =	shalt  }
0x60: {  	_ =	shalt  }
0x61: {  	_ =	shalt  }
0x62: {  	_ =	shalt  }
0x63: {  	_ =	shalt  }
0x64: {  	_ =	shalt  }
0x65: {  	_ =	shalt  }
0x66: {  	_ =	shalt  }
0x67: {  	_ =	shalt  }
0x68: {  	_ =	shalt  }
0x69: {  	_ =	shalt  }
0x6a: {  	_ =	shalt  }
0x6b: {  	_ =	shalt  }
0x6c: {  	_ =	shalt  }
0x6d: {  	_ =	shalt  }
0x6e: {  	_ =	shalt  }
0x6f: {  	_ =	shalt  }
0x70: {  	_ =	shalt  }
0x71: {  	_ =	shalt  }
0x72: {  	_ =	shalt  }
0x73: {  	_ =	shalt  }
0x74: {  	_ =	shalt  }
0x75: {  	_ =	shalt  }
0x76: {  	_ =	shalt  }
0x77: {  	_ =	shalt  }
0x78: {  	_ =	shalt  }
0x79: {  	_ =	shalt  }
0x7a: {  	_ =	shalt  }
0x7b: {  	_ =	shalt  }
0x7c: {  	_ =	shalt  }
0x7d: {  	_ =	shalt  }
0x7e: {  	_ =	shalt  }
0x7f: {  	_ =	shalt  }
0x80: {  	_ =	shalt  }
0x81: {  	_ =	shalt  }
0x82: {  	_ =	shalt  }
0x83: {  	_ =	shalt  }
0x84: {  	_ =	shalt  }
0x85: {  	_ =	shalt  }
0x86: {  	_ =	shalt  }
0x87: {  	_ =	shalt  }
.Lfunc_end0:
.L_simem_size_0:
called_computation_lowered:
.L_overlay_start_0:
0x88: {  	s2 =	sld [smem:$0x3FD9]  }
0x89: {  	s3 =	sld [smem:$0x3FFE];
	_ =	sdelay $0x1  }
0x8a: {  	s1 =	srdreg.scid  }
0x8b: {  	s0 =	sand.u32 $0x1, s1  }
0x8c: {  	s17 =	sshll.u32 s0, $0xA;
	s2 =	sadd.s32 s3, s2  }
0x8d: {  	s2 =	sadd.s32 s2, s17  }
0x8e: {  	[smem:$0x3FC2] =	sst s2  }
0x8f: {  	_ = 	snop  }
0x90: {  	s2 =	sld [smem:$0x3FD0];
	(tm) =	ssettm $0x1  }
0x91: {  	s18 =	sld [smem:$0x3FFB];
	_ =	sdelay $0x3  }
0x92: {  	_ =	strace s18  }
0x93: {  	s3 =	sld [smem:$0x3FFC];
	_ =	sdelay $0x3  }
0x94: {  	_ =	strace s3  }
0x95: {  	s3 =	sld [smem:$0x3FFD];
	_ =	sdelay $0x3  }
0x96: {  	_ =	strace s3  }
0x97: {  	_ =	strace $0x8FFFFFFF  }
0x98: {  	s19 =	sld [smem:$0x3FDB];
	_ =	sdelay $0x1  }
0x99: {  	s4 =	simm.s32 $_scs_section_size  }
0x9a: {  	s5 =	simm.s32 $_size__tile_overlayer_lowered;
	s6 =	simm.s32 $_tile_overlayer_lowered  }
0x9b: {  	s22 =	simm.s32 $0x1BFF;
	s21 =	sshll.u32 s6, $0x1;
	s3 =	sadd.s32 s4, s19  }
0x9c: {  	s7 =	simm.s32 $0x0;
	s20 =	sshll.u32 s5, $0x1;
	s5 =	sadd.s32 s21, s3  }
0x9d: {  	[timem:s7], [sflag:s22] =	dma.local [hbm:s5], s20  }
0x9e: {  	_ =	swait.ge [sflag:s22], s20  }
0x9f: {  	s4 =	ssub.s32 $0x0, s20;
	[sflag:s22] =	ssyncset.done $0x0  }
0xa0: {  	[sflag:s22] =	ssyncadd.s32 s4;
	_ =	sdelay $0x1  }
0xa1: {  	s23 =	simm.s32 $0x1B8B  }
0xa2: {  	_ =	swait.ge [sflag:s23], $0x1  }
0xa3: {  	[sflag:s23] =	ssyncset.done $0x0  }
0xa4: {  	s25 =	simm.s32 $0x1B8E;
	s24 =	sld [smem:$0x3FFE];
	[sflag:s23] =	ssyncadd.s32 $0xFFFFFFFF  }
0xa5: {  	s26 =	simm.s32 $execute0_lowered;
	[smem:$0x3FD2] =	sst s25  }
0xa6: {  	s5 =	sshll.u32 s26, $0x1;
	_ =	strace $0x80000046;
	[dreg:$0x1] =	wrdreg $0xFFFFFFFF  }
0xa7: {  	s28 =	simm.s32 $_size_execute0_lowered;
	s3 =	sadd.s32 s3, s5;
	[dreg:$0x0] =	wrdreg $0x0  }
0xa8: {  	s5 =	sshll.u32 s28, $0x1;
	[dreg:$0x2] =	wrdreg s3  }
0xa9: {  	[dreg:$0x3] =	wrdreg s5  }
0xaa: {  	[dreg:$0x4] =	wrdreg $0xC0  }
0xab: {  	_ =	task [dreg:s7], $0x5FFFF  }
0xac: {  	[dreg:$0x1] =	wrdreg $0xFFFFFFFF  }
0xad: {  	[dreg:$0x0] =	wrdreg $0x60  }
0xae: {  	[dreg:$0x2] =	wrdreg s24  }
0xaf: {  	[dreg:$0x3] =	wrdreg s2  }
0xb0: {  	[dreg:$0x4] =	wrdreg $0x53000  }
0xb1: {  	[dreg:$0x5] =	wrdreg $0x9  }
0xb2: {  	_ =	task.clear_ibuf [dreg:s7], $0x6FFFF;
	_ =	strace $0x90000046  }
0xb3: {  	s29 =	simm.s32 $0x9;
	_ =	strace $0x80000048  }
0xb4: {  	_ =	swait.ge [sflag:s29], $0x1  }
0xb5: {  	[sflag:s29] =	ssyncadd.s32 $0xFFFFFFFF  }
0xb6: {  	_ =	strace $0x90000048  }
0xb7: {  	_ =	sfence  }
0xb8: {  	s30 =	sld [smem:$0x0];
	_ =	sdelay $0x2  }
0xb9: {  	s31 =	sshll.u32 s1, $0xD;
	s1 =	sshrl.u32 s1, $0x2  }
0xba: {  	s3 =	sand.u32 $0x4000, s31;
	s1 =	sadd.s32 s1, s30  }
0xbb: {  	s0 =	sor.u32 s3, s0;
	s1 =	sshll.u32 s1, $0x11  }
0xbc: {  	s0 =	sor.u32 s1, s0  }
0xbd: {  	s0 =	sadd.s32 $0x8F2B, s0  }
0xbe: {  	[sflag:s0] =	ssyncadd.remote.s32 $0x1  }
0xbf: {  	_ =	sfence.sel $0xFFFF  }
0xc0: {  	[dreg:$0x0] =	wrdreg $0xFFFFFFFF;
	(pc) =	sbr.abs _section_cstart, $3  }
0xc1: {  	[dreg:$0x1] =	wrdreg $0xFFFFFFFF  }
0xc2: {  	_ =	task.clear_ibuf [dreg:s7], $0x2FFFF;
	_ =	strace $0x9FFFFFFF  }
0xc3: {  	(tm) =	ssettm $0x7FFFFFFF  }
tec
execute0_lowered:
.L_overlay_start_1:
0x0: {  	(tag) =	ssettag $0x1  }
0x1: {  	s9 =	rddreg [dreg:$0x0]  }
0x2: {  	s1 =	rddreg [dreg:$0x1];
	s0 =	srdreg.scid  }
0x3: {  	s3 =	rddreg [dreg:$0x2];
	s2 =	stileid.u32  }
0x4: {  	s4 =	simm.s32 $0x0;
	s13 =	simm.s32 $0x2800;
	s14 =	simm.s32 $0x1  }
0x5: {  	s15 =	simm.s32 $0x2880;
	s16 =	simm.s32 $0x2B00;
	s17 =	simm.s32 $0x0  }
0x6: {  	s6 =	sand.u32 $0x1, s0;
	s0 =	rddreg [dreg:$0x3];
	s7 =	smul.u32 $0xA00, s2  }
0x7: {  	[smem:$0x7FF] =	sst s4;
	s31 =	sshll.u32 s2, $0x6;
	s12 =	smul.u32 $0x500, s2  }
0x8: {  	s5 =	sshll.u32 s6, $0x4;
	s8 =	ssub.s32 $0x2, s6;
	_ =	strace $0x80000047  }
0x9: {  	p0 =	seq.s32 s6, $0x1;
	s5 =	sor.u32 s2, s5;
	s10 =	sshrl.u32 s8, $0x1  }
0xa: {  	s5 =	smul.u32 $0x500, s5;
	s8 =	ssub.s32 s8, s10;
	s10 =	simm.s32 $0x1CA00  }
0xb: {  	s6 =	sor.u32 $0x1C02, s31;
	s7 =	sshrl.u32 s7, $0x2;
	s10 =	simm.s32 @!p0 $0x17A00  }
0xc: {  	s8 =	smax.u32 s8, $0x1;
	s11 =	sadd.s32 s5, s9;
	s9 =	sadd.s32 s10, s9  }
0xd: {  	s5 =	sadd.s32 s7, s3;
	s7 =	sadd.s32 $0xDA00, s11;
	s9 =	sadd.s32 s9, s12  }
0xe: {  	v0 =	vimm.f32 $1.000000000e+00;
	s10 =	sshrl.u32 s5, $0x3;
	s11 =	simm.s32 $0x2;
	s12 =	simm.s32 $0x80  }
.LBB2_1:
0xf: {  	[spmem:s10], [sflag:s6] =	dma.local [hbm:s1], $0x50  }
0x10: {  	_ =	swait.ge [sflag:s11], $0x50  }
0x11: {  	[sflag:s11] =	ssyncset.done $0x0  }
0x12: {  	[sflag:s11] =	ssyncadd.s32 $0xFFFFFFB0  }
0x13: {  	[tilespmem:s4], [sflag:$0x2] =	stream.linear.gather [hbm4b:s7+s4], $0x2800, $0x38;
	[tilespmem:$0x5580] =	vst v63  }
0x14: {  	_ =	swait.ge [sflag:s11], $0x2800  }
0x15: {  	[sflag:s11] =	ssyncset.done $0x0  }
0x16: {  	[sflag:s11] =	ssyncadd.s32 $0xFFFFD800  }
0x17: {  	[tilespmem:$0x2800] =	vst v0  }
0x18: {  	[tilespmem:$0x2810] =	vst v0  }
0x19: {  	[tilespmem:$0x2820] =	vst v0  }
0x1a: {  	[tilespmem:$0x2830] =	vst v0  }
0x1b: {  	[tilespmem:$0x2840] =	vst v0  }
0x1c: {  	[tilespmem:$0x2850] =	vst v0  }
0x1d: {  	[tilespmem:$0x2860] =	vst v0  }
0x1e: {  	[tilespmem:$0x2870] =	vst v0  }
0x1f: {  	s18 =	simm.s32 $0x0;
	[bflag:$0x0] =	sbarrier.arrive $0xFFFF  }
0x20: {  	[spmem:s3] =	stream.indirect.scatter.add.f32 [tilespmem:s13], [sflag:$0x1], $0x1, s18, s12, $0xb8;
	[tilespmem:$0x5580] =	vst v63  }
0x21: {  	s24 =	simm.s32 $0x80  }
0x22: {  	[spmem:s3] =	stream.indirect.scatter.add.f32 [tilespmem:s13], [sflag:$0x1], $0x1, s24, s12, $0xb8;
	[tilespmem:$0x5580] =	vst v63  }
0x23: {  	s25 =	simm.s32 $0x100  }
0x24: {  	[spmem:s3] =	stream.indirect.scatter.add.f32 [tilespmem:s13], [sflag:$0x1], $0x1, s25, s12, $0xb8;
	[tilespmem:$0x5580] =	vst v63  }
0x25: {  	s26 =	simm.s32 $0x180  }
0x26: {  	[spmem:s3] =	stream.indirect.scatter.add.f32 [tilespmem:s13], [sflag:$0x1], $0x1, s26, s12, $0xb8;
	[tilespmem:$0x5580] =	vst v63  }
0x27: {  	s28 =	simm.s32 $0x200  }
0x28: {  	[spmem:s3] =	stream.indirect.scatter.add.f32 [tilespmem:s13], [sflag:$0x1], $0x1, s28, s12, $0xb8;
	[tilespmem:$0x5580] =	vst v63  }
0x29: {  	s29 =	simm.s32 $0x280  }
0x2a: {  	[spmem:s3] =	stream.indirect.scatter.add.f32 [tilespmem:s13], [sflag:$0x1], $0x1, s29, s12, $0xb8;
	[tilespmem:$0x5580] =	vst v63  }
0x2b: {  	s30 =	simm.s32 $0x300  }
0x2c: {  	[spmem:s3] =	stream.indirect.scatter.add.f32 [tilespmem:s13], [sflag:$0x1], $0x1, s30, s12, $0xb8;
	[tilespmem:$0x5580] =	vst v63  }
0x2d: {  	s31 =	simm.s32 $0x380  }
0x2e: {  	[spmem:s3] =	stream.indirect.scatter.add.f32 [tilespmem:s13], [sflag:$0x1], $0x1, s31, s12, $0xb8;
	[tilespmem:$0x5580] =	vst v63  }
0x2f: {  	_ =	swait.ge [sflag:s14], $0x80  }
0x30: {  	[sflag:s14] =	ssyncset.done $0x0  }
0x31: {  	[sflag:s14] =	ssyncadd.s32 $0xFFFFFF80  }
0x32: {  	_ =	swait.ge [sflag:s14], $0x80  }
0x33: {  	[sflag:s14] =	ssyncset.done $0x0  }
0x34: {  	[sflag:s14] =	ssyncadd.s32 $0xFFFFFF80  }
0x35: {  	_ =	swait.ge [sflag:s14], $0x80  }
0x36: {  	[sflag:s14] =	ssyncset.done $0x0  }
0x37: {  	[sflag:s14] =	ssyncadd.s32 $0xFFFFFF80  }
0x38: {  	_ =	swait.ge [sflag:s14], $0x80  }
0x39: {  	[sflag:s14] =	ssyncset.done $0x0  }
0x3a: {  	[sflag:s14] =	ssyncadd.s32 $0xFFFFFF80  }
0x3b: {  	_ =	swait.ge [sflag:s14], $0x80  }
0x3c: {  	[sflag:s14] =	ssyncset.done $0x0  }
0x3d: {  	[sflag:s14] =	ssyncadd.s32 $0xFFFFFF80  }
0x3e: {  	_ =	swait.ge [sflag:s14], $0x80  }
0x3f: {  	[sflag:s14] =	ssyncset.done $0x0  }
0x40: {  	[sflag:s14] =	ssyncadd.s32 $0xFFFFFF80  }
0x41: {  	_ =	swait.ge [sflag:s14], $0x80  }
0x42: {  	[sflag:s14] =	ssyncset.done $0x0  }
0x43: {  	[sflag:s14] =	ssyncadd.s32 $0xFFFFFF80  }
0x44: {  	_ =	swait.ge [sflag:s14], $0x80  }
0x45: {  	s20 =	simm.s32 $0x2000;
	s18 =	simm.s32 $0x1000;
	[sflag:s14] =	ssyncset.done $0x0  }
.LBB2_2:
0x46: {  	s21 =	sshra.s32 s18, $0x2  }
0x47: {  	[sflag:s14] =	ssyncadd.s32 $0xFFFFFF80;
	s18 =	smov.u32 s20;
	s19 =	sadd.s32 $0x1000, s20  }
0x48: {  	[spmem:s3] =	stream.indirect.scatter.add.f32 [tilespmem:s13], [sflag:$0x1], $0x1, s21, s12, $0xb8;
	[tilespmem:$0x5580] =	vst v63  }
0x49: {  	p0 =	sne.s32 s20, $0x9000;
	s20 =	sadd.s32 $0x80, s21  }
0x4a: {  	[spmem:s3] =	stream.indirect.scatter.add.f32 [tilespmem:s13], [sflag:$0x1], $0x1, s20, s12, $0xb8;
	[tilespmem:$0x5580] =	vst v63  }
0x4b: {  	s20 =	sadd.s32 $0x100, s21  }
0x4c: {  	[spmem:s3] =	stream.indirect.scatter.add.f32 [tilespmem:s13], [sflag:$0x1], $0x1, s20, s12, $0xb8;
	[tilespmem:$0x5580] =	vst v63  }
0x4d: {  	s20 =	sadd.s32 $0x180, s21  }
0x4e: {  	[spmem:s3] =	stream.indirect.scatter.add.f32 [tilespmem:s13], [sflag:$0x1], $0x1, s20, s12, $0xb8;
	[tilespmem:$0x5580] =	vst v63  }
0x4f: {  	s20 =	sadd.s32 $0x200, s21  }
0x50: {  	[spmem:s3] =	stream.indirect.scatter.add.f32 [tilespmem:s13], [sflag:$0x1], $0x1, s20, s12, $0xb8;
	[tilespmem:$0x5580] =	vst v63  }
0x51: {  	s20 =	sadd.s32 $0x280, s21  }
0x52: {  	[spmem:s3] =	stream.indirect.scatter.add.f32 [tilespmem:s13], [sflag:$0x1], $0x1, s20, s12, $0xb8;
	[tilespmem:$0x5580] =	vst v63  }
0x53: {  	s20 =	sadd.s32 $0x300, s21  }
0x54: {  	[spmem:s3] =	stream.indirect.scatter.add.f32 [tilespmem:s13], [sflag:$0x1], $0x1, s20, s12, $0xb8;
	[tilespmem:$0x5580] =	vst v63  }
0x55: {  	s20 =	sadd.s32 $0x380, s21  }
0x56: {  	[spmem:s3] =	stream.indirect.scatter.add.f32 [tilespmem:s13], [sflag:$0x1], $0x1, s20, s12, $0xb8;
	[tilespmem:$0x5580] =	vst v63  }
0x57: {  	_ =	swait.ge [sflag:s14], $0x80  }
0x58: {  	[sflag:s14] =	ssyncset.done $0x0  }
0x59: {  	[sflag:s14] =	ssyncadd.s32 $0xFFFFFF80  }
0x5a: {  	_ =	swait.ge [sflag:s14], $0x80  }
0x5b: {  	[sflag:s14] =	ssyncset.done $0x0  }
0x5c: {  	[sflag:s14] =	ssyncadd.s32 $0xFFFFFF80  }
0x5d: {  	_ =	swait.ge [sflag:s14], $0x80  }
0x5e: {  	[sflag:s14] =	ssyncset.done $0x0  }
0x5f: {  	[sflag:s14] =	ssyncadd.s32 $0xFFFFFF80  }
0x60: {  	_ =	swait.ge [sflag:s14], $0x80  }
0x61: {  	[sflag:s14] =	ssyncset.done $0x0  }
0x62: {  	[sflag:s14] =	ssyncadd.s32 $0xFFFFFF80  }
0x63: {  	_ =	swait.ge [sflag:s14], $0x80  }
0x64: {  	[sflag:s14] =	ssyncset.done $0x0  }
0x65: {  	[sflag:s14] =	ssyncadd.s32 $0xFFFFFF80  }
0x66: {  	_ =	swait.ge [sflag:s14], $0x80  }
0x67: {  	[sflag:s14] =	ssyncset.done $0x0  }
0x68: {  	[sflag:s14] =	ssyncadd.s32 $0xFFFFFF80  }
.Ltmp0:
0x69: {  	_ =	swait.ge [sflag:s14], $0x80;
	(pc) =	sbr.rel @p0 .LBB2_2-.Ltmp0, $4  }
0x6a: {  	[sflag:s14] =	ssyncset.done $0x0  }
0x6b: {  	[sflag:s14] =	ssyncadd.s32 $0xFFFFFF80  }
0x6c: {  	_ =	swait.ge [sflag:s14], $0x80  }
0x6d: {  	s20 =	smov.u32 s19;
	[sflag:s14] =	ssyncset.done $0x0  }
0x6e: {  	s18 =	sshra.s32 s18, $0x2;
	[sflag:s14] =	ssyncadd.s32 $0xFFFFFF80  }
0x6f: {  	[spmem:s3] =	stream.indirect.scatter.add.f32 [tilespmem:s13], [sflag:$0x1], $0x1, s18, s12, $0xb8;
	[tilespmem:$0x5580] =	vst v63  }
0x70: {  	s19 =	sadd.s32 $0x80, s18  }
0x71: {  	[spmem:s3] =	stream.indirect.scatter.add.f32 [tilespmem:s13], [sflag:$0x1], $0x1, s19, s12, $0xb8;
	[tilespmem:$0x5580] =	vst v63  }
0x72: {  	s23 =	sadd.s32 $0x100, s18  }
0x73: {  	[spmem:s3] =	stream.indirect.scatter.add.f32 [tilespmem:s13], [sflag:$0x1], $0x1, s23, s12, $0xb8;
	[tilespmem:$0x5580] =	vst v63  }
0x74: {  	s24 =	sadd.s32 $0x180, s18  }
0x75: {  	[spmem:s3] =	stream.indirect.scatter.add.f32 [tilespmem:s13], [sflag:$0x1], $0x1, s24, s12, $0xb8;
	[tilespmem:$0x5580] =	vst v63  }
0x76: {  	s25 =	sadd.s32 $0x200, s18  }
0x77: {  	[spmem:s3] =	stream.indirect.scatter.add.f32 [tilespmem:s13], [sflag:$0x1], $0x1, s25, s12, $0xb8;
	[tilespmem:$0x5580] =	vst v63  }
0x78: {  	s26 =	sadd.s32 $0x280, s18  }
0x79: {  	[spmem:s3] =	stream.indirect.scatter.add.f32 [tilespmem:s13], [sflag:$0x1], $0x1, s26, s12, $0xb8;
	[tilespmem:$0x5580] =	vst v63  }
0x7a: {  	s28 =	sadd.s32 $0x300, s18  }
0x7b: {  	[spmem:s3] =	stream.indirect.scatter.add.f32 [tilespmem:s13], [sflag:$0x1], $0x1, s28, s12, $0xb8;
	[tilespmem:$0x5580] =	vst v63  }
0x7c: {  	s18 =	sadd.s32 $0x380, s18  }
0x7d: {  	[spmem:s3] =	stream.indirect.scatter.add.f32 [tilespmem:s13], [sflag:$0x1], $0x1, s18, s12, $0xb8;
	[tilespmem:$0x5580] =	vst v63  }
0x7e: {  	_ =	swait.ge [sflag:s14], $0x80  }
0x7f: {  	[sflag:s14] =	ssyncset.done $0x0  }
0x80: {  	[sflag:s14] =	ssyncadd.s32 $0xFFFFFF80  }
0x81: {  	_ =	swait.ge [sflag:s14], $0x80  }
0x82: {  	[sflag:s14] =	ssyncset.done $0x0  }
0x83: {  	[sflag:s14] =	ssyncadd.s32 $0xFFFFFF80  }
0x84: {  	_ =	swait.ge [sflag:s14], $0x80  }
0x85: {  	[sflag:s14] =	ssyncset.done $0x0  }
0x86: {  	[sflag:s14] =	ssyncadd.s32 $0xFFFFFF80  }
0x87: {  	_ =	swait.ge [sflag:s14], $0x80  }
0x88: {  	[sflag:s14] =	ssyncset.done $0x0  }
0x89: {  	[sflag:s14] =	ssyncadd.s32 $0xFFFFFF80  }
0x8a: {  	_ =	swait.ge [sflag:s14], $0x80  }
0x8b: {  	[sflag:s14] =	ssyncset.done $0x0  }
0x8c: {  	[sflag:s14] =	ssyncadd.s32 $0xFFFFFF80  }
0x8d: {  	_ =	swait.ge [sflag:s14], $0x80  }
0x8e: {  	[sflag:s14] =	ssyncset.done $0x0  }
0x8f: {  	[sflag:s14] =	ssyncadd.s32 $0xFFFFFF80  }
0x90: {  	_ =	swait.ge [sflag:s14], $0x80  }
0x91: {  	[sflag:s14] =	ssyncset.done $0x0  }
0x92: {  	s29 =	simm.s32 $0x0;
	[sflag:s14] =	ssyncadd.s32 $0xFFFFFF80  }
0x93: {  	v1 =	vmov s29;
	_ =	swait.ge [sflag:s14], $0x80  }
0x94: {  	v1 =	vand.u32 $0xFFFFFFFC, v1;
	[sflag:s14] =	ssyncset.done $0x0  }
0x95: {  	v1 =	vbroadcast v1, $0x0;
	[sflag:s14] =	ssyncadd.s32 $0xFFFFFF80  }
0x96: {  	[bflag:$0x0] =	sbarrier.arrive $0xFFFF  }
0x97: {  	[tilespmem:s15], [sflag:$0x2] =	stream.linear.gather [spmem:s5], $0x280, $0x38;
	[tilespmem:$0x5580] =	vst v63  }
0x98: {  	s30 =	simm.s32 $0x1;
	_ =	swait.ge [sflag:s11], $0x280  }
0x99: {  	v2 =	vmov s30;
	[sflag:s11] =	ssyncset.done $0x0  }
0x9a: {  	v2 =	vand.u32 $0xFFFFFFFD, v2;
	[sflag:s11] =	ssyncadd.s32 $0xFFFFFD80  }
0x9b: {  	v2 =	vbroadcast v2, $0x0;
	v1 =	vld.idx.msk [tilespmem:v1+s15+$0x0], $0xffff;
	_ =	sdelay $0x2  }
0x9c: {  	s31 =	simm.s32 $0x2  }
0x9d: {  	v3 =	vmov s31;
	s18 =	simm.s32 $0x2B20  }
0x9e: {  	[tilespmem:s18+$0xFFFFFFE0] =	vst v1;
	v1 =	vand.u32 $0xFFFFFFFE, v3  }
0x9f: {  	v2 =	vld.idx.msk [tilespmem:v2+s15+$0x0], $0xffff;
	v1 =	vbroadcast v1, $0x0;
	_ =	sdelay $0x4  }
0xa0: {  	[tilespmem:s18+$0xFFFFFFF0] =	vst v2  }
0xa1: {  	s20 =	simm.s32 $0x3;
	v2 =	vld.idx.msk [tilespmem:v1+s15+$0x0], $0xffff  }
0xa2: {  	v1 =	vmov s20;
	_ =	sdelay $0x2  }
0xa3: {  	s21 =	simm.s32 $0x4;
	s19 =	simm.s32 $0x7;
	s20 =	simm.s32 $0xB  }
.LBB2_4:
0xa4: {  	p0 =	sne.s32 s20, $0x27F;
	v3 =	vmov s21;
	[tilespmem:s18+$0x0] =	vst v2  }
0xa5: {  	v2 =	vand.u32 $0xFFFFFFFC, v3;
	v1 =	vld.idx.msk [tilespmem:v1+s15+$0x0], $0xffff  }
0xa6: {  	v2 =	vbroadcast v2, $0x0;
	_ =	sdelay $0x3  }
0xa7: {  	s21 =	sadd.s32 $0xFFFFFFFE, s19  }
0xa8: {  	v3 =	vmov s21;
	[tilespmem:s18+$0x10] =	vst v1  }
0xa9: {  	v1 =	vld.idx.msk [tilespmem:v2+s15+$0x0], $0xffff;
	v2 =	vand.u32 $0xFFFFFFFD, v3  }
0xaa: {  	v2 =	vbroadcast v2, $0x0;
	_ =	sdelay $0x3  }
0xab: {  	s21 =	sadd.s32 $0xFFFFFFFF, s19;
	s18 =	sadd.s32 $0x40, s18  }
0xac: {  	[tilespmem:s18+$0xFFFFFFE0] =	vst v1;
	v1 =	vmov s21  }
0xad: {  	v2 =	vld.idx.msk [tilespmem:v2+s15+$0x0], $0xffff;
	v1 =	vand.u32 $0xFFFFFFFE, v1  }
0xae: {  	v1 =	vbroadcast v1, $0x0;
	_ =	sdelay $0x4  }
0xaf: {  	[tilespmem:s18+$0xFFFFFFF0] =	vst v2  }
0xb0: {  	v2 =	vld.idx.msk [tilespmem:v1+s15+$0x0], $0xffff  }
.Ltmp1:
0xb1: {  	(pc) =	sbr.rel @p0 .LBB2_4-.Ltmp1, $2  }
0xb2: {  	v1 =	vmov s19;
	s19 =	smov.u32 s20;
	_ =	sdelay $0x2  }
0xb3: {  	s20 =	sadd.s32 $0x4, s20;
	s21 =	sadd.s32 $0xFFFFFFFD, s19  }
0xb4: {  	_ =	sdelay $0x1  }
0xb5: {  	v3 =	vmov s21  }
0xb6: {  	[tilespmem:s18+$0x0] =	vst v2;
	v2 =	vand.u32 $0xFFFFFFFC, v3  }
0xb7: {  	v1 =	vld.idx.msk [tilespmem:v1+s15+$0x0], $0xffff;
	v2 =	vbroadcast v2, $0x0;
	_ =	sdelay $0x2  }
0xb8: {  	s20 =	sadd.s32 $0xFFFFFFFE, s19  }
0xb9: {  	v3 =	vmov s20  }
0xba: {  	[tilespmem:s18+$0x10] =	vst v1;
	v1 =	vand.u32 $0xFFFFFFFD, v3  }
0xbb: {  	v1 =	vbroadcast v1, $0x0;
	v2 =	vld.idx.msk [tilespmem:v2+s15+$0x0], $0xffff;
	_ =	sdelay $0x2  }
0xbc: {  	s30 =	sadd.s32 $0xFFFFFFFF, s19  }
0xbd: {  	s31 =	sadd.s32 $0x40, s18;
	v3 =	vmov s30  }
0xbe: {  	[tilespmem:s31+$0xFFFFFFE0] =	vst v2;
	v2 =	vand.u32 $0xFFFFFFFE, v3  }
0xbf: {  	v1 =	vld.idx.msk [tilespmem:v1+s15+$0x0], $0xffff;
	v2 =	vbroadcast v2, $0x0;
	_ =	sdelay $0x4  }
0xc0: {  	[tilespmem:s31+$0xFFFFFFF0] =	vst v1  }
0xc1: {  	v1 =	vld.idx.msk [tilespmem:v2+s15+$0x0], $0xffff  }
0xc2: {  	v2 =	vmov s19;
	_ =	sdelay $0x3  }
0xc3: {  	[tilespmem:s31+$0x0] =	vst v1  }
0xc4: {  	v1 =	vld.idx.msk [tilespmem:v2+s15+$0x0], $0xffff;
	_ =	sdelay $0x2  }
0xc5: {  	s17 =	sadd.s32 $0x1, s17  }
0xc6: {  	p0 =	sne.s32 s17, s8  }
.Ltmp2:
0xc7: {  	[tilespmem:s31+$0x10] =	vst v1;
	(pc) =	sbr.rel @p0 .LBB2_1-.Ltmp2, $4  }
0xc8: {  	[hbm4b:s9+s4] =	stream.linear.scatter [tilespmem:s16], [sflag:$0x2], $0x2800, $0x38;
	[tilespmem:$0x5580] =	vst v63  }
0xc9: {  	_ =	swait.ge [sflag:s11], $0x2800  }
0xca: {  	[sflag:s11] =	ssyncset.done $0x0  }
0xcb: {  	[sflag:s11] =	ssyncadd.s32 $0xFFFFD800  }
0xcc: {  	_ =	sfence.sel $0x180000  }
0xcd: {  	[bflag:$0x0] =	sbarrier.arrive $0xFFFF  }
0xce: {  	p0 =	sne.s32 s2, $0x0;
	_ =	strace $0x90000047  }
0xcf: {  	s0 =	sadd.s32 @!p0 $0x100000, s0;
	[bflag:$0x2] =	sbarrier.arrive $0xFFFF  }
0xd0: {  	[sflag:s0] =	ssyncadd.tile.s32 @!p0 $0x1;
	_ =	shalt  }
.Lfunc_end2:
_tile_overlayer_lowered:
.L_overlay_start_2:
0xd1: {  	(tag) =	ssettag $0x2  }
0xd2: {  	s0 =	rddreg [dreg:$0x0];
	s2 =	stileid.u32  }
0xd3: {  	s1 =	rddreg [dreg:$0x1];
	p0 =	sne.s32 s2, $0x0  }
0xd4: {  	s3 =	rddreg [dreg:$0x2];
	[bflag:$0x3] =	sbarrier.arrive $0xFFFF;
	s2 =	simm.s32 @!p0 $0x1C02  }
0xd5: {  	[timem:s3], [sflag:s2] =	dma.local @!p0 [hbm:s0], s1  }
0xd6: {  	s0 =	simm.s32 @!p0 $0x2  }
0xd7: {  	_ =	swait.ge @!p0 [sflag:s0], s1  }
0xd8: {  	s1 =	ssub.s32 @!p0 $0x0, s1;
	[sflag:s0] =	ssyncset.done @!p0 $0x0  }
0xd9: {  	[sflag:s0] =	ssyncadd.s32 @!p0 s1  }
0xda: {  	[bflag:$0x3] =	sbarrier.arrive $0xFFFF  }
0xdb: {  	_ =	shalt  }

</sc_bundles>
